<compile_context>
chip_gen: v7x
topology: tpu7x:2x2x1
jax: 0.10.2.dev20260603
libtpu: 0.0.44.dev20260713+nightly
codegen_flags: <defaults>
</compile_context>

<pallas_src>
import functools
import math

import jax
import jax.numpy as jnp
from jax import lax
from jax.experimental import pallas as pl
from jax.experimental.pallas import tpu as pltpu
from jax.experimental.pallas import tpu_sc as plsc

D = 1024
B = 32768
SCALE = math.sqrt(D)

NC = 2
NS = 16
NW = NC * NS
B_PER_W = B // NW
CHUNK = 16
NBUF = 4
NSTEP = B_PER_W // CHUNK
LANES = 16

_mesh = plsc.VectorSubcoreMesh(core_axis_name="c", subcore_axis_name="s")


@functools.partial(
    pl.kernel,
    mesh=_mesh,
    out_type=jax.ShapeDtypeStruct((B, D), jnp.float32),
    scratch_types=[
        pltpu.VMEM((B_PER_W,), jnp.int32),
        pltpu.VMEM((NBUF, CHUNK, D), jnp.float32),
    ]
    + [pltpu.SemaphoreType.DMA] * (2 * NBUF),
)
def _gather_scale(table_hbm, idx_hbm, out_hbm, idx_v, rows_v, *sems):
    gsem = sems[:NBUF]
    ssem = sems[NBUF:]
    wid = lax.axis_index("s") * NC + lax.axis_index("c")
    base = wid * B_PER_W
    pltpu.sync_copy(idx_hbm.at[pl.ds(base, B_PER_W)], idx_v)

    def gather(buf, g):
        return pltpu.make_async_copy(
            table_hbm.at[idx_v.at[pl.ds(g * CHUNK, CHUNK)]],
            rows_v.at[buf], gsem[buf])

    def store(buf, g):
        return pltpu.make_async_copy(
            rows_v.at[buf], out_hbm.at[pl.ds(base + g * CHUNK, CHUNK)],
            ssem[buf])

    def scale(buf):
        @pl.loop(0, CHUNK)
        def _row(r):
            for c in range(0, D, LANES):
                rows_v[buf, r, pl.ds(c, LANES)] = (
                    rows_v[buf, r, pl.ds(c, LANES)] * SCALE)

    gather(0, 0).start()
    gather(1, 1).start()

    @pl.loop(0, NSTEP, step=NBUF)
    def _step(j):
        for s in range(NBUF):
            buf = s
            g = j + s
            gather(buf, g).wait()

            pbuf = (s + 2) % NBUF

            @pl.when(g + 2 < NSTEP)
            def _prefetch():
                @pl.when(g >= 2)
                def _drain():
                    store(pbuf, g - 2).wait()

                gather(pbuf, g + 2).start()

            scale(buf)
            store(buf, g).start()

    for s in range(NBUF):
        store(s, NSTEP - NBUF + s).wait()


def kernel(x, table):
    idx = x.reshape(B).astype(jnp.int32)
    out = _gather_scale(table, idx)
    return out.reshape(x.shape[0], x.shape[1], D)

# --- scband reference (transcript-rebuilt; emitter-appended) ---
"""Pipeline reference for scband-transformer-embedding-2388001816584 (READ-ONLY COPY).

The authoritative reference and input builder live on the scoring server;
editing this copy changes nothing except your own understanding.
"""

import jax, jax.numpy as jnp
import numpy as np
import math

VOCAB = 100000
D_MODEL = 1024
BATCH = 4
SEQ = 8192
PAD_IDX = 0
SCALE = math.sqrt(D_MODEL)


def setup_inputs(seed: int = 0) -> dict:
    key = jax.random.key(seed)
    k1, k2 = jax.random.split(key)
    x = jax.random.randint(k1, (BATCH, SEQ), 0, VOCAB, dtype=jnp.int64 if jax.config.jax_enable_x64 else jnp.int32)
    table = jax.random.normal(k2, (VOCAB, D_MODEL), dtype=jnp.float32)
    # nn.Embedding with padding_idx zeroes the pad row at init
    table = table.at[PAD_IDX].set(0.0)
    return {"x": x, "table": table}


def reference(x, table):
    # TransformerEmbedding.forward with pos_encoding_type='rope':
    #   embeddings = token_embedding(x) * sqrt(d_model); dropout (identity in eval)
    embeddings = jnp.take(table, x, axis=0) * SCALE
    return embeddings

if __name__ == "__main__":
    import jax
    _d = setup_inputs()
    print(jax.jit(kernel)(*tuple(_d.values())))

</pallas_src>

<mosaic_0001>
#map = affine_map<(d0, d1) -> (0, 0)>
#map1 = affine_map<(d0, d1) -> (0)>
module attributes {stable_mosaic.version = 14 : i64} {
  func.func @_gather_scale(%arg0: i32, %arg1: i32, %arg2: memref<100000x1024xf32, #tpu.memory_space<hbm>>, %arg3: memref<32768xi32, #tpu.memory_space<hbm>>, %arg4: memref<32768x1024xf32, #tpu.memory_space<hbm>>, %arg5: memref<1024xi32, #tpu.memory_space<vmem>>, %arg6: memref<4x16x1024xf32, #tpu.memory_space<vmem>>, %arg7: memref<!tpu.dma_semaphore, #tpu.memory_space<semaphore_mem>>, %arg8: memref<!tpu.dma_semaphore, #tpu.memory_space<semaphore_mem>>, %arg9: memref<!tpu.dma_semaphore, #tpu.memory_space<semaphore_mem>>, %arg10: memref<!tpu.dma_semaphore, #tpu.memory_space<semaphore_mem>>, %arg11: memref<!tpu.dma_semaphore, #tpu.memory_space<semaphore_mem>>, %arg12: memref<!tpu.dma_semaphore, #tpu.memory_space<semaphore_mem>>, %arg13: memref<!tpu.dma_semaphore, #tpu.memory_space<semaphore_mem>>, %arg14: memref<!tpu.dma_semaphore, #tpu.memory_space<semaphore_mem>>) attributes {dimension_semantics = [#tpu.dimension_semantics<core_parallel>, #tpu.dimension_semantics<subcore_parallel>], iteration_bounds = array<i64: 2, 16>, scalar_prefetch = 0 : i64, scratch_operands = 10 : i64, tpu.core_type = #tpu.core_type<sc_vector_subcore>, window_params = [{transform_indices = #map}, {transform_indices = #map1}, {transform_indices = #map}]} {
    %mul3A = arith.constant 2 : i32
    %mul3A_0 = arith.muli %arg1, %mul3A : i32
    %add3A = arith.addi %mul3A_0, %arg0 : i32
    %mul3A_1 = arith.constant 1024 : i32
    %mul3A_2 = arith.muli %add3A, %mul3A_1 : i32
    "tpu.region"() ({
      %run_scoped3A = tpu.sem_alloc : memref<!tpu.dma_semaphore, #tpu.memory_space<semaphore_mem>>
      %dma_start3A_85 = tpu.memref_slice %arg3[%mul3A_2] : memref<32768xi32, #tpu.memory_space<hbm>> -> memref<1024xi32, #tpu.memory_space<hbm>>
      %dma_start3A_86 = tpu.memref_slice %arg3[%mul3A_2] : memref<32768xi32, #tpu.memory_space<hbm>> -> memref<1024xi32, #tpu.memory_space<hbm>>
      tpu.enqueue_dma source(%dma_start3A_86 : memref<1024xi32, #tpu.memory_space<hbm>>) target(%arg5 : memref<1024xi32, #tpu.memory_space<vmem>>) target_semaphore(%run_scoped3A : memref<!tpu.dma_semaphore, #tpu.memory_space<semaphore_mem>>)
      %dma_wait3A_87 = tpu.memref_slice %arg3[%mul3A_2] : memref<32768xi32, #tpu.memory_space<hbm>> -> memref<1024xi32, #tpu.memory_space<hbm>>
      %dma_wait3A_88 = tpu.memref_slice %arg3[%mul3A_2] : memref<32768xi32, #tpu.memory_space<hbm>> -> memref<1024xi32, #tpu.memory_space<hbm>>
      tpu.wait_dma2 semaphore(%run_scoped3A : memref<!tpu.dma_semaphore, #tpu.memory_space<semaphore_mem>>) src(%dma_wait3A_88 : memref<1024xi32, #tpu.memory_space<hbm>>) dst(%arg5 : memref<1024xi32, #tpu.memory_space<vmem>>)
      tpu.yield
    }) : () -> ()
    %dma_start3A = arith.constant 0 : i32
    %dma_start3A_3 = arith.constant 0 : i32
    %dma_start3A_4 = arith.constant 0 : i32
    %dma_start3A_5 = tpu.memref_slice %arg6[%dma_start3A, %dma_start3A_3, %dma_start3A_4] : memref<4x16x1024xf32, #tpu.memory_space<vmem>> -> memref<1x16x1024xf32, #tpu.memory_space<vmem>>
    %dma_start3A_6 = tpu.memref_squeeze %dma_start3A_5 : memref<1x16x1024xf32, #tpu.memory_space<vmem>> -> memref<16x1024xf32, #tpu.memory_space<vmem>>
    %dma_start3A_7 = arith.constant 0 : i32
    %dma_start3A_8 = tpu.memref_slice %arg5[%dma_start3A_7] : memref<1024xi32, #tpu.memory_space<vmem>> -> memref<16xi32, #tpu.memory_space<vmem>>
    %dma_start3A_9 = arith.constant 0 : i32
    %dma_start3A_10 = arith.constant 0 : i32
    %dma_start3A_11 = tpu.memref_slice %arg2[%dma_start3A_9, %dma_start3A_10] : memref<100000x1024xf32, #tpu.memory_space<hbm>> -> memref<100000x1024xf32, #tpu.memory_space<hbm>>
    tpu.enqueue_indirect_dma source(%dma_start3A_11 : memref<100000x1024xf32, #tpu.memory_space<hbm>>) target(%dma_start3A_6 : memref<16x1024xf32, #tpu.memory_space<vmem>>) offsets(%dma_start3A_8 : memref<16xi32, #tpu.memory_space<vmem>>) semaphore(%arg7 : memref<!tpu.dma_semaphore, #tpu.memory_space<semaphore_mem>>)
    %dma_start3A_12 = arith.constant 1 : i32
    %dma_start3A_13 = arith.constant 0 : i32
    %dma_start3A_14 = arith.constant 0 : i32
    %dma_start3A_15 = tpu.memref_slice %arg6[%dma_start3A_12, %dma_start3A_13, %dma_start3A_14] : memref<4x16x1024xf32, #tpu.memory_space<vmem>> -> memref<1x16x1024xf32, #tpu.memory_space<vmem>>
    %dma_start3A_16 = tpu.memref_squeeze %dma_start3A_15 : memref<1x16x1024xf32, #tpu.memory_space<vmem>> -> memref<16x1024xf32, #tpu.memory_space<vmem>>
    %dma_start3A_17 = arith.constant 16 : i32
    %dma_start3A_18 = tpu.memref_slice %arg5[%dma_start3A_17] : memref<1024xi32, #tpu.memory_space<vmem>> -> memref<16xi32, #tpu.memory_space<vmem>>
    %dma_start3A_19 = arith.constant 0 : i32
    %dma_start3A_20 = arith.constant 0 : i32
    %dma_start3A_21 = tpu.memref_slice %arg2[%dma_start3A_19, %dma_start3A_20] : memref<100000x1024xf32, #tpu.memory_space<hbm>> -> memref<100000x1024xf32, #tpu.memory_space<hbm>>
    tpu.enqueue_indirect_dma source(%dma_start3A_21 : memref<100000x1024xf32, #tpu.memory_space<hbm>>) target(%dma_start3A_16 : memref<16x1024xf32, #tpu.memory_space<vmem>>) offsets(%dma_start3A_18 : memref<16xi32, #tpu.memory_space<vmem>>) semaphore(%arg8 : memref<!tpu.dma_semaphore, #tpu.memory_space<semaphore_mem>>)
    %scan3A = arith.constant 0 : i32
    %scan3A_22 = arith.constant 16 : i32
    %scan3A_23 = arith.addi %scan3A, %scan3A_22 : i32
    %scan3A_24 = arith.constant 1 : i32
    scf.for %scan3A_85 = %scan3A to %scan3A_23 step %scan3A_24  : i32 {
      %mul3A_86 = arith.constant 4 : i32
      %mul3A_87 = arith.muli %scan3A_85, %mul3A_86 : i32
      %add3A_88 = arith.constant 0 : i32
      %add3A_89 = arith.addi %add3A_88, %mul3A_87 : i32
      %add3A_90 = arith.constant 0 : i32
      %add3A_91 = arith.addi %add3A_89, %add3A_90 : i32
      %mul3A_92 = arith.constant 16 : i32
      %mul3A_93 = arith.muli %add3A_91, %mul3A_92 : i32
      %dma_wait3A_94 = arith.constant 0 : i32
      %dma_wait3A_95 = arith.constant 0 : i32
      %dma_wait3A_96 = arith.constant 0 : i32
      %dma_wait3A_97 = tpu.memref_slice %arg6[%dma_wait3A_94, %dma_wait3A_95, %dma_wait3A_96] : memref<4x16x1024xf32, #tpu.memory_space<vmem>> -> memref<1x16x1024xf32, #tpu.memory_space<vmem>>
      %dma_wait3A_98 = tpu.memref_squeeze %dma_wait3A_97 : memref<1x16x1024xf32, #tpu.memory_space<vmem>> -> memref<16x1024xf32, #tpu.memory_space<vmem>>
      %dma_wait3A_99 = tpu.memref_slice %arg5[%mul3A_93] : memref<1024xi32, #tpu.memory_space<vmem>> -> memref<16xi32, #tpu.memory_space<vmem>>
      %dma_wait3A_100 = arith.constant 0 : i32
      %dma_wait3A_101 = arith.constant 0 : i32
      %dma_wait3A_102 = tpu.memref_slice %arg2[%dma_wait3A_100, %dma_wait3A_101] : memref<100000x1024xf32, #tpu.memory_space<hbm>> -> memref<100000x1024xf32, #tpu.memory_space<hbm>>
      tpu.wait_indirect_dma semaphore(%arg7 : memref<!tpu.dma_semaphore, #tpu.memory_space<semaphore_mem>>) src(%dma_wait3A_102 : memref<100000x1024xf32, #tpu.memory_space<hbm>>) dst(%dma_wait3A_98 : memref<16x1024xf32, #tpu.memory_space<vmem>>)
      %add3A_103 = arith.constant 2 : i32
      %add3A_104 = arith.addi %add3A_91, %add3A_103 : i32
      %lt3A = arith.constant 64 : i32
      %lt3A_105 = arith.cmpi slt, %add3A_104, %lt3A : i32
      %convert_element_type3A = arith.extui %lt3A_105 : i1 to i32
      %cond3A = arith.constant 0 : i32
      %cond3A_106 = arith.cmpi ne, %convert_element_type3A, %cond3A : i32
      scf.if %cond3A_106 {
        %ge3A = arith.constant 2 : i32
        %ge3A_251 = arith.cmpi sge, %add3A_91, %ge3A : i32
        %convert_element_type3A_252 = arith.extui %ge3A_251 : i1 to i32
        %cond3A_253 = arith.constant 0 : i32
        %cond3A_254 = arith.cmpi ne, %convert_element_type3A_252, %cond3A_253 : i32
        scf.if %cond3A_254 {
          %sub3A = arith.constant 2 : i32
          %sub3A_268 = arith.subi %add3A_91, %sub3A : i32
          %mul3A_269 = arith.constant 16 : i32
          %mul3A_270 = arith.muli %sub3A_268, %mul3A_269 : i32
          %add3A_271 = arith.addi %mul3A_2, %mul3A_270 : i32
          %dma_wait3A_272 = arith.constant 2 : i32
          %dma_wait3A_273 = arith.constant 0 : i32
          %dma_wait3A_274 = arith.constant 0 : i32
          %dma_wait3A_275 = tpu.memref_slice %arg6[%dma_wait3A_272, %dma_wait3A_273, %dma_wait3A_274] : memref<4x16x1024xf32, #tpu.memory_space<vmem>> -> memref<1x16x1024xf32, #tpu.memory_space<vmem>>
          %dma_wait3A_276 = tpu.memref_squeeze %dma_wait3A_275 : memref<1x16x1024xf32, #tpu.memory_space<vmem>> -> memref<16x1024xf32, #tpu.memory_space<vmem>>
          %dma_wait3A_277 = arith.constant 0 : i32
          %dma_wait3A_278 = tpu.memref_slice %arg4[%add3A_271, %dma_wait3A_277] : memref<32768x1024xf32, #tpu.memory_space<hbm>> -> memref<16x1024xf32, #tpu.memory_space<hbm>>
          %dma_wait3A_279 = arith.constant 0 : i32
          %dma_wait3A_280 = tpu.memref_slice %arg4[%add3A_271, %dma_wait3A_279] : memref<32768x1024xf32, #tpu.memory_space<hbm>> -> memref<16x1024xf32, #tpu.memory_space<hbm>>
          %dma_wait3A_281 = arith.constant 0 : i32
          %dma_wait3A_282 = arith.constant 0 : i32
          %dma_wait3A_283 = tpu.memref_slice %arg6[%dma_wait3A_272, %dma_wait3A_281, %dma_wait3A_282] : memref<4x16x1024xf32, #tpu.memory_space<vmem>> -> memref<1x16x1024xf32, #tpu.memory_space<vmem>>
          %dma_wait3A_284 = tpu.memref_squeeze %dma_wait3A_283 : memref<1x16x1024xf32, #tpu.memory_space<vmem>> -> memref<16x1024xf32, #tpu.memory_space<vmem>>
          tpu.wait_dma2 semaphore(%arg13 : memref<!tpu.dma_semaphore, #tpu.memory_space<semaphore_mem>>) src(%dma_wait3A_284 : memref<16x1024xf32, #tpu.memory_space<vmem>>) dst(%dma_wait3A_280 : memref<16x1024xf32, #tpu.memory_space<hbm>>)
        } else {
        }
        %add3A_255 = arith.constant 2 : i32
        %add3A_256 = arith.addi %add3A_91, %add3A_255 : i32
        %mul3A_257 = arith.constant 16 : i32
        %mul3A_258 = arith.muli %add3A_256, %mul3A_257 : i32
        %dma_start3A_259 = arith.constant 2 : i32
        %dma_start3A_260 = arith.constant 0 : i32
        %dma_start3A_261 = arith.constant 0 : i32
        %dma_start3A_262 = tpu.memref_slice %arg6[%dma_start3A_259, %dma_start3A_260, %dma_start3A_261] : memref<4x16x1024xf32, #tpu.memory_space<vmem>> -> memref<1x16x1024xf32, #tpu.memory_space<vmem>>
        %dma_start3A_263 = tpu.memref_squeeze %dma_start3A_262 : memref<1x16x1024xf32, #tpu.memory_space<vmem>> -> memref<16x1024xf32, #tpu.memory_space<vmem>>
        %dma_start3A_264 = tpu.memref_slice %arg5[%mul3A_258] : memref<1024xi32, #tpu.memory_space<vmem>> -> memref<16xi32, #tpu.memory_space<vmem>>
        %dma_start3A_265 = arith.constant 0 : i32
        %dma_start3A_266 = arith.constant 0 : i32
        %dma_start3A_267 = tpu.memref_slice %arg2[%dma_start3A_265, %dma_start3A_266] : memref<100000x1024xf32, #tpu.memory_space<hbm>> -> memref<100000x1024xf32, #tpu.memory_space<hbm>>
        tpu.enqueue_indirect_dma source(%dma_start3A_267 : memref<100000x1024xf32, #tpu.memory_space<hbm>>) target(%dma_start3A_263 : memref<16x1024xf32, #tpu.memory_space<vmem>>) offsets(%dma_start3A_264 : memref<16xi32, #tpu.memory_space<vmem>>) semaphore(%arg9 : memref<!tpu.dma_semaphore, #tpu.memory_space<semaphore_mem>>)
      } else {
      }
      %scan3A_107 = arith.constant 0 : i32
      %scan3A_108 = arith.constant 16 : i32
      %scan3A_109 = arith.addi %scan3A_107, %scan3A_108 : i32
      %scan3A_110 = arith.constant 1 : i32
      scf.for %scan3A_251 = %scan3A_107 to %scan3A_109 step %scan3A_110  : i32 {
        %mul3A_252 = arith.constant 1 : i32
        %mul3A_253 = arith.muli %scan3A_251, %mul3A_252 : i32
        %add3A_254 = arith.constant 0 : i32
        %add3A_255 = arith.addi %add3A_254, %mul3A_253 : i32
        %get3A = arith.constant 0 : i32
        %get3A_256 = arith.index_cast %get3A : i32 to index
        %get3A_257 = arith.index_cast %add3A_255 : i32 to index
        %get3A_258 = arith.constant 0 : index
        %get3A_259 = tpu.vector_load %arg6[%get3A_256, %get3A_257, %get3A_258] {strides = array<i32>} : memref<4x16x1024xf32, #tpu.memory_space<vmem>>, vector<1x1x16xf32>,
        %get3A_260 = vector.shape_cast %get3A_259 : vector<1x1x16xf32> to vector<16xf32>
        %mul3A_261 = arith.constant 3.200000e+01 : f32
        %mul3A_262 = vector.broadcast %mul3A_261 : f32 to vector<16xf32>
        %mul3A_263 = arith.mulf %get3A_260, %mul3A_262 : vector<16xf32>
        %swap3A = arith.constant 0 : i32
        %swap3A_264 = arith.index_cast %swap3A : i32 to index
        %swap3A_265 = arith.index_cast %add3A_255 : i32 to index
        %swap3A_266 = arith.constant 0 : index
        %swap3A_267 = tpu.vector_load %arg6[%swap3A_264, %swap3A_265, %swap3A_266] {strides = array<i32>} : memref<4x16x1024xf32, #tpu.memory_space<vmem>>, vector<1x1x16xf32>,
        %swap3A_268 = vector.shape_cast %swap3A_267 : vector<1x1x16xf32> to vector<16xf32>
        %swap3A_269 = vector.shape_cast %mul3A_263 : vector<16xf32> to vector<1x1x16xf32>
        tpu.vector_store %arg6[%swap3A_264, %swap3A_265, %swap3A_266], %swap3A_269 {strides = array<i32>} : memref<4x16x1024xf32, #tpu.memory_space<vmem>>, vector<1x1x16xf32>,
        %get3A_270 = arith.constant 0 : i32
        %get3A_271 = arith.index_cast %get3A_270 : i32 to index
        %get3A_272 = arith.index_cast %add3A_255 : i32 to index
        %get3A_273 = arith.constant 16 : index
        %get3A_274 = tpu.vector_load %arg6[%get3A_271, %get3A_272, %get3A_273] {strides = array<i32>} : memref<4x16x1024xf32, #tpu.memory_space<vmem>>, vector<1x1x16xf32>,
        %get3A_275 = vector.shape_cast %get3A_274 : vector<1x1x16xf32> to vector<16xf32>
        %mul3A_276 = arith.constant 3.200000e+01 : f32
        %mul3A_277 = vector.broadcast %mul3A_276 : f32 to vector<16xf32>
        %mul3A_278 = arith.mulf %get3A_275, %mul3A_277 : vector<16xf32>
        %swap3A_279 = arith.constant 0 : i32
        %swap3A_280 = arith.index_cast %swap3A_279 : i32 to index
        %swap3A_281 = arith.index_cast %add3A_255 : i32 to index
        %swap3A_282 = arith.constant 16 : index
        %swap3A_283 = tpu.vector_load %arg6[%swap3A_280, %swap3A_281, %swap3A_282] {strides = array<i32>} : memref<4x16x1024xf32, #tpu.memory_space<vmem>>, vector<1x1x16xf32>,
        %swap3A_284 = vector.shape_cast %swap3A_283 : vector<1x1x16xf32> to vector<16xf32>
        %swap3A_285 = vector.shape_cast %mul3A_278 : vector<16xf32> to vector<1x1x16xf32>
        tpu.vector_store %arg6[%swap3A_280, %swap3A_281, %swap3A_282], %swap3A_285 {strides = array<i32>} : memref<4x16x1024xf32, #tpu.memory_space<vmem>>, vector<1x1x16xf32>,
        %get3A_286 = arith.constant 0 : i32
        %get3A_287 = arith.index_cast %get3A_286 : i32 to index
        %get3A_288 = arith.index_cast %add3A_255 : i32 to index
        %get3A_289 = arith.constant 32 : index
        %get3A_290 = tpu.vector_load %arg6[%get3A_287, %get3A_288, %get3A_289] {strides = array<i32>} : memref<4x16x1024xf32, #tpu.memory_space<vmem>>, vector<1x1x16xf32>,
        %get3A_291 = vector.shape_cast %get3A_290 : vector<1x1x16xf32> to vector<16xf32>
        %mul3A_292 = arith.constant 3.200000e+01 : f32
        %mul3A_293 = vector.broadcast %mul3A_292 : f32 to vector<16xf32>
        %mul3A_294 = arith.mulf %get3A_291, %mul3A_293 : vector<16xf32>
        %swap3A_295 = arith.constant 0 : i32
        %swap3A_296 = arith.index_cast %swap3A_295 : i32 to index
        %swap3A_297 = arith.index_cast %add3A_255 : i32 to index
        %swap3A_298 = arith.constant 32 : index
        %swap3A_299 = tpu.vector_load %arg6[%swap3A_296, %swap3A_297, %swap3A_298] {strides = array<i32>} : memref<4x16x1024xf32, #tpu.memory_space<vmem>>, vector<1x1x16xf32>,
        %swap3A_300 = vector.shape_cast %swap3A_299 : vector<1x1x16xf32> to vector<16xf32>
        %swap3A_301 = vector.shape_cast %mul3A_294 : vector<16xf32> to vector<1x1x16xf32>
        tpu.vector_store %arg6[%swap3A_296, %swap3A_297, %swap3A_298], %swap3A_301 {strides = array<i32>} : memref<4x16x1024xf32, #tpu.memory_space<vmem>>, vector<1x1x16xf32>,
        %get3A_302 = arith.constant 0 : i32
        %get3A_303 = arith.index_cast %get3A_302 : i32 to index
        %get3A_304 = arith.index_cast %add3A_255 : i32 to index
        %get3A_305 = arith.constant 48 : index
        %get3A_306 = tpu.vector_load %arg6[%get3A_303, %get3A_304, %get3A_305] {strides = array<i32>} : memref<4x16x1024xf32, #tpu.memory_space<vmem>>, vector<1x1x16xf32>,
        %get3A_307 = vector.shape_cast %get3A_306 : vector<1x1x16xf32> to vector<16xf32>
        %mul3A_308 = arith.constant 3.200000e+01 : f32
        %mul3A_309 = vector.broadcast %mul3A_308 : f32 to vector<16xf32>
        %mul3A_310 = arith.mulf %get3A_307, %mul3A_309 : vector<16xf32>
        %swap3A_311 = arith.constant 0 : i32
        %swap3A_312 = arith.index_cast %swap3A_311 : i32 to index
        %swap3A_313 = arith.index_cast %add3A_255 : i32 to index
        %swap3A_314 = arith.constant 48 : index
        %swap3A_315 = tpu.vector_load %arg6[%swap3A_312, %swap3A_313, %swap3A_314] {strides = array<i32>} : memref<4x16x1024xf32, #tpu.memory_space<vmem>>, vector<1x1x16xf32>,
        %swap3A_316 = vector.shape_cast %swap3A_315 : vector<1x1x16xf32> to vector<16xf32>
        %swap3A_317 = vector.shape_cast %mul3A_310 : vector<16xf32> to vector<1x1x16xf32>
        tpu.vector_store %arg6[%swap3A_312, %swap3A_313, %swap3A_314], %swap3A_317 {strides = array<i32>} : memref<4x16x1024xf32, #tpu.memory_space<vmem>>, vector<1x1x16xf32>,
        %get3A_318 = arith.constant 0 : i32
        %get3A_319 = arith.index_cast %get3A_318 : i32 to index
        %get3A_320 = arith.index_cast %add3A_255 : i32 to index
        %get3A_321 = arith.constant 64 : index
        %get3A_322 = tpu.vector_load %arg6[%get3A_319, %get3A_320, %get3A_321] {strides = array<i32>} : memref<4x16x1024xf32, #tpu.memory_space<vmem>>, vector<1x1x16xf32>,
        %get3A_323 = vector.shape_cast %get3A_322 : vector<1x1x16xf32> to vector<16xf32>
        %mul3A_324 = arith.constant 3.200000e+01 : f32
        %mul3A_325 = vector.broadcast %mul3A_324 : f32 to vector<16xf32>
        %mul3A_326 = arith.mulf %get3A_323, %mul3A_325 : vector<16xf32>
        %swap3A_327 = arith.constant 0 : i32
        %swap3A_328 = arith.index_cast %swap3A_327 : i32 to index
        %swap3A_329 = arith.index_cast %add3A_255 : i32 to index
        %swap3A_330 = arith.constant 64 : index
        %swap3A_331 = tpu.vector_load %arg6[%swap3A_328, %swap3A_329, %swap3A_330] {strides = array<i32>} : memref<4x16x1024xf32, #tpu.memory_space<vmem>>, vector<1x1x16xf32>,
        %swap3A_332 = vector.shape_cast %swap3A_331 : vector<1x1x16xf32> to vector<16xf32>
        %swap3A_333 = vector.shape_cast %mul3A_326 : vector<16xf32> to vector<1x1x16xf32>
        tpu.vector_store %arg6[%swap3A_328, %swap3A_329, %swap3A_330], %swap3A_333 {strides = array<i32>} : memref<4x16x1024xf32, #tpu.memory_space<vmem>>, vector<1x1x16xf32>,
        %get3A_334 = arith.constant 0 : i32
        %get3A_335 = arith.index_cast %get3A_334 : i32 to index
        %get3A_336 = arith.index_cast %add3A_255 : i32 to index
        %get3A_337 = arith.constant 80 : index
        %get3A_338 = tpu.vector_load %arg6[%get3A_335, %get3A_336, %get3A_337] {strides = array<i32>} : memref<4x16x1024xf32, #tpu.memory_space<vmem>>, vector<1x1x16xf32>,
        %get3A_339 = vector.shape_cast %get3A_338 : vector<1x1x16xf32> to vector<16xf32>
        %mul3A_340 = arith.constant 3.200000e+01 : f32
        %mul3A_341 = vector.broadcast %mul3A_340 : f32 to vector<16xf32>
        %mul3A_342 = arith.mulf %get3A_339, %mul3A_341 : vector<16xf32>
        %swap3A_343 = arith.constant 0 : i32
        %swap3A_344 = arith.index_cast %swap3A_343 : i32 to index
        %swap3A_345 = arith.index_cast %add3A_255 : i32 to index
        %swap3A_346 = arith.constant 80 : index
        %swap3A_347 = tpu.vector_load %arg6[%swap3A_344, %swap3A_345, %swap3A_346] {strides = array<i32>} : memref<4x16x1024xf32, #tpu.memory_space<vmem>>, vector<1x1x16xf32>,
        %swap3A_348 = vector.shape_cast %swap3A_347 : vector<1x1x16xf32> to vector<16xf32>
        %swap3A_349 = vector.shape_cast %mul3A_342 : vector<16xf32> to vector<1x1x16xf32>
        tpu.vector_store %arg6[%swap3A_344, %swap3A_345, %swap3A_346], %swap3A_349 {strides = array<i32>} : memref<4x16x1024xf32, #tpu.memory_space<vmem>>, vector<1x1x16xf32>,
        %get3A_350 = arith.constant 0 : i32
        %get3A_351 = arith.index_cast %get3A_350 : i32 to index
        %get3A_352 = arith.index_cast %add3A_255 : i32 to index
        %get3A_353 = arith.constant 96 : index
        %get3A_354 = tpu.vector_load %arg6[%get3A_351, %get3A_352, %get3A_353] {strides = array<i32>} : memref<4x16x1024xf32, #tpu.memory_space<vmem>>, vector<1x1x16xf32>,
        %get3A_355 = vector.shape_cast %get3A_354 : vector<1x1x16xf32> to vector<16xf32>
        %mul3A_356 = arith.constant 3.200000e+01 : f32
        %mul3A_357 = vector.broadcast %mul3A_356 : f32 to vector<16xf32>
        %mul3A_358 = arith.mulf %get3A_355, %mul3A_357 : vector<16xf32>
        %swap3A_359 = arith.constant 0 : i32
        %swap3A_360 = arith.index_cast %swap3A_359 : i32 to index
        %swap3A_361 = arith.index_cast %add3A_255 : i32 to index
        %swap3A_362 = arith.constant 96 : index
        %swap3A_363 = tpu.vector_load %arg6[%swap3A_360, %swap3A_361, %swap3A_362] {strides = array<i32>} : memref<4x16x1024xf32, #tpu.memory_space<vmem>>, vector<1x1x16xf32>,
        %swap3A_364 = vector.shape_cast %swap3A_363 : vector<1x1x16xf32> to vector<16xf32>
        %swap3A_365 = vector.shape_cast %mul3A_358 : vector<16xf32> to vector<1x1x16xf32>
        tpu.vector_store %arg6[%swap3A_360, %swap3A_361, %swap3A_362], %swap3A_365 {strides = array<i32>} : memref<4x16x1024xf32, #tpu.memory_space<vmem>>, vector<1x1x16xf32>,
        %get3A_366 = arith.constant 0 : i32
        %get3A_367 = arith.index_cast %get3A_366 : i32 to index
        %get3A_368 = arith.index_cast %add3A_255 : i32 to index
        %get3A_369 = arith.constant 112 : index
        %get3A_370 = tpu.vector_load %arg6[%get3A_367, %get3A_368, %get3A_369] {strides = array<i32>} : memref<4x16x1024xf32, #tpu.memory_space<vmem>>, vector<1x1x16xf32>,
        %get3A_371 = vector.shape_cast %get3A_370 : vector<1x1x16xf32> to vector<16xf32>
        %mul3A_372 = arith.constant 3.200000e+01 : f32
        %mul3A_373 = vector.broadcast %mul3A_372 : f32 to vector<16xf32>
        %mul3A_374 = arith.mulf %get3A_371, %mul3A_373 : vector<16xf32>
        %swap3A_375 = arith.constant 0 : i32
        %swap3A_376 = arith.index_cast %swap3A_375 : i32 to index
        %swap3A_377 = arith.index_cast %add3A_255 : i32 to index
        %swap3A_378 = arith.constant 112 : index
        %swap3A_379 = tpu.vector_load %arg6[%swap3A_376, %swap3A_377, %swap3A_378] {strides = array<i32>} : memref<4x16x1024xf32, #tpu.memory_space<vmem>>, vector<1x1x16xf32>,
        %swap3A_380 = vector.shape_cast %swap3A_379 : vector<1x1x16xf32> to vector<16xf32>
        %swap3A_381 = vector.shape_cast %mul3A_374 : vector<16xf32> to vector<1x1x16xf32>
        tpu.vector_store %arg6[%swap3A_376, %swap3A_377, %swap3A_378], %swap3A_381 {strides = array<i32>} : memref<4x16x1024xf32, #tpu.memory_space<vmem>>, vector<1x1x16xf32>,
        %get3A_382 = arith.constant 0 : i32
        %get3A_383 = arith.index_cast %get3A_382 : i32 to index
        %get3A_384 = arith.index_cast %add3A_255 : i32 to index
        %get3A_385 = arith.constant 128 : index
        %get3A_386 = tpu.vector_load %arg6[%get3A_383, %get3A_384, %get3A_385] {strides = array<i32>} : memref<4x16x1024xf32, #tpu.memory_space<vmem>>, vector<1x1x16xf32>,
        %get3A_387 = vector.shape_cast %get3A_386 : vector<1x1x16xf32> to vector<16xf32>
        %mul3A_388 = arith.constant 3.200000e+01 : f32
        %mul3A_389 = vector.broadcast %mul3A_388 : f32 to vector<16xf32>
        %mul3A_390 = arith.mulf %get3A_387, %mul3A_389 : vector<16xf32>
        %swap3A_391 = arith.constant 0 : i32
        %swap3A_392 = arith.index_cast %swap3A_391 : i32 to index
        %swap3A_393 = arith.index_cast %add3A_255 : i32 to index
        %swap3A_394 = arith.constant 128 : index
        %swap3A_395 = tpu.vector_load %arg6[%swap3A_392, %swap3A_393, %swap3A_394] {strides = array<i32>} : memref<4x16x1024xf32, #tpu.memory_space<vmem>>, vector<1x1x16xf32>,
        %swap3A_396 = vector.shape_cast %swap3A_395 : vector<1x1x16xf32> to vector<16xf32>
        %swap3A_397 = vector.shape_cast %mul3A_390 : vector<16xf32> to vector<1x1x16xf32>
        tpu.vector_store %arg6[%swap3A_392, %swap3A_393, %swap3A_394], %swap3A_397 {strides = array<i32>} : memref<4x16x1024xf32, #tpu.memory_space<vmem>>, vector<1x1x16xf32>,
        %get3A_398 = arith.constant 0 : i32
        %get3A_399 = arith.index_cast %get3A_398 : i32 to index
        %get3A_400 = arith.index_cast %add3A_255 : i32 to index
        %get3A_401 = arith.constant 144 : index
        %get3A_402 = tpu.vector_load %arg6[%get3A_399, %get3A_400, %get3A_401] {strides = array<i32>} : memref<4x16x1024xf32, #tpu.memory_space<vmem>>, vector<1x1x16xf32>,
        %get3A_403 = vector.shape_cast %get3A_402 : vector<1x1x16xf32> to vector<16xf32>
        %mul3A_404 = arith.constant 3.200000e+01 : f32
        %mul3A_405 = vector.broadcast %mul3A_404 : f32 to vector<16xf32>
        %mul3A_406 = arith.mulf %get3A_403, %mul3A_405 : vector<16xf32>
        %swap3A_407 = arith.constant 0 : i32
        %swap3A_408 = arith.index_cast %swap3A_407 : i32 to index
        %swap3A_409 = arith.index_cast %add3A_255 : i32 to index
        %swap3A_410 = arith.constant 144 : index
        %swap3A_411 = tpu.vector_load %arg6[%swap3A_408, %swap3A_409, %swap3A_410] {strides = array<i32>} : memref<4x16x1024xf32, #tpu.memory_space<vmem>>, vector<1x1x16xf32>,
        %swap3A_412 = vector.shape_cast %swap3A_411 : vector<1x1x16xf32> to vector<16xf32>
        %swap3A_413 = vector.shape_cast %mul3A_406 : vector<16xf32> to vector<1x1x16xf32>
        tpu.vector_store %arg6[%swap3A_408, %swap3A_409, %swap3A_410], %swap3A_413 {strides = array<i32>} : memref<4x16x1024xf32, #tpu.memory_space<vmem>>, vector<1x1x16xf32>,
        %get3A_414 = arith.constant 0 : i32
        %get3A_415 = arith.index_cast %get3A_414 : i32 to index
        %get3A_416 = arith.index_cast %add3A_255 : i32 to index
        %get3A_417 = arith.constant 160 : index
        %get3A_418 = tpu.vector_load %arg6[%get3A_415, %get3A_416, %get3A_417] {strides = array<i32>} : memref<4x16x1024xf32, #tpu.memory_space<vmem>>, vector<1x1x16xf32>,
        %get3A_419 = vector.shape_cast %get3A_418 : vector<1x1x16xf32> to vector<16xf32>
        %mul3A_420 = arith.constant 3.200000e+01 : f32
        %mul3A_421 = vector.broadcast %mul3A_420 : f32 to vector<16xf32>
        %mul3A_422 = arith.mulf %get3A_419, %mul3A_421 : vector<16xf32>
        %swap3A_423 = arith.constant 0 : i32
        %swap3A_424 = arith.index_cast %swap3A_423 : i32 to index
        %swap3A_425 = arith.index_cast %add3A_255 : i32 to index
        %swap3A_426 = arith.constant 160 : index
        %swap3A_427 = tpu.vector_load %arg6[%swap3A_424, %swap3A_425, %swap3A_426] {strides = array<i32>} : memref<4x16x1024xf32, #tpu.memory_space<vmem>>, vector<1x1x16xf32>,
        %swap3A_428 = vector.shape_cast %swap3A_427 : vector<1x1x16xf32> to vector<16xf32>
        %swap3A_429 = vector.shape_cast %mul3A_422 : vector<16xf32> to vector<1x1x16xf32>
        tpu.vector_store %arg6[%swap3A_424, %swap3A_425, %swap3A_426], %swap3A_429 {strides = array<i32>} : memref<4x16x1024xf32, #tpu.memory_space<vmem>>, vector<1x1x16xf32>,
        %get3A_430 = arith.constant 0 : i32
        %get3A_431 = arith.index_cast %get3A_430 : i32 to index
        %get3A_432 = arith.index_cast %add3A_255 : i32 to index
        %get3A_433 = arith.constant 176 : index
        %get3A_434 = tpu.vector_load %arg6[%get3A_431, %get3A_432, %get3A_433] {strides = array<i32>} : memref<4x16x1024xf32, #tpu.memory_space<vmem>>, vector<1x1x16xf32>,
        %get3A_435 = vector.shape_cast %get3A_434 : vector<1x1x16xf32> to vector<16xf32>
        %mul3A_436 = arith.constant 3.200000e+01 : f32
        %mul3A_437 = vector.broadcast %mul3A_436 : f32 to vector<16xf32>
        %mul3A_438 = arith.mulf %get3A_435, %mul3A_437 : vector<16xf32>
        %swap3A_439 = arith.constant 0 : i32
        %swap3A_440 = arith.index_cast %swap3A_439 : i32 to index
        %swap3A_441 = arith.index_cast %add3A_255 : i32 to index
        %swap3A_442 = arith.constant 176 : index
        %swap3A_443 = tpu.vector_load %arg6[%swap3A_440, %swap3A_441, %swap3A_442] {strides = array<i32>} : memref<4x16x1024xf32, #tpu.memory_space<vmem>>, vector<1x1x16xf32>,
        %swap3A_444 = vector.shape_cast %swap3A_443 : vector<1x1x16xf32> to vector<16xf32>
        %swap3A_445 = vector.shape_cast %mul3A_438 : vector<16xf32> to vector<1x1x16xf32>
        tpu.vector_store %arg6[%swap3A_440, %swap3A_441, %swap3A_442], %swap3A_445 {strides = array<i32>} : memref<4x16x1024xf32, #tpu.memory_space<vmem>>, vector<1x1x16xf32>,
        %get3A_446 = arith.constant 0 : i32
        %get3A_447 = arith.index_cast %get3A_446 : i32 to index
        %get3A_448 = arith.index_cast %add3A_255 : i32 to index
        %get3A_449 = arith.constant 192 : index
        %get3A_450 = tpu.vector_load %arg6[%get3A_447, %get3A_448, %get3A_449] {strides = array<i32>} : memref<4x16x1024xf32, #tpu.memory_space<vmem>>, vector<1x1x16xf32>,
        %get3A_451 = vector.shape_cast %get3A_450 : vector<1x1x16xf32> to vector<16xf32>
        %mul3A_452 = arith.constant 3.200000e+01 : f32
        %mul3A_453 = vector.broadcast %mul3A_452 : f32 to vector<16xf32>
        %mul3A_454 = arith.mulf %get3A_451, %mul3A_453 : vector<16xf32>
        %swap3A_455 = arith.constant 0 : i32
        %swap3A_456 = arith.index_cast %swap3A_455 : i32 to index
        %swap3A_457 = arith.index_cast %add3A_255 : i32 to index
        %swap3A_458 = arith.constant 192 : index
        %swap3A_459 = tpu.vector_load %arg6[%swap3A_456, %swap3A_457, %swap3A_458] {strides = array<i32>} : memref<4x16x1024xf32, #tpu.memory_space<vmem>>, vector<1x1x16xf32>,
        %swap3A_460 = vector.shape_cast %swap3A_459 : vector<1x1x16xf32> to vector<16xf32>
        %swap3A_461 = vector.shape_cast %mul3A_454 : vector<16xf32> to vector<1x1x16xf32>
        tpu.vector_store %arg6[%swap3A_456, %swap3A_457, %swap3A_458], %swap3A_461 {strides = array<i32>} : memref<4x16x1024xf32, #tpu.memory_space<vmem>>, vector<1x1x16xf32>,
        %get3A_462 = arith.constant 0 : i32
        %get3A_463 = arith.index_cast %get3A_462 : i32 to index
        %get3A_464 = arith.index_cast %add3A_255 : i32 to index
        %get3A_465 = arith.constant 208 : index
        %get3A_466 = tpu.vector_load %arg6[%get3A_463, %get3A_464, %get3A_465] {strides = array<i32>} : memref<4x16x1024xf32, #tpu.memory_space<vmem>>, vector<1x1x16xf32>,
        %get3A_467 = vector.shape_cast %get3A_466 : vector<1x1x16xf32> to vector<16xf32>
        %mul3A_468 = arith.constant 3.200000e+01 : f32
        %mul3A_469 = vector.broadcast %mul3A_468 : f32 to vector<16xf32>
        %mul3A_470 = arith.mulf %get3A_467, %mul3A_469 : vector<16xf32>
        %swap3A_471 = arith.constant 0 : i32
        %swap3A_472 = arith.index_cast %swap3A_471 : i32 to index
        %swap3A_473 = arith.index_cast %add3A_255 : i32 to index
        %swap3A_474 = arith.constant 208 : index
        %swap3A_475 = tpu.vector_load %arg6[%swap3A_472, %swap3A_473, %swap3A_474] {strides = array<i32>} : memref<4x16x1024xf32, #tpu.memory_space<vmem>>, vector<1x1x16xf32>,
        %swap3A_476 = vector.shape_cast %swap3A_475 : vector<1x1x16xf32> to vector<16xf32>
        %swap3A_477 = vector.shape_cast %mul3A_470 : vector<16xf32> to vector<1x1x16xf32>
        tpu.vector_store %arg6[%swap3A_472, %swap3A_473, %swap3A_474], %swap3A_477 {strides = array<i32>} : memref<4x16x1024xf32, #tpu.memory_space<vmem>>, vector<1x1x16xf32>,
        %get3A_478 = arith.constant 0 : i32
        %get3A_479 = arith.index_cast %get3A_478 : i32 to index
        %get3A_480 = arith.index_cast %add3A_255 : i32 to index
        %get3A_481 = arith.constant 224 : index
        %get3A_482 = tpu.vector_load %arg6[%get3A_479, %get3A_480, %get3A_481] {strides = array<i32>} : memref<4x16x1024xf32, #tpu.memory_space<vmem>>, vector<1x1x16xf32>,
        %get3A_483 = vector.shape_cast %get3A_482 : vector<1x1x16xf32> to vector<16xf32>
        %mul3A_484 = arith.constant 3.200000e+01 : f32
        %mul3A_485 = vector.broadcast %mul3A_484 : f32 to vector<16xf32>
        %mul3A_486 = arith.mulf %get3A_483, %mul3A_485 : vector<16xf32>
        %swap3A_487 = arith.constant 0 : i32
        %swap3A_488 = arith.index_cast %swap3A_487 : i32 to index
        %swap3A_489 = arith.index_cast %add3A_255 : i32 to index
        %swap3A_490 = arith.constant 224 : index
        %swap3A_491 = tpu.vector_load %arg6[%swap3A_488, %swap3A_489, %swap3A_490] {strides = array<i32>} : memref<4x16x1024xf32, #tpu.memory_space<vmem>>, vector<1x1x16xf32>,
        %swap3A_492 = vector.shape_cast %swap3A_491 : vector<1x1x16xf32> to vector<16xf32>
        %swap3A_493 = vector.shape_cast %mul3A_486 : vector<16xf32> to vector<1x1x16xf32>
        tpu.vector_store %arg6[%swap3A_488, %swap3A_489, %swap3A_490], %swap3A_493 {strides = array<i32>} : memref<4x16x1024xf32, #tpu.memory_space<vmem>>, vector<1x1x16xf32>,
        %get3A_494 = arith.constant 0 : i32
        %get3A_495 = arith.index_cast %get3A_494 : i32 to index
        %get3A_496 = arith.index_cast %add3A_255 : i32 to index
        %get3A_497 = arith.constant 240 : index
        %get3A_498 = tpu.vector_load %arg6[%get3A_495, %get3A_496, %get3A_497] {strides = array<i32>} : memref<4x16x1024xf32, #tpu.memory_space<vmem>>, vector<1x1x16xf32>,
        %get3A_499 = vector.shape_cast %get3A_498 : vector<1x1x16xf32> to vector<16xf32>
        %mul3A_500 = arith.constant 3.200000e+01 : f32
        %mul3A_501 = vector.broadcast %mul3A_500 : f32 to vector<16xf32>
        %mul3A_502 = arith.mulf %get3A_499, %mul3A_501 : vector<16xf32>
        %swap3A_503 = arith.constant 0 : i32
        %swap3A_504 = arith.index_cast %swap3A_503 : i32 to index
        %swap3A_505 = arith.index_cast %add3A_255 : i32 to index
        %swap3A_506 = arith.constant 240 : index
        %swap3A_507 = tpu.vector_load %arg6[%swap3A_504, %swap3A_505, %swap3A_506] {strides = array<i32>} : memref<4x16x1024xf32, #tpu.memory_space<vmem>>, vector<1x1x16xf32>,
        %swap3A_508 = vector.shape_cast %swap3A_507 : vector<1x1x16xf32> to vector<16xf32>
        %swap3A_509 = vector.shape_cast %mul3A_502 : vector<16xf32> to vector<1x1x16xf32>
        tpu.vector_store %arg6[%swap3A_504, %swap3A_505, %swap3A_506], %swap3A_509 {strides = array<i32>} : memref<4x16x1024xf32, #tpu.memory_space<vmem>>, vector<1x1x16xf32>,
        %get3A_510 = arith.constant 0 : i32
        %get3A_511 = arith.index_cast %get3A_510 : i32 to index
        %get3A_512 = arith.index_cast %add3A_255 : i32 to index
        %get3A_513 = arith.constant 256 : index
        %get3A_514 = tpu.vector_load %arg6[%get3A_511, %get3A_512, %get3A_513] {strides = array<i32>} : memref<4x16x1024xf32, #tpu.memory_space<vmem>>, vector<1x1x16xf32>,
        %get3A_515 = vector.shape_cast %get3A_514 : vector<1x1x16xf32> to vector<16xf32>
        %mul3A_516 = arith.constant 3.200000e+01 : f32
        %mul3A_517 = vector.broadcast %mul3A_516 : f32 to vector<16xf32>
        %mul3A_518 = arith.mulf %get3A_515, %mul3A_517 : vector<16xf32>
        %swap3A_519 = arith.constant 0 : i32
        %swap3A_520 = arith.index_cast %swap3A_519 : i32 to index
        %swap3A_521 = arith.index_cast %add3A_255 : i32 to index
        %swap3A_522 = arith.constant 256 : index
        %swap3A_523 = tpu.vector_load %arg6[%swap3A_520, %swap3A_521, %swap3A_522] {strides = array<i32>} : memref<4x16x1024xf32, #tpu.memory_space<vmem>>, vector<1x1x16xf32>,
        %swap3A_524 = vector.shape_cast %swap3A_523 : vector<1x1x16xf32> to vector<16xf32>
        %swap3A_525 = vector.shape_cast %mul3A_518 : vector<16xf32> to vector<1x1x16xf32>
        tpu.vector_store %arg6[%swap3A_520, %swap3A_521, %swap3A_522], %swap3A_525 {strides = array<i32>} : memref<4x16x1024xf32, #tpu.memory_space<vmem>>, vector<1x1x16xf32>,
        %get3A_526 = arith.constant 0 : i32
        %get3A_527 = arith.index_cast %get3A_526 : i32 to index
        %get3A_528 = arith.index_cast %add3A_255 : i32 to index
        %get3A_529 = arith.constant 272 : index
        %get3A_530 = tpu.vector_load %arg6[%get3A_527, %get3A_528, %get3A_529] {strides = array<i32>} : memref<4x16x1024xf32, #tpu.memory_space<vmem>>, vector<1x1x16xf32>,
        %get3A_531 = vector.shape_cast %get3A_530 : vector<1x1x16xf32> to vector<16xf32>
        %mul3A_532 = arith.constant 3.200000e+01 : f32
        %mul3A_533 = vector.broadcast %mul3A_532 : f32 to vector<16xf32>
        %mul3A_534 = arith.mulf %get3A_531, %mul3A_533 : vector<16xf32>
        %swap3A_535 = arith.constant 0 : i32
        %swap3A_536 = arith.index_cast %swap3A_535 : i32 to index
        %swap3A_537 = arith.index_cast %add3A_255 : i32 to index
        %swap3A_538 = arith.constant 272 : index
        %swap3A_539 = tpu.vector_load %arg6[%swap3A_536, %swap3A_537, %swap3A_538] {strides = array<i32>} : memref<4x16x1024xf32, #tpu.memory_space<vmem>>, vector<1x1x16xf32>,
        %swap3A_540 = vector.shape_cast %swap3A_539 : vector<1x1x16xf32> to vector<16xf32>
        %swap3A_541 = vector.shape_cast %mul3A_534 : vector<16xf32> to vector<1x1x16xf32>
        tpu.vector_store %arg6[%swap3A_536, %swap3A_537, %swap3A_538], %swap3A_541 {strides = array<i32>} : memref<4x16x1024xf32, #tpu.memory_space<vmem>>, vector<1x1x16xf32>,
        %get3A_542 = arith.constant 0 : i32
        %get3A_543 = arith.index_cast %get3A_542 : i32 to index
        %get3A_544 = arith.index_cast %add3A_255 : i32 to index
        %get3A_545 = arith.constant 288 : index
        %get3A_546 = tpu.vector_load %arg6[%get3A_543, %get3A_544, %get3A_545] {strides = array<i32>} : memref<4x16x1024xf32, #tpu.memory_space<vmem>>, vector<1x1x16xf32>,
        %get3A_547 = vector.shape_cast %get3A_546 : vector<1x1x16xf32> to vector<16xf32>
        %mul3A_548 = arith.constant 3.200000e+01 : f32
        %mul3A_549 = vector.broadcast %mul3A_548 : f32 to vector<16xf32>
        %mul3A_550 = arith.mulf %get3A_547, %mul3A_549 : vector<16xf32>
        %swap3A_551 = arith.constant 0 : i32
        %swap3A_552 = arith.index_cast %swap3A_551 : i32 to index
        %swap3A_553 = arith.index_cast %add3A_255 : i32 to index
        %swap3A_554 = arith.constant 288 : index
        %swap3A_555 = tpu.vector_load %arg6[%swap3A_552, %swap3A_553, %swap3A_554] {strides = array<i32>} : memref<4x16x1024xf32, #tpu.memory_space<vmem>>, vector<1x1x16xf32>,
        %swap3A_556 = vector.shape_cast %swap3A_555 : vector<1x1x16xf32> to vector<16xf32>
        %swap3A_557 = vector.shape_cast %mul3A_550 : vector<16xf32> to vector<1x1x16xf32>
        tpu.vector_store %arg6[%swap3A_552, %swap3A_553, %swap3A_554], %swap3A_557 {strides = array<i32>} : memref<4x16x1024xf32, #tpu.memory_space<vmem>>, vector<1x1x16xf32>,
        %get3A_558 = arith.constant 0 : i32
        %get3A_559 = arith.index_cast %get3A_558 : i32 to index
        %get3A_560 = arith.index_cast %add3A_255 : i32 to index
        %get3A_561 = arith.constant 304 : index
        %get3A_562 = tpu.vector_load %arg6[%get3A_559, %get3A_560, %get3A_561] {strides = array<i32>} : memref<4x16x1024xf32, #tpu.memory_space<vmem>>, vector<1x1x16xf32>,
        %get3A_563 = vector.shape_cast %get3A_562 : vector<1x1x16xf32> to vector<16xf32>
        %mul3A_564 = arith.constant 3.200000e+01 : f32
        %mul3A_565 = vector.broadcast %mul3A_564 : f32 to vector<16xf32>
        %mul3A_566 = arith.mulf %get3A_563, %mul3A_565 : vector<16xf32>
        %swap3A_567 = arith.constant 0 : i32
        %swap3A_568 = arith.index_cast %swap3A_567 : i32 to index
        %swap3A_569 = arith.index_cast %add3A_255 : i32 to index
        %swap3A_570 = arith.constant 304 : index
        %swap3A_571 = tpu.vector_load %arg6[%swap3A_568, %swap3A_569, %swap3A_570] {strides = array<i32>} : memref<4x16x1024xf32, #tpu.memory_space<vmem>>, vector<1x1x16xf32>,
        %swap3A_572 = vector.shape_cast %swap3A_571 : vector<1x1x16xf32> to vector<16xf32>
        %swap3A_573 = vector.shape_cast %mul3A_566 : vector<16xf32> to vector<1x1x16xf32>
        tpu.vector_store %arg6[%swap3A_568, %swap3A_569, %swap3A_570], %swap3A_573 {strides = array<i32>} : memref<4x16x1024xf32, #tpu.memory_space<vmem>>, vector<1x1x16xf32>,
        %get3A_574 = arith.constant 0 : i32
        %get3A_575 = arith.index_cast %get3A_574 : i32 to index
        %get3A_576 = arith.index_cast %add3A_255 : i32 to index
        %get3A_577 = arith.constant 320 : index
        %get3A_578 = tpu.vector_load %arg6[%get3A_575, %get3A_576, %get3A_577] {strides = array<i32>} : memref<4x16x1024xf32, #tpu.memory_space<vmem>>, vector<1x1x16xf32>,
        %get3A_579 = vector.shape_cast %get3A_578 : vector<1x1x16xf32> to vector<16xf32>
        %mul3A_580 = arith.constant 3.200000e+01 : f32
        %mul3A_581 = vector.broadcast %mul3A_580 : f32 to vector<16xf32>
        %mul3A_582 = arith.mulf %get3A_579, %mul3A_581 : vector<16xf32>
        %swap3A_583 = arith.constant 0 : i32
        %swap3A_584 = arith.index_cast %swap3A_583 : i32 to index
        %swap3A_585 = arith.index_cast %add3A_255 : i32 to index
        %swap3A_586 = arith.constant 320 : index
        %swap3A_587 = tpu.vector_load %arg6[%swap3A_584, %swap3A_585, %swap3A_586] {strides = array<i32>} : memref<4x16x1024xf32, #tpu.memory_space<vmem>>, vector<1x1x16xf32>,
        %swap3A_588 = vector.shape_cast %swap3A_587 : vector<1x1x16xf32> to vector<16xf32>
        %swap3A_589 = vector.shape_cast %mul3A_582 : vector<16xf32> to vector<1x1x16xf32>
        tpu.vector_store %arg6[%swap3A_584, %swap3A_585, %swap3A_586], %swap3A_589 {strides = array<i32>} : memref<4x16x1024xf32, #tpu.memory_space<vmem>>, vector<1x1x16xf32>,
        %get3A_590 = arith.constant 0 : i32
        %get3A_591 = arith.index_cast %get3A_590 : i32 to index
        %get3A_592 = arith.index_cast %add3A_255 : i32 to index
        %get3A_593 = arith.constant 336 : index
        %get3A_594 = tpu.vector_load %arg6[%get3A_591, %get3A_592, %get3A_593] {strides = array<i32>} : memref<4x16x1024xf32, #tpu.memory_space<vmem>>, vector<1x1x16xf32>,
        %get3A_595 = vector.shape_cast %get3A_594 : vector<1x1x16xf32> to vector<16xf32>
        %mul3A_596 = arith.constant 3.200000e+01 : f32
        %mul3A_597 = vector.broadcast %mul3A_596 : f32 to vector<16xf32>
        %mul3A_598 = arith.mulf %get3A_595, %mul3A_597 : vector<16xf32>
        %swap3A_599 = arith.constant 0 : i32
        %swap3A_600 = arith.index_cast %swap3A_599 : i32 to index
        %swap3A_601 = arith.index_cast %add3A_255 : i32 to index
        %swap3A_602 = arith.constant 336 : index
        %swap3A_603 = tpu.vector_load %arg6[%swap3A_600, %swap3A_601, %swap3A_602] {strides = array<i32>} : memref<4x16x1024xf32, #tpu.memory_space<vmem>>, vector<1x1x16xf32>,
        %swap3A_604 = vector.shape_cast %swap3A_603 : vector<1x1x16xf32> to vector<16xf32>
        %swap3A_605 = vector.shape_cast %mul3A_598 : vector<16xf32> to vector<1x1x16xf32>
        tpu.vector_store %arg6[%swap3A_600, %swap3A_601, %swap3A_602], %swap3A_605 {strides = array<i32>} : memref<4x16x1024xf32, #tpu.memory_space<vmem>>, vector<1x1x16xf32>,
        %get3A_606 = arith.constant 0 : i32
        %get3A_607 = arith.index_cast %get3A_606 : i32 to index
        %get3A_608 = arith.index_cast %add3A_255 : i32 to index
        %get3A_609 = arith.constant 352 : index
        %get3A_610 = tpu.vector_load %arg6[%get3A_607, %get3A_608, %get3A_609] {strides = array<i32>} : memref<4x16x1024xf32, #tpu.memory_space<vmem>>, vector<1x1x16xf32>,
        %get3A_611 = vector.shape_cast %get3A_610 : vector<1x1x16xf32> to vector<16xf32>
        %mul3A_612 = arith.constant 3.200000e+01 : f32
        %mul3A_613 = vector.broadcast %mul3A_612 : f32 to vector<16xf32>
        %mul3A_614 = arith.mulf %get3A_611, %mul3A_613 : vector<16xf32>
        %swap3A_615 = arith.constant 0 : i32
        %swap3A_616 = arith.index_cast %swap3A_615 : i32 to index
        %swap3A_617 = arith.index_cast %add3A_255 : i32 to index
        %swap3A_618 = arith.constant 352 : index
        %swap3A_619 = tpu.vector_load %arg6[%swap3A_616, %swap3A_617, %swap3A_618] {strides = array<i32>} : memref<4x16x1024xf32, #tpu.memory_space<vmem>>, vector<1x1x16xf32>,
        %swap3A_620 = vector.shape_cast %swap3A_619 : vector<1x1x16xf32> to vector<16xf32>
        %swap3A_621 = vector.shape_cast %mul3A_614 : vector<16xf32> to vector<1x1x16xf32>
        tpu.vector_store %arg6[%swap3A_616, %swap3A_617, %swap3A_618], %swap3A_621 {strides = array<i32>} : memref<4x16x1024xf32, #tpu.memory_space<vmem>>, vector<1x1x16xf32>,
        %get3A_622 = arith.constant 0 : i32
        %get3A_623 = arith.index_cast %get3A_622 : i32 to index
        %get3A_624 = arith.index_cast %add3A_255 : i32 to index
        %get3A_625 = arith.constant 368 : index
        %get3A_626 = tpu.vector_load %arg6[%get3A_623, %get3A_624, %get3A_625] {strides = array<i32>} : memref<4x16x1024xf32, #tpu.memory_space<vmem>>, vector<1x1x16xf32>,
        %get3A_627 = vector.shape_cast %get3A_626 : vector<1x1x16xf32> to vector<16xf32>
        %mul3A_628 = arith.constant 3.200000e+01 : f32
        %mul3A_629 = vector.broadcast %mul3A_628 : f32 to vector<16xf32>
        %mul3A_630 = arith.mulf %get3A_627, %mul3A_629 : vector<16xf32>
        %swap3A_631 = arith.constant 0 : i32
        %swap3A_632 = arith.index_cast %swap3A_631 : i32 to index
        %swap3A_633 = arith.index_cast %add3A_255 : i32 to index
        %swap3A_634 = arith.constant 368 : index
        %swap3A_635 = tpu.vector_load %arg6[%swap3A_632, %swap3A_633, %swap3A_634] {strides = array<i32>} : memref<4x16x1024xf32, #tpu.memory_space<vmem>>, vector<1x1x16xf32>,
        %swap3A_636 = vector.shape_cast %swap3A_635 : vector<1x1x16xf32> to vector<16xf32>
        %swap3A_637 = vector.shape_cast %mul3A_630 : vector<16xf32> to vector<1x1x16xf32>
        tpu.vector_store %arg6[%swap3A_632, %swap3A_633, %swap3A_634], %swap3A_637 {strides = array<i32>} : memref<4x16x1024xf32, #tpu.memory_space<vmem>>, vector<1x1x16xf32>,
        %get3A_638 = arith.constant 0 : i32
        %get3A_639 = arith.index_cast %get3A_638 : i32 to index
        %get3A_640 = arith.index_cast %add3A_255 : i32 to index
        %get3A_641 = arith.constant 384 : index
        %get3A_642 = tpu.vector_load %arg6[%get3A_639, %get3A_640, %get3A_641] {strides = array<i32>} : memref<4x16x1024xf32, #tpu.memory_space<vmem>>, vector<1x1x16xf32>,
        %get3A_643 = vector.shape_cast %get3A_642 : vector<1x1x16xf32> to vector<16xf32>
        %mul3A_644 = arith.constant 3.200000e+01 : f32
        %mul3A_645 = vector.broadcast %mul3A_644 : f32 to vector<16xf32>
        %mul3A_646 = arith.mulf %get3A_643, %mul3A_645 : vector<16xf32>
        %swap3A_647 = arith.constant 0 : i32
        %swap3A_648 = arith.index_cast %swap3A_647 : i32 to index
        %swap3A_649 = arith.index_cast %add3A_255 : i32 to index
        %swap3A_650 = arith.constant 384 : index
        %swap3A_651 = tpu.vector_load %arg6[%swap3A_648, %swap3A_649, %swap3A_650] {strides = array<i32>} : memref<4x16x1024xf32, #tpu.memory_space<vmem>>, vector<1x1x16xf32>,
        %swap3A_652 = vector.shape_cast %swap3A_651 : vector<1x1x16xf32> to vector<16xf32>
        %swap3A_653 = vector.shape_cast %mul3A_646 : vector<16xf32> to vector<1x1x16xf32>
        tpu.vector_store %arg6[%swap3A_648, %swap3A_649, %swap3A_650], %swap3A_653 {strides = array<i32>} : memref<4x16x1024xf32, #tpu.memory_space<vmem>>, vector<1x1x16xf32>,
        %get3A_654 = arith.constant 0 : i32
        %get3A_655 = arith.index_cast %get3A_654 : i32 to index
        %get3A_656 = arith.index_cast %add3A_255 : i32 to index
        %get3A_657 = arith.constant 400 : index
        %get3A_658 = tpu.vector_load %arg6[%get3A_655, %get3A_656, %get3A_657] {strides = array<i32>} : memref<4x16x1024xf32, #tpu.memory_space<vmem>>, vector<1x1x16xf32>,
        %get3A_659 = vector.shape_cast %get3A_658 : vector<1x1x16xf32> to vector<16xf32>
        %mul3A_660 = arith.constant 3.200000e+01 : f32
        %mul3A_661 = vector.broadcast %mul3A_660 : f32 to vector<16xf32>
        %mul3A_662 = arith.mulf %get3A_659, %mul3A_661 : vector<16xf32>
        %swap3A_663 = arith.constant 0 : i32
        %swap3A_664 = arith.index_cast %swap3A_663 : i32 to index
        %swap3A_665 = arith.index_cast %add3A_255 : i32 to index
        %swap3A_666 = arith.constant 400 : index
        %swap3A_667 = tpu.vector_load %arg6[%swap3A_664, %swap3A_665, %swap3A_666] {strides = array<i32>} : memref<4x16x1024xf32, #tpu.memory_space<vmem>>, vector<1x1x16xf32>,
        %swap3A_668 = vector.shape_cast %swap3A_667 : vector<1x1x16xf32> to vector<16xf32>
        %swap3A_669 = vector.shape_cast %mul3A_662 : vector<16xf32> to vector<1x1x16xf32>
        tpu.vector_store %arg6[%swap3A_664, %swap3A_665, %swap3A_666], %swap3A_669 {strides = array<i32>} : memref<4x16x1024xf32, #tpu.memory_space<vmem>>, vector<1x1x16xf32>,
        %get3A_670 = arith.constant 0 : i32
        %get3A_671 = arith.index_cast %get3A_670 : i32 to index
        %get3A_672 = arith.index_cast %add3A_255 : i32 to index
        %get3A_673 = arith.constant 416 : index
        %get3A_674 = tpu.vector_load %arg6[%get3A_671, %get3A_672, %get3A_673] {strides = array<i32>} : memref<4x16x1024xf32, #tpu.memory_space<vmem>>, vector<1x1x16xf32>,
        %get3A_675 = vector.shape_cast %get3A_674 : vector<1x1x16xf32> to vector<16xf32>
        %mul3A_676 = arith.constant 3.200000e+01 : f32
        %mul3A_677 = vector.broadcast %mul3A_676 : f32 to vector<16xf32>
        %mul3A_678 = arith.mulf %get3A_675, %mul3A_677 : vector<16xf32>
        %swap3A_679 = arith.constant 0 : i32
        %swap3A_680 = arith.index_cast %swap3A_679 : i32 to index
        %swap3A_681 = arith.index_cast %add3A_255 : i32 to index
        %swap3A_682 = arith.constant 416 : index
        %swap3A_683 = tpu.vector_load %arg6[%swap3A_680, %swap3A_681, %swap3A_682] {strides = array<i32>} : memref<4x16x1024xf32, #tpu.memory_space<vmem>>, vector<1x1x16xf32>,
        %swap3A_684 = vector.shape_cast %swap3A_683 : vector<1x1x16xf32> to vector<16xf32>
        %swap3A_685 = vector.shape_cast %mul3A_678 : vector<16xf32> to vector<1x1x16xf32>
        tpu.vector_store %arg6[%swap3A_680, %swap3A_681, %swap3A_682], %swap3A_685 {strides = array<i32>} : memref<4x16x1024xf32, #tpu.memory_space<vmem>>, vector<1x1x16xf32>,
        %get3A_686 = arith.constant 0 : i32
        %get3A_687 = arith.index_cast %get3A_686 : i32 to index
        %get3A_688 = arith.index_cast %add3A_255 : i32 to index
        %get3A_689 = arith.constant 432 : index
        %get3A_690 = tpu.vector_load %arg6[%get3A_687, %get3A_688, %get3A_689] {strides = array<i32>} : memref<4x16x1024xf32, #tpu.memory_space<vmem>>, vector<1x1x16xf32>,
        %get3A_691 = vector.shape_cast %get3A_690 : vector<1x1x16xf32> to vector<16xf32>
        %mul3A_692 = arith.constant 3.200000e+01 : f32
        %mul3A_693 = vector.broadcast %mul3A_692 : f32 to vector<16xf32>
        %mul3A_694 = arith.mulf %get3A_691, %mul3A_693 : vector<16xf32>
        %swap3A_695 = arith.constant 0 : i32
        %swap3A_696 = arith.index_cast %swap3A_695 : i32 to index
        %swap3A_697 = arith.index_cast %add3A_255 : i32 to index
        %swap3A_698 = arith.constant 432 : index
        %swap3A_699 = tpu.vector_load %arg6[%swap3A_696, %swap3A_697, %swap3A_698] {strides = array<i32>} : memref<4x16x1024xf32, #tpu.memory_space<vmem>>, vector<1x1x16xf32>,
        %swap3A_700 = vector.shape_cast %swap3A_699 : vector<1x1x16xf32> to vector<16xf32>
        %swap3A_701 = vector.shape_cast %mul3A_694 : vector<16xf32> to vector<1x1x16xf32>
        tpu.vector_store %arg6[%swap3A_696, %swap3A_697, %swap3A_698], %swap3A_701 {strides = array<i32>} : memref<4x16x1024xf32, #tpu.memory_space<vmem>>, vector<1x1x16xf32>,
        %get3A_702 = arith.constant 0 : i32
        %get3A_703 = arith.index_cast %get3A_702 : i32 to index
        %get3A_704 = arith.index_cast %add3A_255 : i32 to index
        %get3A_705 = arith.constant 448 : index
        %get3A_706 = tpu.vector_load %arg6[%get3A_703, %get3A_704, %get3A_705] {strides = array<i32>} : memref<4x16x1024xf32, #tpu.memory_space<vmem>>, vector<1x1x16xf32>,
        %get3A_707 = vector.shape_cast %get3A_706 : vector<1x1x16xf32> to vector<16xf32>
        %mul3A_708 = arith.constant 3.200000e+01 : f32
        %mul3A_709 = vector.broadcast %mul3A_708 : f32 to vector<16xf32>
        %mul3A_710 = arith.mulf %get3A_707, %mul3A_709 : vector<16xf32>
        %swap3A_711 = arith.constant 0 : i32
        %swap3A_712 = arith.index_cast %swap3A_711 : i32 to index
        %swap3A_713 = arith.index_cast %add3A_255 : i32 to index
        %swap3A_714 = arith.constant 448 : index
        %swap3A_715 = tpu.vector_load %arg6[%swap3A_712, %swap3A_713, %swap3A_714] {strides = array<i32>} : memref<4x16x1024xf32, #tpu.memory_space<vmem>>, vector<1x1x16xf32>,
        %swap3A_716 = vector.shape_cast %swap3A_715 : vector<1x1x16xf32> to vector<16xf32>
        %swap3A_717 = vector.shape_cast %mul3A_710 : vector<16xf32> to vector<1x1x16xf32>
        tpu.vector_store %arg6[%swap3A_712, %swap3A_713, %swap3A_714], %swap3A_717 {strides = array<i32>} : memref<4x16x1024xf32, #tpu.memory_space<vmem>>, vector<1x1x16xf32>,
        %get3A_718 = arith.constant 0 : i32
        %get3A_719 = arith.index_cast %get3A_718 : i32 to index
        %get3A_720 = arith.index_cast %add3A_255 : i32 to index
        %get3A_721 = arith.constant 464 : index
        %get3A_722 = tpu.vector_load %arg6[%get3A_719, %get3A_720, %get3A_721] {strides = array<i32>} : memref<4x16x1024xf32, #tpu.memory_space<vmem>>, vector<1x1x16xf32>,
        %get3A_723 = vector.shape_cast %get3A_722 : vector<1x1x16xf32> to vector<16xf32>
        %mul3A_724 = arith.constant 3.200000e+01 : f32
        %mul3A_725 = vector.broadcast %mul3A_724 : f32 to vector<16xf32>
        %mul3A_726 = arith.mulf %get3A_723, %mul3A_725 : vector<16xf32>
        %swap3A_727 = arith.constant 0 : i32
        %swap3A_728 = arith.index_cast %swap3A_727 : i32 to index
        %swap3A_729 = arith.index_cast %add3A_255 : i32 to index
        %swap3A_730 = arith.constant 464 : index
        %swap3A_731 = tpu.vector_load %arg6[%swap3A_728, %swap3A_729, %swap3A_730] {strides = array<i32>} : memref<4x16x1024xf32, #tpu.memory_space<vmem>>, vector<1x1x16xf32>,
        %swap3A_732 = vector.shape_cast %swap3A_731 : vector<1x1x16xf32> to vector<16xf32>
        %swap3A_733 = vector.shape_cast %mul3A_726 : vector<16xf32> to vector<1x1x16xf32>
        tpu.vector_store %arg6[%swap3A_728, %swap3A_729, %swap3A_730], %swap3A_733 {strides = array<i32>} : memref<4x16x1024xf32, #tpu.memory_space<vmem>>, vector<1x1x16xf32>,
        %get3A_734 = arith.constant 0 : i32
        %get3A_735 = arith.index_cast %get3A_734 : i32 to index
        %get3A_736 = arith.index_cast %add3A_255 : i32 to index
        %get3A_737 = arith.constant 480 : index
        %get3A_738 = tpu.vector_load %arg6[%get3A_735, %get3A_736, %get3A_737] {strides = array<i32>} : memref<4x16x1024xf32, #tpu.memory_space<vmem>>, vector<1x1x16xf32>,
        %get3A_739 = vector.shape_cast %get3A_738 : vector<1x1x16xf32> to vector<16xf32>
        %mul3A_740 = arith.constant 3.200000e+01 : f32
        %mul3A_741 = vector.broadcast %mul3A_740 : f32 to vector<16xf32>
        %mul3A_742 = arith.mulf %get3A_739, %mul3A_741 : vector<16xf32>
        %swap3A_743 = arith.constant 0 : i32
        %swap3A_744 = arith.index_cast %swap3A_743 : i32 to index
        %swap3A_745 = arith.index_cast %add3A_255 : i32 to index
        %swap3A_746 = arith.constant 480 : index
        %swap3A_747 = tpu.vector_load %arg6[%swap3A_744, %swap3A_745, %swap3A_746] {strides = array<i32>} : memref<4x16x1024xf32, #tpu.memory_space<vmem>>, vector<1x1x16xf32>,
        %swap3A_748 = vector.shape_cast %swap3A_747 : vector<1x1x16xf32> to vector<16xf32>
        %swap3A_749 = vector.shape_cast %mul3A_742 : vector<16xf32> to vector<1x1x16xf32>
        tpu.vector_store %arg6[%swap3A_744, %swap3A_745, %swap3A_746], %swap3A_749 {strides = array<i32>} : memref<4x16x1024xf32, #tpu.memory_space<vmem>>, vector<1x1x16xf32>,
        %get3A_750 = arith.constant 0 : i32
        %get3A_751 = arith.index_cast %get3A_750 : i32 to index
        %get3A_752 = arith.index_cast %add3A_255 : i32 to index
        %get3A_753 = arith.constant 496 : index
        %get3A_754 = tpu.vector_load %arg6[%get3A_751, %get3A_752, %get3A_753] {strides = array<i32>} : memref<4x16x1024xf32, #tpu.memory_space<vmem>>, vector<1x1x16xf32>,
        %get3A_755 = vector.shape_cast %get3A_754 : vector<1x1x16xf32> to vector<16xf32>
        %mul3A_756 = arith.constant 3.200000e+01 : f32
        %mul3A_757 = vector.broadcast %mul3A_756 : f32 to vector<16xf32>
        %mul3A_758 = arith.mulf %get3A_755, %mul3A_757 : vector<16xf32>
        %swap3A_759 = arith.constant 0 : i32
        %swap3A_760 = arith.index_cast %swap3A_759 : i32 to index
        %swap3A_761 = arith.index_cast %add3A_255 : i32 to index
        %swap3A_762 = arith.constant 496 : index
        %swap3A_763 = tpu.vector_load %arg6[%swap3A_760, %swap3A_761, %swap3A_762] {strides = array<i32>} : memref<4x16x1024xf32, #tpu.memory_space<vmem>>, vector<1x1x16xf32>,
        %swap3A_764 = vector.shape_cast %swap3A_763 : vector<1x1x16xf32> to vector<16xf32>
        %swap3A_765 = vector.shape_cast %mul3A_758 : vector<16xf32> to vector<1x1x16xf32>
        tpu.vector_store %arg6[%swap3A_760, %swap3A_761, %swap3A_762], %swap3A_765 {strides = array<i32>} : memref<4x16x1024xf32, #tpu.memory_space<vmem>>, vector<1x1x16xf32>,
        %get3A_766 = arith.constant 0 : i32
        %get3A_767 = arith.index_cast %get3A_766 : i32 to index
        %get3A_768 = arith.index_cast %add3A_255 : i32 to index
        %get3A_769 = arith.constant 512 : index
        %get3A_770 = tpu.vector_load %arg6[%get3A_767, %get3A_768, %get3A_769] {strides = array<i32>} : memref<4x16x1024xf32, #tpu.memory_space<vmem>>, vector<1x1x16xf32>,
        %get3A_771 = vector.shape_cast %get3A_770 : vector<1x1x16xf32> to vector<16xf32>
        %mul3A_772 = arith.constant 3.200000e+01 : f32
        %mul3A_773 = vector.broadcast %mul3A_772 : f32 to vector<16xf32>
        %mul3A_774 = arith.mulf %get3A_771, %mul3A_773 : vector<16xf32>
        %swap3A_775 = arith.constant 0 : i32
        %swap3A_776 = arith.index_cast %swap3A_775 : i32 to index
        %swap3A_777 = arith.index_cast %add3A_255 : i32 to index
        %swap3A_778 = arith.constant 512 : index
        %swap3A_779 = tpu.vector_load %arg6[%swap3A_776, %swap3A_777, %swap3A_778] {strides = array<i32>} : memref<4x16x1024xf32, #tpu.memory_space<vmem>>, vector<1x1x16xf32>,
        %swap3A_780 = vector.shape_cast %swap3A_779 : vector<1x1x16xf32> to vector<16xf32>
        %swap3A_781 = vector.shape_cast %mul3A_774 : vector<16xf32> to vector<1x1x16xf32>
        tpu.vector_store %arg6[%swap3A_776, %swap3A_777, %swap3A_778], %swap3A_781 {strides = array<i32>} : memref<4x16x1024xf32, #tpu.memory_space<vmem>>, vector<1x1x16xf32>,
        %get3A_782 = arith.constant 0 : i32
        %get3A_783 = arith.index_cast %get3A_782 : i32 to index
        %get3A_784 = arith.index_cast %add3A_255 : i32 to index
        %get3A_785 = arith.constant 528 : index
        %get3A_786 = tpu.vector_load %arg6[%get3A_783, %get3A_784, %get3A_785] {strides = array<i32>} : memref<4x16x1024xf32, #tpu.memory_space<vmem>>, vector<1x1x16xf32>,
        %get3A_787 = vector.shape_cast %get3A_786 : vector<1x1x16xf32> to vector<16xf32>
        %mul3A_788 = arith.constant 3.200000e+01 : f32
        %mul3A_789 = vector.broadcast %mul3A_788 : f32 to vector<16xf32>
        %mul3A_790 = arith.mulf %get3A_787, %mul3A_789 : vector<16xf32>
        %swap3A_791 = arith.constant 0 : i32
        %swap3A_792 = arith.index_cast %swap3A_791 : i32 to index
        %swap3A_793 = arith.index_cast %add3A_255 : i32 to index
        %swap3A_794 = arith.constant 528 : index
        %swap3A_795 = tpu.vector_load %arg6[%swap3A_792, %swap3A_793, %swap3A_794] {strides = array<i32>} : memref<4x16x1024xf32, #tpu.memory_space<vmem>>, vector<1x1x16xf32>,
        %swap3A_796 = vector.shape_cast %swap3A_795 : vector<1x1x16xf32> to vector<16xf32>
        %swap3A_797 = vector.shape_cast %mul3A_790 : vector<16xf32> to vector<1x1x16xf32>
        tpu.vector_store %arg6[%swap3A_792, %swap3A_793, %swap3A_794], %swap3A_797 {strides = array<i32>} : memref<4x16x1024xf32, #tpu.memory_space<vmem>>, vector<1x1x16xf32>,
        %get3A_798 = arith.constant 0 : i32
        %get3A_799 = arith.index_cast %get3A_798 : i32 to index
        %get3A_800 = arith.index_cast %add3A_255 : i32 to index
        %get3A_801 = arith.constant 544 : index
        %get3A_802 = tpu.vector_load %arg6[%get3A_799, %get3A_800, %get3A_801] {strides = array<i32>} : memref<4x16x1024xf32, #tpu.memory_space<vmem>>, vector<1x1x16xf32>,
        %get3A_803 = vector.shape_cast %get3A_802 : vector<1x1x16xf32> to vector<16xf32>
        %mul3A_804 = arith.constant 3.200000e+01 : f32
        %mul3A_805 = vector.broadcast %mul3A_804 : f32 to vector<16xf32>
        %mul3A_806 = arith.mulf %get3A_803, %mul3A_805 : vector<16xf32>
        %swap3A_807 = arith.constant 0 : i32
        %swap3A_808 = arith.index_cast %swap3A_807 : i32 to index
        %swap3A_809 = arith.index_cast %add3A_255 : i32 to index
        %swap3A_810 = arith.constant 544 : index
        %swap3A_811 = tpu.vector_load %arg6[%swap3A_808, %swap3A_809, %swap3A_810] {strides = array<i32>} : memref<4x16x1024xf32, #tpu.memory_space<vmem>>, vector<1x1x16xf32>,
        %swap3A_812 = vector.shape_cast %swap3A_811 : vector<1x1x16xf32> to vector<16xf32>
        %swap3A_813 = vector.shape_cast %mul3A_806 : vector<16xf32> to vector<1x1x16xf32>
        tpu.vector_store %arg6[%swap3A_808, %swap3A_809, %swap3A_810], %swap3A_813 {strides = array<i32>} : memref<4x16x1024xf32, #tpu.memory_space<vmem>>, vector<1x1x16xf32>,
        %get3A_814 = arith.constant 0 : i32
        %get3A_815 = arith.index_cast %get3A_814 : i32 to index
        %get3A_816 = arith.index_cast %add3A_255 : i32 to index
        %get3A_817 = arith.constant 560 : index
        %get3A_818 = tpu.vector_load %arg6[%get3A_815, %get3A_816, %get3A_817] {strides = array<i32>} : memref<4x16x1024xf32, #tpu.memory_space<vmem>>, vector<1x1x16xf32>,
        %get3A_819 = vector.shape_cast %get3A_818 : vector<1x1x16xf32> to vector<16xf32>
        %mul3A_820 = arith.constant 3.200000e+01 : f32
        %mul3A_821 = vector.broadcast %mul3A_820 : f32 to vector<16xf32>
        %mul3A_822 = arith.mulf %get3A_819, %mul3A_821 : vector<16xf32>
        %swap3A_823 = arith.constant 0 : i32
        %swap3A_824 = arith.index_cast %swap3A_823 : i32 to index
        %swap3A_825 = arith.index_cast %add3A_255 : i32 to index
        %swap3A_826 = arith.constant 560 : index
        %swap3A_827 = tpu.vector_load %arg6[%swap3A_824, %swap3A_825, %swap3A_826] {strides = array<i32>} : memref<4x16x1024xf32, #tpu.memory_space<vmem>>, vector<1x1x16xf32>,
        %swap3A_828 = vector.shape_cast %swap3A_827 : vector<1x1x16xf32> to vector<16xf32>
        %swap3A_829 = vector.shape_cast %mul3A_822 : vector<16xf32> to vector<1x1x16xf32>
        tpu.vector_store %arg6[%swap3A_824, %swap3A_825, %swap3A_826], %swap3A_829 {strides = array<i32>} : memref<4x16x1024xf32, #tpu.memory_space<vmem>>, vector<1x1x16xf32>,
        %get3A_830 = arith.constant 0 : i32
        %get3A_831 = arith.index_cast %get3A_830 : i32 to index
        %get3A_832 = arith.index_cast %add3A_255 : i32 to index
        %get3A_833 = arith.constant 576 : index
        %get3A_834 = tpu.vector_load %arg6[%get3A_831, %get3A_832, %get3A_833] {strides = array<i32>} : memref<4x16x1024xf32, #tpu.memory_space<vmem>>, vector<1x1x16xf32>,
        %get3A_835 = vector.shape_cast %get3A_834 : vector<1x1x16xf32> to vector<16xf32>
        %mul3A_836 = arith.constant 3.200000e+01 : f32
        %mul3A_837 = vector.broadcast %mul3A_836 : f32 to vector<16xf32>
        %mul3A_838 = arith.mulf %get3A_835, %mul3A_837 : vector<16xf32>
        %swap3A_839 = arith.constant 0 : i32
        %swap3A_840 = arith.index_cast %swap3A_839 : i32 to index
        %swap3A_841 = arith.index_cast %add3A_255 : i32 to index
        %swap3A_842 = arith.constant 576 : index
        %swap3A_843 = tpu.vector_load %arg6[%swap3A_840, %swap3A_841, %swap3A_842] {strides = array<i32>} : memref<4x16x1024xf32, #tpu.memory_space<vmem>>, vector<1x1x16xf32>,
        %swap3A_844 = vector.shape_cast %swap3A_843 : vector<1x1x16xf32> to vector<16xf32>
        %swap3A_845 = vector.shape_cast %mul3A_838 : vector<16xf32> to vector<1x1x16xf32>
        tpu.vector_store %arg6[%swap3A_840, %swap3A_841, %swap3A_842], %swap3A_845 {strides = array<i32>} : memref<4x16x1024xf32, #tpu.memory_space<vmem>>, vector<1x1x16xf32>,
        %get3A_846 = arith.constant 0 : i32
        %get3A_847 = arith.index_cast %get3A_846 : i32 to index
        %get3A_848 = arith.index_cast %add3A_255 : i32 to index
        %get3A_849 = arith.constant 592 : index
        %get3A_850 = tpu.vector_load %arg6[%get3A_847, %get3A_848, %get3A_849] {strides = array<i32>} : memref<4x16x1024xf32, #tpu.memory_space<vmem>>, vector<1x1x16xf32>,
        %get3A_851 = vector.shape_cast %get3A_850 : vector<1x1x16xf32> to vector<16xf32>
        %mul3A_852 = arith.constant 3.200000e+01 : f32
        %mul3A_853 = vector.broadcast %mul3A_852 : f32 to vector<16xf32>
        %mul3A_854 = arith.mulf %get3A_851, %mul3A_853 : vector<16xf32>
        %swap3A_855 = arith.constant 0 : i32
        %swap3A_856 = arith.index_cast %swap3A_855 : i32 to index
        %swap3A_857 = arith.index_cast %add3A_255 : i32 to index
        %swap3A_858 = arith.constant 592 : index
        %swap3A_859 = tpu.vector_load %arg6[%swap3A_856, %swap3A_857, %swap3A_858] {strides = array<i32>} : memref<4x16x1024xf32, #tpu.memory_space<vmem>>, vector<1x1x16xf32>,
        %swap3A_860 = vector.shape_cast %swap3A_859 : vector<1x1x16xf32> to vector<16xf32>
        %swap3A_861 = vector.shape_cast %mul3A_854 : vector<16xf32> to vector<1x1x16xf32>
        tpu.vector_store %arg6[%swap3A_856, %swap3A_857, %swap3A_858], %swap3A_861 {strides = array<i32>} : memref<4x16x1024xf32, #tpu.memory_space<vmem>>, vector<1x1x16xf32>,
        %get3A_862 = arith.constant 0 : i32
        %get3A_863 = arith.index_cast %get3A_862 : i32 to index
        %get3A_864 = arith.index_cast %add3A_255 : i32 to index
        %get3A_865 = arith.constant 608 : index
        %get3A_866 = tpu.vector_load %arg6[%get3A_863, %get3A_864, %get3A_865] {strides = array<i32>} : memref<4x16x1024xf32, #tpu.memory_space<vmem>>, vector<1x1x16xf32>,
        %get3A_867 = vector.shape_cast %get3A_866 : vector<1x1x16xf32> to vector<16xf32>
        %mul3A_868 = arith.constant 3.200000e+01 : f32
        %mul3A_869 = vector.broadcast %mul3A_868 : f32 to vector<16xf32>
        %mul3A_870 = arith.mulf %get3A_867, %mul3A_869 : vector<16xf32>
        %swap3A_871 = arith.constant 0 : i32
        %swap3A_872 = arith.index_cast %swap3A_871 : i32 to index
        %swap3A_873 = arith.index_cast %add3A_255 : i32 to index
        %swap3A_874 = arith.constant 608 : index
        %swap3A_875 = tpu.vector_load %arg6[%swap3A_872, %swap3A_873, %swap3A_874] {strides = array<i32>} : memref<4x16x1024xf32, #tpu.memory_space<vmem>>, vector<1x1x16xf32>,
        %swap3A_876 = vector.shape_cast %swap3A_875 : vector<1x1x16xf32> to vector<16xf32>
        %swap3A_877 = vector.shape_cast %mul3A_870 : vector<16xf32> to vector<1x1x16xf32>
        tpu.vector_store %arg6[%swap3A_872, %swap3A_873, %swap3A_874], %swap3A_877 {strides = array<i32>} : memref<4x16x1024xf32, #tpu.memory_space<vmem>>, vector<1x1x16xf32>,
        %get3A_878 = arith.constant 0 : i32
        %get3A_879 = arith.index_cast %get3A_878 : i32 to index
        %get3A_880 = arith.index_cast %add3A_255 : i32 to index
        %get3A_881 = arith.constant 624 : index
        %get3A_882 = tpu.vector_load %arg6[%get3A_879, %get3A_880, %get3A_881] {strides = array<i32>} : memref<4x16x1024xf32, #tpu.memory_space<vmem>>, vector<1x1x16xf32>,
        %get3A_883 = vector.shape_cast %get3A_882 : vector<1x1x16xf32> to vector<16xf32>
        %mul3A_884 = arith.constant 3.200000e+01 : f32
        %mul3A_885 = vector.broadcast %mul3A_884 : f32 to vector<16xf32>
        %mul3A_886 = arith.mulf %get3A_883, %mul3A_885 : vector<16xf32>
        %swap3A_887 = arith.constant 0 : i32
        %swap3A_888 = arith.index_cast %swap3A_887 : i32 to index
        %swap3A_889 = arith.index_cast %add3A_255 : i32 to index
        %swap3A_890 = arith.constant 624 : index
        %swap3A_891 = tpu.vector_load %arg6[%swap3A_888, %swap3A_889, %swap3A_890] {strides = array<i32>} : memref<4x16x1024xf32, #tpu.memory_space<vmem>>, vector<1x1x16xf32>,
        %swap3A_892 = vector.shape_cast %swap3A_891 : vector<1x1x16xf32> to vector<16xf32>
        %swap3A_893 = vector.shape_cast %mul3A_886 : vector<16xf32> to vector<1x1x16xf32>
        tpu.vector_store %arg6[%swap3A_888, %swap3A_889, %swap3A_890], %swap3A_893 {strides = array<i32>} : memref<4x16x1024xf32, #tpu.memory_space<vmem>>, vector<1x1x16xf32>,
        %get3A_894 = arith.constant 0 : i32
        %get3A_895 = arith.index_cast %get3A_894 : i32 to index
        %get3A_896 = arith.index_cast %add3A_255 : i32 to index
        %get3A_897 = arith.constant 640 : index
        %get3A_898 = tpu.vector_load %arg6[%get3A_895, %get3A_896, %get3A_897] {strides = array<i32>} : memref<4x16x1024xf32, #tpu.memory_space<vmem>>, vector<1x1x16xf32>,
        %get3A_899 = vector.shape_cast %get3A_898 : vector<1x1x16xf32> to vector<16xf32>
        %mul3A_900 = arith.constant 3.200000e+01 : f32
        %mul3A_901 = vector.broadcast %mul3A_900 : f32 to vector<16xf32>
        %mul3A_902 = arith.mulf %get3A_899, %mul3A_901 : vector<16xf32>
        %swap3A_903 = arith.constant 0 : i32
        %swap3A_904 = arith.index_cast %swap3A_903 : i32 to index
        %swap3A_905 = arith.index_cast %add3A_255 : i32 to index
        %swap3A_906 = arith.constant 640 : index
        %swap3A_907 = tpu.vector_load %arg6[%swap3A_904, %swap3A_905, %swap3A_906] {strides = array<i32>} : memref<4x16x1024xf32, #tpu.memory_space<vmem>>, vector<1x1x16xf32>,
        %swap3A_908 = vector.shape_cast %swap3A_907 : vector<1x1x16xf32> to vector<16xf32>
        %swap3A_909 = vector.shape_cast %mul3A_902 : vector<16xf32> to vector<1x1x16xf32>
        tpu.vector_store %arg6[%swap3A_904, %swap3A_905, %swap3A_906], %swap3A_909 {strides = array<i32>} : memref<4x16x1024xf32, #tpu.memory_space<vmem>>, vector<1x1x16xf32>,
        %get3A_910 = arith.constant 0 : i32
        %get3A_911 = arith.index_cast %get3A_910 : i32 to index
        %get3A_912 = arith.index_cast %add3A_255 : i32 to index
        %get3A_913 = arith.constant 656 : index
        %get3A_914 = tpu.vector_load %arg6[%get3A_911, %get3A_912, %get3A_913] {strides = array<i32>} : memref<4x16x1024xf32, #tpu.memory_space<vmem>>, vector<1x1x16xf32>,
        %get3A_915 = vector.shape_cast %get3A_914 : vector<1x1x16xf32> to vector<16xf32>
        %mul3A_916 = arith.constant 3.200000e+01 : f32
        %mul3A_917 = vector.broadcast %mul3A_916 : f32 to vector<16xf32>
        %mul3A_918 = arith.mulf %get3A_915, %mul3A_917 : vector<16xf32>
        %swap3A_919 = arith.constant 0 : i32
        %swap3A_920 = arith.index_cast %swap3A_919 : i32 to index
        %swap3A_921 = arith.index_cast %add3A_255 : i32 to index
        %swap3A_922 = arith.constant 656 : index
        %swap3A_923 = tpu.vector_load %arg6[%swap3A_920, %swap3A_921, %swap3A_922] {strides = array<i32>} : memref<4x16x1024xf32, #tpu.memory_space<vmem>>, vector<1x1x16xf32>,
        %swap3A_924 = vector.shape_cast %swap3A_923 : vector<1x1x16xf32> to vector<16xf32>
        %swap3A_925 = vector.shape_cast %mul3A_918 : vector<16xf32> to vector<1x1x16xf32>
        tpu.vector_store %arg6[%swap3A_920, %swap3A_921, %swap3A_922], %swap3A_925 {strides = array<i32>} : memref<4x16x1024xf32, #tpu.memory_space<vmem>>, vector<1x1x16xf32>,
        %get3A_926 = arith.constant 0 : i32
        %get3A_927 = arith.index_cast %get3A_926 : i32 to index
        %get3A_928 = arith.index_cast %add3A_255 : i32 to index
        %get3A_929 = arith.constant 672 : index
        %get3A_930 = tpu.vector_load %arg6[%get3A_927, %get3A_928, %get3A_929] {strides = array<i32>} : memref<4x16x1024xf32, #tpu.memory_space<vmem>>, vector<1x1x16xf32>,
        %get3A_931 = vector.shape_cast %get3A_930 : vector<1x1x16xf32> to vector<16xf32>
        %mul3A_932 = arith.constant 3.200000e+01 : f32
        %mul3A_933 = vector.broadcast %mul3A_932 : f32 to vector<16xf32>
        %mul3A_934 = arith.mulf %get3A_931, %mul3A_933 : vector<16xf32>
        %swap3A_935 = arith.constant 0 : i32
        %swap3A_936 = arith.index_cast %swap3A_935 : i32 to index
        %swap3A_937 = arith.index_cast %add3A_255 : i32 to index
        %swap3A_938 = arith.constant 672 : index
        %swap3A_939 = tpu.vector_load %arg6[%swap3A_936, %swap3A_937, %swap3A_938] {strides = array<i32>} : memref<4x16x1024xf32, #tpu.memory_space<vmem>>, vector<1x1x16xf32>,
        %swap3A_940 = vector.shape_cast %swap3A_939 : vector<1x1x16xf32> to vector<16xf32>
        %swap3A_941 = vector.shape_cast %mul3A_934 : vector<16xf32> to vector<1x1x16xf32>
        tpu.vector_store %arg6[%swap3A_936, %swap3A_937, %swap3A_938], %swap3A_941 {strides = array<i32>} : memref<4x16x1024xf32, #tpu.memory_space<vmem>>, vector<1x1x16xf32>,
        %get3A_942 = arith.constant 0 : i32
        %get3A_943 = arith.index_cast %get3A_942 : i32 to index
        %get3A_944 = arith.index_cast %add3A_255 : i32 to index
        %get3A_945 = arith.constant 688 : index
        %get3A_946 = tpu.vector_load %arg6[%get3A_943, %get3A_944, %get3A_945] {strides = array<i32>} : memref<4x16x1024xf32, #tpu.memory_space<vmem>>, vector<1x1x16xf32>,
        %get3A_947 = vector.shape_cast %get3A_946 : vector<1x1x16xf32> to vector<16xf32>
        %mul3A_948 = arith.constant 3.200000e+01 : f32
        %mul3A_949 = vector.broadcast %mul3A_948 : f32 to vector<16xf32>
        %mul3A_950 = arith.mulf %get3A_947, %mul3A_949 : vector<16xf32>
        %swap3A_951 = arith.constant 0 : i32
        %swap3A_952 = arith.index_cast %swap3A_951 : i32 to index
        %swap3A_953 = arith.index_cast %add3A_255 : i32 to index
        %swap3A_954 = arith.constant 688 : index
        %swap3A_955 = tpu.vector_load %arg6[%swap3A_952, %swap3A_953, %swap3A_954] {strides = array<i32>} : memref<4x16x1024xf32, #tpu.memory_space<vmem>>, vector<1x1x16xf32>,
        %swap3A_956 = vector.shape_cast %swap3A_955 : vector<1x1x16xf32> to vector<16xf32>
        %swap3A_957 = vector.shape_cast %mul3A_950 : vector<16xf32> to vector<1x1x16xf32>
        tpu.vector_store %arg6[%swap3A_952, %swap3A_953, %swap3A_954], %swap3A_957 {strides = array<i32>} : memref<4x16x1024xf32, #tpu.memory_space<vmem>>, vector<1x1x16xf32>,
        %get3A_958 = arith.constant 0 : i32
        %get3A_959 = arith.index_cast %get3A_958 : i32 to index
        %get3A_960 = arith.index_cast %add3A_255 : i32 to index
        %get3A_961 = arith.constant 704 : index
        %get3A_962 = tpu.vector_load %arg6[%get3A_959, %get3A_960, %get3A_961] {strides = array<i32>} : memref<4x16x1024xf32, #tpu.memory_space<vmem>>, vector<1x1x16xf32>,
        %get3A_963 = vector.shape_cast %get3A_962 : vector<1x1x16xf32> to vector<16xf32>
        %mul3A_964 = arith.constant 3.200000e+01 : f32
        %mul3A_965 = vector.broadcast %mul3A_964 : f32 to vector<16xf32>
        %mul3A_966 = arith.mulf %get3A_963, %mul3A_965 : vector<16xf32>
        %swap3A_967 = arith.constant 0 : i32
        %swap3A_968 = arith.index_cast %swap3A_967 : i32 to index
        %swap3A_969 = arith.index_cast %add3A_255 : i32 to index
        %swap3A_970 = arith.constant 704 : index
        %swap3A_971 = tpu.vector_load %arg6[%swap3A_968, %swap3A_969, %swap3A_970] {strides = array<i32>} : memref<4x16x1024xf32, #tpu.memory_space<vmem>>, vector<1x1x16xf32>,
        %swap3A_972 = vector.shape_cast %swap3A_971 : vector<1x1x16xf32> to vector<16xf32>
        %swap3A_973 = vector.shape_cast %mul3A_966 : vector<16xf32> to vector<1x1x16xf32>
        tpu.vector_store %arg6[%swap3A_968, %swap3A_969, %swap3A_970], %swap3A_973 {strides = array<i32>} : memref<4x16x1024xf32, #tpu.memory_space<vmem>>, vector<1x1x16xf32>,
        %get3A_974 = arith.constant 0 : i32
        %get3A_975 = arith.index_cast %get3A_974 : i32 to index
        %get3A_976 = arith.index_cast %add3A_255 : i32 to index
        %get3A_977 = arith.constant 720 : index
        %get3A_978 = tpu.vector_load %arg6[%get3A_975, %get3A_976, %get3A_977] {strides = array<i32>} : memref<4x16x1024xf32, #tpu.memory_space<vmem>>, vector<1x1x16xf32>,
        %get3A_979 = vector.shape_cast %get3A_978 : vector<1x1x16xf32> to vector<16xf32>
        %mul3A_980 = arith.constant 3.200000e+01 : f32
        %mul3A_981 = vector.broadcast %mul3A_980 : f32 to vector<16xf32>
        %mul3A_982 = arith.mulf %get3A_979, %mul3A_981 : vector<16xf32>
        %swap3A_983 = arith.constant 0 : i32
        %swap3A_984 = arith.index_cast %swap3A_983 : i32 to index
        %swap3A_985 = arith.index_cast %add3A_255 : i32 to index
        %swap3A_986 = arith.constant 720 : index
        %swap3A_987 = tpu.vector_load %arg6[%swap3A_984, %swap3A_985, %swap3A_986] {strides = array<i32>} : memref<4x16x1024xf32, #tpu.memory_space<vmem>>, vector<1x1x16xf32>,
        %swap3A_988 = vector.shape_cast %swap3A_987 : vector<1x1x16xf32> to vector<16xf32>
        %swap3A_989 = vector.shape_cast %mul3A_982 : vector<16xf32> to vector<1x1x16xf32>
        tpu.vector_store %arg6[%swap3A_984, %swap3A_985, %swap3A_986], %swap3A_989 {strides = array<i32>} : memref<4x16x1024xf32, #tpu.memory_space<vmem>>, vector<1x1x16xf32>,
        %get3A_990 = arith.constant 0 : i32
        %get3A_991 = arith.index_cast %get3A_990 : i32 to index
        %get3A_992 = arith.index_cast %add3A_255 : i32 to index
        %get3A_993 = arith.constant 736 : index
        %get3A_994 = tpu.vector_load %arg6[%get3A_991, %get3A_992, %get3A_993] {strides = array<i32>} : memref<4x16x1024xf32, #tpu.memory_space<vmem>>, vector<1x1x16xf32>,
        %get3A_995 = vector.shape_cast %get3A_994 : vector<1x1x16xf32> to vector<16xf32>
        %mul3A_996 = arith.constant 3.200000e+01 : f32
        %mul3A_997 = vector.broadcast %mul3A_996 : f32 to vector<16xf32>
        %mul3A_998 = arith.mulf %get3A_995, %mul3A_997 : vector<16xf32>
        %swap3A_999 = arith.constant 0 : i32
        %swap3A_1000 = arith.index_cast %swap3A_999 : i32 to index
        %swap3A_1001 = arith.index_cast %add3A_255 : i32 to index
        %swap3A_1002 = arith.constant 736 : index
        %swap3A_1003 = tpu.vector_load %arg6[%swap3A_1000, %swap3A_1001, %swap3A_1002] {strides = array<i32>} : memref<4x16x1024xf32, #tpu.memory_space<vmem>>, vector<1x1x16xf32>,
        %swap3A_1004 = vector.shape_cast %swap3A_1003 : vector<1x1x16xf32> to vector<16xf32>
        %swap3A_1005 = vector.shape_cast %mul3A_998 : vector<16xf32> to vector<1x1x16xf32>
        tpu.vector_store %arg6[%swap3A_1000, %swap3A_1001, %swap3A_1002], %swap3A_1005 {strides = array<i32>} : memref<4x16x1024xf32, #tpu.memory_space<vmem>>, vector<1x1x16xf32>,
        %get3A_1006 = arith.constant 0 : i32
        %get3A_1007 = arith.index_cast %get3A_1006 : i32 to index
        %get3A_1008 = arith.index_cast %add3A_255 : i32 to index
        %get3A_1009 = arith.constant 752 : index
        %get3A_1010 = tpu.vector_load %arg6[%get3A_1007, %get3A_1008, %get3A_1009] {strides = array<i32>} : memref<4x16x1024xf32, #tpu.memory_space<vmem>>, vector<1x1x16xf32>,
        %get3A_1011 = vector.shape_cast %get3A_1010 : vector<1x1x16xf32> to vector<16xf32>
        %mul3A_1012 = arith.constant 3.200000e+01 : f32
        %mul3A_1013 = vector.broadcast %mul3A_1012 : f32 to vector<16xf32>
        %mul3A_1014 = arith.mulf %get3A_1011, %mul3A_1013 : vector<16xf32>
        %swap3A_1015 = arith.constant 0 : i32
        %swap3A_1016 = arith.index_cast %swap3A_1015 : i32 to index
        %swap3A_1017 = arith.index_cast %add3A_255 : i32 to index
        %swap3A_1018 = arith.constant 752 : index
        %swap3A_1019 = tpu.vector_load %arg6[%swap3A_1016, %swap3A_1017, %swap3A_1018] {strides = array<i32>} : memref<4x16x1024xf32, #tpu.memory_space<vmem>>, vector<1x1x16xf32>,
        %swap3A_1020 = vector.shape_cast %swap3A_1019 : vector<1x1x16xf32> to vector<16xf32>
        %swap3A_1021 = vector.shape_cast %mul3A_1014 : vector<16xf32> to vector<1x1x16xf32>
        tpu.vector_store %arg6[%swap3A_1016, %swap3A_1017, %swap3A_1018], %swap3A_1021 {strides = array<i32>} : memref<4x16x1024xf32, #tpu.memory_space<vmem>>, vector<1x1x16xf32>,
        %get3A_1022 = arith.constant 0 : i32
        %get3A_1023 = arith.index_cast %get3A_1022 : i32 to index
        %get3A_1024 = arith.index_cast %add3A_255 : i32 to index
        %get3A_1025 = arith.constant 768 : index
        %get3A_1026 = tpu.vector_load %arg6[%get3A_1023, %get3A_1024, %get3A_1025] {strides = array<i32>} : memref<4x16x1024xf32, #tpu.memory_space<vmem>>, vector<1x1x16xf32>,
        %get3A_1027 = vector.shape_cast %get3A_1026 : vector<1x1x16xf32> to vector<16xf32>
        %mul3A_1028 = arith.constant 3.200000e+01 : f32
        %mul3A_1029 = vector.broadcast %mul3A_1028 : f32 to vector<16xf32>
        %mul3A_1030 = arith.mulf %get3A_1027, %mul3A_1029 : vector<16xf32>
        %swap3A_1031 = arith.constant 0 : i32
        %swap3A_1032 = arith.index_cast %swap3A_1031 : i32 to index
        %swap3A_1033 = arith.index_cast %add3A_255 : i32 to index
        %swap3A_1034 = arith.constant 768 : index
        %swap3A_1035 = tpu.vector_load %arg6[%swap3A_1032, %swap3A_1033, %swap3A_1034] {strides = array<i32>} : memref<4x16x1024xf32, #tpu.memory_space<vmem>>, vector<1x1x16xf32>,
        %swap3A_1036 = vector.shape_cast %swap3A_1035 : vector<1x1x16xf32> to vector<16xf32>
        %swap3A_1037 = vector.shape_cast %mul3A_1030 : vector<16xf32> to vector<1x1x16xf32>
        tpu.vector_store %arg6[%swap3A_1032, %swap3A_1033, %swap3A_1034], %swap3A_1037 {strides = array<i32>} : memref<4x16x1024xf32, #tpu.memory_space<vmem>>, vector<1x1x16xf32>,
        %get3A_1038 = arith.constant 0 : i32
        %get3A_1039 = arith.index_cast %get3A_1038 : i32 to index
        %get3A_1040 = arith.index_cast %add3A_255 : i32 to index
        %get3A_1041 = arith.constant 784 : index
        %get3A_1042 = tpu.vector_load %arg6[%get3A_1039, %get3A_1040, %get3A_1041] {strides = array<i32>} : memref<4x16x1024xf32, #tpu.memory_space<vmem>>, vector<1x1x16xf32>,
        %get3A_1043 = vector.shape_cast %get3A_1042 : vector<1x1x16xf32> to vector<16xf32>
        %mul3A_1044 = arith.constant 3.200000e+01 : f32
        %mul3A_1045 = vector.broadcast %mul3A_1044 : f32 to vector<16xf32>
        %mul3A_1046 = arith.mulf %get3A_1043, %mul3A_1045 : vector<16xf32>
        %swap3A_1047 = arith.constant 0 : i32
        %swap3A_1048 = arith.index_cast %swap3A_1047 : i32 to index
        %swap3A_1049 = arith.index_cast %add3A_255 : i32 to index
        %swap3A_1050 = arith.constant 784 : index
        %swap3A_1051 = tpu.vector_load %arg6[%swap3A_1048, %swap3A_1049, %swap3A_1050] {strides = array<i32>} : memref<4x16x1024xf32, #tpu.memory_space<vmem>>, vector<1x1x16xf32>,
        %swap3A_1052 = vector.shape_cast %swap3A_1051 : vector<1x1x16xf32> to vector<16xf32>
        %swap3A_1053 = vector.shape_cast %mul3A_1046 : vector<16xf32> to vector<1x1x16xf32>
        tpu.vector_store %arg6[%swap3A_1048, %swap3A_1049, %swap3A_1050], %swap3A_1053 {strides = array<i32>} : memref<4x16x1024xf32, #tpu.memory_space<vmem>>, vector<1x1x16xf32>,
        %get3A_1054 = arith.constant 0 : i32
        %get3A_1055 = arith.index_cast %get3A_1054 : i32 to index
        %get3A_1056 = arith.index_cast %add3A_255 : i32 to index
        %get3A_1057 = arith.constant 800 : index
        %get3A_1058 = tpu.vector_load %arg6[%get3A_1055, %get3A_1056, %get3A_1057] {strides = array<i32>} : memref<4x16x1024xf32, #tpu.memory_space<vmem>>, vector<1x1x16xf32>,
        %get3A_1059 = vector.shape_cast %get3A_1058 : vector<1x1x16xf32> to vector<16xf32>
        %mul3A_1060 = arith.constant 3.200000e+01 : f32
        %mul3A_1061 = vector.broadcast %mul3A_1060 : f32 to vector<16xf32>
        %mul3A_1062 = arith.mulf %get3A_1059, %mul3A_1061 : vector<16xf32>
        %swap3A_1063 = arith.constant 0 : i32
        %swap3A_1064 = arith.index_cast %swap3A_1063 : i32 to index
        %swap3A_1065 = arith.index_cast %add3A_255 : i32 to index
        %swap3A_1066 = arith.constant 800 : index
        %swap3A_1067 = tpu.vector_load %arg6[%swap3A_1064, %swap3A_1065, %swap3A_1066] {strides = array<i32>} : memref<4x16x1024xf32, #tpu.memory_space<vmem>>, vector<1x1x16xf32>,
        %swap3A_1068 = vector.shape_cast %swap3A_1067 : vector<1x1x16xf32> to vector<16xf32>
        %swap3A_1069 = vector.shape_cast %mul3A_1062 : vector<16xf32> to vector<1x1x16xf32>
        tpu.vector_store %arg6[%swap3A_1064, %swap3A_1065, %swap3A_1066], %swap3A_1069 {strides = array<i32>} : memref<4x16x1024xf32, #tpu.memory_space<vmem>>, vector<1x1x16xf32>,
        %get3A_1070 = arith.constant 0 : i32
        %get3A_1071 = arith.index_cast %get3A_1070 : i32 to index
        %get3A_1072 = arith.index_cast %add3A_255 : i32 to index
        %get3A_1073 = arith.constant 816 : index
        %get3A_1074 = tpu.vector_load %arg6[%get3A_1071, %get3A_1072, %get3A_1073] {strides = array<i32>} : memref<4x16x1024xf32, #tpu.memory_space<vmem>>, vector<1x1x16xf32>,
        %get3A_1075 = vector.shape_cast %get3A_1074 : vector<1x1x16xf32> to vector<16xf32>
        %mul3A_1076 = arith.constant 3.200000e+01 : f32
        %mul3A_1077 = vector.broadcast %mul3A_1076 : f32 to vector<16xf32>
        %mul3A_1078 = arith.mulf %get3A_1075, %mul3A_1077 : vector<16xf32>
        %swap3A_1079 = arith.constant 0 : i32
        %swap3A_1080 = arith.index_cast %swap3A_1079 : i32 to index
        %swap3A_1081 = arith.index_cast %add3A_255 : i32 to index
        %swap3A_1082 = arith.constant 816 : index
        %swap3A_1083 = tpu.vector_load %arg6[%swap3A_1080, %swap3A_1081, %swap3A_1082] {strides = array<i32>} : memref<4x16x1024xf32, #tpu.memory_space<vmem>>, vector<1x1x16xf32>,
        %swap3A_1084 = vector.shape_cast %swap3A_1083 : vector<1x1x16xf32> to vector<16xf32>
        %swap3A_1085 = vector.shape_cast %mul3A_1078 : vector<16xf32> to vector<1x1x16xf32>
        tpu.vector_store %arg6[%swap3A_1080, %swap3A_1081, %swap3A_1082], %swap3A_1085 {strides = array<i32>} : memref<4x16x1024xf32, #tpu.memory_space<vmem>>, vector<1x1x16xf32>,
        %get3A_1086 = arith.constant 0 : i32
        %get3A_1087 = arith.index_cast %get3A_1086 : i32 to index
        %get3A_1088 = arith.index_cast %add3A_255 : i32 to index
        %get3A_1089 = arith.constant 832 : index
        %get3A_1090 = tpu.vector_load %arg6[%get3A_1087, %get3A_1088, %get3A_1089] {strides = array<i32>} : memref<4x16x1024xf32, #tpu.memory_space<vmem>>, vector<1x1x16xf32>,
        %get3A_1091 = vector.shape_cast %get3A_1090 : vector<1x1x16xf32> to vector<16xf32>
        %mul3A_1092 = arith.constant 3.200000e+01 : f32
        %mul3A_1093 = vector.broadcast %mul3A_1092 : f32 to vector<16xf32>
        %mul3A_1094 = arith.mulf %get3A_1091, %mul3A_1093 : vector<16xf32>
        %swap3A_1095 = arith.constant 0 : i32
        %swap3A_1096 = arith.index_cast %swap3A_1095 : i32 to index
        %swap3A_1097 = arith.index_cast %add3A_255 : i32 to index
        %swap3A_1098 = arith.constant 832 : index
        %swap3A_1099 = tpu.vector_load %arg6[%swap3A_1096, %swap3A_1097, %swap3A_1098] {strides = array<i32>} : memref<4x16x1024xf32, #tpu.memory_space<vmem>>, vector<1x1x16xf32>,
        %swap3A_1100 = vector.shape_cast %swap3A_1099 : vector<1x1x16xf32> to vector<16xf32>
        %swap3A_1101 = vector.shape_cast %mul3A_1094 : vector<16xf32> to vector<1x1x16xf32>
        tpu.vector_store %arg6[%swap3A_1096, %swap3A_1097, %swap3A_1098], %swap3A_1101 {strides = array<i32>} : memref<4x16x1024xf32, #tpu.memory_space<vmem>>, vector<1x1x16xf32>,
        %get3A_1102 = arith.constant 0 : i32
        %get3A_1103 = arith.index_cast %get3A_1102 : i32 to index
        %get3A_1104 = arith.index_cast %add3A_255 : i32 to index
        %get3A_1105 = arith.constant 848 : index
        %get3A_1106 = tpu.vector_load %arg6[%get3A_1103, %get3A_1104, %get3A_1105] {strides = array<i32>} : memref<4x16x1024xf32, #tpu.memory_space<vmem>>, vector<1x1x16xf32>,
        %get3A_1107 = vector.shape_cast %get3A_1106 : vector<1x1x16xf32> to vector<16xf32>
        %mul3A_1108 = arith.constant 3.200000e+01 : f32
        %mul3A_1109 = vector.broadcast %mul3A_1108 : f32 to vector<16xf32>
        %mul3A_1110 = arith.mulf %get3A_1107, %mul3A_1109 : vector<16xf32>
        %swap3A_1111 = arith.constant 0 : i32
        %swap3A_1112 = arith.index_cast %swap3A_1111 : i32 to index
        %swap3A_1113 = arith.index_cast %add3A_255 : i32 to index
        %swap3A_1114 = arith.constant 848 : index
        %swap3A_1115 = tpu.vector_load %arg6[%swap3A_1112, %swap3A_1113, %swap3A_1114] {strides = array<i32>} : memref<4x16x1024xf32, #tpu.memory_space<vmem>>, vector<1x1x16xf32>,
        %swap3A_1116 = vector.shape_cast %swap3A_1115 : vector<1x1x16xf32> to vector<16xf32>
        %swap3A_1117 = vector.shape_cast %mul3A_1110 : vector<16xf32> to vector<1x1x16xf32>
        tpu.vector_store %arg6[%swap3A_1112, %swap3A_1113, %swap3A_1114], %swap3A_1117 {strides = array<i32>} : memref<4x16x1024xf32, #tpu.memory_space<vmem>>, vector<1x1x16xf32>,
        %get3A_1118 = arith.constant 0 : i32
        %get3A_1119 = arith.index_cast %get3A_1118 : i32 to index
        %get3A_1120 = arith.index_cast %add3A_255 : i32 to index
        %get3A_1121 = arith.constant 864 : index
        %get3A_1122 = tpu.vector_load %arg6[%get3A_1119, %get3A_1120, %get3A_1121] {strides = array<i32>} : memref<4x16x1024xf32, #tpu.memory_space<vmem>>, vector<1x1x16xf32>,
        %get3A_1123 = vector.shape_cast %get3A_1122 : vector<1x1x16xf32> to vector<16xf32>
        %mul3A_1124 = arith.constant 3.200000e+01 : f32
        %mul3A_1125 = vector.broadcast %mul3A_1124 : f32 to vector<16xf32>
        %mul3A_1126 = arith.mulf %get3A_1123, %mul3A_1125 : vector<16xf32>
        %swap3A_1127 = arith.constant 0 : i32
        %swap3A_1128 = arith.index_cast %swap3A_1127 : i32 to index
        %swap3A_1129 = arith.index_cast %add3A_255 : i32 to index
        %swap3A_1130 = arith.constant 864 : index
        %swap3A_1131 = tpu.vector_load %arg6[%swap3A_1128, %swap3A_1129, %swap3A_1130] {strides = array<i32>} : memref<4x16x1024xf32, #tpu.memory_space<vmem>>, vector<1x1x16xf32>,
        %swap3A_1132 = vector.shape_cast %swap3A_1131 : vector<1x1x16xf32> to vector<16xf32>
        %swap3A_1133 = vector.shape_cast %mul3A_1126 : vector<16xf32> to vector<1x1x16xf32>
        tpu.vector_store %arg6[%swap3A_1128, %swap3A_1129, %swap3A_1130], %swap3A_1133 {strides = array<i32>} : memref<4x16x1024xf32, #tpu.memory_space<vmem>>, vector<1x1x16xf32>,
        %get3A_1134 = arith.constant 0 : i32
        %get3A_1135 = arith.index_cast %get3A_1134 : i32 to index
        %get3A_1136 = arith.index_cast %add3A_255 : i32 to index
        %get3A_1137 = arith.constant 880 : index
        %get3A_1138 = tpu.vector_load %arg6[%get3A_1135, %get3A_1136, %get3A_1137] {strides = array<i32>} : memref<4x16x1024xf32, #tpu.memory_space<vmem>>, vector<1x1x16xf32>,
        %get3A_1139 = vector.shape_cast %get3A_1138 : vector<1x1x16xf32> to vector<16xf32>
        %mul3A_1140 = arith.constant 3.200000e+01 : f32
        %mul3A_1141 = vector.broadcast %mul3A_1140 : f32 to vector<16xf32>
        %mul3A_1142 = arith.mulf %get3A_1139, %mul3A_1141 : vector<16xf32>
        %swap3A_1143 = arith.constant 0 : i32
        %swap3A_1144 = arith.index_cast %swap3A_1143 : i32 to index
        %swap3A_1145 = arith.index_cast %add3A_255 : i32 to index
        %swap3A_1146 = arith.constant 880 : index
        %swap3A_1147 = tpu.vector_load %arg6[%swap3A_1144, %swap3A_1145, %swap3A_1146] {strides = array<i32>} : memref<4x16x1024xf32, #tpu.memory_space<vmem>>, vector<1x1x16xf32>,
        %swap3A_1148 = vector.shape_cast %swap3A_1147 : vector<1x1x16xf32> to vector<16xf32>
        %swap3A_1149 = vector.shape_cast %mul3A_1142 : vector<16xf32> to vector<1x1x16xf32>
        tpu.vector_store %arg6[%swap3A_1144, %swap3A_1145, %swap3A_1146], %swap3A_1149 {strides = array<i32>} : memref<4x16x1024xf32, #tpu.memory_space<vmem>>, vector<1x1x16xf32>,
        %get3A_1150 = arith.constant 0 : i32
        %get3A_1151 = arith.index_cast %get3A_1150 : i32 to index
        %get3A_1152 = arith.index_cast %add3A_255 : i32 to index
        %get3A_1153 = arith.constant 896 : index
        %get3A_1154 = tpu.vector_load %arg6[%get3A_1151, %get3A_1152, %get3A_1153] {strides = array<i32>} : memref<4x16x1024xf32, #tpu.memory_space<vmem>>, vector<1x1x16xf32>,
        %get3A_1155 = vector.shape_cast %get3A_1154 : vector<1x1x16xf32> to vector<16xf32>
        %mul3A_1156 = arith.constant 3.200000e+01 : f32
        %mul3A_1157 = vector.broadcast %mul3A_1156 : f32 to vector<16xf32>
        %mul3A_1158 = arith.mulf %get3A_1155, %mul3A_1157 : vector<16xf32>
        %swap3A_1159 = arith.constant 0 : i32
        %swap3A_1160 = arith.index_cast %swap3A_1159 : i32 to index
        %swap3A_1161 = arith.index_cast %add3A_255 : i32 to index
        %swap3A_1162 = arith.constant 896 : index
        %swap3A_1163 = tpu.vector_load %arg6[%swap3A_1160, %swap3A_1161, %swap3A_1162] {strides = array<i32>} : memref<4x16x1024xf32, #tpu.memory_space<vmem>>, vector<1x1x16xf32>,
        %swap3A_1164 = vector.shape_cast %swap3A_1163 : vector<1x1x16xf32> to vector<16xf32>
        %swap3A_1165 = vector.shape_cast %mul3A_1158 : vector<16xf32> to vector<1x1x16xf32>
        tpu.vector_store %arg6[%swap3A_1160, %swap3A_1161, %swap3A_1162], %swap3A_1165 {strides = array<i32>} : memref<4x16x1024xf32, #tpu.memory_space<vmem>>, vector<1x1x16xf32>,
        %get3A_1166 = arith.constant 0 : i32
        %get3A_1167 = arith.index_cast %get3A_1166 : i32 to index
        %get3A_1168 = arith.index_cast %add3A_255 : i32 to index
        %get3A_1169 = arith.constant 912 : index
        %get3A_1170 = tpu.vector_load %arg6[%get3A_1167, %get3A_1168, %get3A_1169] {strides = array<i32>} : memref<4x16x1024xf32, #tpu.memory_space<vmem>>, vector<1x1x16xf32>,
        %get3A_1171 = vector.shape_cast %get3A_1170 : vector<1x1x16xf32> to vector<16xf32>
        %mul3A_1172 = arith.constant 3.200000e+01 : f32
        %mul3A_1173 = vector.broadcast %mul3A_1172 : f32 to vector<16xf32>
        %mul3A_1174 = arith.mulf %get3A_1171, %mul3A_1173 : vector<16xf32>
        %swap3A_1175 = arith.constant 0 : i32
        %swap3A_1176 = arith.index_cast %swap3A_1175 : i32 to index
        %swap3A_1177 = arith.index_cast %add3A_255 : i32 to index
        %swap3A_1178 = arith.constant 912 : index
        %swap3A_1179 = tpu.vector_load %arg6[%swap3A_1176, %swap3A_1177, %swap3A_1178] {strides = array<i32>} : memref<4x16x1024xf32, #tpu.memory_space<vmem>>, vector<1x1x16xf32>,
        %swap3A_1180 = vector.shape_cast %swap3A_1179 : vector<1x1x16xf32> to vector<16xf32>
        %swap3A_1181 = vector.shape_cast %mul3A_1174 : vector<16xf32> to vector<1x1x16xf32>
        tpu.vector_store %arg6[%swap3A_1176, %swap3A_1177, %swap3A_1178], %swap3A_1181 {strides = array<i32>} : memref<4x16x1024xf32, #tpu.memory_space<vmem>>, vector<1x1x16xf32>,
        %get3A_1182 = arith.constant 0 : i32
        %get3A_1183 = arith.index_cast %get3A_1182 : i32 to index
        %get3A_1184 = arith.index_cast %add3A_255 : i32 to index
        %get3A_1185 = arith.constant 928 : index
        %get3A_1186 = tpu.vector_load %arg6[%get3A_1183, %get3A_1184, %get3A_1185] {strides = array<i32>} : memref<4x16x1024xf32, #tpu.memory_space<vmem>>, vector<1x1x16xf32>,
        %get3A_1187 = vector.shape_cast %get3A_1186 : vector<1x1x16xf32> to vector<16xf32>
        %mul3A_1188 = arith.constant 3.200000e+01 : f32
        %mul3A_1189 = vector.broadcast %mul3A_1188 : f32 to vector<16xf32>
        %mul3A_1190 = arith.mulf %get3A_1187, %mul3A_1189 : vector<16xf32>
        %swap3A_1191 = arith.constant 0 : i32
        %swap3A_1192 = arith.index_cast %swap3A_1191 : i32 to index
        %swap3A_1193 = arith.index_cast %add3A_255 : i32 to index
        %swap3A_1194 = arith.constant 928 : index
        %swap3A_1195 = tpu.vector_load %arg6[%swap3A_1192, %swap3A_1193, %swap3A_1194] {strides = array<i32>} : memref<4x16x1024xf32, #tpu.memory_space<vmem>>, vector<1x1x16xf32>,
        %swap3A_1196 = vector.shape_cast %swap3A_1195 : vector<1x1x16xf32> to vector<16xf32>
        %swap3A_1197 = vector.shape_cast %mul3A_1190 : vector<16xf32> to vector<1x1x16xf32>
        tpu.vector_store %arg6[%swap3A_1192, %swap3A_1193, %swap3A_1194], %swap3A_1197 {strides = array<i32>} : memref<4x16x1024xf32, #tpu.memory_space<vmem>>, vector<1x1x16xf32>,
        %get3A_1198 = arith.constant 0 : i32
        %get3A_1199 = arith.index_cast %get3A_1198 : i32 to index
        %get3A_1200 = arith.index_cast %add3A_255 : i32 to index
        %get3A_1201 = arith.constant 944 : index
        %get3A_1202 = tpu.vector_load %arg6[%get3A_1199, %get3A_1200, %get3A_1201] {strides = array<i32>} : memref<4x16x1024xf32, #tpu.memory_space<vmem>>, vector<1x1x16xf32>,
        %get3A_1203 = vector.shape_cast %get3A_1202 : vector<1x1x16xf32> to vector<16xf32>
        %mul3A_1204 = arith.constant 3.200000e+01 : f32
        %mul3A_1205 = vector.broadcast %mul3A_1204 : f32 to vector<16xf32>
        %mul3A_1206 = arith.mulf %get3A_1203, %mul3A_1205 : vector<16xf32>
        %swap3A_1207 = arith.constant 0 : i32
        %swap3A_1208 = arith.index_cast %swap3A_1207 : i32 to index
        %swap3A_1209 = arith.index_cast %add3A_255 : i32 to index
        %swap3A_1210 = arith.constant 944 : index
        %swap3A_1211 = tpu.vector_load %arg6[%swap3A_1208, %swap3A_1209, %swap3A_1210] {strides = array<i32>} : memref<4x16x1024xf32, #tpu.memory_space<vmem>>, vector<1x1x16xf32>,
        %swap3A_1212 = vector.shape_cast %swap3A_1211 : vector<1x1x16xf32> to vector<16xf32>
        %swap3A_1213 = vector.shape_cast %mul3A_1206 : vector<16xf32> to vector<1x1x16xf32>
        tpu.vector_store %arg6[%swap3A_1208, %swap3A_1209, %swap3A_1210], %swap3A_1213 {strides = array<i32>} : memref<4x16x1024xf32, #tpu.memory_space<vmem>>, vector<1x1x16xf32>,
        %get3A_1214 = arith.constant 0 : i32
        %get3A_1215 = arith.index_cast %get3A_1214 : i32 to index
        %get3A_1216 = arith.index_cast %add3A_255 : i32 to index
        %get3A_1217 = arith.constant 960 : index
        %get3A_1218 = tpu.vector_load %arg6[%get3A_1215, %get3A_1216, %get3A_1217] {strides = array<i32>} : memref<4x16x1024xf32, #tpu.memory_space<vmem>>, vector<1x1x16xf32>,
        %get3A_1219 = vector.shape_cast %get3A_1218 : vector<1x1x16xf32> to vector<16xf32>
        %mul3A_1220 = arith.constant 3.200000e+01 : f32
        %mul3A_1221 = vector.broadcast %mul3A_1220 : f32 to vector<16xf32>
        %mul3A_1222 = arith.mulf %get3A_1219, %mul3A_1221 : vector<16xf32>
        %swap3A_1223 = arith.constant 0 : i32
        %swap3A_1224 = arith.index_cast %swap3A_1223 : i32 to index
        %swap3A_1225 = arith.index_cast %add3A_255 : i32 to index
        %swap3A_1226 = arith.constant 960 : index
        %swap3A_1227 = tpu.vector_load %arg6[%swap3A_1224, %swap3A_1225, %swap3A_1226] {strides = array<i32>} : memref<4x16x1024xf32, #tpu.memory_space<vmem>>, vector<1x1x16xf32>,
        %swap3A_1228 = vector.shape_cast %swap3A_1227 : vector<1x1x16xf32> to vector<16xf32>
        %swap3A_1229 = vector.shape_cast %mul3A_1222 : vector<16xf32> to vector<1x1x16xf32>
        tpu.vector_store %arg6[%swap3A_1224, %swap3A_1225, %swap3A_1226], %swap3A_1229 {strides = array<i32>} : memref<4x16x1024xf32, #tpu.memory_space<vmem>>, vector<1x1x16xf32>,
        %get3A_1230 = arith.constant 0 : i32
        %get3A_1231 = arith.index_cast %get3A_1230 : i32 to index
        %get3A_1232 = arith.index_cast %add3A_255 : i32 to index
        %get3A_1233 = arith.constant 976 : index
        %get3A_1234 = tpu.vector_load %arg6[%get3A_1231, %get3A_1232, %get3A_1233] {strides = array<i32>} : memref<4x16x1024xf32, #tpu.memory_space<vmem>>, vector<1x1x16xf32>,
        %get3A_1235 = vector.shape_cast %get3A_1234 : vector<1x1x16xf32> to vector<16xf32>
        %mul3A_1236 = arith.constant 3.200000e+01 : f32
        %mul3A_1237 = vector.broadcast %mul3A_1236 : f32 to vector<16xf32>
        %mul3A_1238 = arith.mulf %get3A_1235, %mul3A_1237 : vector<16xf32>
        %swap3A_1239 = arith.constant 0 : i32
        %swap3A_1240 = arith.index_cast %swap3A_1239 : i32 to index
        %swap3A_1241 = arith.index_cast %add3A_255 : i32 to index
        %swap3A_1242 = arith.constant 976 : index
        %swap3A_1243 = tpu.vector_load %arg6[%swap3A_1240, %swap3A_1241, %swap3A_1242] {strides = array<i32>} : memref<4x16x1024xf32, #tpu.memory_space<vmem>>, vector<1x1x16xf32>,
        %swap3A_1244 = vector.shape_cast %swap3A_1243 : vector<1x1x16xf32> to vector<16xf32>
        %swap3A_1245 = vector.shape_cast %mul3A_1238 : vector<16xf32> to vector<1x1x16xf32>
        tpu.vector_store %arg6[%swap3A_1240, %swap3A_1241, %swap3A_1242], %swap3A_1245 {strides = array<i32>} : memref<4x16x1024xf32, #tpu.memory_space<vmem>>, vector<1x1x16xf32>,
        %get3A_1246 = arith.constant 0 : i32
        %get3A_1247 = arith.index_cast %get3A_1246 : i32 to index
        %get3A_1248 = arith.index_cast %add3A_255 : i32 to index
        %get3A_1249 = arith.constant 992 : index
        %get3A_1250 = tpu.vector_load %arg6[%get3A_1247, %get3A_1248, %get3A_1249] {strides = array<i32>} : memref<4x16x1024xf32, #tpu.memory_space<vmem>>, vector<1x1x16xf32>,
        %get3A_1251 = vector.shape_cast %get3A_1250 : vector<1x1x16xf32> to vector<16xf32>
        %mul3A_1252 = arith.constant 3.200000e+01 : f32
        %mul3A_1253 = vector.broadcast %mul3A_1252 : f32 to vector<16xf32>
        %mul3A_1254 = arith.mulf %get3A_1251, %mul3A_1253 : vector<16xf32>
        %swap3A_1255 = arith.constant 0 : i32
        %swap3A_1256 = arith.index_cast %swap3A_1255 : i32 to index
        %swap3A_1257 = arith.index_cast %add3A_255 : i32 to index
        %swap3A_1258 = arith.constant 992 : index
        %swap3A_1259 = tpu.vector_load %arg6[%swap3A_1256, %swap3A_1257, %swap3A_1258] {strides = array<i32>} : memref<4x16x1024xf32, #tpu.memory_space<vmem>>, vector<1x1x16xf32>,
        %swap3A_1260 = vector.shape_cast %swap3A_1259 : vector<1x1x16xf32> to vector<16xf32>
        %swap3A_1261 = vector.shape_cast %mul3A_1254 : vector<16xf32> to vector<1x1x16xf32>
        tpu.vector_store %arg6[%swap3A_1256, %swap3A_1257, %swap3A_1258], %swap3A_1261 {strides = array<i32>} : memref<4x16x1024xf32, #tpu.memory_space<vmem>>, vector<1x1x16xf32>,
        %get3A_1262 = arith.constant 0 : i32
        %get3A_1263 = arith.index_cast %get3A_1262 : i32 to index
        %get3A_1264 = arith.index_cast %add3A_255 : i32 to index
        %get3A_1265 = arith.constant 1008 : index
        %get3A_1266 = tpu.vector_load %arg6[%get3A_1263, %get3A_1264, %get3A_1265] {strides = array<i32>} : memref<4x16x1024xf32, #tpu.memory_space<vmem>>, vector<1x1x16xf32>,
        %get3A_1267 = vector.shape_cast %get3A_1266 : vector<1x1x16xf32> to vector<16xf32>
        %mul3A_1268 = arith.constant 3.200000e+01 : f32
        %mul3A_1269 = vector.broadcast %mul3A_1268 : f32 to vector<16xf32>
        %mul3A_1270 = arith.mulf %get3A_1267, %mul3A_1269 : vector<16xf32>
        %swap3A_1271 = arith.constant 0 : i32
        %swap3A_1272 = arith.index_cast %swap3A_1271 : i32 to index
        %swap3A_1273 = arith.index_cast %add3A_255 : i32 to index
        %swap3A_1274 = arith.constant 1008 : index
        %swap3A_1275 = tpu.vector_load %arg6[%swap3A_1272, %swap3A_1273, %swap3A_1274] {strides = array<i32>} : memref<4x16x1024xf32, #tpu.memory_space<vmem>>, vector<1x1x16xf32>,
        %swap3A_1276 = vector.shape_cast %swap3A_1275 : vector<1x1x16xf32> to vector<16xf32>
        %swap3A_1277 = vector.shape_cast %mul3A_1270 : vector<16xf32> to vector<1x1x16xf32>
        tpu.vector_store %arg6[%swap3A_1272, %swap3A_1273, %swap3A_1274], %swap3A_1277 {strides = array<i32>} : memref<4x16x1024xf32, #tpu.memory_space<vmem>>, vector<1x1x16xf32>,
      }
      %scan3A_111 = arith.constant 16 : i32
      %mul3A_112 = arith.constant 16 : i32
      %mul3A_113 = arith.muli %add3A_91, %mul3A_112 : i32
      %add3A_114 = arith.addi %mul3A_2, %mul3A_113 : i32
      %dma_start3A_115 = arith.constant 0 : i32
      %dma_start3A_116 = arith.constant 0 : i32
      %dma_start3A_117 = arith.constant 0 : i32
      %dma_start3A_118 = tpu.memref_slice %arg6[%dma_start3A_115, %dma_start3A_116, %dma_start3A_117] : memref<4x16x1024xf32, #tpu.memory_space<vmem>> -> memref<1x16x1024xf32, #tpu.memory_space<vmem>>
      %dma_start3A_119 = tpu.memref_squeeze %dma_start3A_118 : memref<1x16x1024xf32, #tpu.memory_space<vmem>> -> memref<16x1024xf32, #tpu.memory_space<vmem>>
      %dma_start3A_120 = arith.constant 0 : i32
      %dma_start3A_121 = tpu.memref_slice %arg4[%add3A_114, %dma_start3A_120] : memref<32768x1024xf32, #tpu.memory_space<hbm>> -> memref<16x1024xf32, #tpu.memory_space<hbm>>
      %dma_start3A_122 = arith.constant 0 : i32
      %dma_start3A_123 = tpu.memref_slice %arg4[%add3A_114, %dma_start3A_122] : memref<32768x1024xf32, #tpu.memory_space<hbm>> -> memref<16x1024xf32, #tpu.memory_space<hbm>>
      %dma_start3A_124 = arith.constant 0 : i32
      %dma_start3A_125 = arith.constant 0 : i32
      %dma_start3A_126 = tpu.memref_slice %arg6[%dma_start3A_115, %dma_start3A_124, %dma_start3A_125] : memref<4x16x1024xf32, #tpu.memory_space<vmem>> -> memref<1x16x1024xf32, #tpu.memory_space<vmem>>
      %dma_start3A_127 = tpu.memref_squeeze %dma_start3A_126 : memref<1x16x1024xf32, #tpu.memory_space<vmem>> -> memref<16x1024xf32, #tpu.memory_space<vmem>>
      tpu.enqueue_dma source(%dma_start3A_127 : memref<16x1024xf32, #tpu.memory_space<vmem>>) target(%dma_start3A_123 : memref<16x1024xf32, #tpu.memory_space<hbm>>) target_semaphore(%arg11 : memref<!tpu.dma_semaphore, #tpu.memory_space<semaphore_mem>>)
      %add3A_128 = arith.constant 1 : i32
      %add3A_129 = arith.addi %add3A_89, %add3A_128 : i32
      %mul3A_130 = arith.constant 16 : i32
      %mul3A_131 = arith.muli %add3A_129, %mul3A_130 : i32
      %dma_wait3A_132 = arith.constant 1 : i32
      %dma_wait3A_133 = arith.constant 0 : i32
      %dma_wait3A_134 = arith.constant 0 : i32
      %dma_wait3A_135 = tpu.memref_slice %arg6[%dma_wait3A_132, %dma_wait3A_133, %dma_wait3A_134] : memref<4x16x1024xf32, #tpu.memory_space<vmem>> -> memref<1x16x1024xf32, #tpu.memory_space<vmem>>
      %dma_wait3A_136 = tpu.memref_squeeze %dma_wait3A_135 : memref<1x16x1024xf32, #tpu.memory_space<vmem>> -> memref<16x1024xf32, #tpu.memory_space<vmem>>
      %dma_wait3A_137 = tpu.memref_slice %arg5[%mul3A_131] : memref<1024xi32, #tpu.memory_space<vmem>> -> memref<16xi32, #tpu.memory_space<vmem>>
      %dma_wait3A_138 = arith.constant 0 : i32
      %dma_wait3A_139 = arith.constant 0 : i32
      %dma_wait3A_140 = tpu.memref_slice %arg2[%dma_wait3A_138, %dma_wait3A_139] : memref<100000x1024xf32, #tpu.memory_space<hbm>> -> memref<100000x1024xf32, #tpu.memory_space<hbm>>
      tpu.wait_indirect_dma semaphore(%arg8 : memref<!tpu.dma_semaphore, #tpu.memory_space<semaphore_mem>>) src(%dma_wait3A_140 : memref<100000x1024xf32, #tpu.memory_space<hbm>>) dst(%dma_wait3A_136 : memref<16x1024xf32, #tpu.memory_space<vmem>>)
      %add3A_141 = arith.constant 2 : i32
      %add3A_142 = arith.addi %add3A_129, %add3A_141 : i32
      %lt3A_143 = arith.constant 64 : i32
      %lt3A_144 = arith.cmpi slt, %add3A_142, %lt3A_143 : i32
      %convert_element_type3A_145 = arith.extui %lt3A_144 : i1 to i32
      %cond3A_146 = arith.constant 0 : i32
      %cond3A_147 = arith.cmpi ne, %convert_element_type3A_145, %cond3A_146 : i32
      scf.if %cond3A_147 {
        %ge3A = arith.constant 2 : i32
        %ge3A_251 = arith.cmpi sge, %add3A_129, %ge3A : i32
        %convert_element_type3A_252 = arith.extui %ge3A_251 : i1 to i32
        %cond3A_253 = arith.constant 0 : i32
        %cond3A_254 = arith.cmpi ne, %convert_element_type3A_252, %cond3A_253 : i32
        scf.if %cond3A_254 {
          %sub3A = arith.constant 2 : i32
          %sub3A_268 = arith.subi %add3A_129, %sub3A : i32
          %mul3A_269 = arith.constant 16 : i32
          %mul3A_270 = arith.muli %sub3A_268, %mul3A_269 : i32
          %add3A_271 = arith.addi %mul3A_2, %mul3A_270 : i32
          %dma_wait3A_272 = arith.constant 3 : i32
          %dma_wait3A_273 = arith.constant 0 : i32
          %dma_wait3A_274 = arith.constant 0 : i32
          %dma_wait3A_275 = tpu.memref_slice %arg6[%dma_wait3A_272, %dma_wait3A_273, %dma_wait3A_274] : memref<4x16x1024xf32, #tpu.memory_space<vmem>> -> memref<1x16x1024xf32, #tpu.memory_space<vmem>>
          %dma_wait3A_276 = tpu.memref_squeeze %dma_wait3A_275 : memref<1x16x1024xf32, #tpu.memory_space<vmem>> -> memref<16x1024xf32, #tpu.memory_space<vmem>>
          %dma_wait3A_277 = arith.constant 0 : i32
          %dma_wait3A_278 = tpu.memref_slice %arg4[%add3A_271, %dma_wait3A_277] : memref<32768x1024xf32, #tpu.memory_space<hbm>> -> memref<16x1024xf32, #tpu.memory_space<hbm>>
          %dma_wait3A_279 = arith.constant 0 : i32
          %dma_wait3A_280 = tpu.memref_slice %arg4[%add3A_271, %dma_wait3A_279] : memref<32768x1024xf32, #tpu.memory_space<hbm>> -> memref<16x1024xf32, #tpu.memory_space<hbm>>
          %dma_wait3A_281 = arith.constant 0 : i32
          %dma_wait3A_282 = arith.constant 0 : i32
          %dma_wait3A_283 = tpu.memref_slice %arg6[%dma_wait3A_272, %dma_wait3A_281, %dma_wait3A_282] : memref<4x16x1024xf32, #tpu.memory_space<vmem>> -> memref<1x16x1024xf32, #tpu.memory_space<vmem>>
          %dma_wait3A_284 = tpu.memref_squeeze %dma_wait3A_283 : memref<1x16x1024xf32, #tpu.memory_space<vmem>> -> memref<16x1024xf32, #tpu.memory_space<vmem>>
          tpu.wait_dma2 semaphore(%arg14 : memref<!tpu.dma_semaphore, #tpu.memory_space<semaphore_mem>>) src(%dma_wait3A_284 : memref<16x1024xf32, #tpu.memory_space<vmem>>) dst(%dma_wait3A_280 : memref<16x1024xf32, #tpu.memory_space<hbm>>)
        } else {
        }
        %add3A_255 = arith.constant 2 : i32
        %add3A_256 = arith.addi %add3A_129, %add3A_255 : i32
        %mul3A_257 = arith.constant 16 : i32
        %mul3A_258 = arith.muli %add3A_256, %mul3A_257 : i32
        %dma_start3A_259 = arith.constant 3 : i32
        %dma_start3A_260 = arith.constant 0 : i32
        %dma_start3A_261 = arith.constant 0 : i32
        %dma_start3A_262 = tpu.memref_slice %arg6[%dma_start3A_259, %dma_start3A_260, %dma_start3A_261] : memref<4x16x1024xf32, #tpu.memory_space<vmem>> -> memref<1x16x1024xf32, #tpu.memory_space<vmem>>
        %dma_start3A_263 = tpu.memref_squeeze %dma_start3A_262 : memref<1x16x1024xf32, #tpu.memory_space<vmem>> -> memref<16x1024xf32, #tpu.memory_space<vmem>>
        %dma_start3A_264 = tpu.memref_slice %arg5[%mul3A_258] : memref<1024xi32, #tpu.memory_space<vmem>> -> memref<16xi32, #tpu.memory_space<vmem>>
        %dma_start3A_265 = arith.constant 0 : i32
        %dma_start3A_266 = arith.constant 0 : i32
        %dma_start3A_267 = tpu.memref_slice %arg2[%dma_start3A_265, %dma_start3A_266] : memref<100000x1024xf32, #tpu.memory_space<hbm>> -> memref<100000x1024xf32, #tpu.memory_space<hbm>>
        tpu.enqueue_indirect_dma source(%dma_start3A_267 : memref<100000x1024xf32, #tpu.memory_space<hbm>>) target(%dma_start3A_263 : memref<16x1024xf32, #tpu.memory_space<vmem>>) offsets(%dma_start3A_264 : memref<16xi32, #tpu.memory_space<vmem>>) semaphore(%arg10 : memref<!tpu.dma_semaphore, #tpu.memory_space<semaphore_mem>>)
      } else {
      }
      %scan3A_148 = arith.constant 0 : i32
      %scan3A_149 = arith.constant 16 : i32
      %scan3A_150 = arith.addi %scan3A_148, %scan3A_149 : i32
      %scan3A_151 = arith.constant 1 : i32
      scf.for %scan3A_251 = %scan3A_148 to %scan3A_150 step %scan3A_151  : i32 {
        %mul3A_252 = arith.constant 1 : i32
        %mul3A_253 = arith.muli %scan3A_251, %mul3A_252 : i32
        %add3A_254 = arith.constant 0 : i32
        %add3A_255 = arith.addi %add3A_254, %mul3A_253 : i32
        %get3A = arith.constant 1 : i32
        %get3A_256 = arith.index_cast %get3A : i32 to index
        %get3A_257 = arith.index_cast %add3A_255 : i32 to index
        %get3A_258 = arith.constant 0 : index
        %get3A_259 = tpu.vector_load %arg6[%get3A_256, %get3A_257, %get3A_258] {strides = array<i32>} : memref<4x16x1024xf32, #tpu.memory_space<vmem>>, vector<1x1x16xf32>,
        %get3A_260 = vector.shape_cast %get3A_259 : vector<1x1x16xf32> to vector<16xf32>
        %mul3A_261 = arith.constant 3.200000e+01 : f32
        %mul3A_262 = vector.broadcast %mul3A_261 : f32 to vector<16xf32>
        %mul3A_263 = arith.mulf %get3A_260, %mul3A_262 : vector<16xf32>
        %swap3A = arith.constant 1 : i32
        %swap3A_264 = arith.index_cast %swap3A : i32 to index
        %swap3A_265 = arith.index_cast %add3A_255 : i32 to index
        %swap3A_266 = arith.constant 0 : index
        %swap3A_267 = tpu.vector_load %arg6[%swap3A_264, %swap3A_265, %swap3A_266] {strides = array<i32>} : memref<4x16x1024xf32, #tpu.memory_space<vmem>>, vector<1x1x16xf32>,
        %swap3A_268 = vector.shape_cast %swap3A_267 : vector<1x1x16xf32> to vector<16xf32>
        %swap3A_269 = vector.shape_cast %mul3A_263 : vector<16xf32> to vector<1x1x16xf32>
        tpu.vector_store %arg6[%swap3A_264, %swap3A_265, %swap3A_266], %swap3A_269 {strides = array<i32>} : memref<4x16x1024xf32, #tpu.memory_space<vmem>>, vector<1x1x16xf32>,
        %get3A_270 = arith.constant 1 : i32
        %get3A_271 = arith.index_cast %get3A_270 : i32 to index
        %get3A_272 = arith.index_cast %add3A_255 : i32 to index
        %get3A_273 = arith.constant 16 : index
        %get3A_274 = tpu.vector_load %arg6[%get3A_271, %get3A_272, %get3A_273] {strides = array<i32>} : memref<4x16x1024xf32, #tpu.memory_space<vmem>>, vector<1x1x16xf32>,
        %get3A_275 = vector.shape_cast %get3A_274 : vector<1x1x16xf32> to vector<16xf32>
        %mul3A_276 = arith.constant 3.200000e+01 : f32
        %mul3A_277 = vector.broadcast %mul3A_276 : f32 to vector<16xf32>
        %mul3A_278 = arith.mulf %get3A_275, %mul3A_277 : vector<16xf32>
        %swap3A_279 = arith.constant 1 : i32
        %swap3A_280 = arith.index_cast %swap3A_279 : i32 to index
        %swap3A_281 = arith.index_cast %add3A_255 : i32 to index
        %swap3A_282 = arith.constant 16 : index
        %swap3A_283 = tpu.vector_load %arg6[%swap3A_280, %swap3A_281, %swap3A_282] {strides = array<i32>} : memref<4x16x1024xf32, #tpu.memory_space<vmem>>, vector<1x1x16xf32>,
        %swap3A_284 = vector.shape_cast %swap3A_283 : vector<1x1x16xf32> to vector<16xf32>
        %swap3A_285 = vector.shape_cast %mul3A_278 : vector<16xf32> to vector<1x1x16xf32>
        tpu.vector_store %arg6[%swap3A_280, %swap3A_281, %swap3A_282], %swap3A_285 {strides = array<i32>} : memref<4x16x1024xf32, #tpu.memory_space<vmem>>, vector<1x1x16xf32>,
        %get3A_286 = arith.constant 1 : i32
        %get3A_287 = arith.index_cast %get3A_286 : i32 to index
        %get3A_288 = arith.index_cast %add3A_255 : i32 to index
        %get3A_289 = arith.constant 32 : index
        %get3A_290 = tpu.vector_load %arg6[%get3A_287, %get3A_288, %get3A_289] {strides = array<i32>} : memref<4x16x1024xf32, #tpu.memory_space<vmem>>, vector<1x1x16xf32>,
        %get3A_291 = vector.shape_cast %get3A_290 : vector<1x1x16xf32> to vector<16xf32>
        %mul3A_292 = arith.constant 3.200000e+01 : f32
        %mul3A_293 = vector.broadcast %mul3A_292 : f32 to vector<16xf32>
        %mul3A_294 = arith.mulf %get3A_291, %mul3A_293 : vector<16xf32>
        %swap3A_295 = arith.constant 1 : i32
        %swap3A_296 = arith.index_cast %swap3A_295 : i32 to index
        %swap3A_297 = arith.index_cast %add3A_255 : i32 to index
        %swap3A_298 = arith.constant 32 : index
        %swap3A_299 = tpu.vector_load %arg6[%swap3A_296, %swap3A_297, %swap3A_298] {strides = array<i32>} : memref<4x16x1024xf32, #tpu.memory_space<vmem>>, vector<1x1x16xf32>,
        %swap3A_300 = vector.shape_cast %swap3A_299 : vector<1x1x16xf32> to vector<16xf32>
        %swap3A_301 = vector.shape_cast %mul3A_294 : vector<16xf32> to vector<1x1x16xf32>
        tpu.vector_store %arg6[%swap3A_296, %swap3A_297, %swap3A_298], %swap3A_301 {strides = array<i32>} : memref<4x16x1024xf32, #tpu.memory_space<vmem>>, vector<1x1x16xf32>,
        %get3A_302 = arith.constant 1 : i32
        %get3A_303 = arith.index_cast %get3A_302 : i32 to index
        %get3A_304 = arith.index_cast %add3A_255 : i32 to index
        %get3A_305 = arith.constant 48 : index
        %get3A_306 = tpu.vector_load %arg6[%get3A_303, %get3A_304, %get3A_305] {strides = array<i32>} : memref<4x16x1024xf32, #tpu.memory_space<vmem>>, vector<1x1x16xf32>,
        %get3A_307 = vector.shape_cast %get3A_306 : vector<1x1x16xf32> to vector<16xf32>
        %mul3A_308 = arith.constant 3.200000e+01 : f32
        %mul3A_309 = vector.broadcast %mul3A_308 : f32 to vector<16xf32>
        %mul3A_310 = arith.mulf %get3A_307, %mul3A_309 : vector<16xf32>
        %swap3A_311 = arith.constant 1 : i32
        %swap3A_312 = arith.index_cast %swap3A_311 : i32 to index
        %swap3A_313 = arith.index_cast %add3A_255 : i32 to index
        %swap3A_314 = arith.constant 48 : index
        %swap3A_315 = tpu.vector_load %arg6[%swap3A_312, %swap3A_313, %swap3A_314] {strides = array<i32>} : memref<4x16x1024xf32, #tpu.memory_space<vmem>>, vector<1x1x16xf32>,
        %swap3A_316 = vector.shape_cast %swap3A_315 : vector<1x1x16xf32> to vector<16xf32>
        %swap3A_317 = vector.shape_cast %mul3A_310 : vector<16xf32> to vector<1x1x16xf32>
        tpu.vector_store %arg6[%swap3A_312, %swap3A_313, %swap3A_314], %swap3A_317 {strides = array<i32>} : memref<4x16x1024xf32, #tpu.memory_space<vmem>>, vector<1x1x16xf32>,
        %get3A_318 = arith.constant 1 : i32
        %get3A_319 = arith.index_cast %get3A_318 : i32 to index
        %get3A_320 = arith.index_cast %add3A_255 : i32 to index
        %get3A_321 = arith.constant 64 : index
        %get3A_322 = tpu.vector_load %arg6[%get3A_319, %get3A_320, %get3A_321] {strides = array<i32>} : memref<4x16x1024xf32, #tpu.memory_space<vmem>>, vector<1x1x16xf32>,
        %get3A_323 = vector.shape_cast %get3A_322 : vector<1x1x16xf32> to vector<16xf32>
        %mul3A_324 = arith.constant 3.200000e+01 : f32
        %mul3A_325 = vector.broadcast %mul3A_324 : f32 to vector<16xf32>
        %mul3A_326 = arith.mulf %get3A_323, %mul3A_325 : vector<16xf32>
        %swap3A_327 = arith.constant 1 : i32
        %swap3A_328 = arith.index_cast %swap3A_327 : i32 to index
        %swap3A_329 = arith.index_cast %add3A_255 : i32 to index
        %swap3A_330 = arith.constant 64 : index
        %swap3A_331 = tpu.vector_load %arg6[%swap3A_328, %swap3A_329, %swap3A_330] {strides = array<i32>} : memref<4x16x1024xf32, #tpu.memory_space<vmem>>, vector<1x1x16xf32>,
        %swap3A_332 = vector.shape_cast %swap3A_331 : vector<1x1x16xf32> to vector<16xf32>
        %swap3A_333 = vector.shape_cast %mul3A_326 : vector<16xf32> to vector<1x1x16xf32>
        tpu.vector_store %arg6[%swap3A_328, %swap3A_329, %swap3A_330], %swap3A_333 {strides = array<i32>} : memref<4x16x1024xf32, #tpu.memory_space<vmem>>, vector<1x1x16xf32>,
        %get3A_334 = arith.constant 1 : i32
        %get3A_335 = arith.index_cast %get3A_334 : i32 to index
        %get3A_336 = arith.index_cast %add3A_255 : i32 to index
        %get3A_337 = arith.constant 80 : index
        %get3A_338 = tpu.vector_load %arg6[%get3A_335, %get3A_336, %get3A_337] {strides = array<i32>} : memref<4x16x1024xf32, #tpu.memory_space<vmem>>, vector<1x1x16xf32>,
        %get3A_339 = vector.shape_cast %get3A_338 : vector<1x1x16xf32> to vector<16xf32>
        %mul3A_340 = arith.constant 3.200000e+01 : f32
        %mul3A_341 = vector.broadcast %mul3A_340 : f32 to vector<16xf32>
        %mul3A_342 = arith.mulf %get3A_339, %mul3A_341 : vector<16xf32>
        %swap3A_343 = arith.constant 1 : i32
        %swap3A_344 = arith.index_cast %swap3A_343 : i32 to index
        %swap3A_345 = arith.index_cast %add3A_255 : i32 to index
        %swap3A_346 = arith.constant 80 : index
        %swap3A_347 = tpu.vector_load %arg6[%swap3A_344, %swap3A_345, %swap3A_346] {strides = array<i32>} : memref<4x16x1024xf32, #tpu.memory_space<vmem>>, vector<1x1x16xf32>,
        %swap3A_348 = vector.shape_cast %swap3A_347 : vector<1x1x16xf32> to vector<16xf32>
        %swap3A_349 = vector.shape_cast %mul3A_342 : vector<16xf32> to vector<1x1x16xf32>
        tpu.vector_store %arg6[%swap3A_344, %swap3A_345, %swap3A_346], %swap3A_349 {strides = array<i32>} : memref<4x16x1024xf32, #tpu.memory_space<vmem>>, vector<1x1x16xf32>,
        %get3A_350 = arith.constant 1 : i32
        %get3A_351 = arith.index_cast %get3A_350 : i32 to index
        %get3A_352 = arith.index_cast %add3A_255 : i32 to index
        %get3A_353 = arith.constant 96 : index
        %get3A_354 = tpu.vector_load %arg6[%get3A_351, %get3A_352, %get3A_353] {strides = array<i32>} : memref<4x16x1024xf32, #tpu.memory_space<vmem>>, vector<1x1x16xf32>,
        %get3A_355 = vector.shape_cast %get3A_354 : vector<1x1x16xf32> to vector<16xf32>
        %mul3A_356 = arith.constant 3.200000e+01 : f32
        %mul3A_357 = vector.broadcast %mul3A_356 : f32 to vector<16xf32>
        %mul3A_358 = arith.mulf %get3A_355, %mul3A_357 : vector<16xf32>
        %swap3A_359 = arith.constant 1 : i32
        %swap3A_360 = arith.index_cast %swap3A_359 : i32 to index
        %swap3A_361 = arith.index_cast %add3A_255 : i32 to index
        %swap3A_362 = arith.constant 96 : index
        %swap3A_363 = tpu.vector_load %arg6[%swap3A_360, %swap3A_361, %swap3A_362] {strides = array<i32>} : memref<4x16x1024xf32, #tpu.memory_space<vmem>>, vector<1x1x16xf32>,
        %swap3A_364 = vector.shape_cast %swap3A_363 : vector<1x1x16xf32> to vector<16xf32>
        %swap3A_365 = vector.shape_cast %mul3A_358 : vector<16xf32> to vector<1x1x16xf32>
        tpu.vector_store %arg6[%swap3A_360, %swap3A_361, %swap3A_362], %swap3A_365 {strides = array<i32>} : memref<4x16x1024xf32, #tpu.memory_space<vmem>>, vector<1x1x16xf32>,
        %get3A_366 = arith.constant 1 : i32
        %get3A_367 = arith.index_cast %get3A_366 : i32 to index
        %get3A_368 = arith.index_cast %add3A_255 : i32 to index
        %get3A_369 = arith.constant 112 : index
        %get3A_370 = tpu.vector_load %arg6[%get3A_367, %get3A_368, %get3A_369] {strides = array<i32>} : memref<4x16x1024xf32, #tpu.memory_space<vmem>>, vector<1x1x16xf32>,
        %get3A_371 = vector.shape_cast %get3A_370 : vector<1x1x16xf32> to vector<16xf32>
        %mul3A_372 = arith.constant 3.200000e+01 : f32
        %mul3A_373 = vector.broadcast %mul3A_372 : f32 to vector<16xf32>
        %mul3A_374 = arith.mulf %get3A_371, %mul3A_373 : vector<16xf32>
        %swap3A_375 = arith.constant 1 : i32
        %swap3A_376 = arith.index_cast %swap3A_375 : i32 to index
        %swap3A_377 = arith.index_cast %add3A_255 : i32 to index
        %swap3A_378 = arith.constant 112 : index
        %swap3A_379 = tpu.vector_load %arg6[%swap3A_376, %swap3A_377, %swap3A_378] {strides = array<i32>} : memref<4x16x1024xf32, #tpu.memory_space<vmem>>, vector<1x1x16xf32>,
        %swap3A_380 = vector.shape_cast %swap3A_379 : vector<1x1x16xf32> to vector<16xf32>
        %swap3A_381 = vector.shape_cast %mul3A_374 : vector<16xf32> to vector<1x1x16xf32>
        tpu.vector_store %arg6[%swap3A_376, %swap3A_377, %swap3A_378], %swap3A_381 {strides = array<i32>} : memref<4x16x1024xf32, #tpu.memory_space<vmem>>, vector<1x1x16xf32>,
        %get3A_382 = arith.constant 1 : i32
        %get3A_383 = arith.index_cast %get3A_382 : i32 to index
        %get3A_384 = arith.index_cast %add3A_255 : i32 to index
        %get3A_385 = arith.constant 128 : index
        %get3A_386 = tpu.vector_load %arg6[%get3A_383, %get3A_384, %get3A_385] {strides = array<i32>} : memref<4x16x1024xf32, #tpu.memory_space<vmem>>, vector<1x1x16xf32>,
        %get3A_387 = vector.shape_cast %get3A_386 : vector<1x1x16xf32> to vector<16xf32>
        %mul3A_388 = arith.constant 3.200000e+01 : f32
        %mul3A_389 = vector.broadcast %mul3A_388 : f32 to vector<16xf32>
        %mul3A_390 = arith.mulf %get3A_387, %mul3A_389 : vector<16xf32>
        %swap3A_391 = arith.constant 1 : i32
        %swap3A_392 = arith.index_cast %swap3A_391 : i32 to index
        %swap3A_393 = arith.index_cast %add3A_255 : i32 to index
        %swap3A_394 = arith.constant 128 : index
        %swap3A_395 = tpu.vector_load %arg6[%swap3A_392, %swap3A_393, %swap3A_394] {strides = array<i32>} : memref<4x16x1024xf32, #tpu.memory_space<vmem>>, vector<1x1x16xf32>,
        %swap3A_396 = vector.shape_cast %swap3A_395 : vector<1x1x16xf32> to vector<16xf32>
        %swap3A_397 = vector.shape_cast %mul3A_390 : vector<16xf32> to vector<1x1x16xf32>
        tpu.vector_store %arg6[%swap3A_392, %swap3A_393, %swap3A_394], %swap3A_397 {strides = array<i32>} : memref<4x16x1024xf32, #tpu.memory_space<vmem>>, vector<1x1x16xf32>,
        %get3A_398 = arith.constant 1 : i32
        %get3A_399 = arith.index_cast %get3A_398 : i32 to index
        %get3A_400 = arith.index_cast %add3A_255 : i32 to index
        %get3A_401 = arith.constant 144 : index
        %get3A_402 = tpu.vector_load %arg6[%get3A_399, %get3A_400, %get3A_401] {strides = array<i32>} : memref<4x16x1024xf32, #tpu.memory_space<vmem>>, vector<1x1x16xf32>,
        %get3A_403 = vector.shape_cast %get3A_402 : vector<1x1x16xf32> to vector<16xf32>
        %mul3A_404 = arith.constant 3.200000e+01 : f32
        %mul3A_405 = vector.broadcast %mul3A_404 : f32 to vector<16xf32>
        %mul3A_406 = arith.mulf %get3A_403, %mul3A_405 : vector<16xf32>
        %swap3A_407 = arith.constant 1 : i32
        %swap3A_408 = arith.index_cast %swap3A_407 : i32 to index
        %swap3A_409 = arith.index_cast %add3A_255 : i32 to index
        %swap3A_410 = arith.constant 144 : index
        %swap3A_411 = tpu.vector_load %arg6[%swap3A_408, %swap3A_409, %swap3A_410] {strides = array<i32>} : memref<4x16x1024xf32, #tpu.memory_space<vmem>>, vector<1x1x16xf32>,
        %swap3A_412 = vector.shape_cast %swap3A_411 : vector<1x1x16xf32> to vector<16xf32>
        %swap3A_413 = vector.shape_cast %mul3A_406 : vector<16xf32> to vector<1x1x16xf32>
        tpu.vector_store %arg6[%swap3A_408, %swap3A_409, %swap3A_410], %swap3A_413 {strides = array<i32>} : memref<4x16x1024xf32, #tpu.memory_space<vmem>>, vector<1x1x16xf32>,
        %get3A_414 = arith.constant 1 : i32
        %get3A_415 = arith.index_cast %get3A_414 : i32 to index
        %get3A_416 = arith.index_cast %add3A_255 : i32 to index
        %get3A_417 = arith.constant 160 : index
        %get3A_418 = tpu.vector_load %arg6[%get3A_415, %get3A_416, %get3A_417] {strides = array<i32>} : memref<4x16x1024xf32, #tpu.memory_space<vmem>>, vector<1x1x16xf32>,
        %get3A_419 = vector.shape_cast %get3A_418 : vector<1x1x16xf32> to vector<16xf32>
        %mul3A_420 = arith.constant 3.200000e+01 : f32
        %mul3A_421 = vector.broadcast %mul3A_420 : f32 to vector<16xf32>
        %mul3A_422 = arith.mulf %get3A_419, %mul3A_421 : vector<16xf32>
        %swap3A_423 = arith.constant 1 : i32
        %swap3A_424 = arith.index_cast %swap3A_423 : i32 to index
        %swap3A_425 = arith.index_cast %add3A_255 : i32 to index
        %swap3A_426 = arith.constant 160 : index
        %swap3A_427 = tpu.vector_load %arg6[%swap3A_424, %swap3A_425, %swap3A_426] {strides = array<i32>} : memref<4x16x1024xf32, #tpu.memory_space<vmem>>, vector<1x1x16xf32>,
        %swap3A_428 = vector.shape_cast %swap3A_427 : vector<1x1x16xf32> to vector<16xf32>
        %swap3A_429 = vector.shape_cast %mul3A_422 : vector<16xf32> to vector<1x1x16xf32>
        tpu.vector_store %arg6[%swap3A_424, %swap3A_425, %swap3A_426], %swap3A_429 {strides = array<i32>} : memref<4x16x1024xf32, #tpu.memory_space<vmem>>, vector<1x1x16xf32>,
        %get3A_430 = arith.constant 1 : i32
        %get3A_431 = arith.index_cast %get3A_430 : i32 to index
        %get3A_432 = arith.index_cast %add3A_255 : i32 to index
        %get3A_433 = arith.constant 176 : index
        %get3A_434 = tpu.vector_load %arg6[%get3A_431, %get3A_432, %get3A_433] {strides = array<i32>} : memref<4x16x1024xf32, #tpu.memory_space<vmem>>, vector<1x1x16xf32>,
        %get3A_435 = vector.shape_cast %get3A_434 : vector<1x1x16xf32> to vector<16xf32>
        %mul3A_436 = arith.constant 3.200000e+01 : f32
        %mul3A_437 = vector.broadcast %mul3A_436 : f32 to vector<16xf32>
        %mul3A_438 = arith.mulf %get3A_435, %mul3A_437 : vector<16xf32>
        %swap3A_439 = arith.constant 1 : i32
        %swap3A_440 = arith.index_cast %swap3A_439 : i32 to index
        %swap3A_441 = arith.index_cast %add3A_255 : i32 to index
        %swap3A_442 = arith.constant 176 : index
        %swap3A_443 = tpu.vector_load %arg6[%swap3A_440, %swap3A_441, %swap3A_442] {strides = array<i32>} : memref<4x16x1024xf32, #tpu.memory_space<vmem>>, vector<1x1x16xf32>,
        %swap3A_444 = vector.shape_cast %swap3A_443 : vector<1x1x16xf32> to vector<16xf32>
        %swap3A_445 = vector.shape_cast %mul3A_438 : vector<16xf32> to vector<1x1x16xf32>
        tpu.vector_store %arg6[%swap3A_440, %swap3A_441, %swap3A_442], %swap3A_445 {strides = array<i32>} : memref<4x16x1024xf32, #tpu.memory_space<vmem>>, vector<1x1x16xf32>,
        %get3A_446 = arith.constant 1 : i32
        %get3A_447 = arith.index_cast %get3A_446 : i32 to index
        %get3A_448 = arith.index_cast %add3A_255 : i32 to index
        %get3A_449 = arith.constant 192 : index
        %get3A_450 = tpu.vector_load %arg6[%get3A_447, %get3A_448, %get3A_449] {strides = array<i32>} : memref<4x16x1024xf32, #tpu.memory_space<vmem>>, vector<1x1x16xf32>,
        %get3A_451 = vector.shape_cast %get3A_450 : vector<1x1x16xf32> to vector<16xf32>
        %mul3A_452 = arith.constant 3.200000e+01 : f32
        %mul3A_453 = vector.broadcast %mul3A_452 : f32 to vector<16xf32>
        %mul3A_454 = arith.mulf %get3A_451, %mul3A_453 : vector<16xf32>
        %swap3A_455 = arith.constant 1 : i32
        %swap3A_456 = arith.index_cast %swap3A_455 : i32 to index
        %swap3A_457 = arith.index_cast %add3A_255 : i32 to index
        %swap3A_458 = arith.constant 192 : index
        %swap3A_459 = tpu.vector_load %arg6[%swap3A_456, %swap3A_457, %swap3A_458] {strides = array<i32>} : memref<4x16x1024xf32, #tpu.memory_space<vmem>>, vector<1x1x16xf32>,
        %swap3A_460 = vector.shape_cast %swap3A_459 : vector<1x1x16xf32> to vector<16xf32>
        %swap3A_461 = vector.shape_cast %mul3A_454 : vector<16xf32> to vector<1x1x16xf32>
        tpu.vector_store %arg6[%swap3A_456, %swap3A_457, %swap3A_458], %swap3A_461 {strides = array<i32>} : memref<4x16x1024xf32, #tpu.memory_space<vmem>>, vector<1x1x16xf32>,
        %get3A_462 = arith.constant 1 : i32
        %get3A_463 = arith.index_cast %get3A_462 : i32 to index
        %get3A_464 = arith.index_cast %add3A_255 : i32 to index
        %get3A_465 = arith.constant 208 : index
        %get3A_466 = tpu.vector_load %arg6[%get3A_463, %get3A_464, %get3A_465] {strides = array<i32>} : memref<4x16x1024xf32, #tpu.memory_space<vmem>>, vector<1x1x16xf32>,
        %get3A_467 = vector.shape_cast %get3A_466 : vector<1x1x16xf32> to vector<16xf32>
        %mul3A_468 = arith.constant 3.200000e+01 : f32
        %mul3A_469 = vector.broadcast %mul3A_468 : f32 to vector<16xf32>
        %mul3A_470 = arith.mulf %get3A_467, %mul3A_469 : vector<16xf32>
        %swap3A_471 = arith.constant 1 : i32
        %swap3A_472 = arith.index_cast %swap3A_471 : i32 to index
        %swap3A_473 = arith.index_cast %add3A_255 : i32 to index
        %swap3A_474 = arith.constant 208 : index
        %swap3A_475 = tpu.vector_load %arg6[%swap3A_472, %swap3A_473, %swap3A_474] {strides = array<i32>} : memref<4x16x1024xf32, #tpu.memory_space<vmem>>, vector<1x1x16xf32>,
        %swap3A_476 = vector.shape_cast %swap3A_475 : vector<1x1x16xf32> to vector<16xf32>
        %swap3A_477 = vector.shape_cast %mul3A_470 : vector<16xf32> to vector<1x1x16xf32>
        tpu.vector_store %arg6[%swap3A_472, %swap3A_473, %swap3A_474], %swap3A_477 {strides = array<i32>} : memref<4x16x1024xf32, #tpu.memory_space<vmem>>, vector<1x1x16xf32>,
        %get3A_478 = arith.constant 1 : i32
        %get3A_479 = arith.index_cast %get3A_478 : i32 to index
        %get3A_480 = arith.index_cast %add3A_255 : i32 to index
        %get3A_481 = arith.constant 224 : index
        %get3A_482 = tpu.vector_load %arg6[%get3A_479, %get3A_480, %get3A_481] {strides = array<i32>} : memref<4x16x1024xf32, #tpu.memory_space<vmem>>, vector<1x1x16xf32>,
        %get3A_483 = vector.shape_cast %get3A_482 : vector<1x1x16xf32> to vector<16xf32>
        %mul3A_484 = arith.constant 3.200000e+01 : f32
        %mul3A_485 = vector.broadcast %mul3A_484 : f32 to vector<16xf32>
        %mul3A_486 = arith.mulf %get3A_483, %mul3A_485 : vector<16xf32>
        %swap3A_487 = arith.constant 1 : i32
        %swap3A_488 = arith.index_cast %swap3A_487 : i32 to index
        %swap3A_489 = arith.index_cast %add3A_255 : i32 to index
        %swap3A_490 = arith.constant 224 : index
        %swap3A_491 = tpu.vector_load %arg6[%swap3A_488, %swap3A_489, %swap3A_490] {strides = array<i32>} : memref<4x16x1024xf32, #tpu.memory_space<vmem>>, vector<1x1x16xf32>,
        %swap3A_492 = vector.shape_cast %swap3A_491 : vector<1x1x16xf32> to vector<16xf32>
        %swap3A_493 = vector.shape_cast %mul3A_486 : vector<16xf32> to vector<1x1x16xf32>
        tpu.vector_store %arg6[%swap3A_488, %swap3A_489, %swap3A_490], %swap3A_493 {strides = array<i32>} : memref<4x16x1024xf32, #tpu.memory_space<vmem>>, vector<1x1x16xf32>,
        %get3A_494 = arith.constant 1 : i32
        %get3A_495 = arith.index_cast %get3A_494 : i32 to index
        %get3A_496 = arith.index_cast %add3A_255 : i32 to index
        %get3A_497 = arith.constant 240 : index
        %get3A_498 = tpu.vector_load %arg6[%get3A_495, %get3A_496, %get3A_497] {strides = array<i32>} : memref<4x16x1024xf32, #tpu.memory_space<vmem>>, vector<1x1x16xf32>,
        %get3A_499 = vector.shape_cast %get3A_498 : vector<1x1x16xf32> to vector<16xf32>
        %mul3A_500 = arith.constant 3.200000e+01 : f32
        %mul3A_501 = vector.broadcast %mul3A_500 : f32 to vector<16xf32>
        %mul3A_502 = arith.mulf %get3A_499, %mul3A_501 : vector<16xf32>
        %swap3A_503 = arith.constant 1 : i32
        %swap3A_504 = arith.index_cast %swap3A_503 : i32 to index
        %swap3A_505 = arith.index_cast %add3A_255 : i32 to index
        %swap3A_506 = arith.constant 240 : index
        %swap3A_507 = tpu.vector_load %arg6[%swap3A_504, %swap3A_505, %swap3A_506] {strides = array<i32>} : memref<4x16x1024xf32, #tpu.memory_space<vmem>>, vector<1x1x16xf32>,
        %swap3A_508 = vector.shape_cast %swap3A_507 : vector<1x1x16xf32> to vector<16xf32>
        %swap3A_509 = vector.shape_cast %mul3A_502 : vector<16xf32> to vector<1x1x16xf32>
        tpu.vector_store %arg6[%swap3A_504, %swap3A_505, %swap3A_506], %swap3A_509 {strides = array<i32>} : memref<4x16x1024xf32, #tpu.memory_space<vmem>>, vector<1x1x16xf32>,
        %get3A_510 = arith.constant 1 : i32
        %get3A_511 = arith.index_cast %get3A_510 : i32 to index
        %get3A_512 = arith.index_cast %add3A_255 : i32 to index
        %get3A_513 = arith.constant 256 : index
        %get3A_514 = tpu.vector_load %arg6[%get3A_511, %get3A_512, %get3A_513] {strides = array<i32>} : memref<4x16x1024xf32, #tpu.memory_space<vmem>>, vector<1x1x16xf32>,
        %get3A_515 = vector.shape_cast %get3A_514 : vector<1x1x16xf32> to vector<16xf32>
        %mul3A_516 = arith.constant 3.200000e+01 : f32
        %mul3A_517 = vector.broadcast %mul3A_516 : f32 to vector<16xf32>
        %mul3A_518 = arith.mulf %get3A_515, %mul3A_517 : vector<16xf32>
        %swap3A_519 = arith.constant 1 : i32
        %swap3A_520 = arith.index_cast %swap3A_519 : i32 to index
        %swap3A_521 = arith.index_cast %add3A_255 : i32 to index
        %swap3A_522 = arith.constant 256 : index
        %swap3A_523 = tpu.vector_load %arg6[%swap3A_520, %swap3A_521, %swap3A_522] {strides = array<i32>} : memref<4x16x1024xf32, #tpu.memory_space<vmem>>, vector<1x1x16xf32>,
        %swap3A_524 = vector.shape_cast %swap3A_523 : vector<1x1x16xf32> to vector<16xf32>
        %swap3A_525 = vector.shape_cast %mul3A_518 : vector<16xf32> to vector<1x1x16xf32>
        tpu.vector_store %arg6[%swap3A_520, %swap3A_521, %swap3A_522], %swap3A_525 {strides = array<i32>} : memref<4x16x1024xf32, #tpu.memory_space<vmem>>, vector<1x1x16xf32>,
        %get3A_526 = arith.constant 1 : i32
        %get3A_527 = arith.index_cast %get3A_526 : i32 to index
        %get3A_528 = arith.index_cast %add3A_255 : i32 to index
        %get3A_529 = arith.constant 272 : index
        %get3A_530 = tpu.vector_load %arg6[%get3A_527, %get3A_528, %get3A_529] {strides = array<i32>} : memref<4x16x1024xf32, #tpu.memory_space<vmem>>, vector<1x1x16xf32>,
        %get3A_531 = vector.shape_cast %get3A_530 : vector<1x1x16xf32> to vector<16xf32>
        %mul3A_532 = arith.constant 3.200000e+01 : f32
        %mul3A_533 = vector.broadcast %mul3A_532 : f32 to vector<16xf32>
        %mul3A_534 = arith.mulf %get3A_531, %mul3A_533 : vector<16xf32>
        %swap3A_535 = arith.constant 1 : i32
        %swap3A_536 = arith.index_cast %swap3A_535 : i32 to index
        %swap3A_537 = arith.index_cast %add3A_255 : i32 to index
        %swap3A_538 = arith.constant 272 : index
        %swap3A_539 = tpu.vector_load %arg6[%swap3A_536, %swap3A_537, %swap3A_538] {strides = array<i32>} : memref<4x16x1024xf32, #tpu.memory_space<vmem>>, vector<1x1x16xf32>,
        %swap3A_540 = vector.shape_cast %swap3A_539 : vector<1x1x16xf32> to vector<16xf32>
        %swap3A_541 = vector.shape_cast %mul3A_534 : vector<16xf32> to vector<1x1x16xf32>
        tpu.vector_store %arg6[%swap3A_536, %swap3A_537, %swap3A_538], %swap3A_541 {strides = array<i32>} : memref<4x16x1024xf32, #tpu.memory_space<vmem>>, vector<1x1x16xf32>,
        %get3A_542 = arith.constant 1 : i32
        %get3A_543 = arith.index_cast %get3A_542 : i32 to index
        %get3A_544 = arith.index_cast %add3A_255 : i32 to index
        %get3A_545 = arith.constant 288 : index
        %get3A_546 = tpu.vector_load %arg6[%get3A_543, %get3A_544, %get3A_545] {strides = array<i32>} : memref<4x16x1024xf32, #tpu.memory_space<vmem>>, vector<1x1x16xf32>,
        %get3A_547 = vector.shape_cast %get3A_546 : vector<1x1x16xf32> to vector<16xf32>
        %mul3A_548 = arith.constant 3.200000e+01 : f32
        %mul3A_549 = vector.broadcast %mul3A_548 : f32 to vector<16xf32>
        %mul3A_550 = arith.mulf %get3A_547, %mul3A_549 : vector<16xf32>
        %swap3A_551 = arith.constant 1 : i32
        %swap3A_552 = arith.index_cast %swap3A_551 : i32 to index
        %swap3A_553 = arith.index_cast %add3A_255 : i32 to index
        %swap3A_554 = arith.constant 288 : index
        %swap3A_555 = tpu.vector_load %arg6[%swap3A_552, %swap3A_553, %swap3A_554] {strides = array<i32>} : memref<4x16x1024xf32, #tpu.memory_space<vmem>>, vector<1x1x16xf32>,
        %swap3A_556 = vector.shape_cast %swap3A_555 : vector<1x1x16xf32> to vector<16xf32>
        %swap3A_557 = vector.shape_cast %mul3A_550 : vector<16xf32> to vector<1x1x16xf32>
        tpu.vector_store %arg6[%swap3A_552, %swap3A_553, %swap3A_554], %swap3A_557 {strides = array<i32>} : memref<4x16x1024xf32, #tpu.memory_space<vmem>>, vector<1x1x16xf32>,
        %get3A_558 = arith.constant 1 : i32
        %get3A_559 = arith.index_cast %get3A_558 : i32 to index
        %get3A_560 = arith.index_cast %add3A_255 : i32 to index
        %get3A_561 = arith.constant 304 : index
        %get3A_562 = tpu.vector_load %arg6[%get3A_559, %get3A_560, %get3A_561] {strides = array<i32>} : memref<4x16x1024xf32, #tpu.memory_space<vmem>>, vector<1x1x16xf32>,
        %get3A_563 = vector.shape_cast %get3A_562 : vector<1x1x16xf32> to vector<16xf32>
        %mul3A_564 = arith.constant 3.200000e+01 : f32
        %mul3A_565 = vector.broadcast %mul3A_564 : f32 to vector<16xf32>
        %mul3A_566 = arith.mulf %get3A_563, %mul3A_565 : vector<16xf32>
        %swap3A_567 = arith.constant 1 : i32
        %swap3A_568 = arith.index_cast %swap3A_567 : i32 to index
        %swap3A_569 = arith.index_cast %add3A_255 : i32 to index
        %swap3A_570 = arith.constant 304 : index
        %swap3A_571 = tpu.vector_load %arg6[%swap3A_568, %swap3A_569, %swap3A_570] {strides = array<i32>} : memref<4x16x1024xf32, #tpu.memory_space<vmem>>, vector<1x1x16xf32>,
        %swap3A_572 = vector.shape_cast %swap3A_571 : vector<1x1x16xf32> to vector<16xf32>
        %swap3A_573 = vector.shape_cast %mul3A_566 : vector<16xf32> to vector<1x1x16xf32>
        tpu.vector_store %arg6[%swap3A_568, %swap3A_569, %swap3A_570], %swap3A_573 {strides = array<i32>} : memref<4x16x1024xf32, #tpu.memory_space<vmem>>, vector<1x1x16xf32>,
        %get3A_574 = arith.constant 1 : i32
        %get3A_575 = arith.index_cast %get3A_574 : i32 to index
        %get3A_576 = arith.index_cast %add3A_255 : i32 to index
        %get3A_577 = arith.constant 320 : index
        %get3A_578 = tpu.vector_load %arg6[%get3A_575, %get3A_576, %get3A_577] {strides = array<i32>} : memref<4x16x1024xf32, #tpu.memory_space<vmem>>, vector<1x1x16xf32>,
        %get3A_579 = vector.shape_cast %get3A_578 : vector<1x1x16xf32> to vector<16xf32>
        %mul3A_580 = arith.constant 3.200000e+01 : f32
        %mul3A_581 = vector.broadcast %mul3A_580 : f32 to vector<16xf32>
        %mul3A_582 = arith.mulf %get3A_579, %mul3A_581 : vector<16xf32>
        %swap3A_583 = arith.constant 1 : i32
        %swap3A_584 = arith.index_cast %swap3A_583 : i32 to index
        %swap3A_585 = arith.index_cast %add3A_255 : i32 to index
        %swap3A_586 = arith.constant 320 : index
        %swap3A_587 = tpu.vector_load %arg6[%swap3A_584, %swap3A_585, %swap3A_586] {strides = array<i32>} : memref<4x16x1024xf32, #tpu.memory_space<vmem>>, vector<1x1x16xf32>,
        %swap3A_588 = vector.shape_cast %swap3A_587 : vector<1x1x16xf32> to vector<16xf32>
        %swap3A_589 = vector.shape_cast %mul3A_582 : vector<16xf32> to vector<1x1x16xf32>
        tpu.vector_store %arg6[%swap3A_584, %swap3A_585, %swap3A_586], %swap3A_589 {strides = array<i32>} : memref<4x16x1024xf32, #tpu.memory_space<vmem>>, vector<1x1x16xf32>,
        %get3A_590 = arith.constant 1 : i32
        %get3A_591 = arith.index_cast %get3A_590 : i32 to index
        %get3A_592 = arith.index_cast %add3A_255 : i32 to index
        %get3A_593 = arith.constant 336 : index
        %get3A_594 = tpu.vector_load %arg6[%get3A_591, %get3A_592, %get3A_593] {strides = array<i32>} : memref<4x16x1024xf32, #tpu.memory_space<vmem>>, vector<1x1x16xf32>,
        %get3A_595 = vector.shape_cast %get3A_594 : vector<1x1x16xf32> to vector<16xf32>
        %mul3A_596 = arith.constant 3.200000e+01 : f32
        %mul3A_597 = vector.broadcast %mul3A_596 : f32 to vector<16xf32>
        %mul3A_598 = arith.mulf %get3A_595, %mul3A_597 : vector<16xf32>
        %swap3A_599 = arith.constant 1 : i32
        %swap3A_600 = arith.index_cast %swap3A_599 : i32 to index
        %swap3A_601 = arith.index_cast %add3A_255 : i32 to index
        %swap3A_602 = arith.constant 336 : index
        %swap3A_603 = tpu.vector_load %arg6[%swap3A_600, %swap3A_601, %swap3A_602] {strides = array<i32>} : memref<4x16x1024xf32, #tpu.memory_space<vmem>>, vector<1x1x16xf32>,
        %swap3A_604 = vector.shape_cast %swap3A_603 : vector<1x1x16xf32> to vector<16xf32>
        %swap3A_605 = vector.shape_cast %mul3A_598 : vector<16xf32> to vector<1x1x16xf32>
        tpu.vector_store %arg6[%swap3A_600, %swap3A_601, %swap3A_602], %swap3A_605 {strides = array<i32>} : memref<4x16x1024xf32, #tpu.memory_space<vmem>>, vector<1x1x16xf32>,
        %get3A_606 = arith.constant 1 : i32
        %get3A_607 = arith.index_cast %get3A_606 : i32 to index
        %get3A_608 = arith.index_cast %add3A_255 : i32 to index
        %get3A_609 = arith.constant 352 : index
        %get3A_610 = tpu.vector_load %arg6[%get3A_607, %get3A_608, %get3A_609] {strides = array<i32>} : memref<4x16x1024xf32, #tpu.memory_space<vmem>>, vector<1x1x16xf32>,
        %get3A_611 = vector.shape_cast %get3A_610 : vector<1x1x16xf32> to vector<16xf32>
        %mul3A_612 = arith.constant 3.200000e+01 : f32
        %mul3A_613 = vector.broadcast %mul3A_612 : f32 to vector<16xf32>
        %mul3A_614 = arith.mulf %get3A_611, %mul3A_613 : vector<16xf32>
        %swap3A_615 = arith.constant 1 : i32
        %swap3A_616 = arith.index_cast %swap3A_615 : i32 to index
        %swap3A_617 = arith.index_cast %add3A_255 : i32 to index
        %swap3A_618 = arith.constant 352 : index
        %swap3A_619 = tpu.vector_load %arg6[%swap3A_616, %swap3A_617, %swap3A_618] {strides = array<i32>} : memref<4x16x1024xf32, #tpu.memory_space<vmem>>, vector<1x1x16xf32>,
        %swap3A_620 = vector.shape_cast %swap3A_619 : vector<1x1x16xf32> to vector<16xf32>
        %swap3A_621 = vector.shape_cast %mul3A_614 : vector<16xf32> to vector<1x1x16xf32>
        tpu.vector_store %arg6[%swap3A_616, %swap3A_617, %swap3A_618], %swap3A_621 {strides = array<i32>} : memref<4x16x1024xf32, #tpu.memory_space<vmem>>, vector<1x1x16xf32>,
        %get3A_622 = arith.constant 1 : i32
        %get3A_623 = arith.index_cast %get3A_622 : i32 to index
        %get3A_624 = arith.index_cast %add3A_255 : i32 to index
        %get3A_625 = arith.constant 368 : index
        %get3A_626 = tpu.vector_load %arg6[%get3A_623, %get3A_624, %get3A_625] {strides = array<i32>} : memref<4x16x1024xf32, #tpu.memory_space<vmem>>, vector<1x1x16xf32>,
        %get3A_627 = vector.shape_cast %get3A_626 : vector<1x1x16xf32> to vector<16xf32>
        %mul3A_628 = arith.constant 3.200000e+01 : f32
        %mul3A_629 = vector.broadcast %mul3A_628 : f32 to vector<16xf32>
        %mul3A_630 = arith.mulf %get3A_627, %mul3A_629 : vector<16xf32>
        %swap3A_631 = arith.constant 1 : i32
        %swap3A_632 = arith.index_cast %swap3A_631 : i32 to index
        %swap3A_633 = arith.index_cast %add3A_255 : i32 to index
        %swap3A_634 = arith.constant 368 : index
        %swap3A_635 = tpu.vector_load %arg6[%swap3A_632, %swap3A_633, %swap3A_634] {strides = array<i32>} : memref<4x16x1024xf32, #tpu.memory_space<vmem>>, vector<1x1x16xf32>,
        %swap3A_636 = vector.shape_cast %swap3A_635 : vector<1x1x16xf32> to vector<16xf32>
        %swap3A_637 = vector.shape_cast %mul3A_630 : vector<16xf32> to vector<1x1x16xf32>
        tpu.vector_store %arg6[%swap3A_632, %swap3A_633, %swap3A_634], %swap3A_637 {strides = array<i32>} : memref<4x16x1024xf32, #tpu.memory_space<vmem>>, vector<1x1x16xf32>,
        %get3A_638 = arith.constant 1 : i32
        %get3A_639 = arith.index_cast %get3A_638 : i32 to index
        %get3A_640 = arith.index_cast %add3A_255 : i32 to index
        %get3A_641 = arith.constant 384 : index
        %get3A_642 = tpu.vector_load %arg6[%get3A_639, %get3A_640, %get3A_641] {strides = array<i32>} : memref<4x16x1024xf32, #tpu.memory_space<vmem>>, vector<1x1x16xf32>,
        %get3A_643 = vector.shape_cast %get3A_642 : vector<1x1x16xf32> to vector<16xf32>
        %mul3A_644 = arith.constant 3.200000e+01 : f32
        %mul3A_645 = vector.broadcast %mul3A_644 : f32 to vector<16xf32>
        %mul3A_646 = arith.mulf %get3A_643, %mul3A_645 : vector<16xf32>
        %swap3A_647 = arith.constant 1 : i32
        %swap3A_648 = arith.index_cast %swap3A_647 : i32 to index
        %swap3A_649 = arith.index_cast %add3A_255 : i32 to index
        %swap3A_650 = arith.constant 384 : index
        %swap3A_651 = tpu.vector_load %arg6[%swap3A_648, %swap3A_649, %swap3A_650] {strides = array<i32>} : memref<4x16x1024xf32, #tpu.memory_space<vmem>>, vector<1x1x16xf32>,
        %swap3A_652 = vector.shape_cast %swap3A_651 : vector<1x1x16xf32> to vector<16xf32>
        %swap3A_653 = vector.shape_cast %mul3A_646 : vector<16xf32> to vector<1x1x16xf32>
        tpu.vector_store %arg6[%swap3A_648, %swap3A_649, %swap3A_650], %swap3A_653 {strides = array<i32>} : memref<4x16x1024xf32, #tpu.memory_space<vmem>>, vector<1x1x16xf32>,
        %get3A_654 = arith.constant 1 : i32
        %get3A_655 = arith.index_cast %get3A_654 : i32 to index
        %get3A_656 = arith.index_cast %add3A_255 : i32 to index
        %get3A_657 = arith.constant 400 : index
        %get3A_658 = tpu.vector_load %arg6[%get3A_655, %get3A_656, %get3A_657] {strides = array<i32>} : memref<4x16x1024xf32, #tpu.memory_space<vmem>>, vector<1x1x16xf32>,
        %get3A_659 = vector.shape_cast %get3A_658 : vector<1x1x16xf32> to vector<16xf32>
        %mul3A_660 = arith.constant 3.200000e+01 : f32
        %mul3A_661 = vector.broadcast %mul3A_660 : f32 to vector<16xf32>
        %mul3A_662 = arith.mulf %get3A_659, %mul3A_661 : vector<16xf32>
        %swap3A_663 = arith.constant 1 : i32
        %swap3A_664 = arith.index_cast %swap3A_663 : i32 to index
        %swap3A_665 = arith.index_cast %add3A_255 : i32 to index
        %swap3A_666 = arith.constant 400 : index
        %swap3A_667 = tpu.vector_load %arg6[%swap3A_664, %swap3A_665, %swap3A_666] {strides = array<i32>} : memref<4x16x1024xf32, #tpu.memory_space<vmem>>, vector<1x1x16xf32>,
        %swap3A_668 = vector.shape_cast %swap3A_667 : vector<1x1x16xf32> to vector<16xf32>
        %swap3A_669 = vector.shape_cast %mul3A_662 : vector<16xf32> to vector<1x1x16xf32>
        tpu.vector_store %arg6[%swap3A_664, %swap3A_665, %swap3A_666], %swap3A_669 {strides = array<i32>} : memref<4x16x1024xf32, #tpu.memory_space<vmem>>, vector<1x1x16xf32>,
        %get3A_670 = arith.constant 1 : i32
        %get3A_671 = arith.index_cast %get3A_670 : i32 to index
        %get3A_672 = arith.index_cast %add3A_255 : i32 to index
        %get3A_673 = arith.constant 416 : index
        %get3A_674 = tpu.vector_load %arg6[%get3A_671, %get3A_672, %get3A_673] {strides = array<i32>} : memref<4x16x1024xf32, #tpu.memory_space<vmem>>, vector<1x1x16xf32>,
        %get3A_675 = vector.shape_cast %get3A_674 : vector<1x1x16xf32> to vector<16xf32>
        %mul3A_676 = arith.constant 3.200000e+01 : f32
        %mul3A_677 = vector.broadcast %mul3A_676 : f32 to vector<16xf32>
        %mul3A_678 = arith.mulf %get3A_675, %mul3A_677 : vector<16xf32>
        %swap3A_679 = arith.constant 1 : i32
        %swap3A_680 = arith.index_cast %swap3A_679 : i32 to index
        %swap3A_681 = arith.index_cast %add3A_255 : i32 to index
        %swap3A_682 = arith.constant 416 : index
        %swap3A_683 = tpu.vector_load %arg6[%swap3A_680, %swap3A_681, %swap3A_682] {strides = array<i32>} : memref<4x16x1024xf32, #tpu.memory_space<vmem>>, vector<1x1x16xf32>,
        %swap3A_684 = vector.shape_cast %swap3A_683 : vector<1x1x16xf32> to vector<16xf32>
        %swap3A_685 = vector.shape_cast %mul3A_678 : vector<16xf32> to vector<1x1x16xf32>
        tpu.vector_store %arg6[%swap3A_680, %swap3A_681, %swap3A_682], %swap3A_685 {strides = array<i32>} : memref<4x16x1024xf32, #tpu.memory_space<vmem>>, vector<1x1x16xf32>,
        %get3A_686 = arith.constant 1 : i32
        %get3A_687 = arith.index_cast %get3A_686 : i32 to index
        %get3A_688 = arith.index_cast %add3A_255 : i32 to index
        %get3A_689 = arith.constant 432 : index
        %get3A_690 = tpu.vector_load %arg6[%get3A_687, %get3A_688, %get3A_689] {strides = array<i32>} : memref<4x16x1024xf32, #tpu.memory_space<vmem>>, vector<1x1x16xf32>,
        %get3A_691 = vector.shape_cast %get3A_690 : vector<1x1x16xf32> to vector<16xf32>
        %mul3A_692 = arith.constant 3.200000e+01 : f32
        %mul3A_693 = vector.broadcast %mul3A_692 : f32 to vector<16xf32>
        %mul3A_694 = arith.mulf %get3A_691, %mul3A_693 : vector<16xf32>
        %swap3A_695 = arith.constant 1 : i32
        %swap3A_696 = arith.index_cast %swap3A_695 : i32 to index
        %swap3A_697 = arith.index_cast %add3A_255 : i32 to index
        %swap3A_698 = arith.constant 432 : index
        %swap3A_699 = tpu.vector_load %arg6[%swap3A_696, %swap3A_697, %swap3A_698] {strides = array<i32>} : memref<4x16x1024xf32, #tpu.memory_space<vmem>>, vector<1x1x16xf32>,
        %swap3A_700 = vector.shape_cast %swap3A_699 : vector<1x1x16xf32> to vector<16xf32>
        %swap3A_701 = vector.shape_cast %mul3A_694 : vector<16xf32> to vector<1x1x16xf32>
        tpu.vector_store %arg6[%swap3A_696, %swap3A_697, %swap3A_698], %swap3A_701 {strides = array<i32>} : memref<4x16x1024xf32, #tpu.memory_space<vmem>>, vector<1x1x16xf32>,
        %get3A_702 = arith.constant 1 : i32
        %get3A_703 = arith.index_cast %get3A_702 : i32 to index
        %get3A_704 = arith.index_cast %add3A_255 : i32 to index
        %get3A_705 = arith.constant 448 : index
        %get3A_706 = tpu.vector_load %arg6[%get3A_703, %get3A_704, %get3A_705] {strides = array<i32>} : memref<4x16x1024xf32, #tpu.memory_space<vmem>>, vector<1x1x16xf32>,
        %get3A_707 = vector.shape_cast %get3A_706 : vector<1x1x16xf32> to vector<16xf32>
        %mul3A_708 = arith.constant 3.200000e+01 : f32
        %mul3A_709 = vector.broadcast %mul3A_708 : f32 to vector<16xf32>
        %mul3A_710 = arith.mulf %get3A_707, %mul3A_709 : vector<16xf32>
        %swap3A_711 = arith.constant 1 : i32
        %swap3A_712 = arith.index_cast %swap3A_711 : i32 to index
        %swap3A_713 = arith.index_cast %add3A_255 : i32 to index
        %swap3A_714 = arith.constant 448 : index
        %swap3A_715 = tpu.vector_load %arg6[%swap3A_712, %swap3A_713, %swap3A_714] {strides = array<i32>} : memref<4x16x1024xf32, #tpu.memory_space<vmem>>, vector<1x1x16xf32>,
        %swap3A_716 = vector.shape_cast %swap3A_715 : vector<1x1x16xf32> to vector<16xf32>
        %swap3A_717 = vector.shape_cast %mul3A_710 : vector<16xf32> to vector<1x1x16xf32>
        tpu.vector_store %arg6[%swap3A_712, %swap3A_713, %swap3A_714], %swap3A_717 {strides = array<i32>} : memref<4x16x1024xf32, #tpu.memory_space<vmem>>, vector<1x1x16xf32>,
        %get3A_718 = arith.constant 1 : i32
        %get3A_719 = arith.index_cast %get3A_718 : i32 to index
        %get3A_720 = arith.index_cast %add3A_255 : i32 to index
        %get3A_721 = arith.constant 464 : index
        %get3A_722 = tpu.vector_load %arg6[%get3A_719, %get3A_720, %get3A_721] {strides = array<i32>} : memref<4x16x1024xf32, #tpu.memory_space<vmem>>, vector<1x1x16xf32>,
        %get3A_723 = vector.shape_cast %get3A_722 : vector<1x1x16xf32> to vector<16xf32>
        %mul3A_724 = arith.constant 3.200000e+01 : f32
        %mul3A_725 = vector.broadcast %mul3A_724 : f32 to vector<16xf32>
        %mul3A_726 = arith.mulf %get3A_723, %mul3A_725 : vector<16xf32>
        %swap3A_727 = arith.constant 1 : i32
        %swap3A_728 = arith.index_cast %swap3A_727 : i32 to index
        %swap3A_729 = arith.index_cast %add3A_255 : i32 to index
        %swap3A_730 = arith.constant 464 : index
        %swap3A_731 = tpu.vector_load %arg6[%swap3A_728, %swap3A_729, %swap3A_730] {strides = array<i32>} : memref<4x16x1024xf32, #tpu.memory_space<vmem>>, vector<1x1x16xf32>,
        %swap3A_732 = vector.shape_cast %swap3A_731 : vector<1x1x16xf32> to vector<16xf32>
        %swap3A_733 = vector.shape_cast %mul3A_726 : vector<16xf32> to vector<1x1x16xf32>
        tpu.vector_store %arg6[%swap3A_728, %swap3A_729, %swap3A_730], %swap3A_733 {strides = array<i32>} : memref<4x16x1024xf32, #tpu.memory_space<vmem>>, vector<1x1x16xf32>,
        %get3A_734 = arith.constant 1 : i32
        %get3A_735 = arith.index_cast %get3A_734 : i32 to index
        %get3A_736 = arith.index_cast %add3A_255 : i32 to index
        %get3A_737 = arith.constant 480 : index
        %get3A_738 = tpu.vector_load %arg6[%get3A_735, %get3A_736, %get3A_737] {strides = array<i32>} : memref<4x16x1024xf32, #tpu.memory_space<vmem>>, vector<1x1x16xf32>,
        %get3A_739 = vector.shape_cast %get3A_738 : vector<1x1x16xf32> to vector<16xf32>
        %mul3A_740 = arith.constant 3.200000e+01 : f32
        %mul3A_741 = vector.broadcast %mul3A_740 : f32 to vector<16xf32>
        %mul3A_742 = arith.mulf %get3A_739, %mul3A_741 : vector<16xf32>
        %swap3A_743 = arith.constant 1 : i32
        %swap3A_744 = arith.index_cast %swap3A_743 : i32 to index
        %swap3A_745 = arith.index_cast %add3A_255 : i32 to index
        %swap3A_746 = arith.constant 480 : index
        %swap3A_747 = tpu.vector_load %arg6[%swap3A_744, %swap3A_745, %swap3A_746] {strides = array<i32>} : memref<4x16x1024xf32, #tpu.memory_space<vmem>>, vector<1x1x16xf32>,
        %swap3A_748 = vector.shape_cast %swap3A_747 : vector<1x1x16xf32> to vector<16xf32>
        %swap3A_749 = vector.shape_cast %mul3A_742 : vector<16xf32> to vector<1x1x16xf32>
        tpu.vector_store %arg6[%swap3A_744, %swap3A_745, %swap3A_746], %swap3A_749 {strides = array<i32>} : memref<4x16x1024xf32, #tpu.memory_space<vmem>>, vector<1x1x16xf32>,
        %get3A_750 = arith.constant 1 : i32
        %get3A_751 = arith.index_cast %get3A_750 : i32 to index
        %get3A_752 = arith.index_cast %add3A_255 : i32 to index
        %get3A_753 = arith.constant 496 : index
        %get3A_754 = tpu.vector_load %arg6[%get3A_751, %get3A_752, %get3A_753] {strides = array<i32>} : memref<4x16x1024xf32, #tpu.memory_space<vmem>>, vector<1x1x16xf32>,
        %get3A_755 = vector.shape_cast %get3A_754 : vector<1x1x16xf32> to vector<16xf32>
        %mul3A_756 = arith.constant 3.200000e+01 : f32
        %mul3A_757 = vector.broadcast %mul3A_756 : f32 to vector<16xf32>
        %mul3A_758 = arith.mulf %get3A_755, %mul3A_757 : vector<16xf32>
        %swap3A_759 = arith.constant 1 : i32
        %swap3A_760 = arith.index_cast %swap3A_759 : i32 to index
        %swap3A_761 = arith.index_cast %add3A_255 : i32 to index
        %swap3A_762 = arith.constant 496 : index
        %swap3A_763 = tpu.vector_load %arg6[%swap3A_760, %swap3A_761, %swap3A_762] {strides = array<i32>} : memref<4x16x1024xf32, #tpu.memory_space<vmem>>, vector<1x1x16xf32>,
        %swap3A_764 = vector.shape_cast %swap3A_763 : vector<1x1x16xf32> to vector<16xf32>
        %swap3A_765 = vector.shape_cast %mul3A_758 : vector<16xf32> to vector<1x1x16xf32>
        tpu.vector_store %arg6[%swap3A_760, %swap3A_761, %swap3A_762], %swap3A_765 {strides = array<i32>} : memref<4x16x1024xf32, #tpu.memory_space<vmem>>, vector<1x1x16xf32>,
        %get3A_766 = arith.constant 1 : i32
        %get3A_767 = arith.index_cast %get3A_766 : i32 to index
        %get3A_768 = arith.index_cast %add3A_255 : i32 to index
        %get3A_769 = arith.constant 512 : index
        %get3A_770 = tpu.vector_load %arg6[%get3A_767, %get3A_768, %get3A_769] {strides = array<i32>} : memref<4x16x1024xf32, #tpu.memory_space<vmem>>, vector<1x1x16xf32>,
        %get3A_771 = vector.shape_cast %get3A_770 : vector<1x1x16xf32> to vector<16xf32>
        %mul3A_772 = arith.constant 3.200000e+01 : f32
        %mul3A_773 = vector.broadcast %mul3A_772 : f32 to vector<16xf32>
        %mul3A_774 = arith.mulf %get3A_771, %mul3A_773 : vector<16xf32>
        %swap3A_775 = arith.constant 1 : i32
        %swap3A_776 = arith.index_cast %swap3A_775 : i32 to index
        %swap3A_777 = arith.index_cast %add3A_255 : i32 to index
        %swap3A_778 = arith.constant 512 : index
        %swap3A_779 = tpu.vector_load %arg6[%swap3A_776, %swap3A_777, %swap3A_778] {strides = array<i32>} : memref<4x16x1024xf32, #tpu.memory_space<vmem>>, vector<1x1x16xf32>,
        %swap3A_780 = vector.shape_cast %swap3A_779 : vector<1x1x16xf32> to vector<16xf32>
        %swap3A_781 = vector.shape_cast %mul3A_774 : vector<16xf32> to vector<1x1x16xf32>
        tpu.vector_store %arg6[%swap3A_776, %swap3A_777, %swap3A_778], %swap3A_781 {strides = array<i32>} : memref<4x16x1024xf32, #tpu.memory_space<vmem>>, vector<1x1x16xf32>,
        %get3A_782 = arith.constant 1 : i32
        %get3A_783 = arith.index_cast %get3A_782 : i32 to index
        %get3A_784 = arith.index_cast %add3A_255 : i32 to index
        %get3A_785 = arith.constant 528 : index
        %get3A_786 = tpu.vector_load %arg6[%get3A_783, %get3A_784, %get3A_785] {strides = array<i32>} : memref<4x16x1024xf32, #tpu.memory_space<vmem>>, vector<1x1x16xf32>,
        %get3A_787 = vector.shape_cast %get3A_786 : vector<1x1x16xf32> to vector<16xf32>
        %mul3A_788 = arith.constant 3.200000e+01 : f32
        %mul3A_789 = vector.broadcast %mul3A_788 : f32 to vector<16xf32>
        %mul3A_790 = arith.mulf %get3A_787, %mul3A_789 : vector<16xf32>
        %swap3A_791 = arith.constant 1 : i32
        %swap3A_792 = arith.index_cast %swap3A_791 : i32 to index
        %swap3A_793 = arith.index_cast %add3A_255 : i32 to index
        %swap3A_794 = arith.constant 528 : index
        %swap3A_795 = tpu.vector_load %arg6[%swap3A_792, %swap3A_793, %swap3A_794] {strides = array<i32>} : memref<4x16x1024xf32, #tpu.memory_space<vmem>>, vector<1x1x16xf32>,
        %swap3A_796 = vector.shape_cast %swap3A_795 : vector<1x1x16xf32> to vector<16xf32>
        %swap3A_797 = vector.shape_cast %mul3A_790 : vector<16xf32> to vector<1x1x16xf32>
        tpu.vector_store %arg6[%swap3A_792, %swap3A_793, %swap3A_794], %swap3A_797 {strides = array<i32>} : memref<4x16x1024xf32, #tpu.memory_space<vmem>>, vector<1x1x16xf32>,
        %get3A_798 = arith.constant 1 : i32
        %get3A_799 = arith.index_cast %get3A_798 : i32 to index
        %get3A_800 = arith.index_cast %add3A_255 : i32 to index
        %get3A_801 = arith.constant 544 : index
        %get3A_802 = tpu.vector_load %arg6[%get3A_799, %get3A_800, %get3A_801] {strides = array<i32>} : memref<4x16x1024xf32, #tpu.memory_space<vmem>>, vector<1x1x16xf32>,
        %get3A_803 = vector.shape_cast %get3A_802 : vector<1x1x16xf32> to vector<16xf32>
        %mul3A_804 = arith.constant 3.200000e+01 : f32
        %mul3A_805 = vector.broadcast %mul3A_804 : f32 to vector<16xf32>
        %mul3A_806 = arith.mulf %get3A_803, %mul3A_805 : vector<16xf32>
        %swap3A_807 = arith.constant 1 : i32
        %swap3A_808 = arith.index_cast %swap3A_807 : i32 to index
        %swap3A_809 = arith.index_cast %add3A_255 : i32 to index
        %swap3A_810 = arith.constant 544 : index
        %swap3A_811 = tpu.vector_load %arg6[%swap3A_808, %swap3A_809, %swap3A_810] {strides = array<i32>} : memref<4x16x1024xf32, #tpu.memory_space<vmem>>, vector<1x1x16xf32>,
        %swap3A_812 = vector.shape_cast %swap3A_811 : vector<1x1x16xf32> to vector<16xf32>
        %swap3A_813 = vector.shape_cast %mul3A_806 : vector<16xf32> to vector<1x1x16xf32>
        tpu.vector_store %arg6[%swap3A_808, %swap3A_809, %swap3A_810], %swap3A_813 {strides = array<i32>} : memref<4x16x1024xf32, #tpu.memory_space<vmem>>, vector<1x1x16xf32>,
        %get3A_814 = arith.constant 1 : i32
        %get3A_815 = arith.index_cast %get3A_814 : i32 to index
        %get3A_816 = arith.index_cast %add3A_255 : i32 to index
        %get3A_817 = arith.constant 560 : index
        %get3A_818 = tpu.vector_load %arg6[%get3A_815, %get3A_816, %get3A_817] {strides = array<i32>} : memref<4x16x1024xf32, #tpu.memory_space<vmem>>, vector<1x1x16xf32>,
        %get3A_819 = vector.shape_cast %get3A_818 : vector<1x1x16xf32> to vector<16xf32>
        %mul3A_820 = arith.constant 3.200000e+01 : f32
        %mul3A_821 = vector.broadcast %mul3A_820 : f32 to vector<16xf32>
        %mul3A_822 = arith.mulf %get3A_819, %mul3A_821 : vector<16xf32>
        %swap3A_823 = arith.constant 1 : i32
        %swap3A_824 = arith.index_cast %swap3A_823 : i32 to index
        %swap3A_825 = arith.index_cast %add3A_255 : i32 to index
        %swap3A_826 = arith.constant 560 : index
        %swap3A_827 = tpu.vector_load %arg6[%swap3A_824, %swap3A_825, %swap3A_826] {strides = array<i32>} : memref<4x16x1024xf32, #tpu.memory_space<vmem>>, vector<1x1x16xf32>,
        %swap3A_828 = vector.shape_cast %swap3A_827 : vector<1x1x16xf32> to vector<16xf32>
        %swap3A_829 = vector.shape_cast %mul3A_822 : vector<16xf32> to vector<1x1x16xf32>
        tpu.vector_store %arg6[%swap3A_824, %swap3A_825, %swap3A_826], %swap3A_829 {strides = array<i32>} : memref<4x16x1024xf32, #tpu.memory_space<vmem>>, vector<1x1x16xf32>,
        %get3A_830 = arith.constant 1 : i32
        %get3A_831 = arith.index_cast %get3A_830 : i32 to index
        %get3A_832 = arith.index_cast %add3A_255 : i32 to index
        %get3A_833 = arith.constant 576 : index
        %get3A_834 = tpu.vector_load %arg6[%get3A_831, %get3A_832, %get3A_833] {strides = array<i32>} : memref<4x16x1024xf32, #tpu.memory_space<vmem>>, vector<1x1x16xf32>,
        %get3A_835 = vector.shape_cast %get3A_834 : vector<1x1x16xf32> to vector<16xf32>
        %mul3A_836 = arith.constant 3.200000e+01 : f32
        %mul3A_837 = vector.broadcast %mul3A_836 : f32 to vector<16xf32>
        %mul3A_838 = arith.mulf %get3A_835, %mul3A_837 : vector<16xf32>
        %swap3A_839 = arith.constant 1 : i32
        %swap3A_840 = arith.index_cast %swap3A_839 : i32 to index
        %swap3A_841 = arith.index_cast %add3A_255 : i32 to index
        %swap3A_842 = arith.constant 576 : index
        %swap3A_843 = tpu.vector_load %arg6[%swap3A_840, %swap3A_841, %swap3A_842] {strides = array<i32>} : memref<4x16x1024xf32, #tpu.memory_space<vmem>>, vector<1x1x16xf32>,
        %swap3A_844 = vector.shape_cast %swap3A_843 : vector<1x1x16xf32> to vector<16xf32>
        %swap3A_845 = vector.shape_cast %mul3A_838 : vector<16xf32> to vector<1x1x16xf32>
        tpu.vector_store %arg6[%swap3A_840, %swap3A_841, %swap3A_842], %swap3A_845 {strides = array<i32>} : memref<4x16x1024xf32, #tpu.memory_space<vmem>>, vector<1x1x16xf32>,
        %get3A_846 = arith.constant 1 : i32
        %get3A_847 = arith.index_cast %get3A_846 : i32 to index
        %get3A_848 = arith.index_cast %add3A_255 : i32 to index
        %get3A_849 = arith.constant 592 : index
        %get3A_850 = tpu.vector_load %arg6[%get3A_847, %get3A_848, %get3A_849] {strides = array<i32>} : memref<4x16x1024xf32, #tpu.memory_space<vmem>>, vector<1x1x16xf32>,
        %get3A_851 = vector.shape_cast %get3A_850 : vector<1x1x16xf32> to vector<16xf32>
        %mul3A_852 = arith.constant 3.200000e+01 : f32
        %mul3A_853 = vector.broadcast %mul3A_852 : f32 to vector<16xf32>
        %mul3A_854 = arith.mulf %get3A_851, %mul3A_853 : vector<16xf32>
        %swap3A_855 = arith.constant 1 : i32
        %swap3A_856 = arith.index_cast %swap3A_855 : i32 to index
        %swap3A_857 = arith.index_cast %add3A_255 : i32 to index
        %swap3A_858 = arith.constant 592 : index
        %swap3A_859 = tpu.vector_load %arg6[%swap3A_856, %swap3A_857, %swap3A_858] {strides = array<i32>} : memref<4x16x1024xf32, #tpu.memory_space<vmem>>, vector<1x1x16xf32>,
        %swap3A_860 = vector.shape_cast %swap3A_859 : vector<1x1x16xf32> to vector<16xf32>
        %swap3A_861 = vector.shape_cast %mul3A_854 : vector<16xf32> to vector<1x1x16xf32>
        tpu.vector_store %arg6[%swap3A_856, %swap3A_857, %swap3A_858], %swap3A_861 {strides = array<i32>} : memref<4x16x1024xf32, #tpu.memory_space<vmem>>, vector<1x1x16xf32>,
        %get3A_862 = arith.constant 1 : i32
        %get3A_863 = arith.index_cast %get3A_862 : i32 to index
        %get3A_864 = arith.index_cast %add3A_255 : i32 to index
        %get3A_865 = arith.constant 608 : index
        %get3A_866 = tpu.vector_load %arg6[%get3A_863, %get3A_864, %get3A_865] {strides = array<i32>} : memref<4x16x1024xf32, #tpu.memory_space<vmem>>, vector<1x1x16xf32>,
        %get3A_867 = vector.shape_cast %get3A_866 : vector<1x1x16xf32> to vector<16xf32>
        %mul3A_868 = arith.constant 3.200000e+01 : f32
        %mul3A_869 = vector.broadcast %mul3A_868 : f32 to vector<16xf32>
        %mul3A_870 = arith.mulf %get3A_867, %mul3A_869 : vector<16xf32>
        %swap3A_871 = arith.constant 1 : i32
        %swap3A_872 = arith.index_cast %swap3A_871 : i32 to index
        %swap3A_873 = arith.index_cast %add3A_255 : i32 to index
        %swap3A_874 = arith.constant 608 : index
        %swap3A_875 = tpu.vector_load %arg6[%swap3A_872, %swap3A_873, %swap3A_874] {strides = array<i32>} : memref<4x16x1024xf32, #tpu.memory_space<vmem>>, vector<1x1x16xf32>,
        %swap3A_876 = vector.shape_cast %swap3A_875 : vector<1x1x16xf32> to vector<16xf32>
        %swap3A_877 = vector.shape_cast %mul3A_870 : vector<16xf32> to vector<1x1x16xf32>
        tpu.vector_store %arg6[%swap3A_872, %swap3A_873, %swap3A_874], %swap3A_877 {strides = array<i32>} : memref<4x16x1024xf32, #tpu.memory_space<vmem>>, vector<1x1x16xf32>,
        %get3A_878 = arith.constant 1 : i32
        %get3A_879 = arith.index_cast %get3A_878 : i32 to index
        %get3A_880 = arith.index_cast %add3A_255 : i32 to index
        %get3A_881 = arith.constant 624 : index
        %get3A_882 = tpu.vector_load %arg6[%get3A_879, %get3A_880, %get3A_881] {strides = array<i32>} : memref<4x16x1024xf32, #tpu.memory_space<vmem>>, vector<1x1x16xf32>,
        %get3A_883 = vector.shape_cast %get3A_882 : vector<1x1x16xf32> to vector<16xf32>
        %mul3A_884 = arith.constant 3.200000e+01 : f32
        %mul3A_885 = vector.broadcast %mul3A_884 : f32 to vector<16xf32>
        %mul3A_886 = arith.mulf %get3A_883, %mul3A_885 : vector<16xf32>
        %swap3A_887 = arith.constant 1 : i32
        %swap3A_888 = arith.index_cast %swap3A_887 : i32 to index
        %swap3A_889 = arith.index_cast %add3A_255 : i32 to index
        %swap3A_890 = arith.constant 624 : index
        %swap3A_891 = tpu.vector_load %arg6[%swap3A_888, %swap3A_889, %swap3A_890] {strides = array<i32>} : memref<4x16x1024xf32, #tpu.memory_space<vmem>>, vector<1x1x16xf32>,
        %swap3A_892 = vector.shape_cast %swap3A_891 : vector<1x1x16xf32> to vector<16xf32>
        %swap3A_893 = vector.shape_cast %mul3A_886 : vector<16xf32> to vector<1x1x16xf32>
        tpu.vector_store %arg6[%swap3A_888, %swap3A_889, %swap3A_890], %swap3A_893 {strides = array<i32>} : memref<4x16x1024xf32, #tpu.memory_space<vmem>>, vector<1x1x16xf32>,
        %get3A_894 = arith.constant 1 : i32
        %get3A_895 = arith.index_cast %get3A_894 : i32 to index
        %get3A_896 = arith.index_cast %add3A_255 : i32 to index
        %get3A_897 = arith.constant 640 : index
        %get3A_898 = tpu.vector_load %arg6[%get3A_895, %get3A_896, %get3A_897] {strides = array<i32>} : memref<4x16x1024xf32, #tpu.memory_space<vmem>>, vector<1x1x16xf32>,
        %get3A_899 = vector.shape_cast %get3A_898 : vector<1x1x16xf32> to vector<16xf32>
        %mul3A_900 = arith.constant 3.200000e+01 : f32
        %mul3A_901 = vector.broadcast %mul3A_900 : f32 to vector<16xf32>
        %mul3A_902 = arith.mulf %get3A_899, %mul3A_901 : vector<16xf32>
        %swap3A_903 = arith.constant 1 : i32
        %swap3A_904 = arith.index_cast %swap3A_903 : i32 to index
        %swap3A_905 = arith.index_cast %add3A_255 : i32 to index
        %swap3A_906 = arith.constant 640 : index
        %swap3A_907 = tpu.vector_load %arg6[%swap3A_904, %swap3A_905, %swap3A_906] {strides = array<i32>} : memref<4x16x1024xf32, #tpu.memory_space<vmem>>, vector<1x1x16xf32>,
        %swap3A_908 = vector.shape_cast %swap3A_907 : vector<1x1x16xf32> to vector<16xf32>
        %swap3A_909 = vector.shape_cast %mul3A_902 : vector<16xf32> to vector<1x1x16xf32>
        tpu.vector_store %arg6[%swap3A_904, %swap3A_905, %swap3A_906], %swap3A_909 {strides = array<i32>} : memref<4x16x1024xf32, #tpu.memory_space<vmem>>, vector<1x1x16xf32>,
        %get3A_910 = arith.constant 1 : i32
        %get3A_911 = arith.index_cast %get3A_910 : i32 to index
        %get3A_912 = arith.index_cast %add3A_255 : i32 to index
        %get3A_913 = arith.constant 656 : index
        %get3A_914 = tpu.vector_load %arg6[%get3A_911, %get3A_912, %get3A_913] {strides = array<i32>} : memref<4x16x1024xf32, #tpu.memory_space<vmem>>, vector<1x1x16xf32>,
        %get3A_915 = vector.shape_cast %get3A_914 : vector<1x1x16xf32> to vector<16xf32>
        %mul3A_916 = arith.constant 3.200000e+01 : f32
        %mul3A_917 = vector.broadcast %mul3A_916 : f32 to vector<16xf32>
        %mul3A_918 = arith.mulf %get3A_915, %mul3A_917 : vector<16xf32>
        %swap3A_919 = arith.constant 1 : i32
        %swap3A_920 = arith.index_cast %swap3A_919 : i32 to index
        %swap3A_921 = arith.index_cast %add3A_255 : i32 to index
        %swap3A_922 = arith.constant 656 : index
        %swap3A_923 = tpu.vector_load %arg6[%swap3A_920, %swap3A_921, %swap3A_922] {strides = array<i32>} : memref<4x16x1024xf32, #tpu.memory_space<vmem>>, vector<1x1x16xf32>,
        %swap3A_924 = vector.shape_cast %swap3A_923 : vector<1x1x16xf32> to vector<16xf32>
        %swap3A_925 = vector.shape_cast %mul3A_918 : vector<16xf32> to vector<1x1x16xf32>
        tpu.vector_store %arg6[%swap3A_920, %swap3A_921, %swap3A_922], %swap3A_925 {strides = array<i32>} : memref<4x16x1024xf32, #tpu.memory_space<vmem>>, vector<1x1x16xf32>,
        %get3A_926 = arith.constant 1 : i32
        %get3A_927 = arith.index_cast %get3A_926 : i32 to index
        %get3A_928 = arith.index_cast %add3A_255 : i32 to index
        %get3A_929 = arith.constant 672 : index
        %get3A_930 = tpu.vector_load %arg6[%get3A_927, %get3A_928, %get3A_929] {strides = array<i32>} : memref<4x16x1024xf32, #tpu.memory_space<vmem>>, vector<1x1x16xf32>,
        %get3A_931 = vector.shape_cast %get3A_930 : vector<1x1x16xf32> to vector<16xf32>
        %mul3A_932 = arith.constant 3.200000e+01 : f32
        %mul3A_933 = vector.broadcast %mul3A_932 : f32 to vector<16xf32>
        %mul3A_934 = arith.mulf %get3A_931, %mul3A_933 : vector<16xf32>
        %swap3A_935 = arith.constant 1 : i32
        %swap3A_936 = arith.index_cast %swap3A_935 : i32 to index
        %swap3A_937 = arith.index_cast %add3A_255 : i32 to index
        %swap3A_938 = arith.constant 672 : index
        %swap3A_939 = tpu.vector_load %arg6[%swap3A_936, %swap3A_937, %swap3A_938] {strides = array<i32>} : memref<4x16x1024xf32, #tpu.memory_space<vmem>>, vector<1x1x16xf32>,
        %swap3A_940 = vector.shape_cast %swap3A_939 : vector<1x1x16xf32> to vector<16xf32>
        %swap3A_941 = vector.shape_cast %mul3A_934 : vector<16xf32> to vector<1x1x16xf32>
        tpu.vector_store %arg6[%swap3A_936, %swap3A_937, %swap3A_938], %swap3A_941 {strides = array<i32>} : memref<4x16x1024xf32, #tpu.memory_space<vmem>>, vector<1x1x16xf32>,
        %get3A_942 = arith.constant 1 : i32
        %get3A_943 = arith.index_cast %get3A_942 : i32 to index
        %get3A_944 = arith.index_cast %add3A_255 : i32 to index
        %get3A_945 = arith.constant 688 : index
        %get3A_946 = tpu.vector_load %arg6[%get3A_943, %get3A_944, %get3A_945] {strides = array<i32>} : memref<4x16x1024xf32, #tpu.memory_space<vmem>>, vector<1x1x16xf32>,
        %get3A_947 = vector.shape_cast %get3A_946 : vector<1x1x16xf32> to vector<16xf32>
        %mul3A_948 = arith.constant 3.200000e+01 : f32
        %mul3A_949 = vector.broadcast %mul3A_948 : f32 to vector<16xf32>
        %mul3A_950 = arith.mulf %get3A_947, %mul3A_949 : vector<16xf32>
        %swap3A_951 = arith.constant 1 : i32
        %swap3A_952 = arith.index_cast %swap3A_951 : i32 to index
        %swap3A_953 = arith.index_cast %add3A_255 : i32 to index
        %swap3A_954 = arith.constant 688 : index
        %swap3A_955 = tpu.vector_load %arg6[%swap3A_952, %swap3A_953, %swap3A_954] {strides = array<i32>} : memref<4x16x1024xf32, #tpu.memory_space<vmem>>, vector<1x1x16xf32>,
        %swap3A_956 = vector.shape_cast %swap3A_955 : vector<1x1x16xf32> to vector<16xf32>
        %swap3A_957 = vector.shape_cast %mul3A_950 : vector<16xf32> to vector<1x1x16xf32>
        tpu.vector_store %arg6[%swap3A_952, %swap3A_953, %swap3A_954], %swap3A_957 {strides = array<i32>} : memref<4x16x1024xf32, #tpu.memory_space<vmem>>, vector<1x1x16xf32>,
        %get3A_958 = arith.constant 1 : i32
        %get3A_959 = arith.index_cast %get3A_958 : i32 to index
        %get3A_960 = arith.index_cast %add3A_255 : i32 to index
        %get3A_961 = arith.constant 704 : index
        %get3A_962 = tpu.vector_load %arg6[%get3A_959, %get3A_960, %get3A_961] {strides = array<i32>} : memref<4x16x1024xf32, #tpu.memory_space<vmem>>, vector<1x1x16xf32>,
        %get3A_963 = vector.shape_cast %get3A_962 : vector<1x1x16xf32> to vector<16xf32>
        %mul3A_964 = arith.constant 3.200000e+01 : f32
        %mul3A_965 = vector.broadcast %mul3A_964 : f32 to vector<16xf32>
        %mul3A_966 = arith.mulf %get3A_963, %mul3A_965 : vector<16xf32>
        %swap3A_967 = arith.constant 1 : i32
        %swap3A_968 = arith.index_cast %swap3A_967 : i32 to index
        %swap3A_969 = arith.index_cast %add3A_255 : i32 to index
        %swap3A_970 = arith.constant 704 : index
        %swap3A_971 = tpu.vector_load %arg6[%swap3A_968, %swap3A_969, %swap3A_970] {strides = array<i32>} : memref<4x16x1024xf32, #tpu.memory_space<vmem>>, vector<1x1x16xf32>,
        %swap3A_972 = vector.shape_cast %swap3A_971 : vector<1x1x16xf32> to vector<16xf32>
        %swap3A_973 = vector.shape_cast %mul3A_966 : vector<16xf32> to vector<1x1x16xf32>
        tpu.vector_store %arg6[%swap3A_968, %swap3A_969, %swap3A_970], %swap3A_973 {strides = array<i32>} : memref<4x16x1024xf32, #tpu.memory_space<vmem>>, vector<1x1x16xf32>,
        %get3A_974 = arith.constant 1 : i32
        %get3A_975 = arith.index_cast %get3A_974 : i32 to index
        %get3A_976 = arith.index_cast %add3A_255 : i32 to index
        %get3A_977 = arith.constant 720 : index
        %get3A_978 = tpu.vector_load %arg6[%get3A_975, %get3A_976, %get3A_977] {strides = array<i32>} : memref<4x16x1024xf32, #tpu.memory_space<vmem>>, vector<1x1x16xf32>,
        %get3A_979 = vector.shape_cast %get3A_978 : vector<1x1x16xf32> to vector<16xf32>
        %mul3A_980 = arith.constant 3.200000e+01 : f32
        %mul3A_981 = vector.broadcast %mul3A_980 : f32 to vector<16xf32>
        %mul3A_982 = arith.mulf %get3A_979, %mul3A_981 : vector<16xf32>
        %swap3A_983 = arith.constant 1 : i32
        %swap3A_984 = arith.index_cast %swap3A_983 : i32 to index
        %swap3A_985 = arith.index_cast %add3A_255 : i32 to index
        %swap3A_986 = arith.constant 720 : index
        %swap3A_987 = tpu.vector_load %arg6[%swap3A_984, %swap3A_985, %swap3A_986] {strides = array<i32>} : memref<4x16x1024xf32, #tpu.memory_space<vmem>>, vector<1x1x16xf32>,
        %swap3A_988 = vector.shape_cast %swap3A_987 : vector<1x1x16xf32> to vector<16xf32>
        %swap3A_989 = vector.shape_cast %mul3A_982 : vector<16xf32> to vector<1x1x16xf32>
        tpu.vector_store %arg6[%swap3A_984, %swap3A_985, %swap3A_986], %swap3A_989 {strides = array<i32>} : memref<4x16x1024xf32, #tpu.memory_space<vmem>>, vector<1x1x16xf32>,
        %get3A_990 = arith.constant 1 : i32
        %get3A_991 = arith.index_cast %get3A_990 : i32 to index
        %get3A_992 = arith.index_cast %add3A_255 : i32 to index
        %get3A_993 = arith.constant 736 : index
        %get3A_994 = tpu.vector_load %arg6[%get3A_991, %get3A_992, %get3A_993] {strides = array<i32>} : memref<4x16x1024xf32, #tpu.memory_space<vmem>>, vector<1x1x16xf32>,
        %get3A_995 = vector.shape_cast %get3A_994 : vector<1x1x16xf32> to vector<16xf32>
        %mul3A_996 = arith.constant 3.200000e+01 : f32
        %mul3A_997 = vector.broadcast %mul3A_996 : f32 to vector<16xf32>
        %mul3A_998 = arith.mulf %get3A_995, %mul3A_997 : vector<16xf32>
        %swap3A_999 = arith.constant 1 : i32
        %swap3A_1000 = arith.index_cast %swap3A_999 : i32 to index
        %swap3A_1001 = arith.index_cast %add3A_255 : i32 to index
        %swap3A_1002 = arith.constant 736 : index
        %swap3A_1003 = tpu.vector_load %arg6[%swap3A_1000, %swap3A_1001, %swap3A_1002] {strides = array<i32>} : memref<4x16x1024xf32, #tpu.memory_space<vmem>>, vector<1x1x16xf32>,
        %swap3A_1004 = vector.shape_cast %swap3A_1003 : vector<1x1x16xf32> to vector<16xf32>
        %swap3A_1005 = vector.shape_cast %mul3A_998 : vector<16xf32> to vector<1x1x16xf32>
        tpu.vector_store %arg6[%swap3A_1000, %swap3A_1001, %swap3A_1002], %swap3A_1005 {strides = array<i32>} : memref<4x16x1024xf32, #tpu.memory_space<vmem>>, vector<1x1x16xf32>,
        %get3A_1006 = arith.constant 1 : i32
        %get3A_1007 = arith.index_cast %get3A_1006 : i32 to index
        %get3A_1008 = arith.index_cast %add3A_255 : i32 to index
        %get3A_1009 = arith.constant 752 : index
        %get3A_1010 = tpu.vector_load %arg6[%get3A_1007, %get3A_1008, %get3A_1009] {strides = array<i32>} : memref<4x16x1024xf32, #tpu.memory_space<vmem>>, vector<1x1x16xf32>,
        %get3A_1011 = vector.shape_cast %get3A_1010 : vector<1x1x16xf32> to vector<16xf32>
        %mul3A_1012 = arith.constant 3.200000e+01 : f32
        %mul3A_1013 = vector.broadcast %mul3A_1012 : f32 to vector<16xf32>
        %mul3A_1014 = arith.mulf %get3A_1011, %mul3A_1013 : vector<16xf32>
        %swap3A_1015 = arith.constant 1 : i32
        %swap3A_1016 = arith.index_cast %swap3A_1015 : i32 to index
        %swap3A_1017 = arith.index_cast %add3A_255 : i32 to index
        %swap3A_1018 = arith.constant 752 : index
        %swap3A_1019 = tpu.vector_load %arg6[%swap3A_1016, %swap3A_1017, %swap3A_1018] {strides = array<i32>} : memref<4x16x1024xf32, #tpu.memory_space<vmem>>, vector<1x1x16xf32>,
        %swap3A_1020 = vector.shape_cast %swap3A_1019 : vector<1x1x16xf32> to vector<16xf32>
        %swap3A_1021 = vector.shape_cast %mul3A_1014 : vector<16xf32> to vector<1x1x16xf32>
        tpu.vector_store %arg6[%swap3A_1016, %swap3A_1017, %swap3A_1018], %swap3A_1021 {strides = array<i32>} : memref<4x16x1024xf32, #tpu.memory_space<vmem>>, vector<1x1x16xf32>,
        %get3A_1022 = arith.constant 1 : i32
        %get3A_1023 = arith.index_cast %get3A_1022 : i32 to index
        %get3A_1024 = arith.index_cast %add3A_255 : i32 to index
        %get3A_1025 = arith.constant 768 : index
        %get3A_1026 = tpu.vector_load %arg6[%get3A_1023, %get3A_1024, %get3A_1025] {strides = array<i32>} : memref<4x16x1024xf32, #tpu.memory_space<vmem>>, vector<1x1x16xf32>,
        %get3A_1027 = vector.shape_cast %get3A_1026 : vector<1x1x16xf32> to vector<16xf32>
        %mul3A_1028 = arith.constant 3.200000e+01 : f32
        %mul3A_1029 = vector.broadcast %mul3A_1028 : f32 to vector<16xf32>
        %mul3A_1030 = arith.mulf %get3A_1027, %mul3A_1029 : vector<16xf32>
        %swap3A_1031 = arith.constant 1 : i32
        %swap3A_1032 = arith.index_cast %swap3A_1031 : i32 to index
        %swap3A_1033 = arith.index_cast %add3A_255 : i32 to index
        %swap3A_1034 = arith.constant 768 : index
        %swap3A_1035 = tpu.vector_load %arg6[%swap3A_1032, %swap3A_1033, %swap3A_1034] {strides = array<i32>} : memref<4x16x1024xf32, #tpu.memory_space<vmem>>, vector<1x1x16xf32>,
        %swap3A_1036 = vector.shape_cast %swap3A_1035 : vector<1x1x16xf32> to vector<16xf32>
        %swap3A_1037 = vector.shape_cast %mul3A_1030 : vector<16xf32> to vector<1x1x16xf32>
        tpu.vector_store %arg6[%swap3A_1032, %swap3A_1033, %swap3A_1034], %swap3A_1037 {strides = array<i32>} : memref<4x16x1024xf32, #tpu.memory_space<vmem>>, vector<1x1x16xf32>,
        %get3A_1038 = arith.constant 1 : i32
        %get3A_1039 = arith.index_cast %get3A_1038 : i32 to index
        %get3A_1040 = arith.index_cast %add3A_255 : i32 to index
        %get3A_1041 = arith.constant 784 : index
        %get3A_1042 = tpu.vector_load %arg6[%get3A_1039, %get3A_1040, %get3A_1041] {strides = array<i32>} : memref<4x16x1024xf32, #tpu.memory_space<vmem>>, vector<1x1x16xf32>,
        %get3A_1043 = vector.shape_cast %get3A_1042 : vector<1x1x16xf32> to vector<16xf32>
        %mul3A_1044 = arith.constant 3.200000e+01 : f32
        %mul3A_1045 = vector.broadcast %mul3A_1044 : f32 to vector<16xf32>
        %mul3A_1046 = arith.mulf %get3A_1043, %mul3A_1045 : vector<16xf32>
        %swap3A_1047 = arith.constant 1 : i32
        %swap3A_1048 = arith.index_cast %swap3A_1047 : i32 to index
        %swap3A_1049 = arith.index_cast %add3A_255 : i32 to index
        %swap3A_1050 = arith.constant 784 : index
        %swap3A_1051 = tpu.vector_load %arg6[%swap3A_1048, %swap3A_1049, %swap3A_1050] {strides = array<i32>} : memref<4x16x1024xf32, #tpu.memory_space<vmem>>, vector<1x1x16xf32>,
        %swap3A_1052 = vector.shape_cast %swap3A_1051 : vector<1x1x16xf32> to vector<16xf32>
        %swap3A_1053 = vector.shape_cast %mul3A_1046 : vector<16xf32> to vector<1x1x16xf32>
        tpu.vector_store %arg6[%swap3A_1048, %swap3A_1049, %swap3A_1050], %swap3A_1053 {strides = array<i32>} : memref<4x16x1024xf32, #tpu.memory_space<vmem>>, vector<1x1x16xf32>,
        %get3A_1054 = arith.constant 1 : i32
        %get3A_1055 = arith.index_cast %get3A_1054 : i32 to index
        %get3A_1056 = arith.index_cast %add3A_255 : i32 to index
        %get3A_1057 = arith.constant 800 : index
        %get3A_1058 = tpu.vector_load %arg6[%get3A_1055, %get3A_1056, %get3A_1057] {strides = array<i32>} : memref<4x16x1024xf32, #tpu.memory_space<vmem>>, vector<1x1x16xf32>,
        %get3A_1059 = vector.shape_cast %get3A_1058 : vector<1x1x16xf32> to vector<16xf32>
        %mul3A_1060 = arith.constant 3.200000e+01 : f32
        %mul3A_1061 = vector.broadcast %mul3A_1060 : f32 to vector<16xf32>
        %mul3A_1062 = arith.mulf %get3A_1059, %mul3A_1061 : vector<16xf32>
        %swap3A_1063 = arith.constant 1 : i32
        %swap3A_1064 = arith.index_cast %swap3A_1063 : i32 to index
        %swap3A_1065 = arith.index_cast %add3A_255 : i32 to index
        %swap3A_1066 = arith.constant 800 : index
        %swap3A_1067 = tpu.vector_load %arg6[%swap3A_1064, %swap3A_1065, %swap3A_1066] {strides = array<i32>} : memref<4x16x1024xf32, #tpu.memory_space<vmem>>, vector<1x1x16xf32>,
        %swap3A_1068 = vector.shape_cast %swap3A_1067 : vector<1x1x16xf32> to vector<16xf32>
        %swap3A_1069 = vector.shape_cast %mul3A_1062 : vector<16xf32> to vector<1x1x16xf32>
        tpu.vector_store %arg6[%swap3A_1064, %swap3A_1065, %swap3A_1066], %swap3A_1069 {strides = array<i32>} : memref<4x16x1024xf32, #tpu.memory_space<vmem>>, vector<1x1x16xf32>,
        %get3A_1070 = arith.constant 1 : i32
        %get3A_1071 = arith.index_cast %get3A_1070 : i32 to index
        %get3A_1072 = arith.index_cast %add3A_255 : i32 to index
        %get3A_1073 = arith.constant 816 : index
        %get3A_1074 = tpu.vector_load %arg6[%get3A_1071, %get3A_1072, %get3A_1073] {strides = array<i32>} : memref<4x16x1024xf32, #tpu.memory_space<vmem>>, vector<1x1x16xf32>,
        %get3A_1075 = vector.shape_cast %get3A_1074 : vector<1x1x16xf32> to vector<16xf32>
        %mul3A_1076 = arith.constant 3.200000e+01 : f32
        %mul3A_1077 = vector.broadcast %mul3A_1076 : f32 to vector<16xf32>
        %mul3A_1078 = arith.mulf %get3A_1075, %mul3A_1077 : vector<16xf32>
        %swap3A_1079 = arith.constant 1 : i32
        %swap3A_1080 = arith.index_cast %swap3A_1079 : i32 to index
        %swap3A_1081 = arith.index_cast %add3A_255 : i32 to index
        %swap3A_1082 = arith.constant 816 : index
        %swap3A_1083 = tpu.vector_load %arg6[%swap3A_1080, %swap3A_1081, %swap3A_1082] {strides = array<i32>} : memref<4x16x1024xf32, #tpu.memory_space<vmem>>, vector<1x1x16xf32>,
        %swap3A_1084 = vector.shape_cast %swap3A_1083 : vector<1x1x16xf32> to vector<16xf32>
        %swap3A_1085 = vector.shape_cast %mul3A_1078 : vector<16xf32> to vector<1x1x16xf32>
        tpu.vector_store %arg6[%swap3A_1080, %swap3A_1081, %swap3A_1082], %swap3A_1085 {strides = array<i32>} : memref<4x16x1024xf32, #tpu.memory_space<vmem>>, vector<1x1x16xf32>,
        %get3A_1086 = arith.constant 1 : i32
        %get3A_1087 = arith.index_cast %get3A_1086 : i32 to index
        %get3A_1088 = arith.index_cast %add3A_255 : i32 to index
        %get3A_1089 = arith.constant 832 : index
        %get3A_1090 = tpu.vector_load %arg6[%get3A_1087, %get3A_1088, %get3A_1089] {strides = array<i32>} : memref<4x16x1024xf32, #tpu.memory_space<vmem>>, vector<1x1x16xf32>,
        %get3A_1091 = vector.shape_cast %get3A_1090 : vector<1x1x16xf32> to vector<16xf32>
        %mul3A_1092 = arith.constant 3.200000e+01 : f32
        %mul3A_1093 = vector.broadcast %mul3A_1092 : f32 to vector<16xf32>
        %mul3A_1094 = arith.mulf %get3A_1091, %mul3A_1093 : vector<16xf32>
        %swap3A_1095 = arith.constant 1 : i32
        %swap3A_1096 = arith.index_cast %swap3A_1095 : i32 to index
        %swap3A_1097 = arith.index_cast %add3A_255 : i32 to index
        %swap3A_1098 = arith.constant 832 : index
        %swap3A_1099 = tpu.vector_load %arg6[%swap3A_1096, %swap3A_1097, %swap3A_1098] {strides = array<i32>} : memref<4x16x1024xf32, #tpu.memory_space<vmem>>, vector<1x1x16xf32>,
        %swap3A_1100 = vector.shape_cast %swap3A_1099 : vector<1x1x16xf32> to vector<16xf32>
        %swap3A_1101 = vector.shape_cast %mul3A_1094 : vector<16xf32> to vector<1x1x16xf32>
        tpu.vector_store %arg6[%swap3A_1096, %swap3A_1097, %swap3A_1098], %swap3A_1101 {strides = array<i32>} : memref<4x16x1024xf32, #tpu.memory_space<vmem>>, vector<1x1x16xf32>,
        %get3A_1102 = arith.constant 1 : i32
        %get3A_1103 = arith.index_cast %get3A_1102 : i32 to index
        %get3A_1104 = arith.index_cast %add3A_255 : i32 to index
        %get3A_1105 = arith.constant 848 : index
        %get3A_1106 = tpu.vector_load %arg6[%get3A_1103, %get3A_1104, %get3A_1105] {strides = array<i32>} : memref<4x16x1024xf32, #tpu.memory_space<vmem>>, vector<1x1x16xf32>,
        %get3A_1107 = vector.shape_cast %get3A_1106 : vector<1x1x16xf32> to vector<16xf32>
        %mul3A_1108 = arith.constant 3.200000e+01 : f32
        %mul3A_1109 = vector.broadcast %mul3A_1108 : f32 to vector<16xf32>
        %mul3A_1110 = arith.mulf %get3A_1107, %mul3A_1109 : vector<16xf32>
        %swap3A_1111 = arith.constant 1 : i32
        %swap3A_1112 = arith.index_cast %swap3A_1111 : i32 to index
        %swap3A_1113 = arith.index_cast %add3A_255 : i32 to index
        %swap3A_1114 = arith.constant 848 : index
        %swap3A_1115 = tpu.vector_load %arg6[%swap3A_1112, %swap3A_1113, %swap3A_1114] {strides = array<i32>} : memref<4x16x1024xf32, #tpu.memory_space<vmem>>, vector<1x1x16xf32>,
        %swap3A_1116 = vector.shape_cast %swap3A_1115 : vector<1x1x16xf32> to vector<16xf32>
        %swap3A_1117 = vector.shape_cast %mul3A_1110 : vector<16xf32> to vector<1x1x16xf32>
        tpu.vector_store %arg6[%swap3A_1112, %swap3A_1113, %swap3A_1114], %swap3A_1117 {strides = array<i32>} : memref<4x16x1024xf32, #tpu.memory_space<vmem>>, vector<1x1x16xf32>,
        %get3A_1118 = arith.constant 1 : i32
        %get3A_1119 = arith.index_cast %get3A_1118 : i32 to index
        %get3A_1120 = arith.index_cast %add3A_255 : i32 to index
        %get3A_1121 = arith.constant 864 : index
        %get3A_1122 = tpu.vector_load %arg6[%get3A_1119, %get3A_1120, %get3A_1121] {strides = array<i32>} : memref<4x16x1024xf32, #tpu.memory_space<vmem>>, vector<1x1x16xf32>,
        %get3A_1123 = vector.shape_cast %get3A_1122 : vector<1x1x16xf32> to vector<16xf32>
        %mul3A_1124 = arith.constant 3.200000e+01 : f32
        %mul3A_1125 = vector.broadcast %mul3A_1124 : f32 to vector<16xf32>
        %mul3A_1126 = arith.mulf %get3A_1123, %mul3A_1125 : vector<16xf32>
        %swap3A_1127 = arith.constant 1 : i32
        %swap3A_1128 = arith.index_cast %swap3A_1127 : i32 to index
        %swap3A_1129 = arith.index_cast %add3A_255 : i32 to index
        %swap3A_1130 = arith.constant 864 : index
        %swap3A_1131 = tpu.vector_load %arg6[%swap3A_1128, %swap3A_1129, %swap3A_1130] {strides = array<i32>} : memref<4x16x1024xf32, #tpu.memory_space<vmem>>, vector<1x1x16xf32>,
        %swap3A_1132 = vector.shape_cast %swap3A_1131 : vector<1x1x16xf32> to vector<16xf32>
        %swap3A_1133 = vector.shape_cast %mul3A_1126 : vector<16xf32> to vector<1x1x16xf32>
        tpu.vector_store %arg6[%swap3A_1128, %swap3A_1129, %swap3A_1130], %swap3A_1133 {strides = array<i32>} : memref<4x16x1024xf32, #tpu.memory_space<vmem>>, vector<1x1x16xf32>,
        %get3A_1134 = arith.constant 1 : i32
        %get3A_1135 = arith.index_cast %get3A_1134 : i32 to index
        %get3A_1136 = arith.index_cast %add3A_255 : i32 to index
        %get3A_1137 = arith.constant 880 : index
        %get3A_1138 = tpu.vector_load %arg6[%get3A_1135, %get3A_1136, %get3A_1137] {strides = array<i32>} : memref<4x16x1024xf32, #tpu.memory_space<vmem>>, vector<1x1x16xf32>,
        %get3A_1139 = vector.shape_cast %get3A_1138 : vector<1x1x16xf32> to vector<16xf32>
        %mul3A_1140 = arith.constant 3.200000e+01 : f32
        %mul3A_1141 = vector.broadcast %mul3A_1140 : f32 to vector<16xf32>
        %mul3A_1142 = arith.mulf %get3A_1139, %mul3A_1141 : vector<16xf32>
        %swap3A_1143 = arith.constant 1 : i32
        %swap3A_1144 = arith.index_cast %swap3A_1143 : i32 to index
        %swap3A_1145 = arith.index_cast %add3A_255 : i32 to index
        %swap3A_1146 = arith.constant 880 : index
        %swap3A_1147 = tpu.vector_load %arg6[%swap3A_1144, %swap3A_1145, %swap3A_1146] {strides = array<i32>} : memref<4x16x1024xf32, #tpu.memory_space<vmem>>, vector<1x1x16xf32>,
        %swap3A_1148 = vector.shape_cast %swap3A_1147 : vector<1x1x16xf32> to vector<16xf32>
        %swap3A_1149 = vector.shape_cast %mul3A_1142 : vector<16xf32> to vector<1x1x16xf32>
        tpu.vector_store %arg6[%swap3A_1144, %swap3A_1145, %swap3A_1146], %swap3A_1149 {strides = array<i32>} : memref<4x16x1024xf32, #tpu.memory_space<vmem>>, vector<1x1x16xf32>,
        %get3A_1150 = arith.constant 1 : i32
        %get3A_1151 = arith.index_cast %get3A_1150 : i32 to index
        %get3A_1152 = arith.index_cast %add3A_255 : i32 to index
        %get3A_1153 = arith.constant 896 : index
        %get3A_1154 = tpu.vector_load %arg6[%get3A_1151, %get3A_1152, %get3A_1153] {strides = array<i32>} : memref<4x16x1024xf32, #tpu.memory_space<vmem>>, vector<1x1x16xf32>,
        %get3A_1155 = vector.shape_cast %get3A_1154 : vector<1x1x16xf32> to vector<16xf32>
        %mul3A_1156 = arith.constant 3.200000e+01 : f32
        %mul3A_1157 = vector.broadcast %mul3A_1156 : f32 to vector<16xf32>
        %mul3A_1158 = arith.mulf %get3A_1155, %mul3A_1157 : vector<16xf32>
        %swap3A_1159 = arith.constant 1 : i32
        %swap3A_1160 = arith.index_cast %swap3A_1159 : i32 to index
        %swap3A_1161 = arith.index_cast %add3A_255 : i32 to index
        %swap3A_1162 = arith.constant 896 : index
        %swap3A_1163 = tpu.vector_load %arg6[%swap3A_1160, %swap3A_1161, %swap3A_1162] {strides = array<i32>} : memref<4x16x1024xf32, #tpu.memory_space<vmem>>, vector<1x1x16xf32>,
        %swap3A_1164 = vector.shape_cast %swap3A_1163 : vector<1x1x16xf32> to vector<16xf32>
        %swap3A_1165 = vector.shape_cast %mul3A_1158 : vector<16xf32> to vector<1x1x16xf32>
        tpu.vector_store %arg6[%swap3A_1160, %swap3A_1161, %swap3A_1162], %swap3A_1165 {strides = array<i32>} : memref<4x16x1024xf32, #tpu.memory_space<vmem>>, vector<1x1x16xf32>,
        %get3A_1166 = arith.constant 1 : i32
        %get3A_1167 = arith.index_cast %get3A_1166 : i32 to index
        %get3A_1168 = arith.index_cast %add3A_255 : i32 to index
        %get3A_1169 = arith.constant 912 : index
        %get3A_1170 = tpu.vector_load %arg6[%get3A_1167, %get3A_1168, %get3A_1169] {strides = array<i32>} : memref<4x16x1024xf32, #tpu.memory_space<vmem>>, vector<1x1x16xf32>,
        %get3A_1171 = vector.shape_cast %get3A_1170 : vector<1x1x16xf32> to vector<16xf32>
        %mul3A_1172 = arith.constant 3.200000e+01 : f32
        %mul3A_1173 = vector.broadcast %mul3A_1172 : f32 to vector<16xf32>
        %mul3A_1174 = arith.mulf %get3A_1171, %mul3A_1173 : vector<16xf32>
        %swap3A_1175 = arith.constant 1 : i32
        %swap3A_1176 = arith.index_cast %swap3A_1175 : i32 to index
        %swap3A_1177 = arith.index_cast %add3A_255 : i32 to index
        %swap3A_1178 = arith.constant 912 : index
        %swap3A_1179 = tpu.vector_load %arg6[%swap3A_1176, %swap3A_1177, %swap3A_1178] {strides = array<i32>} : memref<4x16x1024xf32, #tpu.memory_space<vmem>>, vector<1x1x16xf32>,
        %swap3A_1180 = vector.shape_cast %swap3A_1179 : vector<1x1x16xf32> to vector<16xf32>
        %swap3A_1181 = vector.shape_cast %mul3A_1174 : vector<16xf32> to vector<1x1x16xf32>
        tpu.vector_store %arg6[%swap3A_1176, %swap3A_1177, %swap3A_1178], %swap3A_1181 {strides = array<i32>} : memref<4x16x1024xf32, #tpu.memory_space<vmem>>, vector<1x1x16xf32>,
        %get3A_1182 = arith.constant 1 : i32
        %get3A_1183 = arith.index_cast %get3A_1182 : i32 to index
        %get3A_1184 = arith.index_cast %add3A_255 : i32 to index
        %get3A_1185 = arith.constant 928 : index
        %get3A_1186 = tpu.vector_load %arg6[%get3A_1183, %get3A_1184, %get3A_1185] {strides = array<i32>} : memref<4x16x1024xf32, #tpu.memory_space<vmem>>, vector<1x1x16xf32>,
        %get3A_1187 = vector.shape_cast %get3A_1186 : vector<1x1x16xf32> to vector<16xf32>
        %mul3A_1188 = arith.constant 3.200000e+01 : f32
        %mul3A_1189 = vector.broadcast %mul3A_1188 : f32 to vector<16xf32>
        %mul3A_1190 = arith.mulf %get3A_1187, %mul3A_1189 : vector<16xf32>
        %swap3A_1191 = arith.constant 1 : i32
        %swap3A_1192 = arith.index_cast %swap3A_1191 : i32 to index
        %swap3A_1193 = arith.index_cast %add3A_255 : i32 to index
        %swap3A_1194 = arith.constant 928 : index
        %swap3A_1195 = tpu.vector_load %arg6[%swap3A_1192, %swap3A_1193, %swap3A_1194] {strides = array<i32>} : memref<4x16x1024xf32, #tpu.memory_space<vmem>>, vector<1x1x16xf32>,
        %swap3A_1196 = vector.shape_cast %swap3A_1195 : vector<1x1x16xf32> to vector<16xf32>
        %swap3A_1197 = vector.shape_cast %mul3A_1190 : vector<16xf32> to vector<1x1x16xf32>
        tpu.vector_store %arg6[%swap3A_1192, %swap3A_1193, %swap3A_1194], %swap3A_1197 {strides = array<i32>} : memref<4x16x1024xf32, #tpu.memory_space<vmem>>, vector<1x1x16xf32>,
        %get3A_1198 = arith.constant 1 : i32
        %get3A_1199 = arith.index_cast %get3A_1198 : i32 to index
        %get3A_1200 = arith.index_cast %add3A_255 : i32 to index
        %get3A_1201 = arith.constant 944 : index
        %get3A_1202 = tpu.vector_load %arg6[%get3A_1199, %get3A_1200, %get3A_1201] {strides = array<i32>} : memref<4x16x1024xf32, #tpu.memory_space<vmem>>, vector<1x1x16xf32>,
        %get3A_1203 = vector.shape_cast %get3A_1202 : vector<1x1x16xf32> to vector<16xf32>
        %mul3A_1204 = arith.constant 3.200000e+01 : f32
        %mul3A_1205 = vector.broadcast %mul3A_1204 : f32 to vector<16xf32>
        %mul3A_1206 = arith.mulf %get3A_1203, %mul3A_1205 : vector<16xf32>
        %swap3A_1207 = arith.constant 1 : i32
        %swap3A_1208 = arith.index_cast %swap3A_1207 : i32 to index
        %swap3A_1209 = arith.index_cast %add3A_255 : i32 to index
        %swap3A_1210 = arith.constant 944 : index
        %swap3A_1211 = tpu.vector_load %arg6[%swap3A_1208, %swap3A_1209, %swap3A_1210] {strides = array<i32>} : memref<4x16x1024xf32, #tpu.memory_space<vmem>>, vector<1x1x16xf32>,
        %swap3A_1212 = vector.shape_cast %swap3A_1211 : vector<1x1x16xf32> to vector<16xf32>
        %swap3A_1213 = vector.shape_cast %mul3A_1206 : vector<16xf32> to vector<1x1x16xf32>
        tpu.vector_store %arg6[%swap3A_1208, %swap3A_1209, %swap3A_1210], %swap3A_1213 {strides = array<i32>} : memref<4x16x1024xf32, #tpu.memory_space<vmem>>, vector<1x1x16xf32>,
        %get3A_1214 = arith.constant 1 : i32
        %get3A_1215 = arith.index_cast %get3A_1214 : i32 to index
        %get3A_1216 = arith.index_cast %add3A_255 : i32 to index
        %get3A_1217 = arith.constant 960 : index
        %get3A_1218 = tpu.vector_load %arg6[%get3A_1215, %get3A_1216, %get3A_1217] {strides = array<i32>} : memref<4x16x1024xf32, #tpu.memory_space<vmem>>, vector<1x1x16xf32>,
        %get3A_1219 = vector.shape_cast %get3A_1218 : vector<1x1x16xf32> to vector<16xf32>
        %mul3A_1220 = arith.constant 3.200000e+01 : f32
        %mul3A_1221 = vector.broadcast %mul3A_1220 : f32 to vector<16xf32>
        %mul3A_1222 = arith.mulf %get3A_1219, %mul3A_1221 : vector<16xf32>
        %swap3A_1223 = arith.constant 1 : i32
        %swap3A_1224 = arith.index_cast %swap3A_1223 : i32 to index
        %swap3A_1225 = arith.index_cast %add3A_255 : i32 to index
        %swap3A_1226 = arith.constant 960 : index
        %swap3A_1227 = tpu.vector_load %arg6[%swap3A_1224, %swap3A_1225, %swap3A_1226] {strides = array<i32>} : memref<4x16x1024xf32, #tpu.memory_space<vmem>>, vector<1x1x16xf32>,
        %swap3A_1228 = vector.shape_cast %swap3A_1227 : vector<1x1x16xf32> to vector<16xf32>
        %swap3A_1229 = vector.shape_cast %mul3A_1222 : vector<16xf32> to vector<1x1x16xf32>
        tpu.vector_store %arg6[%swap3A_1224, %swap3A_1225, %swap3A_1226], %swap3A_1229 {strides = array<i32>} : memref<4x16x1024xf32, #tpu.memory_space<vmem>>, vector<1x1x16xf32>,
        %get3A_1230 = arith.constant 1 : i32
        %get3A_1231 = arith.index_cast %get3A_1230 : i32 to index
        %get3A_1232 = arith.index_cast %add3A_255 : i32 to index
        %get3A_1233 = arith.constant 976 : index
        %get3A_1234 = tpu.vector_load %arg6[%get3A_1231, %get3A_1232, %get3A_1233] {strides = array<i32>} : memref<4x16x1024xf32, #tpu.memory_space<vmem>>, vector<1x1x16xf32>,
        %get3A_1235 = vector.shape_cast %get3A_1234 : vector<1x1x16xf32> to vector<16xf32>
        %mul3A_1236 = arith.constant 3.200000e+01 : f32
        %mul3A_1237 = vector.broadcast %mul3A_1236 : f32 to vector<16xf32>
        %mul3A_1238 = arith.mulf %get3A_1235, %mul3A_1237 : vector<16xf32>
        %swap3A_1239 = arith.constant 1 : i32
        %swap3A_1240 = arith.index_cast %swap3A_1239 : i32 to index
        %swap3A_1241 = arith.index_cast %add3A_255 : i32 to index
        %swap3A_1242 = arith.constant 976 : index
        %swap3A_1243 = tpu.vector_load %arg6[%swap3A_1240, %swap3A_1241, %swap3A_1242] {strides = array<i32>} : memref<4x16x1024xf32, #tpu.memory_space<vmem>>, vector<1x1x16xf32>,
        %swap3A_1244 = vector.shape_cast %swap3A_1243 : vector<1x1x16xf32> to vector<16xf32>
        %swap3A_1245 = vector.shape_cast %mul3A_1238 : vector<16xf32> to vector<1x1x16xf32>
        tpu.vector_store %arg6[%swap3A_1240, %swap3A_1241, %swap3A_1242], %swap3A_1245 {strides = array<i32>} : memref<4x16x1024xf32, #tpu.memory_space<vmem>>, vector<1x1x16xf32>,
        %get3A_1246 = arith.constant 1 : i32
        %get3A_1247 = arith.index_cast %get3A_1246 : i32 to index
        %get3A_1248 = arith.index_cast %add3A_255 : i32 to index
        %get3A_1249 = arith.constant 992 : index
        %get3A_1250 = tpu.vector_load %arg6[%get3A_1247, %get3A_1248, %get3A_1249] {strides = array<i32>} : memref<4x16x1024xf32, #tpu.memory_space<vmem>>, vector<1x1x16xf32>,
        %get3A_1251 = vector.shape_cast %get3A_1250 : vector<1x1x16xf32> to vector<16xf32>
        %mul3A_1252 = arith.constant 3.200000e+01 : f32
        %mul3A_1253 = vector.broadcast %mul3A_1252 : f32 to vector<16xf32>
        %mul3A_1254 = arith.mulf %get3A_1251, %mul3A_1253 : vector<16xf32>
        %swap3A_1255 = arith.constant 1 : i32
        %swap3A_1256 = arith.index_cast %swap3A_1255 : i32 to index
        %swap3A_1257 = arith.index_cast %add3A_255 : i32 to index
        %swap3A_1258 = arith.constant 992 : index
        %swap3A_1259 = tpu.vector_load %arg6[%swap3A_1256, %swap3A_1257, %swap3A_1258] {strides = array<i32>} : memref<4x16x1024xf32, #tpu.memory_space<vmem>>, vector<1x1x16xf32>,
        %swap3A_1260 = vector.shape_cast %swap3A_1259 : vector<1x1x16xf32> to vector<16xf32>
        %swap3A_1261 = vector.shape_cast %mul3A_1254 : vector<16xf32> to vector<1x1x16xf32>
        tpu.vector_store %arg6[%swap3A_1256, %swap3A_1257, %swap3A_1258], %swap3A_1261 {strides = array<i32>} : memref<4x16x1024xf32, #tpu.memory_space<vmem>>, vector<1x1x16xf32>,
        %get3A_1262 = arith.constant 1 : i32
        %get3A_1263 = arith.index_cast %get3A_1262 : i32 to index
        %get3A_1264 = arith.index_cast %add3A_255 : i32 to index
        %get3A_1265 = arith.constant 1008 : index
        %get3A_1266 = tpu.vector_load %arg6[%get3A_1263, %get3A_1264, %get3A_1265] {strides = array<i32>} : memref<4x16x1024xf32, #tpu.memory_space<vmem>>, vector<1x1x16xf32>,
        %get3A_1267 = vector.shape_cast %get3A_1266 : vector<1x1x16xf32> to vector<16xf32>
        %mul3A_1268 = arith.constant 3.200000e+01 : f32
        %mul3A_1269 = vector.broadcast %mul3A_1268 : f32 to vector<16xf32>
        %mul3A_1270 = arith.mulf %get3A_1267, %mul3A_1269 : vector<16xf32>
        %swap3A_1271 = arith.constant 1 : i32
        %swap3A_1272 = arith.index_cast %swap3A_1271 : i32 to index
        %swap3A_1273 = arith.index_cast %add3A_255 : i32 to index
        %swap3A_1274 = arith.constant 1008 : index
        %swap3A_1275 = tpu.vector_load %arg6[%swap3A_1272, %swap3A_1273, %swap3A_1274] {strides = array<i32>} : memref<4x16x1024xf32, #tpu.memory_space<vmem>>, vector<1x1x16xf32>,
        %swap3A_1276 = vector.shape_cast %swap3A_1275 : vector<1x1x16xf32> to vector<16xf32>
        %swap3A_1277 = vector.shape_cast %mul3A_1270 : vector<16xf32> to vector<1x1x16xf32>
        tpu.vector_store %arg6[%swap3A_1272, %swap3A_1273, %swap3A_1274], %swap3A_1277 {strides = array<i32>} : memref<4x16x1024xf32, #tpu.memory_space<vmem>>, vector<1x1x16xf32>,
      }
      %scan3A_152 = arith.constant 16 : i32
      %mul3A_153 = arith.constant 16 : i32
      %mul3A_154 = arith.muli %add3A_129, %mul3A_153 : i32
      %add3A_155 = arith.addi %mul3A_2, %mul3A_154 : i32
      %dma_start3A_156 = arith.constant 1 : i32
      %dma_start3A_157 = arith.constant 0 : i32
      %dma_start3A_158 = arith.constant 0 : i32
      %dma_start3A_159 = tpu.memref_slice %arg6[%dma_start3A_156, %dma_start3A_157, %dma_start3A_158] : memref<4x16x1024xf32, #tpu.memory_space<vmem>> -> memref<1x16x1024xf32, #tpu.memory_space<vmem>>
      %dma_start3A_160 = tpu.memref_squeeze %dma_start3A_159 : memref<1x16x1024xf32, #tpu.memory_space<vmem>> -> memref<16x1024xf32, #tpu.memory_space<vmem>>
      %dma_start3A_161 = arith.constant 0 : i32
      %dma_start3A_162 = tpu.memref_slice %arg4[%add3A_155, %dma_start3A_161] : memref<32768x1024xf32, #tpu.memory_space<hbm>> -> memref<16x1024xf32, #tpu.memory_space<hbm>>
      %dma_start3A_163 = arith.constant 0 : i32
      %dma_start3A_164 = tpu.memref_slice %arg4[%add3A_155, %dma_start3A_163] : memref<32768x1024xf32, #tpu.memory_space<hbm>> -> memref<16x1024xf32, #tpu.memory_space<hbm>>
      %dma_start3A_165 = arith.constant 0 : i32
      %dma_start3A_166 = arith.constant 0 : i32
      %dma_start3A_167 = tpu.memref_slice %arg6[%dma_start3A_156, %dma_start3A_165, %dma_start3A_166] : memref<4x16x1024xf32, #tpu.memory_space<vmem>> -> memref<1x16x1024xf32, #tpu.memory_space<vmem>>
      %dma_start3A_168 = tpu.memref_squeeze %dma_start3A_167 : memref<1x16x1024xf32, #tpu.memory_space<vmem>> -> memref<16x1024xf32, #tpu.memory_space<vmem>>
      tpu.enqueue_dma source(%dma_start3A_168 : memref<16x1024xf32, #tpu.memory_space<vmem>>) target(%dma_start3A_164 : memref<16x1024xf32, #tpu.memory_space<hbm>>) target_semaphore(%arg12 : memref<!tpu.dma_semaphore, #tpu.memory_space<semaphore_mem>>)
      %add3A_169 = arith.constant 2 : i32
      %add3A_170 = arith.addi %add3A_89, %add3A_169 : i32
      %mul3A_171 = arith.constant 16 : i32
      %mul3A_172 = arith.muli %add3A_170, %mul3A_171 : i32
      %dma_wait3A_173 = arith.constant 2 : i32
      %dma_wait3A_174 = arith.constant 0 : i32
      %dma_wait3A_175 = arith.constant 0 : i32
      %dma_wait3A_176 = tpu.memref_slice %arg6[%dma_wait3A_173, %dma_wait3A_174, %dma_wait3A_175] : memref<4x16x1024xf32, #tpu.memory_space<vmem>> -> memref<1x16x1024xf32, #tpu.memory_space<vmem>>
      %dma_wait3A_177 = tpu.memref_squeeze %dma_wait3A_176 : memref<1x16x1024xf32, #tpu.memory_space<vmem>> -> memref<16x1024xf32, #tpu.memory_space<vmem>>
      %dma_wait3A_178 = tpu.memref_slice %arg5[%mul3A_172] : memref<1024xi32, #tpu.memory_space<vmem>> -> memref<16xi32, #tpu.memory_space<vmem>>
      %dma_wait3A_179 = arith.constant 0 : i32
      %dma_wait3A_180 = arith.constant 0 : i32
      %dma_wait3A_181 = tpu.memref_slice %arg2[%dma_wait3A_179, %dma_wait3A_180] : memref<100000x1024xf32, #tpu.memory_space<hbm>> -> memref<100000x1024xf32, #tpu.memory_space<hbm>>
      tpu.wait_indirect_dma semaphore(%arg9 : memref<!tpu.dma_semaphore, #tpu.memory_space<semaphore_mem>>) src(%dma_wait3A_181 : memref<100000x1024xf32, #tpu.memory_space<hbm>>) dst(%dma_wait3A_177 : memref<16x1024xf32, #tpu.memory_space<vmem>>)
      %add3A_182 = arith.constant 2 : i32
      %add3A_183 = arith.addi %add3A_170, %add3A_182 : i32
      %lt3A_184 = arith.constant 64 : i32
      %lt3A_185 = arith.cmpi slt, %add3A_183, %lt3A_184 : i32
      %convert_element_type3A_186 = arith.extui %lt3A_185 : i1 to i32
      %cond3A_187 = arith.constant 0 : i32
      %cond3A_188 = arith.cmpi ne, %convert_element_type3A_186, %cond3A_187 : i32
      scf.if %cond3A_188 {
        %ge3A = arith.constant 2 : i32
        %ge3A_251 = arith.cmpi sge, %add3A_170, %ge3A : i32
        %convert_element_type3A_252 = arith.extui %ge3A_251 : i1 to i32
        %cond3A_253 = arith.constant 0 : i32
        %cond3A_254 = arith.cmpi ne, %convert_element_type3A_252, %cond3A_253 : i32
        scf.if %cond3A_254 {
          %sub3A = arith.constant 2 : i32
          %sub3A_268 = arith.subi %add3A_170, %sub3A : i32
          %mul3A_269 = arith.constant 16 : i32
          %mul3A_270 = arith.muli %sub3A_268, %mul3A_269 : i32
          %add3A_271 = arith.addi %mul3A_2, %mul3A_270 : i32
          %dma_wait3A_272 = arith.constant 0 : i32
          %dma_wait3A_273 = arith.constant 0 : i32
          %dma_wait3A_274 = arith.constant 0 : i32
          %dma_wait3A_275 = tpu.memref_slice %arg6[%dma_wait3A_272, %dma_wait3A_273, %dma_wait3A_274] : memref<4x16x1024xf32, #tpu.memory_space<vmem>> -> memref<1x16x1024xf32, #tpu.memory_space<vmem>>
          %dma_wait3A_276 = tpu.memref_squeeze %dma_wait3A_275 : memref<1x16x1024xf32, #tpu.memory_space<vmem>> -> memref<16x1024xf32, #tpu.memory_space<vmem>>
          %dma_wait3A_277 = arith.constant 0 : i32
          %dma_wait3A_278 = tpu.memref_slice %arg4[%add3A_271, %dma_wait3A_277] : memref<32768x1024xf32, #tpu.memory_space<hbm>> -> memref<16x1024xf32, #tpu.memory_space<hbm>>
          %dma_wait3A_279 = arith.constant 0 : i32
          %dma_wait3A_280 = tpu.memref_slice %arg4[%add3A_271, %dma_wait3A_279] : memref<32768x1024xf32, #tpu.memory_space<hbm>> -> memref<16x1024xf32, #tpu.memory_space<hbm>>
          %dma_wait3A_281 = arith.constant 0 : i32
          %dma_wait3A_282 = arith.constant 0 : i32
          %dma_wait3A_283 = tpu.memref_slice %arg6[%dma_wait3A_272, %dma_wait3A_281, %dma_wait3A_282] : memref<4x16x1024xf32, #tpu.memory_space<vmem>> -> memref<1x16x1024xf32, #tpu.memory_space<vmem>>
          %dma_wait3A_284 = tpu.memref_squeeze %dma_wait3A_283 : memref<1x16x1024xf32, #tpu.memory_space<vmem>> -> memref<16x1024xf32, #tpu.memory_space<vmem>>
          tpu.wait_dma2 semaphore(%arg11 : memref<!tpu.dma_semaphore, #tpu.memory_space<semaphore_mem>>) src(%dma_wait3A_284 : memref<16x1024xf32, #tpu.memory_space<vmem>>) dst(%dma_wait3A_280 : memref<16x1024xf32, #tpu.memory_space<hbm>>)
        } else {
        }
        %add3A_255 = arith.constant 2 : i32
        %add3A_256 = arith.addi %add3A_170, %add3A_255 : i32
        %mul3A_257 = arith.constant 16 : i32
        %mul3A_258 = arith.muli %add3A_256, %mul3A_257 : i32
        %dma_start3A_259 = arith.constant 0 : i32
        %dma_start3A_260 = arith.constant 0 : i32
        %dma_start3A_261 = arith.constant 0 : i32
        %dma_start3A_262 = tpu.memref_slice %arg6[%dma_start3A_259, %dma_start3A_260, %dma_start3A_261] : memref<4x16x1024xf32, #tpu.memory_space<vmem>> -> memref<1x16x1024xf32, #tpu.memory_space<vmem>>
        %dma_start3A_263 = tpu.memref_squeeze %dma_start3A_262 : memref<1x16x1024xf32, #tpu.memory_space<vmem>> -> memref<16x1024xf32, #tpu.memory_space<vmem>>
        %dma_start3A_264 = tpu.memref_slice %arg5[%mul3A_258] : memref<1024xi32, #tpu.memory_space<vmem>> -> memref<16xi32, #tpu.memory_space<vmem>>
        %dma_start3A_265 = arith.constant 0 : i32
        %dma_start3A_266 = arith.constant 0 : i32
        %dma_start3A_267 = tpu.memref_slice %arg2[%dma_start3A_265, %dma_start3A_266] : memref<100000x1024xf32, #tpu.memory_space<hbm>> -> memref<100000x1024xf32, #tpu.memory_space<hbm>>
        tpu.enqueue_indirect_dma source(%dma_start3A_267 : memref<100000x1024xf32, #tpu.memory_space<hbm>>) target(%dma_start3A_263 : memref<16x1024xf32, #tpu.memory_space<vmem>>) offsets(%dma_start3A_264 : memref<16xi32, #tpu.memory_space<vmem>>) semaphore(%arg7 : memref<!tpu.dma_semaphore, #tpu.memory_space<semaphore_mem>>)
      } else {
      }
      %scan3A_189 = arith.constant 0 : i32
      %scan3A_190 = arith.constant 16 : i32
      %scan3A_191 = arith.addi %scan3A_189, %scan3A_190 : i32
      %scan3A_192 = arith.constant 1 : i32
      scf.for %scan3A_251 = %scan3A_189 to %scan3A_191 step %scan3A_192  : i32 {
        %mul3A_252 = arith.constant 1 : i32
        %mul3A_253 = arith.muli %scan3A_251, %mul3A_252 : i32
        %add3A_254 = arith.constant 0 : i32
        %add3A_255 = arith.addi %add3A_254, %mul3A_253 : i32
        %get3A = arith.constant 2 : i32
        %get3A_256 = arith.index_cast %get3A : i32 to index
        %get3A_257 = arith.index_cast %add3A_255 : i32 to index
        %get3A_258 = arith.constant 0 : index
        %get3A_259 = tpu.vector_load %arg6[%get3A_256, %get3A_257, %get3A_258] {strides = array<i32>} : memref<4x16x1024xf32, #tpu.memory_space<vmem>>, vector<1x1x16xf32>,
        %get3A_260 = vector.shape_cast %get3A_259 : vector<1x1x16xf32> to vector<16xf32>
        %mul3A_261 = arith.constant 3.200000e+01 : f32
        %mul3A_262 = vector.broadcast %mul3A_261 : f32 to vector<16xf32>
        %mul3A_263 = arith.mulf %get3A_260, %mul3A_262 : vector<16xf32>
        %swap3A = arith.constant 2 : i32
        %swap3A_264 = arith.index_cast %swap3A : i32 to index
        %swap3A_265 = arith.index_cast %add3A_255 : i32 to index
        %swap3A_266 = arith.constant 0 : index
        %swap3A_267 = tpu.vector_load %arg6[%swap3A_264, %swap3A_265, %swap3A_266] {strides = array<i32>} : memref<4x16x1024xf32, #tpu.memory_space<vmem>>, vector<1x1x16xf32>,
        %swap3A_268 = vector.shape_cast %swap3A_267 : vector<1x1x16xf32> to vector<16xf32>
        %swap3A_269 = vector.shape_cast %mul3A_263 : vector<16xf32> to vector<1x1x16xf32>
        tpu.vector_store %arg6[%swap3A_264, %swap3A_265, %swap3A_266], %swap3A_269 {strides = array<i32>} : memref<4x16x1024xf32, #tpu.memory_space<vmem>>, vector<1x1x16xf32>,
        %get3A_270 = arith.constant 2 : i32
        %get3A_271 = arith.index_cast %get3A_270 : i32 to index
        %get3A_272 = arith.index_cast %add3A_255 : i32 to index
        %get3A_273 = arith.constant 16 : index
        %get3A_274 = tpu.vector_load %arg6[%get3A_271, %get3A_272, %get3A_273] {strides = array<i32>} : memref<4x16x1024xf32, #tpu.memory_space<vmem>>, vector<1x1x16xf32>,
        %get3A_275 = vector.shape_cast %get3A_274 : vector<1x1x16xf32> to vector<16xf32>
        %mul3A_276 = arith.constant 3.200000e+01 : f32
        %mul3A_277 = vector.broadcast %mul3A_276 : f32 to vector<16xf32>
        %mul3A_278 = arith.mulf %get3A_275, %mul3A_277 : vector<16xf32>
        %swap3A_279 = arith.constant 2 : i32
        %swap3A_280 = arith.index_cast %swap3A_279 : i32 to index
        %swap3A_281 = arith.index_cast %add3A_255 : i32 to index
        %swap3A_282 = arith.constant 16 : index
        %swap3A_283 = tpu.vector_load %arg6[%swap3A_280, %swap3A_281, %swap3A_282] {strides = array<i32>} : memref<4x16x1024xf32, #tpu.memory_space<vmem>>, vector<1x1x16xf32>,
        %swap3A_284 = vector.shape_cast %swap3A_283 : vector<1x1x16xf32> to vector<16xf32>
        %swap3A_285 = vector.shape_cast %mul3A_278 : vector<16xf32> to vector<1x1x16xf32>
        tpu.vector_store %arg6[%swap3A_280, %swap3A_281, %swap3A_282], %swap3A_285 {strides = array<i32>} : memref<4x16x1024xf32, #tpu.memory_space<vmem>>, vector<1x1x16xf32>,
        %get3A_286 = arith.constant 2 : i32
        %get3A_287 = arith.index_cast %get3A_286 : i32 to index
        %get3A_288 = arith.index_cast %add3A_255 : i32 to index
        %get3A_289 = arith.constant 32 : index
        %get3A_290 = tpu.vector_load %arg6[%get3A_287, %get3A_288, %get3A_289] {strides = array<i32>} : memref<4x16x1024xf32, #tpu.memory_space<vmem>>, vector<1x1x16xf32>,
        %get3A_291 = vector.shape_cast %get3A_290 : vector<1x1x16xf32> to vector<16xf32>
        %mul3A_292 = arith.constant 3.200000e+01 : f32
        %mul3A_293 = vector.broadcast %mul3A_292 : f32 to vector<16xf32>
        %mul3A_294 = arith.mulf %get3A_291, %mul3A_293 : vector<16xf32>
        %swap3A_295 = arith.constant 2 : i32
        %swap3A_296 = arith.index_cast %swap3A_295 : i32 to index
        %swap3A_297 = arith.index_cast %add3A_255 : i32 to index
        %swap3A_298 = arith.constant 32 : index
        %swap3A_299 = tpu.vector_load %arg6[%swap3A_296, %swap3A_297, %swap3A_298] {strides = array<i32>} : memref<4x16x1024xf32, #tpu.memory_space<vmem>>, vector<1x1x16xf32>,
        %swap3A_300 = vector.shape_cast %swap3A_299 : vector<1x1x16xf32> to vector<16xf32>
        %swap3A_301 = vector.shape_cast %mul3A_294 : vector<16xf32> to vector<1x1x16xf32>
        tpu.vector_store %arg6[%swap3A_296, %swap3A_297, %swap3A_298], %swap3A_301 {strides = array<i32>} : memref<4x16x1024xf32, #tpu.memory_space<vmem>>, vector<1x1x16xf32>,
        %get3A_302 = arith.constant 2 : i32
        %get3A_303 = arith.index_cast %get3A_302 : i32 to index
        %get3A_304 = arith.index_cast %add3A_255 : i32 to index
        %get3A_305 = arith.constant 48 : index
        %get3A_306 = tpu.vector_load %arg6[%get3A_303, %get3A_304, %get3A_305] {strides = array<i32>} : memref<4x16x1024xf32, #tpu.memory_space<vmem>>, vector<1x1x16xf32>,
        %get3A_307 = vector.shape_cast %get3A_306 : vector<1x1x16xf32> to vector<16xf32>
        %mul3A_308 = arith.constant 3.200000e+01 : f32
        %mul3A_309 = vector.broadcast %mul3A_308 : f32 to vector<16xf32>
        %mul3A_310 = arith.mulf %get3A_307, %mul3A_309 : vector<16xf32>
        %swap3A_311 = arith.constant 2 : i32
        %swap3A_312 = arith.index_cast %swap3A_311 : i32 to index
        %swap3A_313 = arith.index_cast %add3A_255 : i32 to index
        %swap3A_314 = arith.constant 48 : index
        %swap3A_315 = tpu.vector_load %arg6[%swap3A_312, %swap3A_313, %swap3A_314] {strides = array<i32>} : memref<4x16x1024xf32, #tpu.memory_space<vmem>>, vector<1x1x16xf32>,
        %swap3A_316 = vector.shape_cast %swap3A_315 : vector<1x1x16xf32> to vector<16xf32>
        %swap3A_317 = vector.shape_cast %mul3A_310 : vector<16xf32> to vector<1x1x16xf32>
        tpu.vector_store %arg6[%swap3A_312, %swap3A_313, %swap3A_314], %swap3A_317 {strides = array<i32>} : memref<4x16x1024xf32, #tpu.memory_space<vmem>>, vector<1x1x16xf32>,
        %get3A_318 = arith.constant 2 : i32
        %get3A_319 = arith.index_cast %get3A_318 : i32 to index
        %get3A_320 = arith.index_cast %add3A_255 : i32 to index
        %get3A_321 = arith.constant 64 : index
        %get3A_322 = tpu.vector_load %arg6[%get3A_319, %get3A_320, %get3A_321] {strides = array<i32>} : memref<4x16x1024xf32, #tpu.memory_space<vmem>>, vector<1x1x16xf32>,
        %get3A_323 = vector.shape_cast %get3A_322 : vector<1x1x16xf32> to vector<16xf32>
        %mul3A_324 = arith.constant 3.200000e+01 : f32
        %mul3A_325 = vector.broadcast %mul3A_324 : f32 to vector<16xf32>
        %mul3A_326 = arith.mulf %get3A_323, %mul3A_325 : vector<16xf32>
        %swap3A_327 = arith.constant 2 : i32
        %swap3A_328 = arith.index_cast %swap3A_327 : i32 to index
        %swap3A_329 = arith.index_cast %add3A_255 : i32 to index
        %swap3A_330 = arith.constant 64 : index
        %swap3A_331 = tpu.vector_load %arg6[%swap3A_328, %swap3A_329, %swap3A_330] {strides = array<i32>} : memref<4x16x1024xf32, #tpu.memory_space<vmem>>, vector<1x1x16xf32>,
        %swap3A_332 = vector.shape_cast %swap3A_331 : vector<1x1x16xf32> to vector<16xf32>
        %swap3A_333 = vector.shape_cast %mul3A_326 : vector<16xf32> to vector<1x1x16xf32>
        tpu.vector_store %arg6[%swap3A_328, %swap3A_329, %swap3A_330], %swap3A_333 {strides = array<i32>} : memref<4x16x1024xf32, #tpu.memory_space<vmem>>, vector<1x1x16xf32>,
        %get3A_334 = arith.constant 2 : i32
        %get3A_335 = arith.index_cast %get3A_334 : i32 to index
        %get3A_336 = arith.index_cast %add3A_255 : i32 to index
        %get3A_337 = arith.constant 80 : index
        %get3A_338 = tpu.vector_load %arg6[%get3A_335, %get3A_336, %get3A_337] {strides = array<i32>} : memref<4x16x1024xf32, #tpu.memory_space<vmem>>, vector<1x1x16xf32>,
        %get3A_339 = vector.shape_cast %get3A_338 : vector<1x1x16xf32> to vector<16xf32>
        %mul3A_340 = arith.constant 3.200000e+01 : f32
        %mul3A_341 = vector.broadcast %mul3A_340 : f32 to vector<16xf32>
        %mul3A_342 = arith.mulf %get3A_339, %mul3A_341 : vector<16xf32>
        %swap3A_343 = arith.constant 2 : i32
        %swap3A_344 = arith.index_cast %swap3A_343 : i32 to index
        %swap3A_345 = arith.index_cast %add3A_255 : i32 to index
        %swap3A_346 = arith.constant 80 : index
        %swap3A_347 = tpu.vector_load %arg6[%swap3A_344, %swap3A_345, %swap3A_346] {strides = array<i32>} : memref<4x16x1024xf32, #tpu.memory_space<vmem>>, vector<1x1x16xf32>,
        %swap3A_348 = vector.shape_cast %swap3A_347 : vector<1x1x16xf32> to vector<16xf32>
        %swap3A_349 = vector.shape_cast %mul3A_342 : vector<16xf32> to vector<1x1x16xf32>
        tpu.vector_store %arg6[%swap3A_344, %swap3A_345, %swap3A_346], %swap3A_349 {strides = array<i32>} : memref<4x16x1024xf32, #tpu.memory_space<vmem>>, vector<1x1x16xf32>,
        %get3A_350 = arith.constant 2 : i32
        %get3A_351 = arith.index_cast %get3A_350 : i32 to index
        %get3A_352 = arith.index_cast %add3A_255 : i32 to index
        %get3A_353 = arith.constant 96 : index
        %get3A_354 = tpu.vector_load %arg6[%get3A_351, %get3A_352, %get3A_353] {strides = array<i32>} : memref<4x16x1024xf32, #tpu.memory_space<vmem>>, vector<1x1x16xf32>,
        %get3A_355 = vector.shape_cast %get3A_354 : vector<1x1x16xf32> to vector<16xf32>
        %mul3A_356 = arith.constant 3.200000e+01 : f32
        %mul3A_357 = vector.broadcast %mul3A_356 : f32 to vector<16xf32>
        %mul3A_358 = arith.mulf %get3A_355, %mul3A_357 : vector<16xf32>
        %swap3A_359 = arith.constant 2 : i32
        %swap3A_360 = arith.index_cast %swap3A_359 : i32 to index
        %swap3A_361 = arith.index_cast %add3A_255 : i32 to index
        %swap3A_362 = arith.constant 96 : index
        %swap3A_363 = tpu.vector_load %arg6[%swap3A_360, %swap3A_361, %swap3A_362] {strides = array<i32>} : memref<4x16x1024xf32, #tpu.memory_space<vmem>>, vector<1x1x16xf32>,
        %swap3A_364 = vector.shape_cast %swap3A_363 : vector<1x1x16xf32> to vector<16xf32>
        %swap3A_365 = vector.shape_cast %mul3A_358 : vector<16xf32> to vector<1x1x16xf32>
        tpu.vector_store %arg6[%swap3A_360, %swap3A_361, %swap3A_362], %swap3A_365 {strides = array<i32>} : memref<4x16x1024xf32, #tpu.memory_space<vmem>>, vector<1x1x16xf32>,
        %get3A_366 = arith.constant 2 : i32
        %get3A_367 = arith.index_cast %get3A_366 : i32 to index
        %get3A_368 = arith.index_cast %add3A_255 : i32 to index
        %get3A_369 = arith.constant 112 : index
        %get3A_370 = tpu.vector_load %arg6[%get3A_367, %get3A_368, %get3A_369] {strides = array<i32>} : memref<4x16x1024xf32, #tpu.memory_space<vmem>>, vector<1x1x16xf32>,
        %get3A_371 = vector.shape_cast %get3A_370 : vector<1x1x16xf32> to vector<16xf32>
        %mul3A_372 = arith.constant 3.200000e+01 : f32
        %mul3A_373 = vector.broadcast %mul3A_372 : f32 to vector<16xf32>
        %mul3A_374 = arith.mulf %get3A_371, %mul3A_373 : vector<16xf32>
        %swap3A_375 = arith.constant 2 : i32
        %swap3A_376 = arith.index_cast %swap3A_375 : i32 to index
        %swap3A_377 = arith.index_cast %add3A_255 : i32 to index
        %swap3A_378 = arith.constant 112 : index
        %swap3A_379 = tpu.vector_load %arg6[%swap3A_376, %swap3A_377, %swap3A_378] {strides = array<i32>} : memref<4x16x1024xf32, #tpu.memory_space<vmem>>, vector<1x1x16xf32>,
        %swap3A_380 = vector.shape_cast %swap3A_379 : vector<1x1x16xf32> to vector<16xf32>
        %swap3A_381 = vector.shape_cast %mul3A_374 : vector<16xf32> to vector<1x1x16xf32>
        tpu.vector_store %arg6[%swap3A_376, %swap3A_377, %swap3A_378], %swap3A_381 {strides = array<i32>} : memref<4x16x1024xf32, #tpu.memory_space<vmem>>, vector<1x1x16xf32>,
        %get3A_382 = arith.constant 2 : i32
        %get3A_383 = arith.index_cast %get3A_382 : i32 to index
        %get3A_384 = arith.index_cast %add3A_255 : i32 to index
        %get3A_385 = arith.constant 128 : index
        %get3A_386 = tpu.vector_load %arg6[%get3A_383, %get3A_384, %get3A_385] {strides = array<i32>} : memref<4x16x1024xf32, #tpu.memory_space<vmem>>, vector<1x1x16xf32>,
        %get3A_387 = vector.shape_cast %get3A_386 : vector<1x1x16xf32> to vector<16xf32>
        %mul3A_388 = arith.constant 3.200000e+01 : f32
        %mul3A_389 = vector.broadcast %mul3A_388 : f32 to vector<16xf32>
        %mul3A_390 = arith.mulf %get3A_387, %mul3A_389 : vector<16xf32>
        %swap3A_391 = arith.constant 2 : i32
        %swap3A_392 = arith.index_cast %swap3A_391 : i32 to index
        %swap3A_393 = arith.index_cast %add3A_255 : i32 to index
        %swap3A_394 = arith.constant 128 : index
        %swap3A_395 = tpu.vector_load %arg6[%swap3A_392, %swap3A_393, %swap3A_394] {strides = array<i32>} : memref<4x16x1024xf32, #tpu.memory_space<vmem>>, vector<1x1x16xf32>,
        %swap3A_396 = vector.shape_cast %swap3A_395 : vector<1x1x16xf32> to vector<16xf32>
        %swap3A_397 = vector.shape_cast %mul3A_390 : vector<16xf32> to vector<1x1x16xf32>
        tpu.vector_store %arg6[%swap3A_392, %swap3A_393, %swap3A_394], %swap3A_397 {strides = array<i32>} : memref<4x16x1024xf32, #tpu.memory_space<vmem>>, vector<1x1x16xf32>,
        %get3A_398 = arith.constant 2 : i32
        %get3A_399 = arith.index_cast %get3A_398 : i32 to index
        %get3A_400 = arith.index_cast %add3A_255 : i32 to index
        %get3A_401 = arith.constant 144 : index
        %get3A_402 = tpu.vector_load %arg6[%get3A_399, %get3A_400, %get3A_401] {strides = array<i32>} : memref<4x16x1024xf32, #tpu.memory_space<vmem>>, vector<1x1x16xf32>,
        %get3A_403 = vector.shape_cast %get3A_402 : vector<1x1x16xf32> to vector<16xf32>
        %mul3A_404 = arith.constant 3.200000e+01 : f32
        %mul3A_405 = vector.broadcast %mul3A_404 : f32 to vector<16xf32>
        %mul3A_406 = arith.mulf %get3A_403, %mul3A_405 : vector<16xf32>
        %swap3A_407 = arith.constant 2 : i32
        %swap3A_408 = arith.index_cast %swap3A_407 : i32 to index
        %swap3A_409 = arith.index_cast %add3A_255 : i32 to index
        %swap3A_410 = arith.constant 144 : index
        %swap3A_411 = tpu.vector_load %arg6[%swap3A_408, %swap3A_409, %swap3A_410] {strides = array<i32>} : memref<4x16x1024xf32, #tpu.memory_space<vmem>>, vector<1x1x16xf32>,
        %swap3A_412 = vector.shape_cast %swap3A_411 : vector<1x1x16xf32> to vector<16xf32>
        %swap3A_413 = vector.shape_cast %mul3A_406 : vector<16xf32> to vector<1x1x16xf32>
        tpu.vector_store %arg6[%swap3A_408, %swap3A_409, %swap3A_410], %swap3A_413 {strides = array<i32>} : memref<4x16x1024xf32, #tpu.memory_space<vmem>>, vector<1x1x16xf32>,
        %get3A_414 = arith.constant 2 : i32
        %get3A_415 = arith.index_cast %get3A_414 : i32 to index
        %get3A_416 = arith.index_cast %add3A_255 : i32 to index
        %get3A_417 = arith.constant 160 : index
        %get3A_418 = tpu.vector_load %arg6[%get3A_415, %get3A_416, %get3A_417] {strides = array<i32>} : memref<4x16x1024xf32, #tpu.memory_space<vmem>>, vector<1x1x16xf32>,
        %get3A_419 = vector.shape_cast %get3A_418 : vector<1x1x16xf32> to vector<16xf32>
        %mul3A_420 = arith.constant 3.200000e+01 : f32
        %mul3A_421 = vector.broadcast %mul3A_420 : f32 to vector<16xf32>
        %mul3A_422 = arith.mulf %get3A_419, %mul3A_421 : vector<16xf32>
        %swap3A_423 = arith.constant 2 : i32
        %swap3A_424 = arith.index_cast %swap3A_423 : i32 to index
        %swap3A_425 = arith.index_cast %add3A_255 : i32 to index
        %swap3A_426 = arith.constant 160 : index
        %swap3A_427 = tpu.vector_load %arg6[%swap3A_424, %swap3A_425, %swap3A_426] {strides = array<i32>} : memref<4x16x1024xf32, #tpu.memory_space<vmem>>, vector<1x1x16xf32>,
        %swap3A_428 = vector.shape_cast %swap3A_427 : vector<1x1x16xf32> to vector<16xf32>
        %swap3A_429 = vector.shape_cast %mul3A_422 : vector<16xf32> to vector<1x1x16xf32>
        tpu.vector_store %arg6[%swap3A_424, %swap3A_425, %swap3A_426], %swap3A_429 {strides = array<i32>} : memref<4x16x1024xf32, #tpu.memory_space<vmem>>, vector<1x1x16xf32>,
        %get3A_430 = arith.constant 2 : i32
        %get3A_431 = arith.index_cast %get3A_430 : i32 to index
        %get3A_432 = arith.index_cast %add3A_255 : i32 to index
        %get3A_433 = arith.constant 176 : index
        %get3A_434 = tpu.vector_load %arg6[%get3A_431, %get3A_432, %get3A_433] {strides = array<i32>} : memref<4x16x1024xf32, #tpu.memory_space<vmem>>, vector<1x1x16xf32>,
        %get3A_435 = vector.shape_cast %get3A_434 : vector<1x1x16xf32> to vector<16xf32>
        %mul3A_436 = arith.constant 3.200000e+01 : f32
        %mul3A_437 = vector.broadcast %mul3A_436 : f32 to vector<16xf32>
        %mul3A_438 = arith.mulf %get3A_435, %mul3A_437 : vector<16xf32>
        %swap3A_439 = arith.constant 2 : i32
        %swap3A_440 = arith.index_cast %swap3A_439 : i32 to index
        %swap3A_441 = arith.index_cast %add3A_255 : i32 to index
        %swap3A_442 = arith.constant 176 : index
        %swap3A_443 = tpu.vector_load %arg6[%swap3A_440, %swap3A_441, %swap3A_442] {strides = array<i32>} : memref<4x16x1024xf32, #tpu.memory_space<vmem>>, vector<1x1x16xf32>,
        %swap3A_444 = vector.shape_cast %swap3A_443 : vector<1x1x16xf32> to vector<16xf32>
        %swap3A_445 = vector.shape_cast %mul3A_438 : vector<16xf32> to vector<1x1x16xf32>
        tpu.vector_store %arg6[%swap3A_440, %swap3A_441, %swap3A_442], %swap3A_445 {strides = array<i32>} : memref<4x16x1024xf32, #tpu.memory_space<vmem>>, vector<1x1x16xf32>,
        %get3A_446 = arith.constant 2 : i32
        %get3A_447 = arith.index_cast %get3A_446 : i32 to index
        %get3A_448 = arith.index_cast %add3A_255 : i32 to index
        %get3A_449 = arith.constant 192 : index
        %get3A_450 = tpu.vector_load %arg6[%get3A_447, %get3A_448, %get3A_449] {strides = array<i32>} : memref<4x16x1024xf32, #tpu.memory_space<vmem>>, vector<1x1x16xf32>,
        %get3A_451 = vector.shape_cast %get3A_450 : vector<1x1x16xf32> to vector<16xf32>
        %mul3A_452 = arith.constant 3.200000e+01 : f32
        %mul3A_453 = vector.broadcast %mul3A_452 : f32 to vector<16xf32>
        %mul3A_454 = arith.mulf %get3A_451, %mul3A_453 : vector<16xf32>
        %swap3A_455 = arith.constant 2 : i32
        %swap3A_456 = arith.index_cast %swap3A_455 : i32 to index
        %swap3A_457 = arith.index_cast %add3A_255 : i32 to index
        %swap3A_458 = arith.constant 192 : index
        %swap3A_459 = tpu.vector_load %arg6[%swap3A_456, %swap3A_457, %swap3A_458] {strides = array<i32>} : memref<4x16x1024xf32, #tpu.memory_space<vmem>>, vector<1x1x16xf32>,
        %swap3A_460 = vector.shape_cast %swap3A_459 : vector<1x1x16xf32> to vector<16xf32>
        %swap3A_461 = vector.shape_cast %mul3A_454 : vector<16xf32> to vector<1x1x16xf32>
        tpu.vector_store %arg6[%swap3A_456, %swap3A_457, %swap3A_458], %swap3A_461 {strides = array<i32>} : memref<4x16x1024xf32, #tpu.memory_space<vmem>>, vector<1x1x16xf32>,
        %get3A_462 = arith.constant 2 : i32
        %get3A_463 = arith.index_cast %get3A_462 : i32 to index
        %get3A_464 = arith.index_cast %add3A_255 : i32 to index
        %get3A_465 = arith.constant 208 : index
        %get3A_466 = tpu.vector_load %arg6[%get3A_463, %get3A_464, %get3A_465] {strides = array<i32>} : memref<4x16x1024xf32, #tpu.memory_space<vmem>>, vector<1x1x16xf32>,
        %get3A_467 = vector.shape_cast %get3A_466 : vector<1x1x16xf32> to vector<16xf32>
        %mul3A_468 = arith.constant 3.200000e+01 : f32
        %mul3A_469 = vector.broadcast %mul3A_468 : f32 to vector<16xf32>
        %mul3A_470 = arith.mulf %get3A_467, %mul3A_469 : vector<16xf32>
        %swap3A_471 = arith.constant 2 : i32
        %swap3A_472 = arith.index_cast %swap3A_471 : i32 to index
        %swap3A_473 = arith.index_cast %add3A_255 : i32 to index
        %swap3A_474 = arith.constant 208 : index
        %swap3A_475 = tpu.vector_load %arg6[%swap3A_472, %swap3A_473, %swap3A_474] {strides = array<i32>} : memref<4x16x1024xf32, #tpu.memory_space<vmem>>, vector<1x1x16xf32>,
        %swap3A_476 = vector.shape_cast %swap3A_475 : vector<1x1x16xf32> to vector<16xf32>
        %swap3A_477 = vector.shape_cast %mul3A_470 : vector<16xf32> to vector<1x1x16xf32>
        tpu.vector_store %arg6[%swap3A_472, %swap3A_473, %swap3A_474], %swap3A_477 {strides = array<i32>} : memref<4x16x1024xf32, #tpu.memory_space<vmem>>, vector<1x1x16xf32>,
        %get3A_478 = arith.constant 2 : i32
        %get3A_479 = arith.index_cast %get3A_478 : i32 to index
        %get3A_480 = arith.index_cast %add3A_255 : i32 to index
        %get3A_481 = arith.constant 224 : index
        %get3A_482 = tpu.vector_load %arg6[%get3A_479, %get3A_480, %get3A_481] {strides = array<i32>} : memref<4x16x1024xf32, #tpu.memory_space<vmem>>, vector<1x1x16xf32>,
        %get3A_483 = vector.shape_cast %get3A_482 : vector<1x1x16xf32> to vector<16xf32>
        %mul3A_484 = arith.constant 3.200000e+01 : f32
        %mul3A_485 = vector.broadcast %mul3A_484 : f32 to vector<16xf32>
        %mul3A_486 = arith.mulf %get3A_483, %mul3A_485 : vector<16xf32>
        %swap3A_487 = arith.constant 2 : i32
        %swap3A_488 = arith.index_cast %swap3A_487 : i32 to index
        %swap3A_489 = arith.index_cast %add3A_255 : i32 to index
        %swap3A_490 = arith.constant 224 : index
        %swap3A_491 = tpu.vector_load %arg6[%swap3A_488, %swap3A_489, %swap3A_490] {strides = array<i32>} : memref<4x16x1024xf32, #tpu.memory_space<vmem>>, vector<1x1x16xf32>,
        %swap3A_492 = vector.shape_cast %swap3A_491 : vector<1x1x16xf32> to vector<16xf32>
        %swap3A_493 = vector.shape_cast %mul3A_486 : vector<16xf32> to vector<1x1x16xf32>
        tpu.vector_store %arg6[%swap3A_488, %swap3A_489, %swap3A_490], %swap3A_493 {strides = array<i32>} : memref<4x16x1024xf32, #tpu.memory_space<vmem>>, vector<1x1x16xf32>,
        %get3A_494 = arith.constant 2 : i32
        %get3A_495 = arith.index_cast %get3A_494 : i32 to index
        %get3A_496 = arith.index_cast %add3A_255 : i32 to index
        %get3A_497 = arith.constant 240 : index
        %get3A_498 = tpu.vector_load %arg6[%get3A_495, %get3A_496, %get3A_497] {strides = array<i32>} : memref<4x16x1024xf32, #tpu.memory_space<vmem>>, vector<1x1x16xf32>,
        %get3A_499 = vector.shape_cast %get3A_498 : vector<1x1x16xf32> to vector<16xf32>
        %mul3A_500 = arith.constant 3.200000e+01 : f32
        %mul3A_501 = vector.broadcast %mul3A_500 : f32 to vector<16xf32>
        %mul3A_502 = arith.mulf %get3A_499, %mul3A_501 : vector<16xf32>
        %swap3A_503 = arith.constant 2 : i32
        %swap3A_504 = arith.index_cast %swap3A_503 : i32 to index
        %swap3A_505 = arith.index_cast %add3A_255 : i32 to index
        %swap3A_506 = arith.constant 240 : index
        %swap3A_507 = tpu.vector_load %arg6[%swap3A_504, %swap3A_505, %swap3A_506] {strides = array<i32>} : memref<4x16x1024xf32, #tpu.memory_space<vmem>>, vector<1x1x16xf32>,
        %swap3A_508 = vector.shape_cast %swap3A_507 : vector<1x1x16xf32> to vector<16xf32>
        %swap3A_509 = vector.shape_cast %mul3A_502 : vector<16xf32> to vector<1x1x16xf32>
        tpu.vector_store %arg6[%swap3A_504, %swap3A_505, %swap3A_506], %swap3A_509 {strides = array<i32>} : memref<4x16x1024xf32, #tpu.memory_space<vmem>>, vector<1x1x16xf32>,
        %get3A_510 = arith.constant 2 : i32
        %get3A_511 = arith.index_cast %get3A_510 : i32 to index
        %get3A_512 = arith.index_cast %add3A_255 : i32 to index
        %get3A_513 = arith.constant 256 : index
        %get3A_514 = tpu.vector_load %arg6[%get3A_511, %get3A_512, %get3A_513] {strides = array<i32>} : memref<4x16x1024xf32, #tpu.memory_space<vmem>>, vector<1x1x16xf32>,
        %get3A_515 = vector.shape_cast %get3A_514 : vector<1x1x16xf32> to vector<16xf32>
        %mul3A_516 = arith.constant 3.200000e+01 : f32
        %mul3A_517 = vector.broadcast %mul3A_516 : f32 to vector<16xf32>
        %mul3A_518 = arith.mulf %get3A_515, %mul3A_517 : vector<16xf32>
        %swap3A_519 = arith.constant 2 : i32
        %swap3A_520 = arith.index_cast %swap3A_519 : i32 to index
        %swap3A_521 = arith.index_cast %add3A_255 : i32 to index
        %swap3A_522 = arith.constant 256 : index
        %swap3A_523 = tpu.vector_load %arg6[%swap3A_520, %swap3A_521, %swap3A_522] {strides = array<i32>} : memref<4x16x1024xf32, #tpu.memory_space<vmem>>, vector<1x1x16xf32>,
        %swap3A_524 = vector.shape_cast %swap3A_523 : vector<1x1x16xf32> to vector<16xf32>
        %swap3A_525 = vector.shape_cast %mul3A_518 : vector<16xf32> to vector<1x1x16xf32>
        tpu.vector_store %arg6[%swap3A_520, %swap3A_521, %swap3A_522], %swap3A_525 {strides = array<i32>} : memref<4x16x1024xf32, #tpu.memory_space<vmem>>, vector<1x1x16xf32>,
        %get3A_526 = arith.constant 2 : i32
        %get3A_527 = arith.index_cast %get3A_526 : i32 to index
        %get3A_528 = arith.index_cast %add3A_255 : i32 to index
        %get3A_529 = arith.constant 272 : index
        %get3A_530 = tpu.vector_load %arg6[%get3A_527, %get3A_528, %get3A_529] {strides = array<i32>} : memref<4x16x1024xf32, #tpu.memory_space<vmem>>, vector<1x1x16xf32>,
        %get3A_531 = vector.shape_cast %get3A_530 : vector<1x1x16xf32> to vector<16xf32>
        %mul3A_532 = arith.constant 3.200000e+01 : f32
        %mul3A_533 = vector.broadcast %mul3A_532 : f32 to vector<16xf32>
        %mul3A_534 = arith.mulf %get3A_531, %mul3A_533 : vector<16xf32>
        %swap3A_535 = arith.constant 2 : i32
        %swap3A_536 = arith.index_cast %swap3A_535 : i32 to index
        %swap3A_537 = arith.index_cast %add3A_255 : i32 to index
        %swap3A_538 = arith.constant 272 : index
        %swap3A_539 = tpu.vector_load %arg6[%swap3A_536, %swap3A_537, %swap3A_538] {strides = array<i32>} : memref<4x16x1024xf32, #tpu.memory_space<vmem>>, vector<1x1x16xf32>,
        %swap3A_540 = vector.shape_cast %swap3A_539 : vector<1x1x16xf32> to vector<16xf32>
        %swap3A_541 = vector.shape_cast %mul3A_534 : vector<16xf32> to vector<1x1x16xf32>
        tpu.vector_store %arg6[%swap3A_536, %swap3A_537, %swap3A_538], %swap3A_541 {strides = array<i32>} : memref<4x16x1024xf32, #tpu.memory_space<vmem>>, vector<1x1x16xf32>,
        %get3A_542 = arith.constant 2 : i32
        %get3A_543 = arith.index_cast %get3A_542 : i32 to index
        %get3A_544 = arith.index_cast %add3A_255 : i32 to index
        %get3A_545 = arith.constant 288 : index
        %get3A_546 = tpu.vector_load %arg6[%get3A_543, %get3A_544, %get3A_545] {strides = array<i32>} : memref<4x16x1024xf32, #tpu.memory_space<vmem>>, vector<1x1x16xf32>,
        %get3A_547 = vector.shape_cast %get3A_546 : vector<1x1x16xf32> to vector<16xf32>
        %mul3A_548 = arith.constant 3.200000e+01 : f32
        %mul3A_549 = vector.broadcast %mul3A_548 : f32 to vector<16xf32>
        %mul3A_550 = arith.mulf %get3A_547, %mul3A_549 : vector<16xf32>
        %swap3A_551 = arith.constant 2 : i32
        %swap3A_552 = arith.index_cast %swap3A_551 : i32 to index
        %swap3A_553 = arith.index_cast %add3A_255 : i32 to index
        %swap3A_554 = arith.constant 288 : index
        %swap3A_555 = tpu.vector_load %arg6[%swap3A_552, %swap3A_553, %swap3A_554] {strides = array<i32>} : memref<4x16x1024xf32, #tpu.memory_space<vmem>>, vector<1x1x16xf32>,
        %swap3A_556 = vector.shape_cast %swap3A_555 : vector<1x1x16xf32> to vector<16xf32>
        %swap3A_557 = vector.shape_cast %mul3A_550 : vector<16xf32> to vector<1x1x16xf32>
        tpu.vector_store %arg6[%swap3A_552, %swap3A_553, %swap3A_554], %swap3A_557 {strides = array<i32>} : memref<4x16x1024xf32, #tpu.memory_space<vmem>>, vector<1x1x16xf32>,
        %get3A_558 = arith.constant 2 : i32
        %get3A_559 = arith.index_cast %get3A_558 : i32 to index
        %get3A_560 = arith.index_cast %add3A_255 : i32 to index
        %get3A_561 = arith.constant 304 : index
        %get3A_562 = tpu.vector_load %arg6[%get3A_559, %get3A_560, %get3A_561] {strides = array<i32>} : memref<4x16x1024xf32, #tpu.memory_space<vmem>>, vector<1x1x16xf32>,
        %get3A_563 = vector.shape_cast %get3A_562 : vector<1x1x16xf32> to vector<16xf32>
        %mul3A_564 = arith.constant 3.200000e+01 : f32
        %mul3A_565 = vector.broadcast %mul3A_564 : f32 to vector<16xf32>
        %mul3A_566 = arith.mulf %get3A_563, %mul3A_565 : vector<16xf32>
        %swap3A_567 = arith.constant 2 : i32
        %swap3A_568 = arith.index_cast %swap3A_567 : i32 to index
        %swap3A_569 = arith.index_cast %add3A_255 : i32 to index
        %swap3A_570 = arith.constant 304 : index
        %swap3A_571 = tpu.vector_load %arg6[%swap3A_568, %swap3A_569, %swap3A_570] {strides = array<i32>} : memref<4x16x1024xf32, #tpu.memory_space<vmem>>, vector<1x1x16xf32>,
        %swap3A_572 = vector.shape_cast %swap3A_571 : vector<1x1x16xf32> to vector<16xf32>
        %swap3A_573 = vector.shape_cast %mul3A_566 : vector<16xf32> to vector<1x1x16xf32>
        tpu.vector_store %arg6[%swap3A_568, %swap3A_569, %swap3A_570], %swap3A_573 {strides = array<i32>} : memref<4x16x1024xf32, #tpu.memory_space<vmem>>, vector<1x1x16xf32>,
        %get3A_574 = arith.constant 2 : i32
        %get3A_575 = arith.index_cast %get3A_574 : i32 to index
        %get3A_576 = arith.index_cast %add3A_255 : i32 to index
        %get3A_577 = arith.constant 320 : index
        %get3A_578 = tpu.vector_load %arg6[%get3A_575, %get3A_576, %get3A_577] {strides = array<i32>} : memref<4x16x1024xf32, #tpu.memory_space<vmem>>, vector<1x1x16xf32>,
        %get3A_579 = vector.shape_cast %get3A_578 : vector<1x1x16xf32> to vector<16xf32>
        %mul3A_580 = arith.constant 3.200000e+01 : f32
        %mul3A_581 = vector.broadcast %mul3A_580 : f32 to vector<16xf32>
        %mul3A_582 = arith.mulf %get3A_579, %mul3A_581 : vector<16xf32>
        %swap3A_583 = arith.constant 2 : i32
        %swap3A_584 = arith.index_cast %swap3A_583 : i32 to index
        %swap3A_585 = arith.index_cast %add3A_255 : i32 to index
        %swap3A_586 = arith.constant 320 : index
        %swap3A_587 = tpu.vector_load %arg6[%swap3A_584, %swap3A_585, %swap3A_586] {strides = array<i32>} : memref<4x16x1024xf32, #tpu.memory_space<vmem>>, vector<1x1x16xf32>,
        %swap3A_588 = vector.shape_cast %swap3A_587 : vector<1x1x16xf32> to vector<16xf32>
        %swap3A_589 = vector.shape_cast %mul3A_582 : vector<16xf32> to vector<1x1x16xf32>
        tpu.vector_store %arg6[%swap3A_584, %swap3A_585, %swap3A_586], %swap3A_589 {strides = array<i32>} : memref<4x16x1024xf32, #tpu.memory_space<vmem>>, vector<1x1x16xf32>,
        %get3A_590 = arith.constant 2 : i32
        %get3A_591 = arith.index_cast %get3A_590 : i32 to index
        %get3A_592 = arith.index_cast %add3A_255 : i32 to index
        %get3A_593 = arith.constant 336 : index
        %get3A_594 = tpu.vector_load %arg6[%get3A_591, %get3A_592, %get3A_593] {strides = array<i32>} : memref<4x16x1024xf32, #tpu.memory_space<vmem>>, vector<1x1x16xf32>,
        %get3A_595 = vector.shape_cast %get3A_594 : vector<1x1x16xf32> to vector<16xf32>
        %mul3A_596 = arith.constant 3.200000e+01 : f32
        %mul3A_597 = vector.broadcast %mul3A_596 : f32 to vector<16xf32>
        %mul3A_598 = arith.mulf %get3A_595, %mul3A_597 : vector<16xf32>
        %swap3A_599 = arith.constant 2 : i32
        %swap3A_600 = arith.index_cast %swap3A_599 : i32 to index
        %swap3A_601 = arith.index_cast %add3A_255 : i32 to index
        %swap3A_602 = arith.constant 336 : index
        %swap3A_603 = tpu.vector_load %arg6[%swap3A_600, %swap3A_601, %swap3A_602] {strides = array<i32>} : memref<4x16x1024xf32, #tpu.memory_space<vmem>>, vector<1x1x16xf32>,
        %swap3A_604 = vector.shape_cast %swap3A_603 : vector<1x1x16xf32> to vector<16xf32>
        %swap3A_605 = vector.shape_cast %mul3A_598 : vector<16xf32> to vector<1x1x16xf32>
        tpu.vector_store %arg6[%swap3A_600, %swap3A_601, %swap3A_602], %swap3A_605 {strides = array<i32>} : memref<4x16x1024xf32, #tpu.memory_space<vmem>>, vector<1x1x16xf32>,
        %get3A_606 = arith.constant 2 : i32
        %get3A_607 = arith.index_cast %get3A_606 : i32 to index
        %get3A_608 = arith.index_cast %add3A_255 : i32 to index
        %get3A_609 = arith.constant 352 : index
        %get3A_610 = tpu.vector_load %arg6[%get3A_607, %get3A_608, %get3A_609] {strides = array<i32>} : memref<4x16x1024xf32, #tpu.memory_space<vmem>>, vector<1x1x16xf32>,
        %get3A_611 = vector.shape_cast %get3A_610 : vector<1x1x16xf32> to vector<16xf32>
        %mul3A_612 = arith.constant 3.200000e+01 : f32
        %mul3A_613 = vector.broadcast %mul3A_612 : f32 to vector<16xf32>
        %mul3A_614 = arith.mulf %get3A_611, %mul3A_613 : vector<16xf32>
        %swap3A_615 = arith.constant 2 : i32
        %swap3A_616 = arith.index_cast %swap3A_615 : i32 to index
        %swap3A_617 = arith.index_cast %add3A_255 : i32 to index
        %swap3A_618 = arith.constant 352 : index
        %swap3A_619 = tpu.vector_load %arg6[%swap3A_616, %swap3A_617, %swap3A_618] {strides = array<i32>} : memref<4x16x1024xf32, #tpu.memory_space<vmem>>, vector<1x1x16xf32>,
        %swap3A_620 = vector.shape_cast %swap3A_619 : vector<1x1x16xf32> to vector<16xf32>
        %swap3A_621 = vector.shape_cast %mul3A_614 : vector<16xf32> to vector<1x1x16xf32>
        tpu.vector_store %arg6[%swap3A_616, %swap3A_617, %swap3A_618], %swap3A_621 {strides = array<i32>} : memref<4x16x1024xf32, #tpu.memory_space<vmem>>, vector<1x1x16xf32>,
        %get3A_622 = arith.constant 2 : i32
        %get3A_623 = arith.index_cast %get3A_622 : i32 to index
        %get3A_624 = arith.index_cast %add3A_255 : i32 to index
        %get3A_625 = arith.constant 368 : index
        %get3A_626 = tpu.vector_load %arg6[%get3A_623, %get3A_624, %get3A_625] {strides = array<i32>} : memref<4x16x1024xf32, #tpu.memory_space<vmem>>, vector<1x1x16xf32>,
        %get3A_627 = vector.shape_cast %get3A_626 : vector<1x1x16xf32> to vector<16xf32>
        %mul3A_628 = arith.constant 3.200000e+01 : f32
        %mul3A_629 = vector.broadcast %mul3A_628 : f32 to vector<16xf32>
        %mul3A_630 = arith.mulf %get3A_627, %mul3A_629 : vector<16xf32>
        %swap3A_631 = arith.constant 2 : i32
        %swap3A_632 = arith.index_cast %swap3A_631 : i32 to index
        %swap3A_633 = arith.index_cast %add3A_255 : i32 to index
        %swap3A_634 = arith.constant 368 : index
        %swap3A_635 = tpu.vector_load %arg6[%swap3A_632, %swap3A_633, %swap3A_634] {strides = array<i32>} : memref<4x16x1024xf32, #tpu.memory_space<vmem>>, vector<1x1x16xf32>,
        %swap3A_636 = vector.shape_cast %swap3A_635 : vector<1x1x16xf32> to vector<16xf32>
        %swap3A_637 = vector.shape_cast %mul3A_630 : vector<16xf32> to vector<1x1x16xf32>
        tpu.vector_store %arg6[%swap3A_632, %swap3A_633, %swap3A_634], %swap3A_637 {strides = array<i32>} : memref<4x16x1024xf32, #tpu.memory_space<vmem>>, vector<1x1x16xf32>,
        %get3A_638 = arith.constant 2 : i32
        %get3A_639 = arith.index_cast %get3A_638 : i32 to index
        %get3A_640 = arith.index_cast %add3A_255 : i32 to index
        %get3A_641 = arith.constant 384 : index
        %get3A_642 = tpu.vector_load %arg6[%get3A_639, %get3A_640, %get3A_641] {strides = array<i32>} : memref<4x16x1024xf32, #tpu.memory_space<vmem>>, vector<1x1x16xf32>,
        %get3A_643 = vector.shape_cast %get3A_642 : vector<1x1x16xf32> to vector<16xf32>
        %mul3A_644 = arith.constant 3.200000e+01 : f32
        %mul3A_645 = vector.broadcast %mul3A_644 : f32 to vector<16xf32>
        %mul3A_646 = arith.mulf %get3A_643, %mul3A_645 : vector<16xf32>
        %swap3A_647 = arith.constant 2 : i32
        %swap3A_648 = arith.index_cast %swap3A_647 : i32 to index
        %swap3A_649 = arith.index_cast %add3A_255 : i32 to index
        %swap3A_650 = arith.constant 384 : index
        %swap3A_651 = tpu.vector_load %arg6[%swap3A_648, %swap3A_649, %swap3A_650] {strides = array<i32>} : memref<4x16x1024xf32, #tpu.memory_space<vmem>>, vector<1x1x16xf32>,
        %swap3A_652 = vector.shape_cast %swap3A_651 : vector<1x1x16xf32> to vector<16xf32>
        %swap3A_653 = vector.shape_cast %mul3A_646 : vector<16xf32> to vector<1x1x16xf32>
        tpu.vector_store %arg6[%swap3A_648, %swap3A_649, %swap3A_650], %swap3A_653 {strides = array<i32>} : memref<4x16x1024xf32, #tpu.memory_space<vmem>>, vector<1x1x16xf32>,
        %get3A_654 = arith.constant 2 : i32
        %get3A_655 = arith.index_cast %get3A_654 : i32 to index
        %get3A_656 = arith.index_cast %add3A_255 : i32 to index
        %get3A_657 = arith.constant 400 : index
        %get3A_658 = tpu.vector_load %arg6[%get3A_655, %get3A_656, %get3A_657] {strides = array<i32>} : memref<4x16x1024xf32, #tpu.memory_space<vmem>>, vector<1x1x16xf32>,
        %get3A_659 = vector.shape_cast %get3A_658 : vector<1x1x16xf32> to vector<16xf32>
        %mul3A_660 = arith.constant 3.200000e+01 : f32
        %mul3A_661 = vector.broadcast %mul3A_660 : f32 to vector<16xf32>
        %mul3A_662 = arith.mulf %get3A_659, %mul3A_661 : vector<16xf32>
        %swap3A_663 = arith.constant 2 : i32
        %swap3A_664 = arith.index_cast %swap3A_663 : i32 to index
        %swap3A_665 = arith.index_cast %add3A_255 : i32 to index
        %swap3A_666 = arith.constant 400 : index
        %swap3A_667 = tpu.vector_load %arg6[%swap3A_664, %swap3A_665, %swap3A_666] {strides = array<i32>} : memref<4x16x1024xf32, #tpu.memory_space<vmem>>, vector<1x1x16xf32>,
        %swap3A_668 = vector.shape_cast %swap3A_667 : vector<1x1x16xf32> to vector<16xf32>
        %swap3A_669 = vector.shape_cast %mul3A_662 : vector<16xf32> to vector<1x1x16xf32>
        tpu.vector_store %arg6[%swap3A_664, %swap3A_665, %swap3A_666], %swap3A_669 {strides = array<i32>} : memref<4x16x1024xf32, #tpu.memory_space<vmem>>, vector<1x1x16xf32>,
        %get3A_670 = arith.constant 2 : i32
        %get3A_671 = arith.index_cast %get3A_670 : i32 to index
        %get3A_672 = arith.index_cast %add3A_255 : i32 to index
        %get3A_673 = arith.constant 416 : index
        %get3A_674 = tpu.vector_load %arg6[%get3A_671, %get3A_672, %get3A_673] {strides = array<i32>} : memref<4x16x1024xf32, #tpu.memory_space<vmem>>, vector<1x1x16xf32>,
        %get3A_675 = vector.shape_cast %get3A_674 : vector<1x1x16xf32> to vector<16xf32>
        %mul3A_676 = arith.constant 3.200000e+01 : f32
        %mul3A_677 = vector.broadcast %mul3A_676 : f32 to vector<16xf32>
        %mul3A_678 = arith.mulf %get3A_675, %mul3A_677 : vector<16xf32>
        %swap3A_679 = arith.constant 2 : i32
        %swap3A_680 = arith.index_cast %swap3A_679 : i32 to index
        %swap3A_681 = arith.index_cast %add3A_255 : i32 to index
        %swap3A_682 = arith.constant 416 : index
        %swap3A_683 = tpu.vector_load %arg6[%swap3A_680, %swap3A_681, %swap3A_682] {strides = array<i32>} : memref<4x16x1024xf32, #tpu.memory_space<vmem>>, vector<1x1x16xf32>,
        %swap3A_684 = vector.shape_cast %swap3A_683 : vector<1x1x16xf32> to vector<16xf32>
        %swap3A_685 = vector.shape_cast %mul3A_678 : vector<16xf32> to vector<1x1x16xf32>
        tpu.vector_store %arg6[%swap3A_680, %swap3A_681, %swap3A_682], %swap3A_685 {strides = array<i32>} : memref<4x16x1024xf32, #tpu.memory_space<vmem>>, vector<1x1x16xf32>,
        %get3A_686 = arith.constant 2 : i32
        %get3A_687 = arith.index_cast %get3A_686 : i32 to index
        %get3A_688 = arith.index_cast %add3A_255 : i32 to index
        %get3A_689 = arith.constant 432 : index
        %get3A_690 = tpu.vector_load %arg6[%get3A_687, %get3A_688, %get3A_689] {strides = array<i32>} : memref<4x16x1024xf32, #tpu.memory_space<vmem>>, vector<1x1x16xf32>,
        %get3A_691 = vector.shape_cast %get3A_690 : vector<1x1x16xf32> to vector<16xf32>
        %mul3A_692 = arith.constant 3.200000e+01 : f32
        %mul3A_693 = vector.broadcast %mul3A_692 : f32 to vector<16xf32>
        %mul3A_694 = arith.mulf %get3A_691, %mul3A_693 : vector<16xf32>
        %swap3A_695 = arith.constant 2 : i32
        %swap3A_696 = arith.index_cast %swap3A_695 : i32 to index
        %swap3A_697 = arith.index_cast %add3A_255 : i32 to index
        %swap3A_698 = arith.constant 432 : index
        %swap3A_699 = tpu.vector_load %arg6[%swap3A_696, %swap3A_697, %swap3A_698] {strides = array<i32>} : memref<4x16x1024xf32, #tpu.memory_space<vmem>>, vector<1x1x16xf32>,
        %swap3A_700 = vector.shape_cast %swap3A_699 : vector<1x1x16xf32> to vector<16xf32>
        %swap3A_701 = vector.shape_cast %mul3A_694 : vector<16xf32> to vector<1x1x16xf32>
        tpu.vector_store %arg6[%swap3A_696, %swap3A_697, %swap3A_698], %swap3A_701 {strides = array<i32>} : memref<4x16x1024xf32, #tpu.memory_space<vmem>>, vector<1x1x16xf32>,
        %get3A_702 = arith.constant 2 : i32
        %get3A_703 = arith.index_cast %get3A_702 : i32 to index
        %get3A_704 = arith.index_cast %add3A_255 : i32 to index
        %get3A_705 = arith.constant 448 : index
        %get3A_706 = tpu.vector_load %arg6[%get3A_703, %get3A_704, %get3A_705] {strides = array<i32>} : memref<4x16x1024xf32, #tpu.memory_space<vmem>>, vector<1x1x16xf32>,
        %get3A_707 = vector.shape_cast %get3A_706 : vector<1x1x16xf32> to vector<16xf32>
        %mul3A_708 = arith.constant 3.200000e+01 : f32
        %mul3A_709 = vector.broadcast %mul3A_708 : f32 to vector<16xf32>
        %mul3A_710 = arith.mulf %get3A_707, %mul3A_709 : vector<16xf32>
        %swap3A_711 = arith.constant 2 : i32
        %swap3A_712 = arith.index_cast %swap3A_711 : i32 to index
        %swap3A_713 = arith.index_cast %add3A_255 : i32 to index
        %swap3A_714 = arith.constant 448 : index
        %swap3A_715 = tpu.vector_load %arg6[%swap3A_712, %swap3A_713, %swap3A_714] {strides = array<i32>} : memref<4x16x1024xf32, #tpu.memory_space<vmem>>, vector<1x1x16xf32>,
        %swap3A_716 = vector.shape_cast %swap3A_715 : vector<1x1x16xf32> to vector<16xf32>
        %swap3A_717 = vector.shape_cast %mul3A_710 : vector<16xf32> to vector<1x1x16xf32>
        tpu.vector_store %arg6[%swap3A_712, %swap3A_713, %swap3A_714], %swap3A_717 {strides = array<i32>} : memref<4x16x1024xf32, #tpu.memory_space<vmem>>, vector<1x1x16xf32>,
        %get3A_718 = arith.constant 2 : i32
        %get3A_719 = arith.index_cast %get3A_718 : i32 to index
        %get3A_720 = arith.index_cast %add3A_255 : i32 to index
        %get3A_721 = arith.constant 464 : index
        %get3A_722 = tpu.vector_load %arg6[%get3A_719, %get3A_720, %get3A_721] {strides = array<i32>} : memref<4x16x1024xf32, #tpu.memory_space<vmem>>, vector<1x1x16xf32>,
        %get3A_723 = vector.shape_cast %get3A_722 : vector<1x1x16xf32> to vector<16xf32>
        %mul3A_724 = arith.constant 3.200000e+01 : f32
        %mul3A_725 = vector.broadcast %mul3A_724 : f32 to vector<16xf32>
        %mul3A_726 = arith.mulf %get3A_723, %mul3A_725 : vector<16xf32>
        %swap3A_727 = arith.constant 2 : i32
        %swap3A_728 = arith.index_cast %swap3A_727 : i32 to index
        %swap3A_729 = arith.index_cast %add3A_255 : i32 to index
        %swap3A_730 = arith.constant 464 : index
        %swap3A_731 = tpu.vector_load %arg6[%swap3A_728, %swap3A_729, %swap3A_730] {strides = array<i32>} : memref<4x16x1024xf32, #tpu.memory_space<vmem>>, vector<1x1x16xf32>,
        %swap3A_732 = vector.shape_cast %swap3A_731 : vector<1x1x16xf32> to vector<16xf32>
        %swap3A_733 = vector.shape_cast %mul3A_726 : vector<16xf32> to vector<1x1x16xf32>
        tpu.vector_store %arg6[%swap3A_728, %swap3A_729, %swap3A_730], %swap3A_733 {strides = array<i32>} : memref<4x16x1024xf32, #tpu.memory_space<vmem>>, vector<1x1x16xf32>,
        %get3A_734 = arith.constant 2 : i32
        %get3A_735 = arith.index_cast %get3A_734 : i32 to index
        %get3A_736 = arith.index_cast %add3A_255 : i32 to index
        %get3A_737 = arith.constant 480 : index
        %get3A_738 = tpu.vector_load %arg6[%get3A_735, %get3A_736, %get3A_737] {strides = array<i32>} : memref<4x16x1024xf32, #tpu.memory_space<vmem>>, vector<1x1x16xf32>,
        %get3A_739 = vector.shape_cast %get3A_738 : vector<1x1x16xf32> to vector<16xf32>
        %mul3A_740 = arith.constant 3.200000e+01 : f32
        %mul3A_741 = vector.broadcast %mul3A_740 : f32 to vector<16xf32>
        %mul3A_742 = arith.mulf %get3A_739, %mul3A_741 : vector<16xf32>
        %swap3A_743 = arith.constant 2 : i32
        %swap3A_744 = arith.index_cast %swap3A_743 : i32 to index
        %swap3A_745 = arith.index_cast %add3A_255 : i32 to index
        %swap3A_746 = arith.constant 480 : index
        %swap3A_747 = tpu.vector_load %arg6[%swap3A_744, %swap3A_745, %swap3A_746] {strides = array<i32>} : memref<4x16x1024xf32, #tpu.memory_space<vmem>>, vector<1x1x16xf32>,
        %swap3A_748 = vector.shape_cast %swap3A_747 : vector<1x1x16xf32> to vector<16xf32>
        %swap3A_749 = vector.shape_cast %mul3A_742 : vector<16xf32> to vector<1x1x16xf32>
        tpu.vector_store %arg6[%swap3A_744, %swap3A_745, %swap3A_746], %swap3A_749 {strides = array<i32>} : memref<4x16x1024xf32, #tpu.memory_space<vmem>>, vector<1x1x16xf32>,
        %get3A_750 = arith.constant 2 : i32
        %get3A_751 = arith.index_cast %get3A_750 : i32 to index
        %get3A_752 = arith.index_cast %add3A_255 : i32 to index
        %get3A_753 = arith.constant 496 : index
        %get3A_754 = tpu.vector_load %arg6[%get3A_751, %get3A_752, %get3A_753] {strides = array<i32>} : memref<4x16x1024xf32, #tpu.memory_space<vmem>>, vector<1x1x16xf32>,
        %get3A_755 = vector.shape_cast %get3A_754 : vector<1x1x16xf32> to vector<16xf32>
        %mul3A_756 = arith.constant 3.200000e+01 : f32
        %mul3A_757 = vector.broadcast %mul3A_756 : f32 to vector<16xf32>
        %mul3A_758 = arith.mulf %get3A_755, %mul3A_757 : vector<16xf32>
        %swap3A_759 = arith.constant 2 : i32
        %swap3A_760 = arith.index_cast %swap3A_759 : i32 to index
        %swap3A_761 = arith.index_cast %add3A_255 : i32 to index
        %swap3A_762 = arith.constant 496 : index
        %swap3A_763 = tpu.vector_load %arg6[%swap3A_760, %swap3A_761, %swap3A_762] {strides = array<i32>} : memref<4x16x1024xf32, #tpu.memory_space<vmem>>, vector<1x1x16xf32>,
        %swap3A_764 = vector.shape_cast %swap3A_763 : vector<1x1x16xf32> to vector<16xf32>
        %swap3A_765 = vector.shape_cast %mul3A_758 : vector<16xf32> to vector<1x1x16xf32>
        tpu.vector_store %arg6[%swap3A_760, %swap3A_761, %swap3A_762], %swap3A_765 {strides = array<i32>} : memref<4x16x1024xf32, #tpu.memory_space<vmem>>, vector<1x1x16xf32>,
        %get3A_766 = arith.constant 2 : i32
        %get3A_767 = arith.index_cast %get3A_766 : i32 to index
        %get3A_768 = arith.index_cast %add3A_255 : i32 to index
        %get3A_769 = arith.constant 512 : index
        %get3A_770 = tpu.vector_load %arg6[%get3A_767, %get3A_768, %get3A_769] {strides = array<i32>} : memref<4x16x1024xf32, #tpu.memory_space<vmem>>, vector<1x1x16xf32>,
        %get3A_771 = vector.shape_cast %get3A_770 : vector<1x1x16xf32> to vector<16xf32>
        %mul3A_772 = arith.constant 3.200000e+01 : f32
        %mul3A_773 = vector.broadcast %mul3A_772 : f32 to vector<16xf32>
        %mul3A_774 = arith.mulf %get3A_771, %mul3A_773 : vector<16xf32>
        %swap3A_775 = arith.constant 2 : i32
        %swap3A_776 = arith.index_cast %swap3A_775 : i32 to index
        %swap3A_777 = arith.index_cast %add3A_255 : i32 to index
        %swap3A_778 = arith.constant 512 : index
        %swap3A_779 = tpu.vector_load %arg6[%swap3A_776, %swap3A_777, %swap3A_778] {strides = array<i32>} : memref<4x16x1024xf32, #tpu.memory_space<vmem>>, vector<1x1x16xf32>,
        %swap3A_780 = vector.shape_cast %swap3A_779 : vector<1x1x16xf32> to vector<16xf32>
        %swap3A_781 = vector.shape_cast %mul3A_774 : vector<16xf32> to vector<1x1x16xf32>
        tpu.vector_store %arg6[%swap3A_776, %swap3A_777, %swap3A_778], %swap3A_781 {strides = array<i32>} : memref<4x16x1024xf32, #tpu.memory_space<vmem>>, vector<1x1x16xf32>,
        %get3A_782 = arith.constant 2 : i32
        %get3A_783 = arith.index_cast %get3A_782 : i32 to index
        %get3A_784 = arith.index_cast %add3A_255 : i32 to index
        %get3A_785 = arith.constant 528 : index
        %get3A_786 = tpu.vector_load %arg6[%get3A_783, %get3A_784, %get3A_785] {strides = array<i32>} : memref<4x16x1024xf32, #tpu.memory_space<vmem>>, vector<1x1x16xf32>,
        %get3A_787 = vector.shape_cast %get3A_786 : vector<1x1x16xf32> to vector<16xf32>
        %mul3A_788 = arith.constant 3.200000e+01 : f32
        %mul3A_789 = vector.broadcast %mul3A_788 : f32 to vector<16xf32>
        %mul3A_790 = arith.mulf %get3A_787, %mul3A_789 : vector<16xf32>
        %swap3A_791 = arith.constant 2 : i32
        %swap3A_792 = arith.index_cast %swap3A_791 : i32 to index
        %swap3A_793 = arith.index_cast %add3A_255 : i32 to index
        %swap3A_794 = arith.constant 528 : index
        %swap3A_795 = tpu.vector_load %arg6[%swap3A_792, %swap3A_793, %swap3A_794] {strides = array<i32>} : memref<4x16x1024xf32, #tpu.memory_space<vmem>>, vector<1x1x16xf32>,
        %swap3A_796 = vector.shape_cast %swap3A_795 : vector<1x1x16xf32> to vector<16xf32>
        %swap3A_797 = vector.shape_cast %mul3A_790 : vector<16xf32> to vector<1x1x16xf32>
        tpu.vector_store %arg6[%swap3A_792, %swap3A_793, %swap3A_794], %swap3A_797 {strides = array<i32>} : memref<4x16x1024xf32, #tpu.memory_space<vmem>>, vector<1x1x16xf32>,
        %get3A_798 = arith.constant 2 : i32
        %get3A_799 = arith.index_cast %get3A_798 : i32 to index
        %get3A_800 = arith.index_cast %add3A_255 : i32 to index
        %get3A_801 = arith.constant 544 : index
        %get3A_802 = tpu.vector_load %arg6[%get3A_799, %get3A_800, %get3A_801] {strides = array<i32>} : memref<4x16x1024xf32, #tpu.memory_space<vmem>>, vector<1x1x16xf32>,
        %get3A_803 = vector.shape_cast %get3A_802 : vector<1x1x16xf32> to vector<16xf32>
        %mul3A_804 = arith.constant 3.200000e+01 : f32
        %mul3A_805 = vector.broadcast %mul3A_804 : f32 to vector<16xf32>
        %mul3A_806 = arith.mulf %get3A_803, %mul3A_805 : vector<16xf32>
        %swap3A_807 = arith.constant 2 : i32
        %swap3A_808 = arith.index_cast %swap3A_807 : i32 to index
        %swap3A_809 = arith.index_cast %add3A_255 : i32 to index
        %swap3A_810 = arith.constant 544 : index
        %swap3A_811 = tpu.vector_load %arg6[%swap3A_808, %swap3A_809, %swap3A_810] {strides = array<i32>} : memref<4x16x1024xf32, #tpu.memory_space<vmem>>, vector<1x1x16xf32>,
        %swap3A_812 = vector.shape_cast %swap3A_811 : vector<1x1x16xf32> to vector<16xf32>
        %swap3A_813 = vector.shape_cast %mul3A_806 : vector<16xf32> to vector<1x1x16xf32>
        tpu.vector_store %arg6[%swap3A_808, %swap3A_809, %swap3A_810], %swap3A_813 {strides = array<i32>} : memref<4x16x1024xf32, #tpu.memory_space<vmem>>, vector<1x1x16xf32>,
        %get3A_814 = arith.constant 2 : i32
        %get3A_815 = arith.index_cast %get3A_814 : i32 to index
        %get3A_816 = arith.index_cast %add3A_255 : i32 to index
        %get3A_817 = arith.constant 560 : index
        %get3A_818 = tpu.vector_load %arg6[%get3A_815, %get3A_816, %get3A_817] {strides = array<i32>} : memref<4x16x1024xf32, #tpu.memory_space<vmem>>, vector<1x1x16xf32>,
        %get3A_819 = vector.shape_cast %get3A_818 : vector<1x1x16xf32> to vector<16xf32>
        %mul3A_820 = arith.constant 3.200000e+01 : f32
        %mul3A_821 = vector.broadcast %mul3A_820 : f32 to vector<16xf32>
        %mul3A_822 = arith.mulf %get3A_819, %mul3A_821 : vector<16xf32>
        %swap3A_823 = arith.constant 2 : i32
        %swap3A_824 = arith.index_cast %swap3A_823 : i32 to index
        %swap3A_825 = arith.index_cast %add3A_255 : i32 to index
        %swap3A_826 = arith.constant 560 : index
        %swap3A_827 = tpu.vector_load %arg6[%swap3A_824, %swap3A_825, %swap3A_826] {strides = array<i32>} : memref<4x16x1024xf32, #tpu.memory_space<vmem>>, vector<1x1x16xf32>,
        %swap3A_828 = vector.shape_cast %swap3A_827 : vector<1x1x16xf32> to vector<16xf32>
        %swap3A_829 = vector.shape_cast %mul3A_822 : vector<16xf32> to vector<1x1x16xf32>
        tpu.vector_store %arg6[%swap3A_824, %swap3A_825, %swap3A_826], %swap3A_829 {strides = array<i32>} : memref<4x16x1024xf32, #tpu.memory_space<vmem>>, vector<1x1x16xf32>,
        %get3A_830 = arith.constant 2 : i32
        %get3A_831 = arith.index_cast %get3A_830 : i32 to index
        %get3A_832 = arith.index_cast %add3A_255 : i32 to index
        %get3A_833 = arith.constant 576 : index
        %get3A_834 = tpu.vector_load %arg6[%get3A_831, %get3A_832, %get3A_833] {strides = array<i32>} : memref<4x16x1024xf32, #tpu.memory_space<vmem>>, vector<1x1x16xf32>,
        %get3A_835 = vector.shape_cast %get3A_834 : vector<1x1x16xf32> to vector<16xf32>
        %mul3A_836 = arith.constant 3.200000e+01 : f32
        %mul3A_837 = vector.broadcast %mul3A_836 : f32 to vector<16xf32>
        %mul3A_838 = arith.mulf %get3A_835, %mul3A_837 : vector<16xf32>
        %swap3A_839 = arith.constant 2 : i32
        %swap3A_840 = arith.index_cast %swap3A_839 : i32 to index
        %swap3A_841 = arith.index_cast %add3A_255 : i32 to index
        %swap3A_842 = arith.constant 576 : index
        %swap3A_843 = tpu.vector_load %arg6[%swap3A_840, %swap3A_841, %swap3A_842] {strides = array<i32>} : memref<4x16x1024xf32, #tpu.memory_space<vmem>>, vector<1x1x16xf32>,
        %swap3A_844 = vector.shape_cast %swap3A_843 : vector<1x1x16xf32> to vector<16xf32>
        %swap3A_845 = vector.shape_cast %mul3A_838 : vector<16xf32> to vector<1x1x16xf32>
        tpu.vector_store %arg6[%swap3A_840, %swap3A_841, %swap3A_842], %swap3A_845 {strides = array<i32>} : memref<4x16x1024xf32, #tpu.memory_space<vmem>>, vector<1x1x16xf32>,
        %get3A_846 = arith.constant 2 : i32
        %get3A_847 = arith.index_cast %get3A_846 : i32 to index
        %get3A_848 = arith.index_cast %add3A_255 : i32 to index
        %get3A_849 = arith.constant 592 : index
        %get3A_850 = tpu.vector_load %arg6[%get3A_847, %get3A_848, %get3A_849] {strides = array<i32>} : memref<4x16x1024xf32, #tpu.memory_space<vmem>>, vector<1x1x16xf32>,
        %get3A_851 = vector.shape_cast %get3A_850 : vector<1x1x16xf32> to vector<16xf32>
        %mul3A_852 = arith.constant 3.200000e+01 : f32
        %mul3A_853 = vector.broadcast %mul3A_852 : f32 to vector<16xf32>
        %mul3A_854 = arith.mulf %get3A_851, %mul3A_853 : vector<16xf32>
        %swap3A_855 = arith.constant 2 : i32
        %swap3A_856 = arith.index_cast %swap3A_855 : i32 to index
        %swap3A_857 = arith.index_cast %add3A_255 : i32 to index
        %swap3A_858 = arith.constant 592 : index
        %swap3A_859 = tpu.vector_load %arg6[%swap3A_856, %swap3A_857, %swap3A_858] {strides = array<i32>} : memref<4x16x1024xf32, #tpu.memory_space<vmem>>, vector<1x1x16xf32>,
        %swap3A_860 = vector.shape_cast %swap3A_859 : vector<1x1x16xf32> to vector<16xf32>
        %swap3A_861 = vector.shape_cast %mul3A_854 : vector<16xf32> to vector<1x1x16xf32>
        tpu.vector_store %arg6[%swap3A_856, %swap3A_857, %swap3A_858], %swap3A_861 {strides = array<i32>} : memref<4x16x1024xf32, #tpu.memory_space<vmem>>, vector<1x1x16xf32>,
        %get3A_862 = arith.constant 2 : i32
        %get3A_863 = arith.index_cast %get3A_862 : i32 to index
        %get3A_864 = arith.index_cast %add3A_255 : i32 to index
        %get3A_865 = arith.constant 608 : index
        %get3A_866 = tpu.vector_load %arg6[%get3A_863, %get3A_864, %get3A_865] {strides = array<i32>} : memref<4x16x1024xf32, #tpu.memory_space<vmem>>, vector<1x1x16xf32>,
        %get3A_867 = vector.shape_cast %get3A_866 : vector<1x1x16xf32> to vector<16xf32>
        %mul3A_868 = arith.constant 3.200000e+01 : f32
        %mul3A_869 = vector.broadcast %mul3A_868 : f32 to vector<16xf32>
        %mul3A_870 = arith.mulf %get3A_867, %mul3A_869 : vector<16xf32>
        %swap3A_871 = arith.constant 2 : i32
        %swap3A_872 = arith.index_cast %swap3A_871 : i32 to index
        %swap3A_873 = arith.index_cast %add3A_255 : i32 to index
        %swap3A_874 = arith.constant 608 : index
        %swap3A_875 = tpu.vector_load %arg6[%swap3A_872, %swap3A_873, %swap3A_874] {strides = array<i32>} : memref<4x16x1024xf32, #tpu.memory_space<vmem>>, vector<1x1x16xf32>,
        %swap3A_876 = vector.shape_cast %swap3A_875 : vector<1x1x16xf32> to vector<16xf32>
        %swap3A_877 = vector.shape_cast %mul3A_870 : vector<16xf32> to vector<1x1x16xf32>
        tpu.vector_store %arg6[%swap3A_872, %swap3A_873, %swap3A_874], %swap3A_877 {strides = array<i32>} : memref<4x16x1024xf32, #tpu.memory_space<vmem>>, vector<1x1x16xf32>,
        %get3A_878 = arith.constant 2 : i32
        %get3A_879 = arith.index_cast %get3A_878 : i32 to index
        %get3A_880 = arith.index_cast %add3A_255 : i32 to index
        %get3A_881 = arith.constant 624 : index
        %get3A_882 = tpu.vector_load %arg6[%get3A_879, %get3A_880, %get3A_881] {strides = array<i32>} : memref<4x16x1024xf32, #tpu.memory_space<vmem>>, vector<1x1x16xf32>,
        %get3A_883 = vector.shape_cast %get3A_882 : vector<1x1x16xf32> to vector<16xf32>
        %mul3A_884 = arith.constant 3.200000e+01 : f32
        %mul3A_885 = vector.broadcast %mul3A_884 : f32 to vector<16xf32>
        %mul3A_886 = arith.mulf %get3A_883, %mul3A_885 : vector<16xf32>
        %swap3A_887 = arith.constant 2 : i32
        %swap3A_888 = arith.index_cast %swap3A_887 : i32 to index
        %swap3A_889 = arith.index_cast %add3A_255 : i32 to index
        %swap3A_890 = arith.constant 624 : index
        %swap3A_891 = tpu.vector_load %arg6[%swap3A_888, %swap3A_889, %swap3A_890] {strides = array<i32>} : memref<4x16x1024xf32, #tpu.memory_space<vmem>>, vector<1x1x16xf32>,
        %swap3A_892 = vector.shape_cast %swap3A_891 : vector<1x1x16xf32> to vector<16xf32>
        %swap3A_893 = vector.shape_cast %mul3A_886 : vector<16xf32> to vector<1x1x16xf32>
        tpu.vector_store %arg6[%swap3A_888, %swap3A_889, %swap3A_890], %swap3A_893 {strides = array<i32>} : memref<4x16x1024xf32, #tpu.memory_space<vmem>>, vector<1x1x16xf32>,
        %get3A_894 = arith.constant 2 : i32
        %get3A_895 = arith.index_cast %get3A_894 : i32 to index
        %get3A_896 = arith.index_cast %add3A_255 : i32 to index
        %get3A_897 = arith.constant 640 : index
        %get3A_898 = tpu.vector_load %arg6[%get3A_895, %get3A_896, %get3A_897] {strides = array<i32>} : memref<4x16x1024xf32, #tpu.memory_space<vmem>>, vector<1x1x16xf32>,
        %get3A_899 = vector.shape_cast %get3A_898 : vector<1x1x16xf32> to vector<16xf32>
        %mul3A_900 = arith.constant 3.200000e+01 : f32
        %mul3A_901 = vector.broadcast %mul3A_900 : f32 to vector<16xf32>
        %mul3A_902 = arith.mulf %get3A_899, %mul3A_901 : vector<16xf32>
        %swap3A_903 = arith.constant 2 : i32
        %swap3A_904 = arith.index_cast %swap3A_903 : i32 to index
        %swap3A_905 = arith.index_cast %add3A_255 : i32 to index
        %swap3A_906 = arith.constant 640 : index
        %swap3A_907 = tpu.vector_load %arg6[%swap3A_904, %swap3A_905, %swap3A_906] {strides = array<i32>} : memref<4x16x1024xf32, #tpu.memory_space<vmem>>, vector<1x1x16xf32>,
        %swap3A_908 = vector.shape_cast %swap3A_907 : vector<1x1x16xf32> to vector<16xf32>
        %swap3A_909 = vector.shape_cast %mul3A_902 : vector<16xf32> to vector<1x1x16xf32>
        tpu.vector_store %arg6[%swap3A_904, %swap3A_905, %swap3A_906], %swap3A_909 {strides = array<i32>} : memref<4x16x1024xf32, #tpu.memory_space<vmem>>, vector<1x1x16xf32>,
        %get3A_910 = arith.constant 2 : i32
        %get3A_911 = arith.index_cast %get3A_910 : i32 to index
        %get3A_912 = arith.index_cast %add3A_255 : i32 to index
        %get3A_913 = arith.constant 656 : index
        %get3A_914 = tpu.vector_load %arg6[%get3A_911, %get3A_912, %get3A_913] {strides = array<i32>} : memref<4x16x1024xf32, #tpu.memory_space<vmem>>, vector<1x1x16xf32>,
        %get3A_915 = vector.shape_cast %get3A_914 : vector<1x1x16xf32> to vector<16xf32>
        %mul3A_916 = arith.constant 3.200000e+01 : f32
        %mul3A_917 = vector.broadcast %mul3A_916 : f32 to vector<16xf32>
        %mul3A_918 = arith.mulf %get3A_915, %mul3A_917 : vector<16xf32>
        %swap3A_919 = arith.constant 2 : i32
        %swap3A_920 = arith.index_cast %swap3A_919 : i32 to index
        %swap3A_921 = arith.index_cast %add3A_255 : i32 to index
        %swap3A_922 = arith.constant 656 : index
        %swap3A_923 = tpu.vector_load %arg6[%swap3A_920, %swap3A_921, %swap3A_922] {strides = array<i32>} : memref<4x16x1024xf32, #tpu.memory_space<vmem>>, vector<1x1x16xf32>,
        %swap3A_924 = vector.shape_cast %swap3A_923 : vector<1x1x16xf32> to vector<16xf32>
        %swap3A_925 = vector.shape_cast %mul3A_918 : vector<16xf32> to vector<1x1x16xf32>
        tpu.vector_store %arg6[%swap3A_920, %swap3A_921, %swap3A_922], %swap3A_925 {strides = array<i32>} : memref<4x16x1024xf32, #tpu.memory_space<vmem>>, vector<1x1x16xf32>,
        %get3A_926 = arith.constant 2 : i32
        %get3A_927 = arith.index_cast %get3A_926 : i32 to index
        %get3A_928 = arith.index_cast %add3A_255 : i32 to index
        %get3A_929 = arith.constant 672 : index
        %get3A_930 = tpu.vector_load %arg6[%get3A_927, %get3A_928, %get3A_929] {strides = array<i32>} : memref<4x16x1024xf32, #tpu.memory_space<vmem>>, vector<1x1x16xf32>,
        %get3A_931 = vector.shape_cast %get3A_930 : vector<1x1x16xf32> to vector<16xf32>
        %mul3A_932 = arith.constant 3.200000e+01 : f32
        %mul3A_933 = vector.broadcast %mul3A_932 : f32 to vector<16xf32>
        %mul3A_934 = arith.mulf %get3A_931, %mul3A_933 : vector<16xf32>
        %swap3A_935 = arith.constant 2 : i32
        %swap3A_936 = arith.index_cast %swap3A_935 : i32 to index
        %swap3A_937 = arith.index_cast %add3A_255 : i32 to index
        %swap3A_938 = arith.constant 672 : index
        %swap3A_939 = tpu.vector_load %arg6[%swap3A_936, %swap3A_937, %swap3A_938] {strides = array<i32>} : memref<4x16x1024xf32, #tpu.memory_space<vmem>>, vector<1x1x16xf32>,
        %swap3A_940 = vector.shape_cast %swap3A_939 : vector<1x1x16xf32> to vector<16xf32>
        %swap3A_941 = vector.shape_cast %mul3A_934 : vector<16xf32> to vector<1x1x16xf32>
        tpu.vector_store %arg6[%swap3A_936, %swap3A_937, %swap3A_938], %swap3A_941 {strides = array<i32>} : memref<4x16x1024xf32, #tpu.memory_space<vmem>>, vector<1x1x16xf32>,
        %get3A_942 = arith.constant 2 : i32
        %get3A_943 = arith.index_cast %get3A_942 : i32 to index
        %get3A_944 = arith.index_cast %add3A_255 : i32 to index
        %get3A_945 = arith.constant 688 : index
        %get3A_946 = tpu.vector_load %arg6[%get3A_943, %get3A_944, %get3A_945] {strides = array<i32>} : memref<4x16x1024xf32, #tpu.memory_space<vmem>>, vector<1x1x16xf32>,
        %get3A_947 = vector.shape_cast %get3A_946 : vector<1x1x16xf32> to vector<16xf32>
        %mul3A_948 = arith.constant 3.200000e+01 : f32
        %mul3A_949 = vector.broadcast %mul3A_948 : f32 to vector<16xf32>
        %mul3A_950 = arith.mulf %get3A_947, %mul3A_949 : vector<16xf32>
        %swap3A_951 = arith.constant 2 : i32
        %swap3A_952 = arith.index_cast %swap3A_951 : i32 to index
        %swap3A_953 = arith.index_cast %add3A_255 : i32 to index
        %swap3A_954 = arith.constant 688 : index
        %swap3A_955 = tpu.vector_load %arg6[%swap3A_952, %swap3A_953, %swap3A_954] {strides = array<i32>} : memref<4x16x1024xf32, #tpu.memory_space<vmem>>, vector<1x1x16xf32>,
        %swap3A_956 = vector.shape_cast %swap3A_955 : vector<1x1x16xf32> to vector<16xf32>
        %swap3A_957 = vector.shape_cast %mul3A_950 : vector<16xf32> to vector<1x1x16xf32>
        tpu.vector_store %arg6[%swap3A_952, %swap3A_953, %swap3A_954], %swap3A_957 {strides = array<i32>} : memref<4x16x1024xf32, #tpu.memory_space<vmem>>, vector<1x1x16xf32>,
        %get3A_958 = arith.constant 2 : i32
        %get3A_959 = arith.index_cast %get3A_958 : i32 to index
        %get3A_960 = arith.index_cast %add3A_255 : i32 to index
        %get3A_961 = arith.constant 704 : index
        %get3A_962 = tpu.vector_load %arg6[%get3A_959, %get3A_960, %get3A_961] {strides = array<i32>} : memref<4x16x1024xf32, #tpu.memory_space<vmem>>, vector<1x1x16xf32>,
        %get3A_963 = vector.shape_cast %get3A_962 : vector<1x1x16xf32> to vector<16xf32>
        %mul3A_964 = arith.constant 3.200000e+01 : f32
        %mul3A_965 = vector.broadcast %mul3A_964 : f32 to vector<16xf32>
        %mul3A_966 = arith.mulf %get3A_963, %mul3A_965 : vector<16xf32>
        %swap3A_967 = arith.constant 2 : i32
        %swap3A_968 = arith.index_cast %swap3A_967 : i32 to index
        %swap3A_969 = arith.index_cast %add3A_255 : i32 to index
        %swap3A_970 = arith.constant 704 : index
        %swap3A_971 = tpu.vector_load %arg6[%swap3A_968, %swap3A_969, %swap3A_970] {strides = array<i32>} : memref<4x16x1024xf32, #tpu.memory_space<vmem>>, vector<1x1x16xf32>,
        %swap3A_972 = vector.shape_cast %swap3A_971 : vector<1x1x16xf32> to vector<16xf32>
        %swap3A_973 = vector.shape_cast %mul3A_966 : vector<16xf32> to vector<1x1x16xf32>
        tpu.vector_store %arg6[%swap3A_968, %swap3A_969, %swap3A_970], %swap3A_973 {strides = array<i32>} : memref<4x16x1024xf32, #tpu.memory_space<vmem>>, vector<1x1x16xf32>,
        %get3A_974 = arith.constant 2 : i32
        %get3A_975 = arith.index_cast %get3A_974 : i32 to index
        %get3A_976 = arith.index_cast %add3A_255 : i32 to index
        %get3A_977 = arith.constant 720 : index
        %get3A_978 = tpu.vector_load %arg6[%get3A_975, %get3A_976, %get3A_977] {strides = array<i32>} : memref<4x16x1024xf32, #tpu.memory_space<vmem>>, vector<1x1x16xf32>,
        %get3A_979 = vector.shape_cast %get3A_978 : vector<1x1x16xf32> to vector<16xf32>
        %mul3A_980 = arith.constant 3.200000e+01 : f32
        %mul3A_981 = vector.broadcast %mul3A_980 : f32 to vector<16xf32>
        %mul3A_982 = arith.mulf %get3A_979, %mul3A_981 : vector<16xf32>
        %swap3A_983 = arith.constant 2 : i32
        %swap3A_984 = arith.index_cast %swap3A_983 : i32 to index
        %swap3A_985 = arith.index_cast %add3A_255 : i32 to index
        %swap3A_986 = arith.constant 720 : index
        %swap3A_987 = tpu.vector_load %arg6[%swap3A_984, %swap3A_985, %swap3A_986] {strides = array<i32>} : memref<4x16x1024xf32, #tpu.memory_space<vmem>>, vector<1x1x16xf32>,
        %swap3A_988 = vector.shape_cast %swap3A_987 : vector<1x1x16xf32> to vector<16xf32>
        %swap3A_989 = vector.shape_cast %mul3A_982 : vector<16xf32> to vector<1x1x16xf32>
        tpu.vector_store %arg6[%swap3A_984, %swap3A_985, %swap3A_986], %swap3A_989 {strides = array<i32>} : memref<4x16x1024xf32, #tpu.memory_space<vmem>>, vector<1x1x16xf32>,
        %get3A_990 = arith.constant 2 : i32
        %get3A_991 = arith.index_cast %get3A_990 : i32 to index
        %get3A_992 = arith.index_cast %add3A_255 : i32 to index
        %get3A_993 = arith.constant 736 : index
        %get3A_994 = tpu.vector_load %arg6[%get3A_991, %get3A_992, %get3A_993] {strides = array<i32>} : memref<4x16x1024xf32, #tpu.memory_space<vmem>>, vector<1x1x16xf32>,
        %get3A_995 = vector.shape_cast %get3A_994 : vector<1x1x16xf32> to vector<16xf32>
        %mul3A_996 = arith.constant 3.200000e+01 : f32
        %mul3A_997 = vector.broadcast %mul3A_996 : f32 to vector<16xf32>
        %mul3A_998 = arith.mulf %get3A_995, %mul3A_997 : vector<16xf32>
        %swap3A_999 = arith.constant 2 : i32
        %swap3A_1000 = arith.index_cast %swap3A_999 : i32 to index
        %swap3A_1001 = arith.index_cast %add3A_255 : i32 to index
        %swap3A_1002 = arith.constant 736 : index
        %swap3A_1003 = tpu.vector_load %arg6[%swap3A_1000, %swap3A_1001, %swap3A_1002] {strides = array<i32>} : memref<4x16x1024xf32, #tpu.memory_space<vmem>>, vector<1x1x16xf32>,
        %swap3A_1004 = vector.shape_cast %swap3A_1003 : vector<1x1x16xf32> to vector<16xf32>
        %swap3A_1005 = vector.shape_cast %mul3A_998 : vector<16xf32> to vector<1x1x16xf32>
        tpu.vector_store %arg6[%swap3A_1000, %swap3A_1001, %swap3A_1002], %swap3A_1005 {strides = array<i32>} : memref<4x16x1024xf32, #tpu.memory_space<vmem>>, vector<1x1x16xf32>,
        %get3A_1006 = arith.constant 2 : i32
        %get3A_1007 = arith.index_cast %get3A_1006 : i32 to index
        %get3A_1008 = arith.index_cast %add3A_255 : i32 to index
        %get3A_1009 = arith.constant 752 : index
        %get3A_1010 = tpu.vector_load %arg6[%get3A_1007, %get3A_1008, %get3A_1009] {strides = array<i32>} : memref<4x16x1024xf32, #tpu.memory_space<vmem>>, vector<1x1x16xf32>,
        %get3A_1011 = vector.shape_cast %get3A_1010 : vector<1x1x16xf32> to vector<16xf32>
        %mul3A_1012 = arith.constant 3.200000e+01 : f32
        %mul3A_1013 = vector.broadcast %mul3A_1012 : f32 to vector<16xf32>
        %mul3A_1014 = arith.mulf %get3A_1011, %mul3A_1013 : vector<16xf32>
        %swap3A_1015 = arith.constant 2 : i32
        %swap3A_1016 = arith.index_cast %swap3A_1015 : i32 to index
        %swap3A_1017 = arith.index_cast %add3A_255 : i32 to index
        %swap3A_1018 = arith.constant 752 : index
        %swap3A_1019 = tpu.vector_load %arg6[%swap3A_1016, %swap3A_1017, %swap3A_1018] {strides = array<i32>} : memref<4x16x1024xf32, #tpu.memory_space<vmem>>, vector<1x1x16xf32>,
        %swap3A_1020 = vector.shape_cast %swap3A_1019 : vector<1x1x16xf32> to vector<16xf32>
        %swap3A_1021 = vector.shape_cast %mul3A_1014 : vector<16xf32> to vector<1x1x16xf32>
        tpu.vector_store %arg6[%swap3A_1016, %swap3A_1017, %swap3A_1018], %swap3A_1021 {strides = array<i32>} : memref<4x16x1024xf32, #tpu.memory_space<vmem>>, vector<1x1x16xf32>,
        %get3A_1022 = arith.constant 2 : i32
        %get3A_1023 = arith.index_cast %get3A_1022 : i32 to index
        %get3A_1024 = arith.index_cast %add3A_255 : i32 to index
        %get3A_1025 = arith.constant 768 : index
        %get3A_1026 = tpu.vector_load %arg6[%get3A_1023, %get3A_1024, %get3A_1025] {strides = array<i32>} : memref<4x16x1024xf32, #tpu.memory_space<vmem>>, vector<1x1x16xf32>,
        %get3A_1027 = vector.shape_cast %get3A_1026 : vector<1x1x16xf32> to vector<16xf32>
        %mul3A_1028 = arith.constant 3.200000e+01 : f32
        %mul3A_1029 = vector.broadcast %mul3A_1028 : f32 to vector<16xf32>
        %mul3A_1030 = arith.mulf %get3A_1027, %mul3A_1029 : vector<16xf32>
        %swap3A_1031 = arith.constant 2 : i32
        %swap3A_1032 = arith.index_cast %swap3A_1031 : i32 to index
        %swap3A_1033 = arith.index_cast %add3A_255 : i32 to index
        %swap3A_1034 = arith.constant 768 : index
        %swap3A_1035 = tpu.vector_load %arg6[%swap3A_1032, %swap3A_1033, %swap3A_1034] {strides = array<i32>} : memref<4x16x1024xf32, #tpu.memory_space<vmem>>, vector<1x1x16xf32>,
        %swap3A_1036 = vector.shape_cast %swap3A_1035 : vector<1x1x16xf32> to vector<16xf32>
        %swap3A_1037 = vector.shape_cast %mul3A_1030 : vector<16xf32> to vector<1x1x16xf32>
        tpu.vector_store %arg6[%swap3A_1032, %swap3A_1033, %swap3A_1034], %swap3A_1037 {strides = array<i32>} : memref<4x16x1024xf32, #tpu.memory_space<vmem>>, vector<1x1x16xf32>,
        %get3A_1038 = arith.constant 2 : i32
        %get3A_1039 = arith.index_cast %get3A_1038 : i32 to index
        %get3A_1040 = arith.index_cast %add3A_255 : i32 to index
        %get3A_1041 = arith.constant 784 : index
        %get3A_1042 = tpu.vector_load %arg6[%get3A_1039, %get3A_1040, %get3A_1041] {strides = array<i32>} : memref<4x16x1024xf32, #tpu.memory_space<vmem>>, vector<1x1x16xf32>,
        %get3A_1043 = vector.shape_cast %get3A_1042 : vector<1x1x16xf32> to vector<16xf32>
        %mul3A_1044 = arith.constant 3.200000e+01 : f32
        %mul3A_1045 = vector.broadcast %mul3A_1044 : f32 to vector<16xf32>
        %mul3A_1046 = arith.mulf %get3A_1043, %mul3A_1045 : vector<16xf32>
        %swap3A_1047 = arith.constant 2 : i32
        %swap3A_1048 = arith.index_cast %swap3A_1047 : i32 to index
        %swap3A_1049 = arith.index_cast %add3A_255 : i32 to index
        %swap3A_1050 = arith.constant 784 : index
        %swap3A_1051 = tpu.vector_load %arg6[%swap3A_1048, %swap3A_1049, %swap3A_1050] {strides = array<i32>} : memref<4x16x1024xf32, #tpu.memory_space<vmem>>, vector<1x1x16xf32>,
        %swap3A_1052 = vector.shape_cast %swap3A_1051 : vector<1x1x16xf32> to vector<16xf32>
        %swap3A_1053 = vector.shape_cast %mul3A_1046 : vector<16xf32> to vector<1x1x16xf32>
        tpu.vector_store %arg6[%swap3A_1048, %swap3A_1049, %swap3A_1050], %swap3A_1053 {strides = array<i32>} : memref<4x16x1024xf32, #tpu.memory_space<vmem>>, vector<1x1x16xf32>,
        %get3A_1054 = arith.constant 2 : i32
        %get3A_1055 = arith.index_cast %get3A_1054 : i32 to index
        %get3A_1056 = arith.index_cast %add3A_255 : i32 to index
        %get3A_1057 = arith.constant 800 : index
        %get3A_1058 = tpu.vector_load %arg6[%get3A_1055, %get3A_1056, %get3A_1057] {strides = array<i32>} : memref<4x16x1024xf32, #tpu.memory_space<vmem>>, vector<1x1x16xf32>,
        %get3A_1059 = vector.shape_cast %get3A_1058 : vector<1x1x16xf32> to vector<16xf32>
        %mul3A_1060 = arith.constant 3.200000e+01 : f32
        %mul3A_1061 = vector.broadcast %mul3A_1060 : f32 to vector<16xf32>
        %mul3A_1062 = arith.mulf %get3A_1059, %mul3A_1061 : vector<16xf32>
        %swap3A_1063 = arith.constant 2 : i32
        %swap3A_1064 = arith.index_cast %swap3A_1063 : i32 to index
        %swap3A_1065 = arith.index_cast %add3A_255 : i32 to index
        %swap3A_1066 = arith.constant 800 : index
        %swap3A_1067 = tpu.vector_load %arg6[%swap3A_1064, %swap3A_1065, %swap3A_1066] {strides = array<i32>} : memref<4x16x1024xf32, #tpu.memory_space<vmem>>, vector<1x1x16xf32>,
        %swap3A_1068 = vector.shape_cast %swap3A_1067 : vector<1x1x16xf32> to vector<16xf32>
        %swap3A_1069 = vector.shape_cast %mul3A_1062 : vector<16xf32> to vector<1x1x16xf32>
        tpu.vector_store %arg6[%swap3A_1064, %swap3A_1065, %swap3A_1066], %swap3A_1069 {strides = array<i32>} : memref<4x16x1024xf32, #tpu.memory_space<vmem>>, vector<1x1x16xf32>,
        %get3A_1070 = arith.constant 2 : i32
        %get3A_1071 = arith.index_cast %get3A_1070 : i32 to index
        %get3A_1072 = arith.index_cast %add3A_255 : i32 to index
        %get3A_1073 = arith.constant 816 : index
        %get3A_1074 = tpu.vector_load %arg6[%get3A_1071, %get3A_1072, %get3A_1073] {strides = array<i32>} : memref<4x16x1024xf32, #tpu.memory_space<vmem>>, vector<1x1x16xf32>,
        %get3A_1075 = vector.shape_cast %get3A_1074 : vector<1x1x16xf32> to vector<16xf32>
        %mul3A_1076 = arith.constant 3.200000e+01 : f32
        %mul3A_1077 = vector.broadcast %mul3A_1076 : f32 to vector<16xf32>
        %mul3A_1078 = arith.mulf %get3A_1075, %mul3A_1077 : vector<16xf32>
        %swap3A_1079 = arith.constant 2 : i32
        %swap3A_1080 = arith.index_cast %swap3A_1079 : i32 to index
        %swap3A_1081 = arith.index_cast %add3A_255 : i32 to index
        %swap3A_1082 = arith.constant 816 : index
        %swap3A_1083 = tpu.vector_load %arg6[%swap3A_1080, %swap3A_1081, %swap3A_1082] {strides = array<i32>} : memref<4x16x1024xf32, #tpu.memory_space<vmem>>, vector<1x1x16xf32>,
        %swap3A_1084 = vector.shape_cast %swap3A_1083 : vector<1x1x16xf32> to vector<16xf32>
        %swap3A_1085 = vector.shape_cast %mul3A_1078 : vector<16xf32> to vector<1x1x16xf32>
        tpu.vector_store %arg6[%swap3A_1080, %swap3A_1081, %swap3A_1082], %swap3A_1085 {strides = array<i32>} : memref<4x16x1024xf32, #tpu.memory_space<vmem>>, vector<1x1x16xf32>,
        %get3A_1086 = arith.constant 2 : i32
        %get3A_1087 = arith.index_cast %get3A_1086 : i32 to index
        %get3A_1088 = arith.index_cast %add3A_255 : i32 to index
        %get3A_1089 = arith.constant 832 : index
        %get3A_1090 = tpu.vector_load %arg6[%get3A_1087, %get3A_1088, %get3A_1089] {strides = array<i32>} : memref<4x16x1024xf32, #tpu.memory_space<vmem>>, vector<1x1x16xf32>,
        %get3A_1091 = vector.shape_cast %get3A_1090 : vector<1x1x16xf32> to vector<16xf32>
        %mul3A_1092 = arith.constant 3.200000e+01 : f32
        %mul3A_1093 = vector.broadcast %mul3A_1092 : f32 to vector<16xf32>
        %mul3A_1094 = arith.mulf %get3A_1091, %mul3A_1093 : vector<16xf32>
        %swap3A_1095 = arith.constant 2 : i32
        %swap3A_1096 = arith.index_cast %swap3A_1095 : i32 to index
        %swap3A_1097 = arith.index_cast %add3A_255 : i32 to index
        %swap3A_1098 = arith.constant 832 : index
        %swap3A_1099 = tpu.vector_load %arg6[%swap3A_1096, %swap3A_1097, %swap3A_1098] {strides = array<i32>} : memref<4x16x1024xf32, #tpu.memory_space<vmem>>, vector<1x1x16xf32>,
        %swap3A_1100 = vector.shape_cast %swap3A_1099 : vector<1x1x16xf32> to vector<16xf32>
        %swap3A_1101 = vector.shape_cast %mul3A_1094 : vector<16xf32> to vector<1x1x16xf32>
        tpu.vector_store %arg6[%swap3A_1096, %swap3A_1097, %swap3A_1098], %swap3A_1101 {strides = array<i32>} : memref<4x16x1024xf32, #tpu.memory_space<vmem>>, vector<1x1x16xf32>,
        %get3A_1102 = arith.constant 2 : i32
        %get3A_1103 = arith.index_cast %get3A_1102 : i32 to index
        %get3A_1104 = arith.index_cast %add3A_255 : i32 to index
        %get3A_1105 = arith.constant 848 : index
        %get3A_1106 = tpu.vector_load %arg6[%get3A_1103, %get3A_1104, %get3A_1105] {strides = array<i32>} : memref<4x16x1024xf32, #tpu.memory_space<vmem>>, vector<1x1x16xf32>,
        %get3A_1107 = vector.shape_cast %get3A_1106 : vector<1x1x16xf32> to vector<16xf32>
        %mul3A_1108 = arith.constant 3.200000e+01 : f32
        %mul3A_1109 = vector.broadcast %mul3A_1108 : f32 to vector<16xf32>
        %mul3A_1110 = arith.mulf %get3A_1107, %mul3A_1109 : vector<16xf32>
        %swap3A_1111 = arith.constant 2 : i32
        %swap3A_1112 = arith.index_cast %swap3A_1111 : i32 to index
        %swap3A_1113 = arith.index_cast %add3A_255 : i32 to index
        %swap3A_1114 = arith.constant 848 : index
        %swap3A_1115 = tpu.vector_load %arg6[%swap3A_1112, %swap3A_1113, %swap3A_1114] {strides = array<i32>} : memref<4x16x1024xf32, #tpu.memory_space<vmem>>, vector<1x1x16xf32>,
        %swap3A_1116 = vector.shape_cast %swap3A_1115 : vector<1x1x16xf32> to vector<16xf32>
        %swap3A_1117 = vector.shape_cast %mul3A_1110 : vector<16xf32> to vector<1x1x16xf32>
        tpu.vector_store %arg6[%swap3A_1112, %swap3A_1113, %swap3A_1114], %swap3A_1117 {strides = array<i32>} : memref<4x16x1024xf32, #tpu.memory_space<vmem>>, vector<1x1x16xf32>,
        %get3A_1118 = arith.constant 2 : i32
        %get3A_1119 = arith.index_cast %get3A_1118 : i32 to index
        %get3A_1120 = arith.index_cast %add3A_255 : i32 to index
        %get3A_1121 = arith.constant 864 : index
        %get3A_1122 = tpu.vector_load %arg6[%get3A_1119, %get3A_1120, %get3A_1121] {strides = array<i32>} : memref<4x16x1024xf32, #tpu.memory_space<vmem>>, vector<1x1x16xf32>,
        %get3A_1123 = vector.shape_cast %get3A_1122 : vector<1x1x16xf32> to vector<16xf32>
        %mul3A_1124 = arith.constant 3.200000e+01 : f32
        %mul3A_1125 = vector.broadcast %mul3A_1124 : f32 to vector<16xf32>
        %mul3A_1126 = arith.mulf %get3A_1123, %mul3A_1125 : vector<16xf32>
        %swap3A_1127 = arith.constant 2 : i32
        %swap3A_1128 = arith.index_cast %swap3A_1127 : i32 to index
        %swap3A_1129 = arith.index_cast %add3A_255 : i32 to index
        %swap3A_1130 = arith.constant 864 : index
        %swap3A_1131 = tpu.vector_load %arg6[%swap3A_1128, %swap3A_1129, %swap3A_1130] {strides = array<i32>} : memref<4x16x1024xf32, #tpu.memory_space<vmem>>, vector<1x1x16xf32>,
        %swap3A_1132 = vector.shape_cast %swap3A_1131 : vector<1x1x16xf32> to vector<16xf32>
        %swap3A_1133 = vector.shape_cast %mul3A_1126 : vector<16xf32> to vector<1x1x16xf32>
        tpu.vector_store %arg6[%swap3A_1128, %swap3A_1129, %swap3A_1130], %swap3A_1133 {strides = array<i32>} : memref<4x16x1024xf32, #tpu.memory_space<vmem>>, vector<1x1x16xf32>,
        %get3A_1134 = arith.constant 2 : i32
        %get3A_1135 = arith.index_cast %get3A_1134 : i32 to index
        %get3A_1136 = arith.index_cast %add3A_255 : i32 to index
        %get3A_1137 = arith.constant 880 : index
        %get3A_1138 = tpu.vector_load %arg6[%get3A_1135, %get3A_1136, %get3A_1137] {strides = array<i32>} : memref<4x16x1024xf32, #tpu.memory_space<vmem>>, vector<1x1x16xf32>,
        %get3A_1139 = vector.shape_cast %get3A_1138 : vector<1x1x16xf32> to vector<16xf32>
        %mul3A_1140 = arith.constant 3.200000e+01 : f32
        %mul3A_1141 = vector.broadcast %mul3A_1140 : f32 to vector<16xf32>
        %mul3A_1142 = arith.mulf %get3A_1139, %mul3A_1141 : vector<16xf32>
        %swap3A_1143 = arith.constant 2 : i32
        %swap3A_1144 = arith.index_cast %swap3A_1143 : i32 to index
        %swap3A_1145 = arith.index_cast %add3A_255 : i32 to index
        %swap3A_1146 = arith.constant 880 : index
        %swap3A_1147 = tpu.vector_load %arg6[%swap3A_1144, %swap3A_1145, %swap3A_1146] {strides = array<i32>} : memref<4x16x1024xf32, #tpu.memory_space<vmem>>, vector<1x1x16xf32>,
        %swap3A_1148 = vector.shape_cast %swap3A_1147 : vector<1x1x16xf32> to vector<16xf32>
        %swap3A_1149 = vector.shape_cast %mul3A_1142 : vector<16xf32> to vector<1x1x16xf32>
        tpu.vector_store %arg6[%swap3A_1144, %swap3A_1145, %swap3A_1146], %swap3A_1149 {strides = array<i32>} : memref<4x16x1024xf32, #tpu.memory_space<vmem>>, vector<1x1x16xf32>,
        %get3A_1150 = arith.constant 2 : i32
        %get3A_1151 = arith.index_cast %get3A_1150 : i32 to index
        %get3A_1152 = arith.index_cast %add3A_255 : i32 to index
        %get3A_1153 = arith.constant 896 : index
        %get3A_1154 = tpu.vector_load %arg6[%get3A_1151, %get3A_1152, %get3A_1153] {strides = array<i32>} : memref<4x16x1024xf32, #tpu.memory_space<vmem>>, vector<1x1x16xf32>,
        %get3A_1155 = vector.shape_cast %get3A_1154 : vector<1x1x16xf32> to vector<16xf32>
        %mul3A_1156 = arith.constant 3.200000e+01 : f32
        %mul3A_1157 = vector.broadcast %mul3A_1156 : f32 to vector<16xf32>
        %mul3A_1158 = arith.mulf %get3A_1155, %mul3A_1157 : vector<16xf32>
        %swap3A_1159 = arith.constant 2 : i32
        %swap3A_1160 = arith.index_cast %swap3A_1159 : i32 to index
        %swap3A_1161 = arith.index_cast %add3A_255 : i32 to index
        %swap3A_1162 = arith.constant 896 : index
        %swap3A_1163 = tpu.vector_load %arg6[%swap3A_1160, %swap3A_1161, %swap3A_1162] {strides = array<i32>} : memref<4x16x1024xf32, #tpu.memory_space<vmem>>, vector<1x1x16xf32>,
        %swap3A_1164 = vector.shape_cast %swap3A_1163 : vector<1x1x16xf32> to vector<16xf32>
        %swap3A_1165 = vector.shape_cast %mul3A_1158 : vector<16xf32> to vector<1x1x16xf32>
        tpu.vector_store %arg6[%swap3A_1160, %swap3A_1161, %swap3A_1162], %swap3A_1165 {strides = array<i32>} : memref<4x16x1024xf32, #tpu.memory_space<vmem>>, vector<1x1x16xf32>,
        %get3A_1166 = arith.constant 2 : i32
        %get3A_1167 = arith.index_cast %get3A_1166 : i32 to index
        %get3A_1168 = arith.index_cast %add3A_255 : i32 to index
        %get3A_1169 = arith.constant 912 : index
        %get3A_1170 = tpu.vector_load %arg6[%get3A_1167, %get3A_1168, %get3A_1169] {strides = array<i32>} : memref<4x16x1024xf32, #tpu.memory_space<vmem>>, vector<1x1x16xf32>,
        %get3A_1171 = vector.shape_cast %get3A_1170 : vector<1x1x16xf32> to vector<16xf32>
        %mul3A_1172 = arith.constant 3.200000e+01 : f32
        %mul3A_1173 = vector.broadcast %mul3A_1172 : f32 to vector<16xf32>
        %mul3A_1174 = arith.mulf %get3A_1171, %mul3A_1173 : vector<16xf32>
        %swap3A_1175 = arith.constant 2 : i32
        %swap3A_1176 = arith.index_cast %swap3A_1175 : i32 to index
        %swap3A_1177 = arith.index_cast %add3A_255 : i32 to index
        %swap3A_1178 = arith.constant 912 : index
        %swap3A_1179 = tpu.vector_load %arg6[%swap3A_1176, %swap3A_1177, %swap3A_1178] {strides = array<i32>} : memref<4x16x1024xf32, #tpu.memory_space<vmem>>, vector<1x1x16xf32>,
        %swap3A_1180 = vector.shape_cast %swap3A_1179 : vector<1x1x16xf32> to vector<16xf32>
        %swap3A_1181 = vector.shape_cast %mul3A_1174 : vector<16xf32> to vector<1x1x16xf32>
        tpu.vector_store %arg6[%swap3A_1176, %swap3A_1177, %swap3A_1178], %swap3A_1181 {strides = array<i32>} : memref<4x16x1024xf32, #tpu.memory_space<vmem>>, vector<1x1x16xf32>,
        %get3A_1182 = arith.constant 2 : i32
        %get3A_1183 = arith.index_cast %get3A_1182 : i32 to index
        %get3A_1184 = arith.index_cast %add3A_255 : i32 to index
        %get3A_1185 = arith.constant 928 : index
        %get3A_1186 = tpu.vector_load %arg6[%get3A_1183, %get3A_1184, %get3A_1185] {strides = array<i32>} : memref<4x16x1024xf32, #tpu.memory_space<vmem>>, vector<1x1x16xf32>,
        %get3A_1187 = vector.shape_cast %get3A_1186 : vector<1x1x16xf32> to vector<16xf32>
        %mul3A_1188 = arith.constant 3.200000e+01 : f32
        %mul3A_1189 = vector.broadcast %mul3A_1188 : f32 to vector<16xf32>
        %mul3A_1190 = arith.mulf %get3A_1187, %mul3A_1189 : vector<16xf32>
        %swap3A_1191 = arith.constant 2 : i32
        %swap3A_1192 = arith.index_cast %swap3A_1191 : i32 to index
        %swap3A_1193 = arith.index_cast %add3A_255 : i32 to index
        %swap3A_1194 = arith.constant 928 : index
        %swap3A_1195 = tpu.vector_load %arg6[%swap3A_1192, %swap3A_1193, %swap3A_1194] {strides = array<i32>} : memref<4x16x1024xf32, #tpu.memory_space<vmem>>, vector<1x1x16xf32>,
        %swap3A_1196 = vector.shape_cast %swap3A_1195 : vector<1x1x16xf32> to vector<16xf32>
        %swap3A_1197 = vector.shape_cast %mul3A_1190 : vector<16xf32> to vector<1x1x16xf32>
        tpu.vector_store %arg6[%swap3A_1192, %swap3A_1193, %swap3A_1194], %swap3A_1197 {strides = array<i32>} : memref<4x16x1024xf32, #tpu.memory_space<vmem>>, vector<1x1x16xf32>,
        %get3A_1198 = arith.constant 2 : i32
        %get3A_1199 = arith.index_cast %get3A_1198 : i32 to index
        %get3A_1200 = arith.index_cast %add3A_255 : i32 to index
        %get3A_1201 = arith.constant 944 : index
        %get3A_1202 = tpu.vector_load %arg6[%get3A_1199, %get3A_1200, %get3A_1201] {strides = array<i32>} : memref<4x16x1024xf32, #tpu.memory_space<vmem>>, vector<1x1x16xf32>,
        %get3A_1203 = vector.shape_cast %get3A_1202 : vector<1x1x16xf32> to vector<16xf32>
        %mul3A_1204 = arith.constant 3.200000e+01 : f32
        %mul3A_1205 = vector.broadcast %mul3A_1204 : f32 to vector<16xf32>
        %mul3A_1206 = arith.mulf %get3A_1203, %mul3A_1205 : vector<16xf32>
        %swap3A_1207 = arith.constant 2 : i32
        %swap3A_1208 = arith.index_cast %swap3A_1207 : i32 to index
        %swap3A_1209 = arith.index_cast %add3A_255 : i32 to index
        %swap3A_1210 = arith.constant 944 : index
        %swap3A_1211 = tpu.vector_load %arg6[%swap3A_1208, %swap3A_1209, %swap3A_1210] {strides = array<i32>} : memref<4x16x1024xf32, #tpu.memory_space<vmem>>, vector<1x1x16xf32>,
        %swap3A_1212 = vector.shape_cast %swap3A_1211 : vector<1x1x16xf32> to vector<16xf32>
        %swap3A_1213 = vector.shape_cast %mul3A_1206 : vector<16xf32> to vector<1x1x16xf32>
        tpu.vector_store %arg6[%swap3A_1208, %swap3A_1209, %swap3A_1210], %swap3A_1213 {strides = array<i32>} : memref<4x16x1024xf32, #tpu.memory_space<vmem>>, vector<1x1x16xf32>,
        %get3A_1214 = arith.constant 2 : i32
        %get3A_1215 = arith.index_cast %get3A_1214 : i32 to index
        %get3A_1216 = arith.index_cast %add3A_255 : i32 to index
        %get3A_1217 = arith.constant 960 : index
        %get3A_1218 = tpu.vector_load %arg6[%get3A_1215, %get3A_1216, %get3A_1217] {strides = array<i32>} : memref<4x16x1024xf32, #tpu.memory_space<vmem>>, vector<1x1x16xf32>,
        %get3A_1219 = vector.shape_cast %get3A_1218 : vector<1x1x16xf32> to vector<16xf32>
        %mul3A_1220 = arith.constant 3.200000e+01 : f32
        %mul3A_1221 = vector.broadcast %mul3A_1220 : f32 to vector<16xf32>
        %mul3A_1222 = arith.mulf %get3A_1219, %mul3A_1221 : vector<16xf32>
        %swap3A_1223 = arith.constant 2 : i32
        %swap3A_1224 = arith.index_cast %swap3A_1223 : i32 to index
        %swap3A_1225 = arith.index_cast %add3A_255 : i32 to index
        %swap3A_1226 = arith.constant 960 : index
        %swap3A_1227 = tpu.vector_load %arg6[%swap3A_1224, %swap3A_1225, %swap3A_1226] {strides = array<i32>} : memref<4x16x1024xf32, #tpu.memory_space<vmem>>, vector<1x1x16xf32>,
        %swap3A_1228 = vector.shape_cast %swap3A_1227 : vector<1x1x16xf32> to vector<16xf32>
        %swap3A_1229 = vector.shape_cast %mul3A_1222 : vector<16xf32> to vector<1x1x16xf32>
        tpu.vector_store %arg6[%swap3A_1224, %swap3A_1225, %swap3A_1226], %swap3A_1229 {strides = array<i32>} : memref<4x16x1024xf32, #tpu.memory_space<vmem>>, vector<1x1x16xf32>,
        %get3A_1230 = arith.constant 2 : i32
        %get3A_1231 = arith.index_cast %get3A_1230 : i32 to index
        %get3A_1232 = arith.index_cast %add3A_255 : i32 to index
        %get3A_1233 = arith.constant 976 : index
        %get3A_1234 = tpu.vector_load %arg6[%get3A_1231, %get3A_1232, %get3A_1233] {strides = array<i32>} : memref<4x16x1024xf32, #tpu.memory_space<vmem>>, vector<1x1x16xf32>,
        %get3A_1235 = vector.shape_cast %get3A_1234 : vector<1x1x16xf32> to vector<16xf32>
        %mul3A_1236 = arith.constant 3.200000e+01 : f32
        %mul3A_1237 = vector.broadcast %mul3A_1236 : f32 to vector<16xf32>
        %mul3A_1238 = arith.mulf %get3A_1235, %mul3A_1237 : vector<16xf32>
        %swap3A_1239 = arith.constant 2 : i32
        %swap3A_1240 = arith.index_cast %swap3A_1239 : i32 to index
        %swap3A_1241 = arith.index_cast %add3A_255 : i32 to index
        %swap3A_1242 = arith.constant 976 : index
        %swap3A_1243 = tpu.vector_load %arg6[%swap3A_1240, %swap3A_1241, %swap3A_1242] {strides = array<i32>} : memref<4x16x1024xf32, #tpu.memory_space<vmem>>, vector<1x1x16xf32>,
        %swap3A_1244 = vector.shape_cast %swap3A_1243 : vector<1x1x16xf32> to vector<16xf32>
        %swap3A_1245 = vector.shape_cast %mul3A_1238 : vector<16xf32> to vector<1x1x16xf32>
        tpu.vector_store %arg6[%swap3A_1240, %swap3A_1241, %swap3A_1242], %swap3A_1245 {strides = array<i32>} : memref<4x16x1024xf32, #tpu.memory_space<vmem>>, vector<1x1x16xf32>,
        %get3A_1246 = arith.constant 2 : i32
        %get3A_1247 = arith.index_cast %get3A_1246 : i32 to index
        %get3A_1248 = arith.index_cast %add3A_255 : i32 to index
        %get3A_1249 = arith.constant 992 : index
        %get3A_1250 = tpu.vector_load %arg6[%get3A_1247, %get3A_1248, %get3A_1249] {strides = array<i32>} : memref<4x16x1024xf32, #tpu.memory_space<vmem>>, vector<1x1x16xf32>,
        %get3A_1251 = vector.shape_cast %get3A_1250 : vector<1x1x16xf32> to vector<16xf32>
        %mul3A_1252 = arith.constant 3.200000e+01 : f32
        %mul3A_1253 = vector.broadcast %mul3A_1252 : f32 to vector<16xf32>
        %mul3A_1254 = arith.mulf %get3A_1251, %mul3A_1253 : vector<16xf32>
        %swap3A_1255 = arith.constant 2 : i32
        %swap3A_1256 = arith.index_cast %swap3A_1255 : i32 to index
        %swap3A_1257 = arith.index_cast %add3A_255 : i32 to index
        %swap3A_1258 = arith.constant 992 : index
        %swap3A_1259 = tpu.vector_load %arg6[%swap3A_1256, %swap3A_1257, %swap3A_1258] {strides = array<i32>} : memref<4x16x1024xf32, #tpu.memory_space<vmem>>, vector<1x1x16xf32>,
        %swap3A_1260 = vector.shape_cast %swap3A_1259 : vector<1x1x16xf32> to vector<16xf32>
        %swap3A_1261 = vector.shape_cast %mul3A_1254 : vector<16xf32> to vector<1x1x16xf32>
        tpu.vector_store %arg6[%swap3A_1256, %swap3A_1257, %swap3A_1258], %swap3A_1261 {strides = array<i32>} : memref<4x16x1024xf32, #tpu.memory_space<vmem>>, vector<1x1x16xf32>,
        %get3A_1262 = arith.constant 2 : i32
        %get3A_1263 = arith.index_cast %get3A_1262 : i32 to index
        %get3A_1264 = arith.index_cast %add3A_255 : i32 to index
        %get3A_1265 = arith.constant 1008 : index
        %get3A_1266 = tpu.vector_load %arg6[%get3A_1263, %get3A_1264, %get3A_1265] {strides = array<i32>} : memref<4x16x1024xf32, #tpu.memory_space<vmem>>, vector<1x1x16xf32>,
        %get3A_1267 = vector.shape_cast %get3A_1266 : vector<1x1x16xf32> to vector<16xf32>
        %mul3A_1268 = arith.constant 3.200000e+01 : f32
        %mul3A_1269 = vector.broadcast %mul3A_1268 : f32 to vector<16xf32>
        %mul3A_1270 = arith.mulf %get3A_1267, %mul3A_1269 : vector<16xf32>
        %swap3A_1271 = arith.constant 2 : i32
        %swap3A_1272 = arith.index_cast %swap3A_1271 : i32 to index
        %swap3A_1273 = arith.index_cast %add3A_255 : i32 to index
        %swap3A_1274 = arith.constant 1008 : index
        %swap3A_1275 = tpu.vector_load %arg6[%swap3A_1272, %swap3A_1273, %swap3A_1274] {strides = array<i32>} : memref<4x16x1024xf32, #tpu.memory_space<vmem>>, vector<1x1x16xf32>,
        %swap3A_1276 = vector.shape_cast %swap3A_1275 : vector<1x1x16xf32> to vector<16xf32>
        %swap3A_1277 = vector.shape_cast %mul3A_1270 : vector<16xf32> to vector<1x1x16xf32>
        tpu.vector_store %arg6[%swap3A_1272, %swap3A_1273, %swap3A_1274], %swap3A_1277 {strides = array<i32>} : memref<4x16x1024xf32, #tpu.memory_space<vmem>>, vector<1x1x16xf32>,
      }
      %scan3A_193 = arith.constant 16 : i32
      %mul3A_194 = arith.constant 16 : i32
      %mul3A_195 = arith.muli %add3A_170, %mul3A_194 : i32
      %add3A_196 = arith.addi %mul3A_2, %mul3A_195 : i32
      %dma_start3A_197 = arith.constant 2 : i32
      %dma_start3A_198 = arith.constant 0 : i32
      %dma_start3A_199 = arith.constant 0 : i32
      %dma_start3A_200 = tpu.memref_slice %arg6[%dma_start3A_197, %dma_start3A_198, %dma_start3A_199] : memref<4x16x1024xf32, #tpu.memory_space<vmem>> -> memref<1x16x1024xf32, #tpu.memory_space<vmem>>
      %dma_start3A_201 = tpu.memref_squeeze %dma_start3A_200 : memref<1x16x1024xf32, #tpu.memory_space<vmem>> -> memref<16x1024xf32, #tpu.memory_space<vmem>>
      %dma_start3A_202 = arith.constant 0 : i32
      %dma_start3A_203 = tpu.memref_slice %arg4[%add3A_196, %dma_start3A_202] : memref<32768x1024xf32, #tpu.memory_space<hbm>> -> memref<16x1024xf32, #tpu.memory_space<hbm>>
      %dma_start3A_204 = arith.constant 0 : i32
      %dma_start3A_205 = tpu.memref_slice %arg4[%add3A_196, %dma_start3A_204] : memref<32768x1024xf32, #tpu.memory_space<hbm>> -> memref<16x1024xf32, #tpu.memory_space<hbm>>
      %dma_start3A_206 = arith.constant 0 : i32
      %dma_start3A_207 = arith.constant 0 : i32
      %dma_start3A_208 = tpu.memref_slice %arg6[%dma_start3A_197, %dma_start3A_206, %dma_start3A_207] : memref<4x16x1024xf32, #tpu.memory_space<vmem>> -> memref<1x16x1024xf32, #tpu.memory_space<vmem>>
      %dma_start3A_209 = tpu.memref_squeeze %dma_start3A_208 : memref<1x16x1024xf32, #tpu.memory_space<vmem>> -> memref<16x1024xf32, #tpu.memory_space<vmem>>
      tpu.enqueue_dma source(%dma_start3A_209 : memref<16x1024xf32, #tpu.memory_space<vmem>>) target(%dma_start3A_205 : memref<16x1024xf32, #tpu.memory_space<hbm>>) target_semaphore(%arg13 : memref<!tpu.dma_semaphore, #tpu.memory_space<semaphore_mem>>)
      %add3A_210 = arith.constant 3 : i32
      %add3A_211 = arith.addi %add3A_89, %add3A_210 : i32
      %mul3A_212 = arith.constant 16 : i32
      %mul3A_213 = arith.muli %add3A_211, %mul3A_212 : i32
      %dma_wait3A_214 = arith.constant 3 : i32
      %dma_wait3A_215 = arith.constant 0 : i32
      %dma_wait3A_216 = arith.constant 0 : i32
      %dma_wait3A_217 = tpu.memref_slice %arg6[%dma_wait3A_214, %dma_wait3A_215, %dma_wait3A_216] : memref<4x16x1024xf32, #tpu.memory_space<vmem>> -> memref<1x16x1024xf32, #tpu.memory_space<vmem>>
      %dma_wait3A_218 = tpu.memref_squeeze %dma_wait3A_217 : memref<1x16x1024xf32, #tpu.memory_space<vmem>> -> memref<16x1024xf32, #tpu.memory_space<vmem>>
      %dma_wait3A_219 = tpu.memref_slice %arg5[%mul3A_213] : memref<1024xi32, #tpu.memory_space<vmem>> -> memref<16xi32, #tpu.memory_space<vmem>>
      %dma_wait3A_220 = arith.constant 0 : i32
      %dma_wait3A_221 = arith.constant 0 : i32
      %dma_wait3A_222 = tpu.memref_slice %arg2[%dma_wait3A_220, %dma_wait3A_221] : memref<100000x1024xf32, #tpu.memory_space<hbm>> -> memref<100000x1024xf32, #tpu.memory_space<hbm>>
      tpu.wait_indirect_dma semaphore(%arg10 : memref<!tpu.dma_semaphore, #tpu.memory_space<semaphore_mem>>) src(%dma_wait3A_222 : memref<100000x1024xf32, #tpu.memory_space<hbm>>) dst(%dma_wait3A_218 : memref<16x1024xf32, #tpu.memory_space<vmem>>)
      %add3A_223 = arith.constant 2 : i32
      %add3A_224 = arith.addi %add3A_211, %add3A_223 : i32
      %lt3A_225 = arith.constant 64 : i32
      %lt3A_226 = arith.cmpi slt, %add3A_224, %lt3A_225 : i32
      %convert_element_type3A_227 = arith.extui %lt3A_226 : i1 to i32
      %cond3A_228 = arith.constant 0 : i32
      %cond3A_229 = arith.cmpi ne, %convert_element_type3A_227, %cond3A_228 : i32
      scf.if %cond3A_229 {
        %ge3A = arith.constant 2 : i32
        %ge3A_251 = arith.cmpi sge, %add3A_211, %ge3A : i32
        %convert_element_type3A_252 = arith.extui %ge3A_251 : i1 to i32
        %cond3A_253 = arith.constant 0 : i32
        %cond3A_254 = arith.cmpi ne, %convert_element_type3A_252, %cond3A_253 : i32
        scf.if %cond3A_254 {
          %sub3A = arith.constant 2 : i32
          %sub3A_268 = arith.subi %add3A_211, %sub3A : i32
          %mul3A_269 = arith.constant 16 : i32
          %mul3A_270 = arith.muli %sub3A_268, %mul3A_269 : i32
          %add3A_271 = arith.addi %mul3A_2, %mul3A_270 : i32
          %dma_wait3A_272 = arith.constant 1 : i32
          %dma_wait3A_273 = arith.constant 0 : i32
          %dma_wait3A_274 = arith.constant 0 : i32
          %dma_wait3A_275 = tpu.memref_slice %arg6[%dma_wait3A_272, %dma_wait3A_273, %dma_wait3A_274] : memref<4x16x1024xf32, #tpu.memory_space<vmem>> -> memref<1x16x1024xf32, #tpu.memory_space<vmem>>
          %dma_wait3A_276 = tpu.memref_squeeze %dma_wait3A_275 : memref<1x16x1024xf32, #tpu.memory_space<vmem>> -> memref<16x1024xf32, #tpu.memory_space<vmem>>
          %dma_wait3A_277 = arith.constant 0 : i32
          %dma_wait3A_278 = tpu.memref_slice %arg4[%add3A_271, %dma_wait3A_277] : memref<32768x1024xf32, #tpu.memory_space<hbm>> -> memref<16x1024xf32, #tpu.memory_space<hbm>>
          %dma_wait3A_279 = arith.constant 0 : i32
          %dma_wait3A_280 = tpu.memref_slice %arg4[%add3A_271, %dma_wait3A_279] : memref<32768x1024xf32, #tpu.memory_space<hbm>> -> memref<16x1024xf32, #tpu.memory_space<hbm>>
          %dma_wait3A_281 = arith.constant 0 : i32
          %dma_wait3A_282 = arith.constant 0 : i32
          %dma_wait3A_283 = tpu.memref_slice %arg6[%dma_wait3A_272, %dma_wait3A_281, %dma_wait3A_282] : memref<4x16x1024xf32, #tpu.memory_space<vmem>> -> memref<1x16x1024xf32, #tpu.memory_space<vmem>>
          %dma_wait3A_284 = tpu.memref_squeeze %dma_wait3A_283 : memref<1x16x1024xf32, #tpu.memory_space<vmem>> -> memref<16x1024xf32, #tpu.memory_space<vmem>>
          tpu.wait_dma2 semaphore(%arg12 : memref<!tpu.dma_semaphore, #tpu.memory_space<semaphore_mem>>) src(%dma_wait3A_284 : memref<16x1024xf32, #tpu.memory_space<vmem>>) dst(%dma_wait3A_280 : memref<16x1024xf32, #tpu.memory_space<hbm>>)
        } else {
        }
        %add3A_255 = arith.constant 2 : i32
        %add3A_256 = arith.addi %add3A_211, %add3A_255 : i32
        %mul3A_257 = arith.constant 16 : i32
        %mul3A_258 = arith.muli %add3A_256, %mul3A_257 : i32
        %dma_start3A_259 = arith.constant 1 : i32
        %dma_start3A_260 = arith.constant 0 : i32
        %dma_start3A_261 = arith.constant 0 : i32
        %dma_start3A_262 = tpu.memref_slice %arg6[%dma_start3A_259, %dma_start3A_260, %dma_start3A_261] : memref<4x16x1024xf32, #tpu.memory_space<vmem>> -> memref<1x16x1024xf32, #tpu.memory_space<vmem>>
        %dma_start3A_263 = tpu.memref_squeeze %dma_start3A_262 : memref<1x16x1024xf32, #tpu.memory_space<vmem>> -> memref<16x1024xf32, #tpu.memory_space<vmem>>
        %dma_start3A_264 = tpu.memref_slice %arg5[%mul3A_258] : memref<1024xi32, #tpu.memory_space<vmem>> -> memref<16xi32, #tpu.memory_space<vmem>>
        %dma_start3A_265 = arith.constant 0 : i32
        %dma_start3A_266 = arith.constant 0 : i32
        %dma_start3A_267 = tpu.memref_slice %arg2[%dma_start3A_265, %dma_start3A_266] : memref<100000x1024xf32, #tpu.memory_space<hbm>> -> memref<100000x1024xf32, #tpu.memory_space<hbm>>
        tpu.enqueue_indirect_dma source(%dma_start3A_267 : memref<100000x1024xf32, #tpu.memory_space<hbm>>) target(%dma_start3A_263 : memref<16x1024xf32, #tpu.memory_space<vmem>>) offsets(%dma_start3A_264 : memref<16xi32, #tpu.memory_space<vmem>>) semaphore(%arg8 : memref<!tpu.dma_semaphore, #tpu.memory_space<semaphore_mem>>)
      } else {
      }
      %scan3A_230 = arith.constant 0 : i32
      %scan3A_231 = arith.constant 16 : i32
      %scan3A_232 = arith.addi %scan3A_230, %scan3A_231 : i32
      %scan3A_233 = arith.constant 1 : i32
      scf.for %scan3A_251 = %scan3A_230 to %scan3A_232 step %scan3A_233  : i32 {
        %mul3A_252 = arith.constant 1 : i32
        %mul3A_253 = arith.muli %scan3A_251, %mul3A_252 : i32
        %add3A_254 = arith.constant 0 : i32
        %add3A_255 = arith.addi %add3A_254, %mul3A_253 : i32
        %get3A = arith.constant 3 : i32
        %get3A_256 = arith.index_cast %get3A : i32 to index
        %get3A_257 = arith.index_cast %add3A_255 : i32 to index
        %get3A_258 = arith.constant 0 : index
        %get3A_259 = tpu.vector_load %arg6[%get3A_256, %get3A_257, %get3A_258] {strides = array<i32>} : memref<4x16x1024xf32, #tpu.memory_space<vmem>>, vector<1x1x16xf32>,
        %get3A_260 = vector.shape_cast %get3A_259 : vector<1x1x16xf32> to vector<16xf32>
        %mul3A_261 = arith.constant 3.200000e+01 : f32
        %mul3A_262 = vector.broadcast %mul3A_261 : f32 to vector<16xf32>
        %mul3A_263 = arith.mulf %get3A_260, %mul3A_262 : vector<16xf32>
        %swap3A = arith.constant 3 : i32
        %swap3A_264 = arith.index_cast %swap3A : i32 to index
        %swap3A_265 = arith.index_cast %add3A_255 : i32 to index
        %swap3A_266 = arith.constant 0 : index
        %swap3A_267 = tpu.vector_load %arg6[%swap3A_264, %swap3A_265, %swap3A_266] {strides = array<i32>} : memref<4x16x1024xf32, #tpu.memory_space<vmem>>, vector<1x1x16xf32>,
        %swap3A_268 = vector.shape_cast %swap3A_267 : vector<1x1x16xf32> to vector<16xf32>
        %swap3A_269 = vector.shape_cast %mul3A_263 : vector<16xf32> to vector<1x1x16xf32>
        tpu.vector_store %arg6[%swap3A_264, %swap3A_265, %swap3A_266], %swap3A_269 {strides = array<i32>} : memref<4x16x1024xf32, #tpu.memory_space<vmem>>, vector<1x1x16xf32>,
        %get3A_270 = arith.constant 3 : i32
        %get3A_271 = arith.index_cast %get3A_270 : i32 to index
        %get3A_272 = arith.index_cast %add3A_255 : i32 to index
        %get3A_273 = arith.constant 16 : index
        %get3A_274 = tpu.vector_load %arg6[%get3A_271, %get3A_272, %get3A_273] {strides = array<i32>} : memref<4x16x1024xf32, #tpu.memory_space<vmem>>, vector<1x1x16xf32>,
        %get3A_275 = vector.shape_cast %get3A_274 : vector<1x1x16xf32> to vector<16xf32>
        %mul3A_276 = arith.constant 3.200000e+01 : f32
        %mul3A_277 = vector.broadcast %mul3A_276 : f32 to vector<16xf32>
        %mul3A_278 = arith.mulf %get3A_275, %mul3A_277 : vector<16xf32>
        %swap3A_279 = arith.constant 3 : i32
        %swap3A_280 = arith.index_cast %swap3A_279 : i32 to index
        %swap3A_281 = arith.index_cast %add3A_255 : i32 to index
        %swap3A_282 = arith.constant 16 : index
        %swap3A_283 = tpu.vector_load %arg6[%swap3A_280, %swap3A_281, %swap3A_282] {strides = array<i32>} : memref<4x16x1024xf32, #tpu.memory_space<vmem>>, vector<1x1x16xf32>,
        %swap3A_284 = vector.shape_cast %swap3A_283 : vector<1x1x16xf32> to vector<16xf32>
        %swap3A_285 = vector.shape_cast %mul3A_278 : vector<16xf32> to vector<1x1x16xf32>
        tpu.vector_store %arg6[%swap3A_280, %swap3A_281, %swap3A_282], %swap3A_285 {strides = array<i32>} : memref<4x16x1024xf32, #tpu.memory_space<vmem>>, vector<1x1x16xf32>,
        %get3A_286 = arith.constant 3 : i32
        %get3A_287 = arith.index_cast %get3A_286 : i32 to index
        %get3A_288 = arith.index_cast %add3A_255 : i32 to index
        %get3A_289 = arith.constant 32 : index
        %get3A_290 = tpu.vector_load %arg6[%get3A_287, %get3A_288, %get3A_289] {strides = array<i32>} : memref<4x16x1024xf32, #tpu.memory_space<vmem>>, vector<1x1x16xf32>,
        %get3A_291 = vector.shape_cast %get3A_290 : vector<1x1x16xf32> to vector<16xf32>
        %mul3A_292 = arith.constant 3.200000e+01 : f32
        %mul3A_293 = vector.broadcast %mul3A_292 : f32 to vector<16xf32>
        %mul3A_294 = arith.mulf %get3A_291, %mul3A_293 : vector<16xf32>
        %swap3A_295 = arith.constant 3 : i32
        %swap3A_296 = arith.index_cast %swap3A_295 : i32 to index
        %swap3A_297 = arith.index_cast %add3A_255 : i32 to index
        %swap3A_298 = arith.constant 32 : index
        %swap3A_299 = tpu.vector_load %arg6[%swap3A_296, %swap3A_297, %swap3A_298] {strides = array<i32>} : memref<4x16x1024xf32, #tpu.memory_space<vmem>>, vector<1x1x16xf32>,
        %swap3A_300 = vector.shape_cast %swap3A_299 : vector<1x1x16xf32> to vector<16xf32>
        %swap3A_301 = vector.shape_cast %mul3A_294 : vector<16xf32> to vector<1x1x16xf32>
        tpu.vector_store %arg6[%swap3A_296, %swap3A_297, %swap3A_298], %swap3A_301 {strides = array<i32>} : memref<4x16x1024xf32, #tpu.memory_space<vmem>>, vector<1x1x16xf32>,
        %get3A_302 = arith.constant 3 : i32
        %get3A_303 = arith.index_cast %get3A_302 : i32 to index
        %get3A_304 = arith.index_cast %add3A_255 : i32 to index
        %get3A_305 = arith.constant 48 : index
        %get3A_306 = tpu.vector_load %arg6[%get3A_303, %get3A_304, %get3A_305] {strides = array<i32>} : memref<4x16x1024xf32, #tpu.memory_space<vmem>>, vector<1x1x16xf32>,
        %get3A_307 = vector.shape_cast %get3A_306 : vector<1x1x16xf32> to vector<16xf32>
        %mul3A_308 = arith.constant 3.200000e+01 : f32
        %mul3A_309 = vector.broadcast %mul3A_308 : f32 to vector<16xf32>
        %mul3A_310 = arith.mulf %get3A_307, %mul3A_309 : vector<16xf32>
        %swap3A_311 = arith.constant 3 : i32
        %swap3A_312 = arith.index_cast %swap3A_311 : i32 to index
        %swap3A_313 = arith.index_cast %add3A_255 : i32 to index
        %swap3A_314 = arith.constant 48 : index
        %swap3A_315 = tpu.vector_load %arg6[%swap3A_312, %swap3A_313, %swap3A_314] {strides = array<i32>} : memref<4x16x1024xf32, #tpu.memory_space<vmem>>, vector<1x1x16xf32>,
        %swap3A_316 = vector.shape_cast %swap3A_315 : vector<1x1x16xf32> to vector<16xf32>
        %swap3A_317 = vector.shape_cast %mul3A_310 : vector<16xf32> to vector<1x1x16xf32>
        tpu.vector_store %arg6[%swap3A_312, %swap3A_313, %swap3A_314], %swap3A_317 {strides = array<i32>} : memref<4x16x1024xf32, #tpu.memory_space<vmem>>, vector<1x1x16xf32>,
        %get3A_318 = arith.constant 3 : i32
        %get3A_319 = arith.index_cast %get3A_318 : i32 to index
        %get3A_320 = arith.index_cast %add3A_255 : i32 to index
        %get3A_321 = arith.constant 64 : index
        %get3A_322 = tpu.vector_load %arg6[%get3A_319, %get3A_320, %get3A_321] {strides = array<i32>} : memref<4x16x1024xf32, #tpu.memory_space<vmem>>, vector<1x1x16xf32>,
        %get3A_323 = vector.shape_cast %get3A_322 : vector<1x1x16xf32> to vector<16xf32>
        %mul3A_324 = arith.constant 3.200000e+01 : f32
        %mul3A_325 = vector.broadcast %mul3A_324 : f32 to vector<16xf32>
        %mul3A_326 = arith.mulf %get3A_323, %mul3A_325 : vector<16xf32>
        %swap3A_327 = arith.constant 3 : i32
        %swap3A_328 = arith.index_cast %swap3A_327 : i32 to index
        %swap3A_329 = arith.index_cast %add3A_255 : i32 to index
        %swap3A_330 = arith.constant 64 : index
        %swap3A_331 = tpu.vector_load %arg6[%swap3A_328, %swap3A_329, %swap3A_330] {strides = array<i32>} : memref<4x16x1024xf32, #tpu.memory_space<vmem>>, vector<1x1x16xf32>,
        %swap3A_332 = vector.shape_cast %swap3A_331 : vector<1x1x16xf32> to vector<16xf32>
        %swap3A_333 = vector.shape_cast %mul3A_326 : vector<16xf32> to vector<1x1x16xf32>
        tpu.vector_store %arg6[%swap3A_328, %swap3A_329, %swap3A_330], %swap3A_333 {strides = array<i32>} : memref<4x16x1024xf32, #tpu.memory_space<vmem>>, vector<1x1x16xf32>,
        %get3A_334 = arith.constant 3 : i32
        %get3A_335 = arith.index_cast %get3A_334 : i32 to index
        %get3A_336 = arith.index_cast %add3A_255 : i32 to index
        %get3A_337 = arith.constant 80 : index
        %get3A_338 = tpu.vector_load %arg6[%get3A_335, %get3A_336, %get3A_337] {strides = array<i32>} : memref<4x16x1024xf32, #tpu.memory_space<vmem>>, vector<1x1x16xf32>,
        %get3A_339 = vector.shape_cast %get3A_338 : vector<1x1x16xf32> to vector<16xf32>
        %mul3A_340 = arith.constant 3.200000e+01 : f32
        %mul3A_341 = vector.broadcast %mul3A_340 : f32 to vector<16xf32>
        %mul3A_342 = arith.mulf %get3A_339, %mul3A_341 : vector<16xf32>
        %swap3A_343 = arith.constant 3 : i32
        %swap3A_344 = arith.index_cast %swap3A_343 : i32 to index
        %swap3A_345 = arith.index_cast %add3A_255 : i32 to index
        %swap3A_346 = arith.constant 80 : index
        %swap3A_347 = tpu.vector_load %arg6[%swap3A_344, %swap3A_345, %swap3A_346] {strides = array<i32>} : memref<4x16x1024xf32, #tpu.memory_space<vmem>>, vector<1x1x16xf32>,
        %swap3A_348 = vector.shape_cast %swap3A_347 : vector<1x1x16xf32> to vector<16xf32>
        %swap3A_349 = vector.shape_cast %mul3A_342 : vector<16xf32> to vector<1x1x16xf32>
        tpu.vector_store %arg6[%swap3A_344, %swap3A_345, %swap3A_346], %swap3A_349 {strides = array<i32>} : memref<4x16x1024xf32, #tpu.memory_space<vmem>>, vector<1x1x16xf32>,
        %get3A_350 = arith.constant 3 : i32
        %get3A_351 = arith.index_cast %get3A_350 : i32 to index
        %get3A_352 = arith.index_cast %add3A_255 : i32 to index
        %get3A_353 = arith.constant 96 : index
        %get3A_354 = tpu.vector_load %arg6[%get3A_351, %get3A_352, %get3A_353] {strides = array<i32>} : memref<4x16x1024xf32, #tpu.memory_space<vmem>>, vector<1x1x16xf32>,
        %get3A_355 = vector.shape_cast %get3A_354 : vector<1x1x16xf32> to vector<16xf32>
        %mul3A_356 = arith.constant 3.200000e+01 : f32
        %mul3A_357 = vector.broadcast %mul3A_356 : f32 to vector<16xf32>
        %mul3A_358 = arith.mulf %get3A_355, %mul3A_357 : vector<16xf32>
        %swap3A_359 = arith.constant 3 : i32
        %swap3A_360 = arith.index_cast %swap3A_359 : i32 to index
        %swap3A_361 = arith.index_cast %add3A_255 : i32 to index
        %swap3A_362 = arith.constant 96 : index
        %swap3A_363 = tpu.vector_load %arg6[%swap3A_360, %swap3A_361, %swap3A_362] {strides = array<i32>} : memref<4x16x1024xf32, #tpu.memory_space<vmem>>, vector<1x1x16xf32>,
        %swap3A_364 = vector.shape_cast %swap3A_363 : vector<1x1x16xf32> to vector<16xf32>
        %swap3A_365 = vector.shape_cast %mul3A_358 : vector<16xf32> to vector<1x1x16xf32>
        tpu.vector_store %arg6[%swap3A_360, %swap3A_361, %swap3A_362], %swap3A_365 {strides = array<i32>} : memref<4x16x1024xf32, #tpu.memory_space<vmem>>, vector<1x1x16xf32>,
        %get3A_366 = arith.constant 3 : i32
        %get3A_367 = arith.index_cast %get3A_366 : i32 to index
        %get3A_368 = arith.index_cast %add3A_255 : i32 to index
        %get3A_369 = arith.constant 112 : index
        %get3A_370 = tpu.vector_load %arg6[%get3A_367, %get3A_368, %get3A_369] {strides = array<i32>} : memref<4x16x1024xf32, #tpu.memory_space<vmem>>, vector<1x1x16xf32>,
        %get3A_371 = vector.shape_cast %get3A_370 : vector<1x1x16xf32> to vector<16xf32>
        %mul3A_372 = arith.constant 3.200000e+01 : f32
        %mul3A_373 = vector.broadcast %mul3A_372 : f32 to vector<16xf32>
        %mul3A_374 = arith.mulf %get3A_371, %mul3A_373 : vector<16xf32>
        %swap3A_375 = arith.constant 3 : i32
        %swap3A_376 = arith.index_cast %swap3A_375 : i32 to index
        %swap3A_377 = arith.index_cast %add3A_255 : i32 to index
        %swap3A_378 = arith.constant 112 : index
        %swap3A_379 = tpu.vector_load %arg6[%swap3A_376, %swap3A_377, %swap3A_378] {strides = array<i32>} : memref<4x16x1024xf32, #tpu.memory_space<vmem>>, vector<1x1x16xf32>,
        %swap3A_380 = vector.shape_cast %swap3A_379 : vector<1x1x16xf32> to vector<16xf32>
        %swap3A_381 = vector.shape_cast %mul3A_374 : vector<16xf32> to vector<1x1x16xf32>
        tpu.vector_store %arg6[%swap3A_376, %swap3A_377, %swap3A_378], %swap3A_381 {strides = array<i32>} : memref<4x16x1024xf32, #tpu.memory_space<vmem>>, vector<1x1x16xf32>,
        %get3A_382 = arith.constant 3 : i32
        %get3A_383 = arith.index_cast %get3A_382 : i32 to index
        %get3A_384 = arith.index_cast %add3A_255 : i32 to index
        %get3A_385 = arith.constant 128 : index
        %get3A_386 = tpu.vector_load %arg6[%get3A_383, %get3A_384, %get3A_385] {strides = array<i32>} : memref<4x16x1024xf32, #tpu.memory_space<vmem>>, vector<1x1x16xf32>,
        %get3A_387 = vector.shape_cast %get3A_386 : vector<1x1x16xf32> to vector<16xf32>
        %mul3A_388 = arith.constant 3.200000e+01 : f32
        %mul3A_389 = vector.broadcast %mul3A_388 : f32 to vector<16xf32>
        %mul3A_390 = arith.mulf %get3A_387, %mul3A_389 : vector<16xf32>
        %swap3A_391 = arith.constant 3 : i32
        %swap3A_392 = arith.index_cast %swap3A_391 : i32 to index
        %swap3A_393 = arith.index_cast %add3A_255 : i32 to index
        %swap3A_394 = arith.constant 128 : index
        %swap3A_395 = tpu.vector_load %arg6[%swap3A_392, %swap3A_393, %swap3A_394] {strides = array<i32>} : memref<4x16x1024xf32, #tpu.memory_space<vmem>>, vector<1x1x16xf32>,
        %swap3A_396 = vector.shape_cast %swap3A_395 : vector<1x1x16xf32> to vector<16xf32>
        %swap3A_397 = vector.shape_cast %mul3A_390 : vector<16xf32> to vector<1x1x16xf32>
        tpu.vector_store %arg6[%swap3A_392, %swap3A_393, %swap3A_394], %swap3A_397 {strides = array<i32>} : memref<4x16x1024xf32, #tpu.memory_space<vmem>>, vector<1x1x16xf32>,
        %get3A_398 = arith.constant 3 : i32
        %get3A_399 = arith.index_cast %get3A_398 : i32 to index
        %get3A_400 = arith.index_cast %add3A_255 : i32 to index
        %get3A_401 = arith.constant 144 : index
        %get3A_402 = tpu.vector_load %arg6[%get3A_399, %get3A_400, %get3A_401] {strides = array<i32>} : memref<4x16x1024xf32, #tpu.memory_space<vmem>>, vector<1x1x16xf32>,
        %get3A_403 = vector.shape_cast %get3A_402 : vector<1x1x16xf32> to vector<16xf32>
        %mul3A_404 = arith.constant 3.200000e+01 : f32
        %mul3A_405 = vector.broadcast %mul3A_404 : f32 to vector<16xf32>
        %mul3A_406 = arith.mulf %get3A_403, %mul3A_405 : vector<16xf32>
        %swap3A_407 = arith.constant 3 : i32
        %swap3A_408 = arith.index_cast %swap3A_407 : i32 to index
        %swap3A_409 = arith.index_cast %add3A_255 : i32 to index
        %swap3A_410 = arith.constant 144 : index
        %swap3A_411 = tpu.vector_load %arg6[%swap3A_408, %swap3A_409, %swap3A_410] {strides = array<i32>} : memref<4x16x1024xf32, #tpu.memory_space<vmem>>, vector<1x1x16xf32>,
        %swap3A_412 = vector.shape_cast %swap3A_411 : vector<1x1x16xf32> to vector<16xf32>
        %swap3A_413 = vector.shape_cast %mul3A_406 : vector<16xf32> to vector<1x1x16xf32>
        tpu.vector_store %arg6[%swap3A_408, %swap3A_409, %swap3A_410], %swap3A_413 {strides = array<i32>} : memref<4x16x1024xf32, #tpu.memory_space<vmem>>, vector<1x1x16xf32>,
        %get3A_414 = arith.constant 3 : i32
        %get3A_415 = arith.index_cast %get3A_414 : i32 to index
        %get3A_416 = arith.index_cast %add3A_255 : i32 to index
        %get3A_417 = arith.constant 160 : index
        %get3A_418 = tpu.vector_load %arg6[%get3A_415, %get3A_416, %get3A_417] {strides = array<i32>} : memref<4x16x1024xf32, #tpu.memory_space<vmem>>, vector<1x1x16xf32>,
        %get3A_419 = vector.shape_cast %get3A_418 : vector<1x1x16xf32> to vector<16xf32>
        %mul3A_420 = arith.constant 3.200000e+01 : f32
        %mul3A_421 = vector.broadcast %mul3A_420 : f32 to vector<16xf32>
        %mul3A_422 = arith.mulf %get3A_419, %mul3A_421 : vector<16xf32>
        %swap3A_423 = arith.constant 3 : i32
        %swap3A_424 = arith.index_cast %swap3A_423 : i32 to index
        %swap3A_425 = arith.index_cast %add3A_255 : i32 to index
        %swap3A_426 = arith.constant 160 : index
        %swap3A_427 = tpu.vector_load %arg6[%swap3A_424, %swap3A_425, %swap3A_426] {strides = array<i32>} : memref<4x16x1024xf32, #tpu.memory_space<vmem>>, vector<1x1x16xf32>,
        %swap3A_428 = vector.shape_cast %swap3A_427 : vector<1x1x16xf32> to vector<16xf32>
        %swap3A_429 = vector.shape_cast %mul3A_422 : vector<16xf32> to vector<1x1x16xf32>
        tpu.vector_store %arg6[%swap3A_424, %swap3A_425, %swap3A_426], %swap3A_429 {strides = array<i32>} : memref<4x16x1024xf32, #tpu.memory_space<vmem>>, vector<1x1x16xf32>,
        %get3A_430 = arith.constant 3 : i32
        %get3A_431 = arith.index_cast %get3A_430 : i32 to index
        %get3A_432 = arith.index_cast %add3A_255 : i32 to index
        %get3A_433 = arith.constant 176 : index
        %get3A_434 = tpu.vector_load %arg6[%get3A_431, %get3A_432, %get3A_433] {strides = array<i32>} : memref<4x16x1024xf32, #tpu.memory_space<vmem>>, vector<1x1x16xf32>,
        %get3A_435 = vector.shape_cast %get3A_434 : vector<1x1x16xf32> to vector<16xf32>
        %mul3A_436 = arith.constant 3.200000e+01 : f32
        %mul3A_437 = vector.broadcast %mul3A_436 : f32 to vector<16xf32>
        %mul3A_438 = arith.mulf %get3A_435, %mul3A_437 : vector<16xf32>
        %swap3A_439 = arith.constant 3 : i32
        %swap3A_440 = arith.index_cast %swap3A_439 : i32 to index
        %swap3A_441 = arith.index_cast %add3A_255 : i32 to index
        %swap3A_442 = arith.constant 176 : index
        %swap3A_443 = tpu.vector_load %arg6[%swap3A_440, %swap3A_441, %swap3A_442] {strides = array<i32>} : memref<4x16x1024xf32, #tpu.memory_space<vmem>>, vector<1x1x16xf32>,
        %swap3A_444 = vector.shape_cast %swap3A_443 : vector<1x1x16xf32> to vector<16xf32>
        %swap3A_445 = vector.shape_cast %mul3A_438 : vector<16xf32> to vector<1x1x16xf32>
        tpu.vector_store %arg6[%swap3A_440, %swap3A_441, %swap3A_442], %swap3A_445 {strides = array<i32>} : memref<4x16x1024xf32, #tpu.memory_space<vmem>>, vector<1x1x16xf32>,
        %get3A_446 = arith.constant 3 : i32
        %get3A_447 = arith.index_cast %get3A_446 : i32 to index
        %get3A_448 = arith.index_cast %add3A_255 : i32 to index
        %get3A_449 = arith.constant 192 : index
        %get3A_450 = tpu.vector_load %arg6[%get3A_447, %get3A_448, %get3A_449] {strides = array<i32>} : memref<4x16x1024xf32, #tpu.memory_space<vmem>>, vector<1x1x16xf32>,
        %get3A_451 = vector.shape_cast %get3A_450 : vector<1x1x16xf32> to vector<16xf32>
        %mul3A_452 = arith.constant 3.200000e+01 : f32
        %mul3A_453 = vector.broadcast %mul3A_452 : f32 to vector<16xf32>
        %mul3A_454 = arith.mulf %get3A_451, %mul3A_453 : vector<16xf32>
        %swap3A_455 = arith.constant 3 : i32
        %swap3A_456 = arith.index_cast %swap3A_455 : i32 to index
        %swap3A_457 = arith.index_cast %add3A_255 : i32 to index
        %swap3A_458 = arith.constant 192 : index
        %swap3A_459 = tpu.vector_load %arg6[%swap3A_456, %swap3A_457, %swap3A_458] {strides = array<i32>} : memref<4x16x1024xf32, #tpu.memory_space<vmem>>, vector<1x1x16xf32>,
        %swap3A_460 = vector.shape_cast %swap3A_459 : vector<1x1x16xf32> to vector<16xf32>
        %swap3A_461 = vector.shape_cast %mul3A_454 : vector<16xf32> to vector<1x1x16xf32>
        tpu.vector_store %arg6[%swap3A_456, %swap3A_457, %swap3A_458], %swap3A_461 {strides = array<i32>} : memref<4x16x1024xf32, #tpu.memory_space<vmem>>, vector<1x1x16xf32>,
        %get3A_462 = arith.constant 3 : i32
        %get3A_463 = arith.index_cast %get3A_462 : i32 to index
        %get3A_464 = arith.index_cast %add3A_255 : i32 to index
        %get3A_465 = arith.constant 208 : index
        %get3A_466 = tpu.vector_load %arg6[%get3A_463, %get3A_464, %get3A_465] {strides = array<i32>} : memref<4x16x1024xf32, #tpu.memory_space<vmem>>, vector<1x1x16xf32>,
        %get3A_467 = vector.shape_cast %get3A_466 : vector<1x1x16xf32> to vector<16xf32>
        %mul3A_468 = arith.constant 3.200000e+01 : f32
        %mul3A_469 = vector.broadcast %mul3A_468 : f32 to vector<16xf32>
        %mul3A_470 = arith.mulf %get3A_467, %mul3A_469 : vector<16xf32>
        %swap3A_471 = arith.constant 3 : i32
        %swap3A_472 = arith.index_cast %swap3A_471 : i32 to index
        %swap3A_473 = arith.index_cast %add3A_255 : i32 to index
        %swap3A_474 = arith.constant 208 : index
        %swap3A_475 = tpu.vector_load %arg6[%swap3A_472, %swap3A_473, %swap3A_474] {strides = array<i32>} : memref<4x16x1024xf32, #tpu.memory_space<vmem>>, vector<1x1x16xf32>,
        %swap3A_476 = vector.shape_cast %swap3A_475 : vector<1x1x16xf32> to vector<16xf32>
        %swap3A_477 = vector.shape_cast %mul3A_470 : vector<16xf32> to vector<1x1x16xf32>
        tpu.vector_store %arg6[%swap3A_472, %swap3A_473, %swap3A_474], %swap3A_477 {strides = array<i32>} : memref<4x16x1024xf32, #tpu.memory_space<vmem>>, vector<1x1x16xf32>,
        %get3A_478 = arith.constant 3 : i32
        %get3A_479 = arith.index_cast %get3A_478 : i32 to index
        %get3A_480 = arith.index_cast %add3A_255 : i32 to index
        %get3A_481 = arith.constant 224 : index
        %get3A_482 = tpu.vector_load %arg6[%get3A_479, %get3A_480, %get3A_481] {strides = array<i32>} : memref<4x16x1024xf32, #tpu.memory_space<vmem>>, vector<1x1x16xf32>,
        %get3A_483 = vector.shape_cast %get3A_482 : vector<1x1x16xf32> to vector<16xf32>
        %mul3A_484 = arith.constant 3.200000e+01 : f32
        %mul3A_485 = vector.broadcast %mul3A_484 : f32 to vector<16xf32>
        %mul3A_486 = arith.mulf %get3A_483, %mul3A_485 : vector<16xf32>
        %swap3A_487 = arith.constant 3 : i32
        %swap3A_488 = arith.index_cast %swap3A_487 : i32 to index
        %swap3A_489 = arith.index_cast %add3A_255 : i32 to index
        %swap3A_490 = arith.constant 224 : index
        %swap3A_491 = tpu.vector_load %arg6[%swap3A_488, %swap3A_489, %swap3A_490] {strides = array<i32>} : memref<4x16x1024xf32, #tpu.memory_space<vmem>>, vector<1x1x16xf32>,
        %swap3A_492 = vector.shape_cast %swap3A_491 : vector<1x1x16xf32> to vector<16xf32>
        %swap3A_493 = vector.shape_cast %mul3A_486 : vector<16xf32> to vector<1x1x16xf32>
        tpu.vector_store %arg6[%swap3A_488, %swap3A_489, %swap3A_490], %swap3A_493 {strides = array<i32>} : memref<4x16x1024xf32, #tpu.memory_space<vmem>>, vector<1x1x16xf32>,
        %get3A_494 = arith.constant 3 : i32
        %get3A_495 = arith.index_cast %get3A_494 : i32 to index
        %get3A_496 = arith.index_cast %add3A_255 : i32 to index
        %get3A_497 = arith.constant 240 : index
        %get3A_498 = tpu.vector_load %arg6[%get3A_495, %get3A_496, %get3A_497] {strides = array<i32>} : memref<4x16x1024xf32, #tpu.memory_space<vmem>>, vector<1x1x16xf32>,
        %get3A_499 = vector.shape_cast %get3A_498 : vector<1x1x16xf32> to vector<16xf32>
        %mul3A_500 = arith.constant 3.200000e+01 : f32
        %mul3A_501 = vector.broadcast %mul3A_500 : f32 to vector<16xf32>
        %mul3A_502 = arith.mulf %get3A_499, %mul3A_501 : vector<16xf32>
        %swap3A_503 = arith.constant 3 : i32
        %swap3A_504 = arith.index_cast %swap3A_503 : i32 to index
        %swap3A_505 = arith.index_cast %add3A_255 : i32 to index
        %swap3A_506 = arith.constant 240 : index
        %swap3A_507 = tpu.vector_load %arg6[%swap3A_504, %swap3A_505, %swap3A_506] {strides = array<i32>} : memref<4x16x1024xf32, #tpu.memory_space<vmem>>, vector<1x1x16xf32>,
        %swap3A_508 = vector.shape_cast %swap3A_507 : vector<1x1x16xf32> to vector<16xf32>
        %swap3A_509 = vector.shape_cast %mul3A_502 : vector<16xf32> to vector<1x1x16xf32>
        tpu.vector_store %arg6[%swap3A_504, %swap3A_505, %swap3A_506], %swap3A_509 {strides = array<i32>} : memref<4x16x1024xf32, #tpu.memory_space<vmem>>, vector<1x1x16xf32>,
        %get3A_510 = arith.constant 3 : i32
        %get3A_511 = arith.index_cast %get3A_510 : i32 to index
        %get3A_512 = arith.index_cast %add3A_255 : i32 to index
        %get3A_513 = arith.constant 256 : index
        %get3A_514 = tpu.vector_load %arg6[%get3A_511, %get3A_512, %get3A_513] {strides = array<i32>} : memref<4x16x1024xf32, #tpu.memory_space<vmem>>, vector<1x1x16xf32>,
        %get3A_515 = vector.shape_cast %get3A_514 : vector<1x1x16xf32> to vector<16xf32>
        %mul3A_516 = arith.constant 3.200000e+01 : f32
        %mul3A_517 = vector.broadcast %mul3A_516 : f32 to vector<16xf32>
        %mul3A_518 = arith.mulf %get3A_515, %mul3A_517 : vector<16xf32>
        %swap3A_519 = arith.constant 3 : i32
        %swap3A_520 = arith.index_cast %swap3A_519 : i32 to index
        %swap3A_521 = arith.index_cast %add3A_255 : i32 to index
        %swap3A_522 = arith.constant 256 : index
        %swap3A_523 = tpu.vector_load %arg6[%swap3A_520, %swap3A_521, %swap3A_522] {strides = array<i32>} : memref<4x16x1024xf32, #tpu.memory_space<vmem>>, vector<1x1x16xf32>,
        %swap3A_524 = vector.shape_cast %swap3A_523 : vector<1x1x16xf32> to vector<16xf32>
        %swap3A_525 = vector.shape_cast %mul3A_518 : vector<16xf32> to vector<1x1x16xf32>
        tpu.vector_store %arg6[%swap3A_520, %swap3A_521, %swap3A_522], %swap3A_525 {strides = array<i32>} : memref<4x16x1024xf32, #tpu.memory_space<vmem>>, vector<1x1x16xf32>,
        %get3A_526 = arith.constant 3 : i32
        %get3A_527 = arith.index_cast %get3A_526 : i32 to index
        %get3A_528 = arith.index_cast %add3A_255 : i32 to index
        %get3A_529 = arith.constant 272 : index
        %get3A_530 = tpu.vector_load %arg6[%get3A_527, %get3A_528, %get3A_529] {strides = array<i32>} : memref<4x16x1024xf32, #tpu.memory_space<vmem>>, vector<1x1x16xf32>,
        %get3A_531 = vector.shape_cast %get3A_530 : vector<1x1x16xf32> to vector<16xf32>
        %mul3A_532 = arith.constant 3.200000e+01 : f32
        %mul3A_533 = vector.broadcast %mul3A_532 : f32 to vector<16xf32>
        %mul3A_534 = arith.mulf %get3A_531, %mul3A_533 : vector<16xf32>
        %swap3A_535 = arith.constant 3 : i32
        %swap3A_536 = arith.index_cast %swap3A_535 : i32 to index
        %swap3A_537 = arith.index_cast %add3A_255 : i32 to index
        %swap3A_538 = arith.constant 272 : index
        %swap3A_539 = tpu.vector_load %arg6[%swap3A_536, %swap3A_537, %swap3A_538] {strides = array<i32>} : memref<4x16x1024xf32, #tpu.memory_space<vmem>>, vector<1x1x16xf32>,
        %swap3A_540 = vector.shape_cast %swap3A_539 : vector<1x1x16xf32> to vector<16xf32>
        %swap3A_541 = vector.shape_cast %mul3A_534 : vector<16xf32> to vector<1x1x16xf32>
        tpu.vector_store %arg6[%swap3A_536, %swap3A_537, %swap3A_538], %swap3A_541 {strides = array<i32>} : memref<4x16x1024xf32, #tpu.memory_space<vmem>>, vector<1x1x16xf32>,
        %get3A_542 = arith.constant 3 : i32
        %get3A_543 = arith.index_cast %get3A_542 : i32 to index
        %get3A_544 = arith.index_cast %add3A_255 : i32 to index
        %get3A_545 = arith.constant 288 : index
        %get3A_546 = tpu.vector_load %arg6[%get3A_543, %get3A_544, %get3A_545] {strides = array<i32>} : memref<4x16x1024xf32, #tpu.memory_space<vmem>>, vector<1x1x16xf32>,
        %get3A_547 = vector.shape_cast %get3A_546 : vector<1x1x16xf32> to vector<16xf32>
        %mul3A_548 = arith.constant 3.200000e+01 : f32
        %mul3A_549 = vector.broadcast %mul3A_548 : f32 to vector<16xf32>
        %mul3A_550 = arith.mulf %get3A_547, %mul3A_549 : vector<16xf32>
        %swap3A_551 = arith.constant 3 : i32
        %swap3A_552 = arith.index_cast %swap3A_551 : i32 to index
        %swap3A_553 = arith.index_cast %add3A_255 : i32 to index
        %swap3A_554 = arith.constant 288 : index
        %swap3A_555 = tpu.vector_load %arg6[%swap3A_552, %swap3A_553, %swap3A_554] {strides = array<i32>} : memref<4x16x1024xf32, #tpu.memory_space<vmem>>, vector<1x1x16xf32>,
        %swap3A_556 = vector.shape_cast %swap3A_555 : vector<1x1x16xf32> to vector<16xf32>
        %swap3A_557 = vector.shape_cast %mul3A_550 : vector<16xf32> to vector<1x1x16xf32>
        tpu.vector_store %arg6[%swap3A_552, %swap3A_553, %swap3A_554], %swap3A_557 {strides = array<i32>} : memref<4x16x1024xf32, #tpu.memory_space<vmem>>, vector<1x1x16xf32>,
        %get3A_558 = arith.constant 3 : i32
        %get3A_559 = arith.index_cast %get3A_558 : i32 to index
        %get3A_560 = arith.index_cast %add3A_255 : i32 to index
        %get3A_561 = arith.constant 304 : index
        %get3A_562 = tpu.vector_load %arg6[%get3A_559, %get3A_560, %get3A_561] {strides = array<i32>} : memref<4x16x1024xf32, #tpu.memory_space<vmem>>, vector<1x1x16xf32>,
        %get3A_563 = vector.shape_cast %get3A_562 : vector<1x1x16xf32> to vector<16xf32>
        %mul3A_564 = arith.constant 3.200000e+01 : f32
        %mul3A_565 = vector.broadcast %mul3A_564 : f32 to vector<16xf32>
        %mul3A_566 = arith.mulf %get3A_563, %mul3A_565 : vector<16xf32>
        %swap3A_567 = arith.constant 3 : i32
        %swap3A_568 = arith.index_cast %swap3A_567 : i32 to index
        %swap3A_569 = arith.index_cast %add3A_255 : i32 to index
        %swap3A_570 = arith.constant 304 : index
        %swap3A_571 = tpu.vector_load %arg6[%swap3A_568, %swap3A_569, %swap3A_570] {strides = array<i32>} : memref<4x16x1024xf32, #tpu.memory_space<vmem>>, vector<1x1x16xf32>,
        %swap3A_572 = vector.shape_cast %swap3A_571 : vector<1x1x16xf32> to vector<16xf32>
        %swap3A_573 = vector.shape_cast %mul3A_566 : vector<16xf32> to vector<1x1x16xf32>
        tpu.vector_store %arg6[%swap3A_568, %swap3A_569, %swap3A_570], %swap3A_573 {strides = array<i32>} : memref<4x16x1024xf32, #tpu.memory_space<vmem>>, vector<1x1x16xf32>,
        %get3A_574 = arith.constant 3 : i32
        %get3A_575 = arith.index_cast %get3A_574 : i32 to index
        %get3A_576 = arith.index_cast %add3A_255 : i32 to index
        %get3A_577 = arith.constant 320 : index
        %get3A_578 = tpu.vector_load %arg6[%get3A_575, %get3A_576, %get3A_577] {strides = array<i32>} : memref<4x16x1024xf32, #tpu.memory_space<vmem>>, vector<1x1x16xf32>,
        %get3A_579 = vector.shape_cast %get3A_578 : vector<1x1x16xf32> to vector<16xf32>
        %mul3A_580 = arith.constant 3.200000e+01 : f32
        %mul3A_581 = vector.broadcast %mul3A_580 : f32 to vector<16xf32>
        %mul3A_582 = arith.mulf %get3A_579, %mul3A_581 : vector<16xf32>
        %swap3A_583 = arith.constant 3 : i32
        %swap3A_584 = arith.index_cast %swap3A_583 : i32 to index
        %swap3A_585 = arith.index_cast %add3A_255 : i32 to index
        %swap3A_586 = arith.constant 320 : index
        %swap3A_587 = tpu.vector_load %arg6[%swap3A_584, %swap3A_585, %swap3A_586] {strides = array<i32>} : memref<4x16x1024xf32, #tpu.memory_space<vmem>>, vector<1x1x16xf32>,
        %swap3A_588 = vector.shape_cast %swap3A_587 : vector<1x1x16xf32> to vector<16xf32>
        %swap3A_589 = vector.shape_cast %mul3A_582 : vector<16xf32> to vector<1x1x16xf32>
        tpu.vector_store %arg6[%swap3A_584, %swap3A_585, %swap3A_586], %swap3A_589 {strides = array<i32>} : memref<4x16x1024xf32, #tpu.memory_space<vmem>>, vector<1x1x16xf32>,
        %get3A_590 = arith.constant 3 : i32
        %get3A_591 = arith.index_cast %get3A_590 : i32 to index
        %get3A_592 = arith.index_cast %add3A_255 : i32 to index
        %get3A_593 = arith.constant 336 : index
        %get3A_594 = tpu.vector_load %arg6[%get3A_591, %get3A_592, %get3A_593] {strides = array<i32>} : memref<4x16x1024xf32, #tpu.memory_space<vmem>>, vector<1x1x16xf32>,
        %get3A_595 = vector.shape_cast %get3A_594 : vector<1x1x16xf32> to vector<16xf32>
        %mul3A_596 = arith.constant 3.200000e+01 : f32
        %mul3A_597 = vector.broadcast %mul3A_596 : f32 to vector<16xf32>
        %mul3A_598 = arith.mulf %get3A_595, %mul3A_597 : vector<16xf32>
        %swap3A_599 = arith.constant 3 : i32
        %swap3A_600 = arith.index_cast %swap3A_599 : i32 to index
        %swap3A_601 = arith.index_cast %add3A_255 : i32 to index
        %swap3A_602 = arith.constant 336 : index
        %swap3A_603 = tpu.vector_load %arg6[%swap3A_600, %swap3A_601, %swap3A_602] {strides = array<i32>} : memref<4x16x1024xf32, #tpu.memory_space<vmem>>, vector<1x1x16xf32>,
        %swap3A_604 = vector.shape_cast %swap3A_603 : vector<1x1x16xf32> to vector<16xf32>
        %swap3A_605 = vector.shape_cast %mul3A_598 : vector<16xf32> to vector<1x1x16xf32>
        tpu.vector_store %arg6[%swap3A_600, %swap3A_601, %swap3A_602], %swap3A_605 {strides = array<i32>} : memref<4x16x1024xf32, #tpu.memory_space<vmem>>, vector<1x1x16xf32>,
        %get3A_606 = arith.constant 3 : i32
        %get3A_607 = arith.index_cast %get3A_606 : i32 to index
        %get3A_608 = arith.index_cast %add3A_255 : i32 to index
        %get3A_609 = arith.constant 352 : index
        %get3A_610 = tpu.vector_load %arg6[%get3A_607, %get3A_608, %get3A_609] {strides = array<i32>} : memref<4x16x1024xf32, #tpu.memory_space<vmem>>, vector<1x1x16xf32>,
        %get3A_611 = vector.shape_cast %get3A_610 : vector<1x1x16xf32> to vector<16xf32>
        %mul3A_612 = arith.constant 3.200000e+01 : f32
        %mul3A_613 = vector.broadcast %mul3A_612 : f32 to vector<16xf32>
        %mul3A_614 = arith.mulf %get3A_611, %mul3A_613 : vector<16xf32>
        %swap3A_615 = arith.constant 3 : i32
        %swap3A_616 = arith.index_cast %swap3A_615 : i32 to index
        %swap3A_617 = arith.index_cast %add3A_255 : i32 to index
        %swap3A_618 = arith.constant 352 : index
        %swap3A_619 = tpu.vector_load %arg6[%swap3A_616, %swap3A_617, %swap3A_618] {strides = array<i32>} : memref<4x16x1024xf32, #tpu.memory_space<vmem>>, vector<1x1x16xf32>,
        %swap3A_620 = vector.shape_cast %swap3A_619 : vector<1x1x16xf32> to vector<16xf32>
        %swap3A_621 = vector.shape_cast %mul3A_614 : vector<16xf32> to vector<1x1x16xf32>
        tpu.vector_store %arg6[%swap3A_616, %swap3A_617, %swap3A_618], %swap3A_621 {strides = array<i32>} : memref<4x16x1024xf32, #tpu.memory_space<vmem>>, vector<1x1x16xf32>,
        %get3A_622 = arith.constant 3 : i32
        %get3A_623 = arith.index_cast %get3A_622 : i32 to index
        %get3A_624 = arith.index_cast %add3A_255 : i32 to index
        %get3A_625 = arith.constant 368 : index
        %get3A_626 = tpu.vector_load %arg6[%get3A_623, %get3A_624, %get3A_625] {strides = array<i32>} : memref<4x16x1024xf32, #tpu.memory_space<vmem>>, vector<1x1x16xf32>,
        %get3A_627 = vector.shape_cast %get3A_626 : vector<1x1x16xf32> to vector<16xf32>
        %mul3A_628 = arith.constant 3.200000e+01 : f32
        %mul3A_629 = vector.broadcast %mul3A_628 : f32 to vector<16xf32>
        %mul3A_630 = arith.mulf %get3A_627, %mul3A_629 : vector<16xf32>
        %swap3A_631 = arith.constant 3 : i32
        %swap3A_632 = arith.index_cast %swap3A_631 : i32 to index
        %swap3A_633 = arith.index_cast %add3A_255 : i32 to index
        %swap3A_634 = arith.constant 368 : index
        %swap3A_635 = tpu.vector_load %arg6[%swap3A_632, %swap3A_633, %swap3A_634] {strides = array<i32>} : memref<4x16x1024xf32, #tpu.memory_space<vmem>>, vector<1x1x16xf32>,
        %swap3A_636 = vector.shape_cast %swap3A_635 : vector<1x1x16xf32> to vector<16xf32>
        %swap3A_637 = vector.shape_cast %mul3A_630 : vector<16xf32> to vector<1x1x16xf32>
        tpu.vector_store %arg6[%swap3A_632, %swap3A_633, %swap3A_634], %swap3A_637 {strides = array<i32>} : memref<4x16x1024xf32, #tpu.memory_space<vmem>>, vector<1x1x16xf32>,
        %get3A_638 = arith.constant 3 : i32
        %get3A_639 = arith.index_cast %get3A_638 : i32 to index
        %get3A_640 = arith.index_cast %add3A_255 : i32 to index
        %get3A_641 = arith.constant 384 : index
        %get3A_642 = tpu.vector_load %arg6[%get3A_639, %get3A_640, %get3A_641] {strides = array<i32>} : memref<4x16x1024xf32, #tpu.memory_space<vmem>>, vector<1x1x16xf32>,
        %get3A_643 = vector.shape_cast %get3A_642 : vector<1x1x16xf32> to vector<16xf32>
        %mul3A_644 = arith.constant 3.200000e+01 : f32
        %mul3A_645 = vector.broadcast %mul3A_644 : f32 to vector<16xf32>
        %mul3A_646 = arith.mulf %get3A_643, %mul3A_645 : vector<16xf32>
        %swap3A_647 = arith.constant 3 : i32
        %swap3A_648 = arith.index_cast %swap3A_647 : i32 to index
        %swap3A_649 = arith.index_cast %add3A_255 : i32 to index
        %swap3A_650 = arith.constant 384 : index
        %swap3A_651 = tpu.vector_load %arg6[%swap3A_648, %swap3A_649, %swap3A_650] {strides = array<i32>} : memref<4x16x1024xf32, #tpu.memory_space<vmem>>, vector<1x1x16xf32>,
        %swap3A_652 = vector.shape_cast %swap3A_651 : vector<1x1x16xf32> to vector<16xf32>
        %swap3A_653 = vector.shape_cast %mul3A_646 : vector<16xf32> to vector<1x1x16xf32>
        tpu.vector_store %arg6[%swap3A_648, %swap3A_649, %swap3A_650], %swap3A_653 {strides = array<i32>} : memref<4x16x1024xf32, #tpu.memory_space<vmem>>, vector<1x1x16xf32>,
        %get3A_654 = arith.constant 3 : i32
        %get3A_655 = arith.index_cast %get3A_654 : i32 to index
        %get3A_656 = arith.index_cast %add3A_255 : i32 to index
        %get3A_657 = arith.constant 400 : index
        %get3A_658 = tpu.vector_load %arg6[%get3A_655, %get3A_656, %get3A_657] {strides = array<i32>} : memref<4x16x1024xf32, #tpu.memory_space<vmem>>, vector<1x1x16xf32>,
        %get3A_659 = vector.shape_cast %get3A_658 : vector<1x1x16xf32> to vector<16xf32>
        %mul3A_660 = arith.constant 3.200000e+01 : f32
        %mul3A_661 = vector.broadcast %mul3A_660 : f32 to vector<16xf32>
        %mul3A_662 = arith.mulf %get3A_659, %mul3A_661 : vector<16xf32>
        %swap3A_663 = arith.constant 3 : i32
        %swap3A_664 = arith.index_cast %swap3A_663 : i32 to index
        %swap3A_665 = arith.index_cast %add3A_255 : i32 to index
        %swap3A_666 = arith.constant 400 : index
        %swap3A_667 = tpu.vector_load %arg6[%swap3A_664, %swap3A_665, %swap3A_666] {strides = array<i32>} : memref<4x16x1024xf32, #tpu.memory_space<vmem>>, vector<1x1x16xf32>,
        %swap3A_668 = vector.shape_cast %swap3A_667 : vector<1x1x16xf32> to vector<16xf32>
        %swap3A_669 = vector.shape_cast %mul3A_662 : vector<16xf32> to vector<1x1x16xf32>
        tpu.vector_store %arg6[%swap3A_664, %swap3A_665, %swap3A_666], %swap3A_669 {strides = array<i32>} : memref<4x16x1024xf32, #tpu.memory_space<vmem>>, vector<1x1x16xf32>,
        %get3A_670 = arith.constant 3 : i32
        %get3A_671 = arith.index_cast %get3A_670 : i32 to index
        %get3A_672 = arith.index_cast %add3A_255 : i32 to index
        %get3A_673 = arith.constant 416 : index
        %get3A_674 = tpu.vector_load %arg6[%get3A_671, %get3A_672, %get3A_673] {strides = array<i32>} : memref<4x16x1024xf32, #tpu.memory_space<vmem>>, vector<1x1x16xf32>,
        %get3A_675 = vector.shape_cast %get3A_674 : vector<1x1x16xf32> to vector<16xf32>
        %mul3A_676 = arith.constant 3.200000e+01 : f32
        %mul3A_677 = vector.broadcast %mul3A_676 : f32 to vector<16xf32>
        %mul3A_678 = arith.mulf %get3A_675, %mul3A_677 : vector<16xf32>
        %swap3A_679 = arith.constant 3 : i32
        %swap3A_680 = arith.index_cast %swap3A_679 : i32 to index
        %swap3A_681 = arith.index_cast %add3A_255 : i32 to index
        %swap3A_682 = arith.constant 416 : index
        %swap3A_683 = tpu.vector_load %arg6[%swap3A_680, %swap3A_681, %swap3A_682] {strides = array<i32>} : memref<4x16x1024xf32, #tpu.memory_space<vmem>>, vector<1x1x16xf32>,
        %swap3A_684 = vector.shape_cast %swap3A_683 : vector<1x1x16xf32> to vector<16xf32>
        %swap3A_685 = vector.shape_cast %mul3A_678 : vector<16xf32> to vector<1x1x16xf32>
        tpu.vector_store %arg6[%swap3A_680, %swap3A_681, %swap3A_682], %swap3A_685 {strides = array<i32>} : memref<4x16x1024xf32, #tpu.memory_space<vmem>>, vector<1x1x16xf32>,
        %get3A_686 = arith.constant 3 : i32
        %get3A_687 = arith.index_cast %get3A_686 : i32 to index
        %get3A_688 = arith.index_cast %add3A_255 : i32 to index
        %get3A_689 = arith.constant 432 : index
        %get3A_690 = tpu.vector_load %arg6[%get3A_687, %get3A_688, %get3A_689] {strides = array<i32>} : memref<4x16x1024xf32, #tpu.memory_space<vmem>>, vector<1x1x16xf32>,
        %get3A_691 = vector.shape_cast %get3A_690 : vector<1x1x16xf32> to vector<16xf32>
        %mul3A_692 = arith.constant 3.200000e+01 : f32
        %mul3A_693 = vector.broadcast %mul3A_692 : f32 to vector<16xf32>
        %mul3A_694 = arith.mulf %get3A_691, %mul3A_693 : vector<16xf32>
        %swap3A_695 = arith.constant 3 : i32
        %swap3A_696 = arith.index_cast %swap3A_695 : i32 to index
        %swap3A_697 = arith.index_cast %add3A_255 : i32 to index
        %swap3A_698 = arith.constant 432 : index
        %swap3A_699 = tpu.vector_load %arg6[%swap3A_696, %swap3A_697, %swap3A_698] {strides = array<i32>} : memref<4x16x1024xf32, #tpu.memory_space<vmem>>, vector<1x1x16xf32>,
        %swap3A_700 = vector.shape_cast %swap3A_699 : vector<1x1x16xf32> to vector<16xf32>
        %swap3A_701 = vector.shape_cast %mul3A_694 : vector<16xf32> to vector<1x1x16xf32>
        tpu.vector_store %arg6[%swap3A_696, %swap3A_697, %swap3A_698], %swap3A_701 {strides = array<i32>} : memref<4x16x1024xf32, #tpu.memory_space<vmem>>, vector<1x1x16xf32>,
        %get3A_702 = arith.constant 3 : i32
        %get3A_703 = arith.index_cast %get3A_702 : i32 to index
        %get3A_704 = arith.index_cast %add3A_255 : i32 to index
        %get3A_705 = arith.constant 448 : index
        %get3A_706 = tpu.vector_load %arg6[%get3A_703, %get3A_704, %get3A_705] {strides = array<i32>} : memref<4x16x1024xf32, #tpu.memory_space<vmem>>, vector<1x1x16xf32>,
        %get3A_707 = vector.shape_cast %get3A_706 : vector<1x1x16xf32> to vector<16xf32>
        %mul3A_708 = arith.constant 3.200000e+01 : f32
        %mul3A_709 = vector.broadcast %mul3A_708 : f32 to vector<16xf32>
        %mul3A_710 = arith.mulf %get3A_707, %mul3A_709 : vector<16xf32>
        %swap3A_711 = arith.constant 3 : i32
        %swap3A_712 = arith.index_cast %swap3A_711 : i32 to index
        %swap3A_713 = arith.index_cast %add3A_255 : i32 to index
        %swap3A_714 = arith.constant 448 : index
        %swap3A_715 = tpu.vector_load %arg6[%swap3A_712, %swap3A_713, %swap3A_714] {strides = array<i32>} : memref<4x16x1024xf32, #tpu.memory_space<vmem>>, vector<1x1x16xf32>,
        %swap3A_716 = vector.shape_cast %swap3A_715 : vector<1x1x16xf32> to vector<16xf32>
        %swap3A_717 = vector.shape_cast %mul3A_710 : vector<16xf32> to vector<1x1x16xf32>
        tpu.vector_store %arg6[%swap3A_712, %swap3A_713, %swap3A_714], %swap3A_717 {strides = array<i32>} : memref<4x16x1024xf32, #tpu.memory_space<vmem>>, vector<1x1x16xf32>,
        %get3A_718 = arith.constant 3 : i32
        %get3A_719 = arith.index_cast %get3A_718 : i32 to index
        %get3A_720 = arith.index_cast %add3A_255 : i32 to index
        %get3A_721 = arith.constant 464 : index
        %get3A_722 = tpu.vector_load %arg6[%get3A_719, %get3A_720, %get3A_721] {strides = array<i32>} : memref<4x16x1024xf32, #tpu.memory_space<vmem>>, vector<1x1x16xf32>,
        %get3A_723 = vector.shape_cast %get3A_722 : vector<1x1x16xf32> to vector<16xf32>
        %mul3A_724 = arith.constant 3.200000e+01 : f32
        %mul3A_725 = vector.broadcast %mul3A_724 : f32 to vector<16xf32>
        %mul3A_726 = arith.mulf %get3A_723, %mul3A_725 : vector<16xf32>
        %swap3A_727 = arith.constant 3 : i32
        %swap3A_728 = arith.index_cast %swap3A_727 : i32 to index
        %swap3A_729 = arith.index_cast %add3A_255 : i32 to index
        %swap3A_730 = arith.constant 464 : index
        %swap3A_731 = tpu.vector_load %arg6[%swap3A_728, %swap3A_729, %swap3A_730] {strides = array<i32>} : memref<4x16x1024xf32, #tpu.memory_space<vmem>>, vector<1x1x16xf32>,
        %swap3A_732 = vector.shape_cast %swap3A_731 : vector<1x1x16xf32> to vector<16xf32>
        %swap3A_733 = vector.shape_cast %mul3A_726 : vector<16xf32> to vector<1x1x16xf32>
        tpu.vector_store %arg6[%swap3A_728, %swap3A_729, %swap3A_730], %swap3A_733 {strides = array<i32>} : memref<4x16x1024xf32, #tpu.memory_space<vmem>>, vector<1x1x16xf32>,
        %get3A_734 = arith.constant 3 : i32
        %get3A_735 = arith.index_cast %get3A_734 : i32 to index
        %get3A_736 = arith.index_cast %add3A_255 : i32 to index
        %get3A_737 = arith.constant 480 : index
        %get3A_738 = tpu.vector_load %arg6[%get3A_735, %get3A_736, %get3A_737] {strides = array<i32>} : memref<4x16x1024xf32, #tpu.memory_space<vmem>>, vector<1x1x16xf32>,
        %get3A_739 = vector.shape_cast %get3A_738 : vector<1x1x16xf32> to vector<16xf32>
        %mul3A_740 = arith.constant 3.200000e+01 : f32
        %mul3A_741 = vector.broadcast %mul3A_740 : f32 to vector<16xf32>
        %mul3A_742 = arith.mulf %get3A_739, %mul3A_741 : vector<16xf32>
        %swap3A_743 = arith.constant 3 : i32
        %swap3A_744 = arith.index_cast %swap3A_743 : i32 to index
        %swap3A_745 = arith.index_cast %add3A_255 : i32 to index
        %swap3A_746 = arith.constant 480 : index
        %swap3A_747 = tpu.vector_load %arg6[%swap3A_744, %swap3A_745, %swap3A_746] {strides = array<i32>} : memref<4x16x1024xf32, #tpu.memory_space<vmem>>, vector<1x1x16xf32>,
        %swap3A_748 = vector.shape_cast %swap3A_747 : vector<1x1x16xf32> to vector<16xf32>
        %swap3A_749 = vector.shape_cast %mul3A_742 : vector<16xf32> to vector<1x1x16xf32>
        tpu.vector_store %arg6[%swap3A_744, %swap3A_745, %swap3A_746], %swap3A_749 {strides = array<i32>} : memref<4x16x1024xf32, #tpu.memory_space<vmem>>, vector<1x1x16xf32>,
        %get3A_750 = arith.constant 3 : i32
        %get3A_751 = arith.index_cast %get3A_750 : i32 to index
        %get3A_752 = arith.index_cast %add3A_255 : i32 to index
        %get3A_753 = arith.constant 496 : index
        %get3A_754 = tpu.vector_load %arg6[%get3A_751, %get3A_752, %get3A_753] {strides = array<i32>} : memref<4x16x1024xf32, #tpu.memory_space<vmem>>, vector<1x1x16xf32>,
        %get3A_755 = vector.shape_cast %get3A_754 : vector<1x1x16xf32> to vector<16xf32>
        %mul3A_756 = arith.constant 3.200000e+01 : f32
        %mul3A_757 = vector.broadcast %mul3A_756 : f32 to vector<16xf32>
        %mul3A_758 = arith.mulf %get3A_755, %mul3A_757 : vector<16xf32>
        %swap3A_759 = arith.constant 3 : i32
        %swap3A_760 = arith.index_cast %swap3A_759 : i32 to index
        %swap3A_761 = arith.index_cast %add3A_255 : i32 to index
        %swap3A_762 = arith.constant 496 : index
        %swap3A_763 = tpu.vector_load %arg6[%swap3A_760, %swap3A_761, %swap3A_762] {strides = array<i32>} : memref<4x16x1024xf32, #tpu.memory_space<vmem>>, vector<1x1x16xf32>,
        %swap3A_764 = vector.shape_cast %swap3A_763 : vector<1x1x16xf32> to vector<16xf32>
        %swap3A_765 = vector.shape_cast %mul3A_758 : vector<16xf32> to vector<1x1x16xf32>
        tpu.vector_store %arg6[%swap3A_760, %swap3A_761, %swap3A_762], %swap3A_765 {strides = array<i32>} : memref<4x16x1024xf32, #tpu.memory_space<vmem>>, vector<1x1x16xf32>,
        %get3A_766 = arith.constant 3 : i32
        %get3A_767 = arith.index_cast %get3A_766 : i32 to index
        %get3A_768 = arith.index_cast %add3A_255 : i32 to index
        %get3A_769 = arith.constant 512 : index
        %get3A_770 = tpu.vector_load %arg6[%get3A_767, %get3A_768, %get3A_769] {strides = array<i32>} : memref<4x16x1024xf32, #tpu.memory_space<vmem>>, vector<1x1x16xf32>,
        %get3A_771 = vector.shape_cast %get3A_770 : vector<1x1x16xf32> to vector<16xf32>
        %mul3A_772 = arith.constant 3.200000e+01 : f32
        %mul3A_773 = vector.broadcast %mul3A_772 : f32 to vector<16xf32>
        %mul3A_774 = arith.mulf %get3A_771, %mul3A_773 : vector<16xf32>
        %swap3A_775 = arith.constant 3 : i32
        %swap3A_776 = arith.index_cast %swap3A_775 : i32 to index
        %swap3A_777 = arith.index_cast %add3A_255 : i32 to index
        %swap3A_778 = arith.constant 512 : index
        %swap3A_779 = tpu.vector_load %arg6[%swap3A_776, %swap3A_777, %swap3A_778] {strides = array<i32>} : memref<4x16x1024xf32, #tpu.memory_space<vmem>>, vector<1x1x16xf32>,
        %swap3A_780 = vector.shape_cast %swap3A_779 : vector<1x1x16xf32> to vector<16xf32>
        %swap3A_781 = vector.shape_cast %mul3A_774 : vector<16xf32> to vector<1x1x16xf32>
        tpu.vector_store %arg6[%swap3A_776, %swap3A_777, %swap3A_778], %swap3A_781 {strides = array<i32>} : memref<4x16x1024xf32, #tpu.memory_space<vmem>>, vector<1x1x16xf32>,
        %get3A_782 = arith.constant 3 : i32
        %get3A_783 = arith.index_cast %get3A_782 : i32 to index
        %get3A_784 = arith.index_cast %add3A_255 : i32 to index
        %get3A_785 = arith.constant 528 : index
        %get3A_786 = tpu.vector_load %arg6[%get3A_783, %get3A_784, %get3A_785] {strides = array<i32>} : memref<4x16x1024xf32, #tpu.memory_space<vmem>>, vector<1x1x16xf32>,
        %get3A_787 = vector.shape_cast %get3A_786 : vector<1x1x16xf32> to vector<16xf32>
        %mul3A_788 = arith.constant 3.200000e+01 : f32
        %mul3A_789 = vector.broadcast %mul3A_788 : f32 to vector<16xf32>
        %mul3A_790 = arith.mulf %get3A_787, %mul3A_789 : vector<16xf32>
        %swap3A_791 = arith.constant 3 : i32
        %swap3A_792 = arith.index_cast %swap3A_791 : i32 to index
        %swap3A_793 = arith.index_cast %add3A_255 : i32 to index
        %swap3A_794 = arith.constant 528 : index
        %swap3A_795 = tpu.vector_load %arg6[%swap3A_792, %swap3A_793, %swap3A_794] {strides = array<i32>} : memref<4x16x1024xf32, #tpu.memory_space<vmem>>, vector<1x1x16xf32>,
        %swap3A_796 = vector.shape_cast %swap3A_795 : vector<1x1x16xf32> to vector<16xf32>
        %swap3A_797 = vector.shape_cast %mul3A_790 : vector<16xf32> to vector<1x1x16xf32>
        tpu.vector_store %arg6[%swap3A_792, %swap3A_793, %swap3A_794], %swap3A_797 {strides = array<i32>} : memref<4x16x1024xf32, #tpu.memory_space<vmem>>, vector<1x1x16xf32>,
        %get3A_798 = arith.constant 3 : i32
        %get3A_799 = arith.index_cast %get3A_798 : i32 to index
        %get3A_800 = arith.index_cast %add3A_255 : i32 to index
        %get3A_801 = arith.constant 544 : index
        %get3A_802 = tpu.vector_load %arg6[%get3A_799, %get3A_800, %get3A_801] {strides = array<i32>} : memref<4x16x1024xf32, #tpu.memory_space<vmem>>, vector<1x1x16xf32>,
        %get3A_803 = vector.shape_cast %get3A_802 : vector<1x1x16xf32> to vector<16xf32>
        %mul3A_804 = arith.constant 3.200000e+01 : f32
        %mul3A_805 = vector.broadcast %mul3A_804 : f32 to vector<16xf32>
        %mul3A_806 = arith.mulf %get3A_803, %mul3A_805 : vector<16xf32>
        %swap3A_807 = arith.constant 3 : i32
        %swap3A_808 = arith.index_cast %swap3A_807 : i32 to index
        %swap3A_809 = arith.index_cast %add3A_255 : i32 to index
        %swap3A_810 = arith.constant 544 : index
        %swap3A_811 = tpu.vector_load %arg6[%swap3A_808, %swap3A_809, %swap3A_810] {strides = array<i32>} : memref<4x16x1024xf32, #tpu.memory_space<vmem>>, vector<1x1x16xf32>,
        %swap3A_812 = vector.shape_cast %swap3A_811 : vector<1x1x16xf32> to vector<16xf32>
        %swap3A_813 = vector.shape_cast %mul3A_806 : vector<16xf32> to vector<1x1x16xf32>
        tpu.vector_store %arg6[%swap3A_808, %swap3A_809, %swap3A_810], %swap3A_813 {strides = array<i32>} : memref<4x16x1024xf32, #tpu.memory_space<vmem>>, vector<1x1x16xf32>,
        %get3A_814 = arith.constant 3 : i32
        %get3A_815 = arith.index_cast %get3A_814 : i32 to index
        %get3A_816 = arith.index_cast %add3A_255 : i32 to index
        %get3A_817 = arith.constant 560 : index
        %get3A_818 = tpu.vector_load %arg6[%get3A_815, %get3A_816, %get3A_817] {strides = array<i32>} : memref<4x16x1024xf32, #tpu.memory_space<vmem>>, vector<1x1x16xf32>,
        %get3A_819 = vector.shape_cast %get3A_818 : vector<1x1x16xf32> to vector<16xf32>
        %mul3A_820 = arith.constant 3.200000e+01 : f32
        %mul3A_821 = vector.broadcast %mul3A_820 : f32 to vector<16xf32>
        %mul3A_822 = arith.mulf %get3A_819, %mul3A_821 : vector<16xf32>
        %swap3A_823 = arith.constant 3 : i32
        %swap3A_824 = arith.index_cast %swap3A_823 : i32 to index
        %swap3A_825 = arith.index_cast %add3A_255 : i32 to index
        %swap3A_826 = arith.constant 560 : index
        %swap3A_827 = tpu.vector_load %arg6[%swap3A_824, %swap3A_825, %swap3A_826] {strides = array<i32>} : memref<4x16x1024xf32, #tpu.memory_space<vmem>>, vector<1x1x16xf32>,
        %swap3A_828 = vector.shape_cast %swap3A_827 : vector<1x1x16xf32> to vector<16xf32>
        %swap3A_829 = vector.shape_cast %mul3A_822 : vector<16xf32> to vector<1x1x16xf32>
        tpu.vector_store %arg6[%swap3A_824, %swap3A_825, %swap3A_826], %swap3A_829 {strides = array<i32>} : memref<4x16x1024xf32, #tpu.memory_space<vmem>>, vector<1x1x16xf32>,
        %get3A_830 = arith.constant 3 : i32
        %get3A_831 = arith.index_cast %get3A_830 : i32 to index
        %get3A_832 = arith.index_cast %add3A_255 : i32 to index
        %get3A_833 = arith.constant 576 : index
        %get3A_834 = tpu.vector_load %arg6[%get3A_831, %get3A_832, %get3A_833] {strides = array<i32>} : memref<4x16x1024xf32, #tpu.memory_space<vmem>>, vector<1x1x16xf32>,
        %get3A_835 = vector.shape_cast %get3A_834 : vector<1x1x16xf32> to vector<16xf32>
        %mul3A_836 = arith.constant 3.200000e+01 : f32
        %mul3A_837 = vector.broadcast %mul3A_836 : f32 to vector<16xf32>
        %mul3A_838 = arith.mulf %get3A_835, %mul3A_837 : vector<16xf32>
        %swap3A_839 = arith.constant 3 : i32
        %swap3A_840 = arith.index_cast %swap3A_839 : i32 to index
        %swap3A_841 = arith.index_cast %add3A_255 : i32 to index
        %swap3A_842 = arith.constant 576 : index
        %swap3A_843 = tpu.vector_load %arg6[%swap3A_840, %swap3A_841, %swap3A_842] {strides = array<i32>} : memref<4x16x1024xf32, #tpu.memory_space<vmem>>, vector<1x1x16xf32>,
        %swap3A_844 = vector.shape_cast %swap3A_843 : vector<1x1x16xf32> to vector<16xf32>
        %swap3A_845 = vector.shape_cast %mul3A_838 : vector<16xf32> to vector<1x1x16xf32>
        tpu.vector_store %arg6[%swap3A_840, %swap3A_841, %swap3A_842], %swap3A_845 {strides = array<i32>} : memref<4x16x1024xf32, #tpu.memory_space<vmem>>, vector<1x1x16xf32>,
        %get3A_846 = arith.constant 3 : i32
        %get3A_847 = arith.index_cast %get3A_846 : i32 to index
        %get3A_848 = arith.index_cast %add3A_255 : i32 to index
        %get3A_849 = arith.constant 592 : index
        %get3A_850 = tpu.vector_load %arg6[%get3A_847, %get3A_848, %get3A_849] {strides = array<i32>} : memref<4x16x1024xf32, #tpu.memory_space<vmem>>, vector<1x1x16xf32>,
        %get3A_851 = vector.shape_cast %get3A_850 : vector<1x1x16xf32> to vector<16xf32>
        %mul3A_852 = arith.constant 3.200000e+01 : f32
        %mul3A_853 = vector.broadcast %mul3A_852 : f32 to vector<16xf32>
        %mul3A_854 = arith.mulf %get3A_851, %mul3A_853 : vector<16xf32>
        %swap3A_855 = arith.constant 3 : i32
        %swap3A_856 = arith.index_cast %swap3A_855 : i32 to index
        %swap3A_857 = arith.index_cast %add3A_255 : i32 to index
        %swap3A_858 = arith.constant 592 : index
        %swap3A_859 = tpu.vector_load %arg6[%swap3A_856, %swap3A_857, %swap3A_858] {strides = array<i32>} : memref<4x16x1024xf32, #tpu.memory_space<vmem>>, vector<1x1x16xf32>,
        %swap3A_860 = vector.shape_cast %swap3A_859 : vector<1x1x16xf32> to vector<16xf32>
        %swap3A_861 = vector.shape_cast %mul3A_854 : vector<16xf32> to vector<1x1x16xf32>
        tpu.vector_store %arg6[%swap3A_856, %swap3A_857, %swap3A_858], %swap3A_861 {strides = array<i32>} : memref<4x16x1024xf32, #tpu.memory_space<vmem>>, vector<1x1x16xf32>,
        %get3A_862 = arith.constant 3 : i32
        %get3A_863 = arith.index_cast %get3A_862 : i32 to index
        %get3A_864 = arith.index_cast %add3A_255 : i32 to index
        %get3A_865 = arith.constant 608 : index
        %get3A_866 = tpu.vector_load %arg6[%get3A_863, %get3A_864, %get3A_865] {strides = array<i32>} : memref<4x16x1024xf32, #tpu.memory_space<vmem>>, vector<1x1x16xf32>,
        %get3A_867 = vector.shape_cast %get3A_866 : vector<1x1x16xf32> to vector<16xf32>
        %mul3A_868 = arith.constant 3.200000e+01 : f32
        %mul3A_869 = vector.broadcast %mul3A_868 : f32 to vector<16xf32>
        %mul3A_870 = arith.mulf %get3A_867, %mul3A_869 : vector<16xf32>
        %swap3A_871 = arith.constant 3 : i32
        %swap3A_872 = arith.index_cast %swap3A_871 : i32 to index
        %swap3A_873 = arith.index_cast %add3A_255 : i32 to index
        %swap3A_874 = arith.constant 608 : index
        %swap3A_875 = tpu.vector_load %arg6[%swap3A_872, %swap3A_873, %swap3A_874] {strides = array<i32>} : memref<4x16x1024xf32, #tpu.memory_space<vmem>>, vector<1x1x16xf32>,
        %swap3A_876 = vector.shape_cast %swap3A_875 : vector<1x1x16xf32> to vector<16xf32>
        %swap3A_877 = vector.shape_cast %mul3A_870 : vector<16xf32> to vector<1x1x16xf32>
        tpu.vector_store %arg6[%swap3A_872, %swap3A_873, %swap3A_874], %swap3A_877 {strides = array<i32>} : memref<4x16x1024xf32, #tpu.memory_space<vmem>>, vector<1x1x16xf32>,
        %get3A_878 = arith.constant 3 : i32
        %get3A_879 = arith.index_cast %get3A_878 : i32 to index
        %get3A_880 = arith.index_cast %add3A_255 : i32 to index
        %get3A_881 = arith.constant 624 : index
        %get3A_882 = tpu.vector_load %arg6[%get3A_879, %get3A_880, %get3A_881] {strides = array<i32>} : memref<4x16x1024xf32, #tpu.memory_space<vmem>>, vector<1x1x16xf32>,
        %get3A_883 = vector.shape_cast %get3A_882 : vector<1x1x16xf32> to vector<16xf32>
        %mul3A_884 = arith.constant 3.200000e+01 : f32
        %mul3A_885 = vector.broadcast %mul3A_884 : f32 to vector<16xf32>
        %mul3A_886 = arith.mulf %get3A_883, %mul3A_885 : vector<16xf32>
        %swap3A_887 = arith.constant 3 : i32
        %swap3A_888 = arith.index_cast %swap3A_887 : i32 to index
        %swap3A_889 = arith.index_cast %add3A_255 : i32 to index
        %swap3A_890 = arith.constant 624 : index
        %swap3A_891 = tpu.vector_load %arg6[%swap3A_888, %swap3A_889, %swap3A_890] {strides = array<i32>} : memref<4x16x1024xf32, #tpu.memory_space<vmem>>, vector<1x1x16xf32>,
        %swap3A_892 = vector.shape_cast %swap3A_891 : vector<1x1x16xf32> to vector<16xf32>
        %swap3A_893 = vector.shape_cast %mul3A_886 : vector<16xf32> to vector<1x1x16xf32>
        tpu.vector_store %arg6[%swap3A_888, %swap3A_889, %swap3A_890], %swap3A_893 {strides = array<i32>} : memref<4x16x1024xf32, #tpu.memory_space<vmem>>, vector<1x1x16xf32>,
        %get3A_894 = arith.constant 3 : i32
        %get3A_895 = arith.index_cast %get3A_894 : i32 to index
        %get3A_896 = arith.index_cast %add3A_255 : i32 to index
        %get3A_897 = arith.constant 640 : index
        %get3A_898 = tpu.vector_load %arg6[%get3A_895, %get3A_896, %get3A_897] {strides = array<i32>} : memref<4x16x1024xf32, #tpu.memory_space<vmem>>, vector<1x1x16xf32>,
        %get3A_899 = vector.shape_cast %get3A_898 : vector<1x1x16xf32> to vector<16xf32>
        %mul3A_900 = arith.constant 3.200000e+01 : f32
        %mul3A_901 = vector.broadcast %mul3A_900 : f32 to vector<16xf32>
        %mul3A_902 = arith.mulf %get3A_899, %mul3A_901 : vector<16xf32>
        %swap3A_903 = arith.constant 3 : i32
        %swap3A_904 = arith.index_cast %swap3A_903 : i32 to index
        %swap3A_905 = arith.index_cast %add3A_255 : i32 to index
        %swap3A_906 = arith.constant 640 : index
        %swap3A_907 = tpu.vector_load %arg6[%swap3A_904, %swap3A_905, %swap3A_906] {strides = array<i32>} : memref<4x16x1024xf32, #tpu.memory_space<vmem>>, vector<1x1x16xf32>,
        %swap3A_908 = vector.shape_cast %swap3A_907 : vector<1x1x16xf32> to vector<16xf32>
        %swap3A_909 = vector.shape_cast %mul3A_902 : vector<16xf32> to vector<1x1x16xf32>
        tpu.vector_store %arg6[%swap3A_904, %swap3A_905, %swap3A_906], %swap3A_909 {strides = array<i32>} : memref<4x16x1024xf32, #tpu.memory_space<vmem>>, vector<1x1x16xf32>,
        %get3A_910 = arith.constant 3 : i32
        %get3A_911 = arith.index_cast %get3A_910 : i32 to index
        %get3A_912 = arith.index_cast %add3A_255 : i32 to index
        %get3A_913 = arith.constant 656 : index
        %get3A_914 = tpu.vector_load %arg6[%get3A_911, %get3A_912, %get3A_913] {strides = array<i32>} : memref<4x16x1024xf32, #tpu.memory_space<vmem>>, vector<1x1x16xf32>,
        %get3A_915 = vector.shape_cast %get3A_914 : vector<1x1x16xf32> to vector<16xf32>
        %mul3A_916 = arith.constant 3.200000e+01 : f32
        %mul3A_917 = vector.broadcast %mul3A_916 : f32 to vector<16xf32>
        %mul3A_918 = arith.mulf %get3A_915, %mul3A_917 : vector<16xf32>
        %swap3A_919 = arith.constant 3 : i32
        %swap3A_920 = arith.index_cast %swap3A_919 : i32 to index
        %swap3A_921 = arith.index_cast %add3A_255 : i32 to index
        %swap3A_922 = arith.constant 656 : index
        %swap3A_923 = tpu.vector_load %arg6[%swap3A_920, %swap3A_921, %swap3A_922] {strides = array<i32>} : memref<4x16x1024xf32, #tpu.memory_space<vmem>>, vector<1x1x16xf32>,
        %swap3A_924 = vector.shape_cast %swap3A_923 : vector<1x1x16xf32> to vector<16xf32>
        %swap3A_925 = vector.shape_cast %mul3A_918 : vector<16xf32> to vector<1x1x16xf32>
        tpu.vector_store %arg6[%swap3A_920, %swap3A_921, %swap3A_922], %swap3A_925 {strides = array<i32>} : memref<4x16x1024xf32, #tpu.memory_space<vmem>>, vector<1x1x16xf32>,
        %get3A_926 = arith.constant 3 : i32
        %get3A_927 = arith.index_cast %get3A_926 : i32 to index
        %get3A_928 = arith.index_cast %add3A_255 : i32 to index
        %get3A_929 = arith.constant 672 : index
        %get3A_930 = tpu.vector_load %arg6[%get3A_927, %get3A_928, %get3A_929] {strides = array<i32>} : memref<4x16x1024xf32, #tpu.memory_space<vmem>>, vector<1x1x16xf32>,
        %get3A_931 = vector.shape_cast %get3A_930 : vector<1x1x16xf32> to vector<16xf32>
        %mul3A_932 = arith.constant 3.200000e+01 : f32
        %mul3A_933 = vector.broadcast %mul3A_932 : f32 to vector<16xf32>
        %mul3A_934 = arith.mulf %get3A_931, %mul3A_933 : vector<16xf32>
        %swap3A_935 = arith.constant 3 : i32
        %swap3A_936 = arith.index_cast %swap3A_935 : i32 to index
        %swap3A_937 = arith.index_cast %add3A_255 : i32 to index
        %swap3A_938 = arith.constant 672 : index
        %swap3A_939 = tpu.vector_load %arg6[%swap3A_936, %swap3A_937, %swap3A_938] {strides = array<i32>} : memref<4x16x1024xf32, #tpu.memory_space<vmem>>, vector<1x1x16xf32>,
        %swap3A_940 = vector.shape_cast %swap3A_939 : vector<1x1x16xf32> to vector<16xf32>
        %swap3A_941 = vector.shape_cast %mul3A_934 : vector<16xf32> to vector<1x1x16xf32>
        tpu.vector_store %arg6[%swap3A_936, %swap3A_937, %swap3A_938], %swap3A_941 {strides = array<i32>} : memref<4x16x1024xf32, #tpu.memory_space<vmem>>, vector<1x1x16xf32>,
        %get3A_942 = arith.constant 3 : i32
        %get3A_943 = arith.index_cast %get3A_942 : i32 to index
        %get3A_944 = arith.index_cast %add3A_255 : i32 to index
        %get3A_945 = arith.constant 688 : index
        %get3A_946 = tpu.vector_load %arg6[%get3A_943, %get3A_944, %get3A_945] {strides = array<i32>} : memref<4x16x1024xf32, #tpu.memory_space<vmem>>, vector<1x1x16xf32>,
        %get3A_947 = vector.shape_cast %get3A_946 : vector<1x1x16xf32> to vector<16xf32>
        %mul3A_948 = arith.constant 3.200000e+01 : f32
        %mul3A_949 = vector.broadcast %mul3A_948 : f32 to vector<16xf32>
        %mul3A_950 = arith.mulf %get3A_947, %mul3A_949 : vector<16xf32>
        %swap3A_951 = arith.constant 3 : i32
        %swap3A_952 = arith.index_cast %swap3A_951 : i32 to index
        %swap3A_953 = arith.index_cast %add3A_255 : i32 to index
        %swap3A_954 = arith.constant 688 : index
        %swap3A_955 = tpu.vector_load %arg6[%swap3A_952, %swap3A_953, %swap3A_954] {strides = array<i32>} : memref<4x16x1024xf32, #tpu.memory_space<vmem>>, vector<1x1x16xf32>,
        %swap3A_956 = vector.shape_cast %swap3A_955 : vector<1x1x16xf32> to vector<16xf32>
        %swap3A_957 = vector.shape_cast %mul3A_950 : vector<16xf32> to vector<1x1x16xf32>
        tpu.vector_store %arg6[%swap3A_952, %swap3A_953, %swap3A_954], %swap3A_957 {strides = array<i32>} : memref<4x16x1024xf32, #tpu.memory_space<vmem>>, vector<1x1x16xf32>,
        %get3A_958 = arith.constant 3 : i32
        %get3A_959 = arith.index_cast %get3A_958 : i32 to index
        %get3A_960 = arith.index_cast %add3A_255 : i32 to index
        %get3A_961 = arith.constant 704 : index
        %get3A_962 = tpu.vector_load %arg6[%get3A_959, %get3A_960, %get3A_961] {strides = array<i32>} : memref<4x16x1024xf32, #tpu.memory_space<vmem>>, vector<1x1x16xf32>,
        %get3A_963 = vector.shape_cast %get3A_962 : vector<1x1x16xf32> to vector<16xf32>
        %mul3A_964 = arith.constant 3.200000e+01 : f32
        %mul3A_965 = vector.broadcast %mul3A_964 : f32 to vector<16xf32>
        %mul3A_966 = arith.mulf %get3A_963, %mul3A_965 : vector<16xf32>
        %swap3A_967 = arith.constant 3 : i32
        %swap3A_968 = arith.index_cast %swap3A_967 : i32 to index
        %swap3A_969 = arith.index_cast %add3A_255 : i32 to index
        %swap3A_970 = arith.constant 704 : index
        %swap3A_971 = tpu.vector_load %arg6[%swap3A_968, %swap3A_969, %swap3A_970] {strides = array<i32>} : memref<4x16x1024xf32, #tpu.memory_space<vmem>>, vector<1x1x16xf32>,
        %swap3A_972 = vector.shape_cast %swap3A_971 : vector<1x1x16xf32> to vector<16xf32>
        %swap3A_973 = vector.shape_cast %mul3A_966 : vector<16xf32> to vector<1x1x16xf32>
        tpu.vector_store %arg6[%swap3A_968, %swap3A_969, %swap3A_970], %swap3A_973 {strides = array<i32>} : memref<4x16x1024xf32, #tpu.memory_space<vmem>>, vector<1x1x16xf32>,
        %get3A_974 = arith.constant 3 : i32
        %get3A_975 = arith.index_cast %get3A_974 : i32 to index
        %get3A_976 = arith.index_cast %add3A_255 : i32 to index
        %get3A_977 = arith.constant 720 : index
        %get3A_978 = tpu.vector_load %arg6[%get3A_975, %get3A_976, %get3A_977] {strides = array<i32>} : memref<4x16x1024xf32, #tpu.memory_space<vmem>>, vector<1x1x16xf32>,
        %get3A_979 = vector.shape_cast %get3A_978 : vector<1x1x16xf32> to vector<16xf32>
        %mul3A_980 = arith.constant 3.200000e+01 : f32
        %mul3A_981 = vector.broadcast %mul3A_980 : f32 to vector<16xf32>
        %mul3A_982 = arith.mulf %get3A_979, %mul3A_981 : vector<16xf32>
        %swap3A_983 = arith.constant 3 : i32
        %swap3A_984 = arith.index_cast %swap3A_983 : i32 to index
        %swap3A_985 = arith.index_cast %add3A_255 : i32 to index
        %swap3A_986 = arith.constant 720 : index
        %swap3A_987 = tpu.vector_load %arg6[%swap3A_984, %swap3A_985, %swap3A_986] {strides = array<i32>} : memref<4x16x1024xf32, #tpu.memory_space<vmem>>, vector<1x1x16xf32>,
        %swap3A_988 = vector.shape_cast %swap3A_987 : vector<1x1x16xf32> to vector<16xf32>
        %swap3A_989 = vector.shape_cast %mul3A_982 : vector<16xf32> to vector<1x1x16xf32>
        tpu.vector_store %arg6[%swap3A_984, %swap3A_985, %swap3A_986], %swap3A_989 {strides = array<i32>} : memref<4x16x1024xf32, #tpu.memory_space<vmem>>, vector<1x1x16xf32>,
        %get3A_990 = arith.constant 3 : i32
        %get3A_991 = arith.index_cast %get3A_990 : i32 to index
        %get3A_992 = arith.index_cast %add3A_255 : i32 to index
        %get3A_993 = arith.constant 736 : index
        %get3A_994 = tpu.vector_load %arg6[%get3A_991, %get3A_992, %get3A_993] {strides = array<i32>} : memref<4x16x1024xf32, #tpu.memory_space<vmem>>, vector<1x1x16xf32>,
        %get3A_995 = vector.shape_cast %get3A_994 : vector<1x1x16xf32> to vector<16xf32>
        %mul3A_996 = arith.constant 3.200000e+01 : f32
        %mul3A_997 = vector.broadcast %mul3A_996 : f32 to vector<16xf32>
        %mul3A_998 = arith.mulf %get3A_995, %mul3A_997 : vector<16xf32>
        %swap3A_999 = arith.constant 3 : i32
        %swap3A_1000 = arith.index_cast %swap3A_999 : i32 to index
        %swap3A_1001 = arith.index_cast %add3A_255 : i32 to index
        %swap3A_1002 = arith.constant 736 : index
        %swap3A_1003 = tpu.vector_load %arg6[%swap3A_1000, %swap3A_1001, %swap3A_1002] {strides = array<i32>} : memref<4x16x1024xf32, #tpu.memory_space<vmem>>, vector<1x1x16xf32>,
        %swap3A_1004 = vector.shape_cast %swap3A_1003 : vector<1x1x16xf32> to vector<16xf32>
        %swap3A_1005 = vector.shape_cast %mul3A_998 : vector<16xf32> to vector<1x1x16xf32>
        tpu.vector_store %arg6[%swap3A_1000, %swap3A_1001, %swap3A_1002], %swap3A_1005 {strides = array<i32>} : memref<4x16x1024xf32, #tpu.memory_space<vmem>>, vector<1x1x16xf32>,
        %get3A_1006 = arith.constant 3 : i32
        %get3A_1007 = arith.index_cast %get3A_1006 : i32 to index
        %get3A_1008 = arith.index_cast %add3A_255 : i32 to index
        %get3A_1009 = arith.constant 752 : index
        %get3A_1010 = tpu.vector_load %arg6[%get3A_1007, %get3A_1008, %get3A_1009] {strides = array<i32>} : memref<4x16x1024xf32, #tpu.memory_space<vmem>>, vector<1x1x16xf32>,
        %get3A_1011 = vector.shape_cast %get3A_1010 : vector<1x1x16xf32> to vector<16xf32>
        %mul3A_1012 = arith.constant 3.200000e+01 : f32
        %mul3A_1013 = vector.broadcast %mul3A_1012 : f32 to vector<16xf32>
        %mul3A_1014 = arith.mulf %get3A_1011, %mul3A_1013 : vector<16xf32>
        %swap3A_1015 = arith.constant 3 : i32
        %swap3A_1016 = arith.index_cast %swap3A_1015 : i32 to index
        %swap3A_1017 = arith.index_cast %add3A_255 : i32 to index
        %swap3A_1018 = arith.constant 752 : index
        %swap3A_1019 = tpu.vector_load %arg6[%swap3A_1016, %swap3A_1017, %swap3A_1018] {strides = array<i32>} : memref<4x16x1024xf32, #tpu.memory_space<vmem>>, vector<1x1x16xf32>,
        %swap3A_1020 = vector.shape_cast %swap3A_1019 : vector<1x1x16xf32> to vector<16xf32>
        %swap3A_1021 = vector.shape_cast %mul3A_1014 : vector<16xf32> to vector<1x1x16xf32>
        tpu.vector_store %arg6[%swap3A_1016, %swap3A_1017, %swap3A_1018], %swap3A_1021 {strides = array<i32>} : memref<4x16x1024xf32, #tpu.memory_space<vmem>>, vector<1x1x16xf32>,
        %get3A_1022 = arith.constant 3 : i32
        %get3A_1023 = arith.index_cast %get3A_1022 : i32 to index
        %get3A_1024 = arith.index_cast %add3A_255 : i32 to index
        %get3A_1025 = arith.constant 768 : index
        %get3A_1026 = tpu.vector_load %arg6[%get3A_1023, %get3A_1024, %get3A_1025] {strides = array<i32>} : memref<4x16x1024xf32, #tpu.memory_space<vmem>>, vector<1x1x16xf32>,
        %get3A_1027 = vector.shape_cast %get3A_1026 : vector<1x1x16xf32> to vector<16xf32>
        %mul3A_1028 = arith.constant 3.200000e+01 : f32
        %mul3A_1029 = vector.broadcast %mul3A_1028 : f32 to vector<16xf32>
        %mul3A_1030 = arith.mulf %get3A_1027, %mul3A_1029 : vector<16xf32>
        %swap3A_1031 = arith.constant 3 : i32
        %swap3A_1032 = arith.index_cast %swap3A_1031 : i32 to index
        %swap3A_1033 = arith.index_cast %add3A_255 : i32 to index
        %swap3A_1034 = arith.constant 768 : index
        %swap3A_1035 = tpu.vector_load %arg6[%swap3A_1032, %swap3A_1033, %swap3A_1034] {strides = array<i32>} : memref<4x16x1024xf32, #tpu.memory_space<vmem>>, vector<1x1x16xf32>,
        %swap3A_1036 = vector.shape_cast %swap3A_1035 : vector<1x1x16xf32> to vector<16xf32>
        %swap3A_1037 = vector.shape_cast %mul3A_1030 : vector<16xf32> to vector<1x1x16xf32>
        tpu.vector_store %arg6[%swap3A_1032, %swap3A_1033, %swap3A_1034], %swap3A_1037 {strides = array<i32>} : memref<4x16x1024xf32, #tpu.memory_space<vmem>>, vector<1x1x16xf32>,
        %get3A_1038 = arith.constant 3 : i32
        %get3A_1039 = arith.index_cast %get3A_1038 : i32 to index
        %get3A_1040 = arith.index_cast %add3A_255 : i32 to index
        %get3A_1041 = arith.constant 784 : index
        %get3A_1042 = tpu.vector_load %arg6[%get3A_1039, %get3A_1040, %get3A_1041] {strides = array<i32>} : memref<4x16x1024xf32, #tpu.memory_space<vmem>>, vector<1x1x16xf32>,
        %get3A_1043 = vector.shape_cast %get3A_1042 : vector<1x1x16xf32> to vector<16xf32>
        %mul3A_1044 = arith.constant 3.200000e+01 : f32
        %mul3A_1045 = vector.broadcast %mul3A_1044 : f32 to vector<16xf32>
        %mul3A_1046 = arith.mulf %get3A_1043, %mul3A_1045 : vector<16xf32>
        %swap3A_1047 = arith.constant 3 : i32
        %swap3A_1048 = arith.index_cast %swap3A_1047 : i32 to index
        %swap3A_1049 = arith.index_cast %add3A_255 : i32 to index
        %swap3A_1050 = arith.constant 784 : index
        %swap3A_1051 = tpu.vector_load %arg6[%swap3A_1048, %swap3A_1049, %swap3A_1050] {strides = array<i32>} : memref<4x16x1024xf32, #tpu.memory_space<vmem>>, vector<1x1x16xf32>,
        %swap3A_1052 = vector.shape_cast %swap3A_1051 : vector<1x1x16xf32> to vector<16xf32>
        %swap3A_1053 = vector.shape_cast %mul3A_1046 : vector<16xf32> to vector<1x1x16xf32>
        tpu.vector_store %arg6[%swap3A_1048, %swap3A_1049, %swap3A_1050], %swap3A_1053 {strides = array<i32>} : memref<4x16x1024xf32, #tpu.memory_space<vmem>>, vector<1x1x16xf32>,
        %get3A_1054 = arith.constant 3 : i32
        %get3A_1055 = arith.index_cast %get3A_1054 : i32 to index
        %get3A_1056 = arith.index_cast %add3A_255 : i32 to index
        %get3A_1057 = arith.constant 800 : index
        %get3A_1058 = tpu.vector_load %arg6[%get3A_1055, %get3A_1056, %get3A_1057] {strides = array<i32>} : memref<4x16x1024xf32, #tpu.memory_space<vmem>>, vector<1x1x16xf32>,
        %get3A_1059 = vector.shape_cast %get3A_1058 : vector<1x1x16xf32> to vector<16xf32>
        %mul3A_1060 = arith.constant 3.200000e+01 : f32
        %mul3A_1061 = vector.broadcast %mul3A_1060 : f32 to vector<16xf32>
        %mul3A_1062 = arith.mulf %get3A_1059, %mul3A_1061 : vector<16xf32>
        %swap3A_1063 = arith.constant 3 : i32
        %swap3A_1064 = arith.index_cast %swap3A_1063 : i32 to index
        %swap3A_1065 = arith.index_cast %add3A_255 : i32 to index
        %swap3A_1066 = arith.constant 800 : index
        %swap3A_1067 = tpu.vector_load %arg6[%swap3A_1064, %swap3A_1065, %swap3A_1066] {strides = array<i32>} : memref<4x16x1024xf32, #tpu.memory_space<vmem>>, vector<1x1x16xf32>,
        %swap3A_1068 = vector.shape_cast %swap3A_1067 : vector<1x1x16xf32> to vector<16xf32>
        %swap3A_1069 = vector.shape_cast %mul3A_1062 : vector<16xf32> to vector<1x1x16xf32>
        tpu.vector_store %arg6[%swap3A_1064, %swap3A_1065, %swap3A_1066], %swap3A_1069 {strides = array<i32>} : memref<4x16x1024xf32, #tpu.memory_space<vmem>>, vector<1x1x16xf32>,
        %get3A_1070 = arith.constant 3 : i32
        %get3A_1071 = arith.index_cast %get3A_1070 : i32 to index
        %get3A_1072 = arith.index_cast %add3A_255 : i32 to index
        %get3A_1073 = arith.constant 816 : index
        %get3A_1074 = tpu.vector_load %arg6[%get3A_1071, %get3A_1072, %get3A_1073] {strides = array<i32>} : memref<4x16x1024xf32, #tpu.memory_space<vmem>>, vector<1x1x16xf32>,
        %get3A_1075 = vector.shape_cast %get3A_1074 : vector<1x1x16xf32> to vector<16xf32>
        %mul3A_1076 = arith.constant 3.200000e+01 : f32
        %mul3A_1077 = vector.broadcast %mul3A_1076 : f32 to vector<16xf32>
        %mul3A_1078 = arith.mulf %get3A_1075, %mul3A_1077 : vector<16xf32>
        %swap3A_1079 = arith.constant 3 : i32
        %swap3A_1080 = arith.index_cast %swap3A_1079 : i32 to index
        %swap3A_1081 = arith.index_cast %add3A_255 : i32 to index
        %swap3A_1082 = arith.constant 816 : index
        %swap3A_1083 = tpu.vector_load %arg6[%swap3A_1080, %swap3A_1081, %swap3A_1082] {strides = array<i32>} : memref<4x16x1024xf32, #tpu.memory_space<vmem>>, vector<1x1x16xf32>,
        %swap3A_1084 = vector.shape_cast %swap3A_1083 : vector<1x1x16xf32> to vector<16xf32>
        %swap3A_1085 = vector.shape_cast %mul3A_1078 : vector<16xf32> to vector<1x1x16xf32>
        tpu.vector_store %arg6[%swap3A_1080, %swap3A_1081, %swap3A_1082], %swap3A_1085 {strides = array<i32>} : memref<4x16x1024xf32, #tpu.memory_space<vmem>>, vector<1x1x16xf32>,
        %get3A_1086 = arith.constant 3 : i32
        %get3A_1087 = arith.index_cast %get3A_1086 : i32 to index
        %get3A_1088 = arith.index_cast %add3A_255 : i32 to index
        %get3A_1089 = arith.constant 832 : index
        %get3A_1090 = tpu.vector_load %arg6[%get3A_1087, %get3A_1088, %get3A_1089] {strides = array<i32>} : memref<4x16x1024xf32, #tpu.memory_space<vmem>>, vector<1x1x16xf32>,
        %get3A_1091 = vector.shape_cast %get3A_1090 : vector<1x1x16xf32> to vector<16xf32>
        %mul3A_1092 = arith.constant 3.200000e+01 : f32
        %mul3A_1093 = vector.broadcast %mul3A_1092 : f32 to vector<16xf32>
        %mul3A_1094 = arith.mulf %get3A_1091, %mul3A_1093 : vector<16xf32>
        %swap3A_1095 = arith.constant 3 : i32
        %swap3A_1096 = arith.index_cast %swap3A_1095 : i32 to index
        %swap3A_1097 = arith.index_cast %add3A_255 : i32 to index
        %swap3A_1098 = arith.constant 832 : index
        %swap3A_1099 = tpu.vector_load %arg6[%swap3A_1096, %swap3A_1097, %swap3A_1098] {strides = array<i32>} : memref<4x16x1024xf32, #tpu.memory_space<vmem>>, vector<1x1x16xf32>,
        %swap3A_1100 = vector.shape_cast %swap3A_1099 : vector<1x1x16xf32> to vector<16xf32>
        %swap3A_1101 = vector.shape_cast %mul3A_1094 : vector<16xf32> to vector<1x1x16xf32>
        tpu.vector_store %arg6[%swap3A_1096, %swap3A_1097, %swap3A_1098], %swap3A_1101 {strides = array<i32>} : memref<4x16x1024xf32, #tpu.memory_space<vmem>>, vector<1x1x16xf32>,
        %get3A_1102 = arith.constant 3 : i32
        %get3A_1103 = arith.index_cast %get3A_1102 : i32 to index
        %get3A_1104 = arith.index_cast %add3A_255 : i32 to index
        %get3A_1105 = arith.constant 848 : index
        %get3A_1106 = tpu.vector_load %arg6[%get3A_1103, %get3A_1104, %get3A_1105] {strides = array<i32>} : memref<4x16x1024xf32, #tpu.memory_space<vmem>>, vector<1x1x16xf32>,
        %get3A_1107 = vector.shape_cast %get3A_1106 : vector<1x1x16xf32> to vector<16xf32>
        %mul3A_1108 = arith.constant 3.200000e+01 : f32
        %mul3A_1109 = vector.broadcast %mul3A_1108 : f32 to vector<16xf32>
        %mul3A_1110 = arith.mulf %get3A_1107, %mul3A_1109 : vector<16xf32>
        %swap3A_1111 = arith.constant 3 : i32
        %swap3A_1112 = arith.index_cast %swap3A_1111 : i32 to index
        %swap3A_1113 = arith.index_cast %add3A_255 : i32 to index
        %swap3A_1114 = arith.constant 848 : index
        %swap3A_1115 = tpu.vector_load %arg6[%swap3A_1112, %swap3A_1113, %swap3A_1114] {strides = array<i32>} : memref<4x16x1024xf32, #tpu.memory_space<vmem>>, vector<1x1x16xf32>,
        %swap3A_1116 = vector.shape_cast %swap3A_1115 : vector<1x1x16xf32> to vector<16xf32>
        %swap3A_1117 = vector.shape_cast %mul3A_1110 : vector<16xf32> to vector<1x1x16xf32>
        tpu.vector_store %arg6[%swap3A_1112, %swap3A_1113, %swap3A_1114], %swap3A_1117 {strides = array<i32>} : memref<4x16x1024xf32, #tpu.memory_space<vmem>>, vector<1x1x16xf32>,
        %get3A_1118 = arith.constant 3 : i32
        %get3A_1119 = arith.index_cast %get3A_1118 : i32 to index
        %get3A_1120 = arith.index_cast %add3A_255 : i32 to index
        %get3A_1121 = arith.constant 864 : index
        %get3A_1122 = tpu.vector_load %arg6[%get3A_1119, %get3A_1120, %get3A_1121] {strides = array<i32>} : memref<4x16x1024xf32, #tpu.memory_space<vmem>>, vector<1x1x16xf32>,
        %get3A_1123 = vector.shape_cast %get3A_1122 : vector<1x1x16xf32> to vector<16xf32>
        %mul3A_1124 = arith.constant 3.200000e+01 : f32
        %mul3A_1125 = vector.broadcast %mul3A_1124 : f32 to vector<16xf32>
        %mul3A_1126 = arith.mulf %get3A_1123, %mul3A_1125 : vector<16xf32>
        %swap3A_1127 = arith.constant 3 : i32
        %swap3A_1128 = arith.index_cast %swap3A_1127 : i32 to index
        %swap3A_1129 = arith.index_cast %add3A_255 : i32 to index
        %swap3A_1130 = arith.constant 864 : index
        %swap3A_1131 = tpu.vector_load %arg6[%swap3A_1128, %swap3A_1129, %swap3A_1130] {strides = array<i32>} : memref<4x16x1024xf32, #tpu.memory_space<vmem>>, vector<1x1x16xf32>,
        %swap3A_1132 = vector.shape_cast %swap3A_1131 : vector<1x1x16xf32> to vector<16xf32>
        %swap3A_1133 = vector.shape_cast %mul3A_1126 : vector<16xf32> to vector<1x1x16xf32>
        tpu.vector_store %arg6[%swap3A_1128, %swap3A_1129, %swap3A_1130], %swap3A_1133 {strides = array<i32>} : memref<4x16x1024xf32, #tpu.memory_space<vmem>>, vector<1x1x16xf32>,
        %get3A_1134 = arith.constant 3 : i32
        %get3A_1135 = arith.index_cast %get3A_1134 : i32 to index
        %get3A_1136 = arith.index_cast %add3A_255 : i32 to index
        %get3A_1137 = arith.constant 880 : index
        %get3A_1138 = tpu.vector_load %arg6[%get3A_1135, %get3A_1136, %get3A_1137] {strides = array<i32>} : memref<4x16x1024xf32, #tpu.memory_space<vmem>>, vector<1x1x16xf32>,
        %get3A_1139 = vector.shape_cast %get3A_1138 : vector<1x1x16xf32> to vector<16xf32>
        %mul3A_1140 = arith.constant 3.200000e+01 : f32
        %mul3A_1141 = vector.broadcast %mul3A_1140 : f32 to vector<16xf32>
        %mul3A_1142 = arith.mulf %get3A_1139, %mul3A_1141 : vector<16xf32>
        %swap3A_1143 = arith.constant 3 : i32
        %swap3A_1144 = arith.index_cast %swap3A_1143 : i32 to index
        %swap3A_1145 = arith.index_cast %add3A_255 : i32 to index
        %swap3A_1146 = arith.constant 880 : index
        %swap3A_1147 = tpu.vector_load %arg6[%swap3A_1144, %swap3A_1145, %swap3A_1146] {strides = array<i32>} : memref<4x16x1024xf32, #tpu.memory_space<vmem>>, vector<1x1x16xf32>,
        %swap3A_1148 = vector.shape_cast %swap3A_1147 : vector<1x1x16xf32> to vector<16xf32>
        %swap3A_1149 = vector.shape_cast %mul3A_1142 : vector<16xf32> to vector<1x1x16xf32>
        tpu.vector_store %arg6[%swap3A_1144, %swap3A_1145, %swap3A_1146], %swap3A_1149 {strides = array<i32>} : memref<4x16x1024xf32, #tpu.memory_space<vmem>>, vector<1x1x16xf32>,
        %get3A_1150 = arith.constant 3 : i32
        %get3A_1151 = arith.index_cast %get3A_1150 : i32 to index
        %get3A_1152 = arith.index_cast %add3A_255 : i32 to index
        %get3A_1153 = arith.constant 896 : index
        %get3A_1154 = tpu.vector_load %arg6[%get3A_1151, %get3A_1152, %get3A_1153] {strides = array<i32>} : memref<4x16x1024xf32, #tpu.memory_space<vmem>>, vector<1x1x16xf32>,
        %get3A_1155 = vector.shape_cast %get3A_1154 : vector<1x1x16xf32> to vector<16xf32>
        %mul3A_1156 = arith.constant 3.200000e+01 : f32
        %mul3A_1157 = vector.broadcast %mul3A_1156 : f32 to vector<16xf32>
        %mul3A_1158 = arith.mulf %get3A_1155, %mul3A_1157 : vector<16xf32>
        %swap3A_1159 = arith.constant 3 : i32
        %swap3A_1160 = arith.index_cast %swap3A_1159 : i32 to index
        %swap3A_1161 = arith.index_cast %add3A_255 : i32 to index
        %swap3A_1162 = arith.constant 896 : index
        %swap3A_1163 = tpu.vector_load %arg6[%swap3A_1160, %swap3A_1161, %swap3A_1162] {strides = array<i32>} : memref<4x16x1024xf32, #tpu.memory_space<vmem>>, vector<1x1x16xf32>,
        %swap3A_1164 = vector.shape_cast %swap3A_1163 : vector<1x1x16xf32> to vector<16xf32>
        %swap3A_1165 = vector.shape_cast %mul3A_1158 : vector<16xf32> to vector<1x1x16xf32>
        tpu.vector_store %arg6[%swap3A_1160, %swap3A_1161, %swap3A_1162], %swap3A_1165 {strides = array<i32>} : memref<4x16x1024xf32, #tpu.memory_space<vmem>>, vector<1x1x16xf32>,
        %get3A_1166 = arith.constant 3 : i32
        %get3A_1167 = arith.index_cast %get3A_1166 : i32 to index
        %get3A_1168 = arith.index_cast %add3A_255 : i32 to index
        %get3A_1169 = arith.constant 912 : index
        %get3A_1170 = tpu.vector_load %arg6[%get3A_1167, %get3A_1168, %get3A_1169] {strides = array<i32>} : memref<4x16x1024xf32, #tpu.memory_space<vmem>>, vector<1x1x16xf32>,
        %get3A_1171 = vector.shape_cast %get3A_1170 : vector<1x1x16xf32> to vector<16xf32>
        %mul3A_1172 = arith.constant 3.200000e+01 : f32
        %mul3A_1173 = vector.broadcast %mul3A_1172 : f32 to vector<16xf32>
        %mul3A_1174 = arith.mulf %get3A_1171, %mul3A_1173 : vector<16xf32>
        %swap3A_1175 = arith.constant 3 : i32
        %swap3A_1176 = arith.index_cast %swap3A_1175 : i32 to index
        %swap3A_1177 = arith.index_cast %add3A_255 : i32 to index
        %swap3A_1178 = arith.constant 912 : index
        %swap3A_1179 = tpu.vector_load %arg6[%swap3A_1176, %swap3A_1177, %swap3A_1178] {strides = array<i32>} : memref<4x16x1024xf32, #tpu.memory_space<vmem>>, vector<1x1x16xf32>,
        %swap3A_1180 = vector.shape_cast %swap3A_1179 : vector<1x1x16xf32> to vector<16xf32>
        %swap3A_1181 = vector.shape_cast %mul3A_1174 : vector<16xf32> to vector<1x1x16xf32>
        tpu.vector_store %arg6[%swap3A_1176, %swap3A_1177, %swap3A_1178], %swap3A_1181 {strides = array<i32>} : memref<4x16x1024xf32, #tpu.memory_space<vmem>>, vector<1x1x16xf32>,
        %get3A_1182 = arith.constant 3 : i32
        %get3A_1183 = arith.index_cast %get3A_1182 : i32 to index
        %get3A_1184 = arith.index_cast %add3A_255 : i32 to index
        %get3A_1185 = arith.constant 928 : index
        %get3A_1186 = tpu.vector_load %arg6[%get3A_1183, %get3A_1184, %get3A_1185] {strides = array<i32>} : memref<4x16x1024xf32, #tpu.memory_space<vmem>>, vector<1x1x16xf32>,
        %get3A_1187 = vector.shape_cast %get3A_1186 : vector<1x1x16xf32> to vector<16xf32>
        %mul3A_1188 = arith.constant 3.200000e+01 : f32
        %mul3A_1189 = vector.broadcast %mul3A_1188 : f32 to vector<16xf32>
        %mul3A_1190 = arith.mulf %get3A_1187, %mul3A_1189 : vector<16xf32>
        %swap3A_1191 = arith.constant 3 : i32
        %swap3A_1192 = arith.index_cast %swap3A_1191 : i32 to index
        %swap3A_1193 = arith.index_cast %add3A_255 : i32 to index
        %swap3A_1194 = arith.constant 928 : index
        %swap3A_1195 = tpu.vector_load %arg6[%swap3A_1192, %swap3A_1193, %swap3A_1194] {strides = array<i32>} : memref<4x16x1024xf32, #tpu.memory_space<vmem>>, vector<1x1x16xf32>,
        %swap3A_1196 = vector.shape_cast %swap3A_1195 : vector<1x1x16xf32> to vector<16xf32>
        %swap3A_1197 = vector.shape_cast %mul3A_1190 : vector<16xf32> to vector<1x1x16xf32>
        tpu.vector_store %arg6[%swap3A_1192, %swap3A_1193, %swap3A_1194], %swap3A_1197 {strides = array<i32>} : memref<4x16x1024xf32, #tpu.memory_space<vmem>>, vector<1x1x16xf32>,
        %get3A_1198 = arith.constant 3 : i32
        %get3A_1199 = arith.index_cast %get3A_1198 : i32 to index
        %get3A_1200 = arith.index_cast %add3A_255 : i32 to index
        %get3A_1201 = arith.constant 944 : index
        %get3A_1202 = tpu.vector_load %arg6[%get3A_1199, %get3A_1200, %get3A_1201] {strides = array<i32>} : memref<4x16x1024xf32, #tpu.memory_space<vmem>>, vector<1x1x16xf32>,
        %get3A_1203 = vector.shape_cast %get3A_1202 : vector<1x1x16xf32> to vector<16xf32>
        %mul3A_1204 = arith.constant 3.200000e+01 : f32
        %mul3A_1205 = vector.broadcast %mul3A_1204 : f32 to vector<16xf32>
        %mul3A_1206 = arith.mulf %get3A_1203, %mul3A_1205 : vector<16xf32>
        %swap3A_1207 = arith.constant 3 : i32
        %swap3A_1208 = arith.index_cast %swap3A_1207 : i32 to index
        %swap3A_1209 = arith.index_cast %add3A_255 : i32 to index
        %swap3A_1210 = arith.constant 944 : index
        %swap3A_1211 = tpu.vector_load %arg6[%swap3A_1208, %swap3A_1209, %swap3A_1210] {strides = array<i32>} : memref<4x16x1024xf32, #tpu.memory_space<vmem>>, vector<1x1x16xf32>,
        %swap3A_1212 = vector.shape_cast %swap3A_1211 : vector<1x1x16xf32> to vector<16xf32>
        %swap3A_1213 = vector.shape_cast %mul3A_1206 : vector<16xf32> to vector<1x1x16xf32>
        tpu.vector_store %arg6[%swap3A_1208, %swap3A_1209, %swap3A_1210], %swap3A_1213 {strides = array<i32>} : memref<4x16x1024xf32, #tpu.memory_space<vmem>>, vector<1x1x16xf32>,
        %get3A_1214 = arith.constant 3 : i32
        %get3A_1215 = arith.index_cast %get3A_1214 : i32 to index
        %get3A_1216 = arith.index_cast %add3A_255 : i32 to index
        %get3A_1217 = arith.constant 960 : index
        %get3A_1218 = tpu.vector_load %arg6[%get3A_1215, %get3A_1216, %get3A_1217] {strides = array<i32>} : memref<4x16x1024xf32, #tpu.memory_space<vmem>>, vector<1x1x16xf32>,
        %get3A_1219 = vector.shape_cast %get3A_1218 : vector<1x1x16xf32> to vector<16xf32>
        %mul3A_1220 = arith.constant 3.200000e+01 : f32
        %mul3A_1221 = vector.broadcast %mul3A_1220 : f32 to vector<16xf32>
        %mul3A_1222 = arith.mulf %get3A_1219, %mul3A_1221 : vector<16xf32>
        %swap3A_1223 = arith.constant 3 : i32
        %swap3A_1224 = arith.index_cast %swap3A_1223 : i32 to index
        %swap3A_1225 = arith.index_cast %add3A_255 : i32 to index
        %swap3A_1226 = arith.constant 960 : index
        %swap3A_1227 = tpu.vector_load %arg6[%swap3A_1224, %swap3A_1225, %swap3A_1226] {strides = array<i32>} : memref<4x16x1024xf32, #tpu.memory_space<vmem>>, vector<1x1x16xf32>,
        %swap3A_1228 = vector.shape_cast %swap3A_1227 : vector<1x1x16xf32> to vector<16xf32>
        %swap3A_1229 = vector.shape_cast %mul3A_1222 : vector<16xf32> to vector<1x1x16xf32>
        tpu.vector_store %arg6[%swap3A_1224, %swap3A_1225, %swap3A_1226], %swap3A_1229 {strides = array<i32>} : memref<4x16x1024xf32, #tpu.memory_space<vmem>>, vector<1x1x16xf32>,
        %get3A_1230 = arith.constant 3 : i32
        %get3A_1231 = arith.index_cast %get3A_1230 : i32 to index
        %get3A_1232 = arith.index_cast %add3A_255 : i32 to index
        %get3A_1233 = arith.constant 976 : index
        %get3A_1234 = tpu.vector_load %arg6[%get3A_1231, %get3A_1232, %get3A_1233] {strides = array<i32>} : memref<4x16x1024xf32, #tpu.memory_space<vmem>>, vector<1x1x16xf32>,
        %get3A_1235 = vector.shape_cast %get3A_1234 : vector<1x1x16xf32> to vector<16xf32>
        %mul3A_1236 = arith.constant 3.200000e+01 : f32
        %mul3A_1237 = vector.broadcast %mul3A_1236 : f32 to vector<16xf32>
        %mul3A_1238 = arith.mulf %get3A_1235, %mul3A_1237 : vector<16xf32>
        %swap3A_1239 = arith.constant 3 : i32
        %swap3A_1240 = arith.index_cast %swap3A_1239 : i32 to index
        %swap3A_1241 = arith.index_cast %add3A_255 : i32 to index
        %swap3A_1242 = arith.constant 976 : index
        %swap3A_1243 = tpu.vector_load %arg6[%swap3A_1240, %swap3A_1241, %swap3A_1242] {strides = array<i32>} : memref<4x16x1024xf32, #tpu.memory_space<vmem>>, vector<1x1x16xf32>,
        %swap3A_1244 = vector.shape_cast %swap3A_1243 : vector<1x1x16xf32> to vector<16xf32>
        %swap3A_1245 = vector.shape_cast %mul3A_1238 : vector<16xf32> to vector<1x1x16xf32>
        tpu.vector_store %arg6[%swap3A_1240, %swap3A_1241, %swap3A_1242], %swap3A_1245 {strides = array<i32>} : memref<4x16x1024xf32, #tpu.memory_space<vmem>>, vector<1x1x16xf32>,
        %get3A_1246 = arith.constant 3 : i32
        %get3A_1247 = arith.index_cast %get3A_1246 : i32 to index
        %get3A_1248 = arith.index_cast %add3A_255 : i32 to index
        %get3A_1249 = arith.constant 992 : index
        %get3A_1250 = tpu.vector_load %arg6[%get3A_1247, %get3A_1248, %get3A_1249] {strides = array<i32>} : memref<4x16x1024xf32, #tpu.memory_space<vmem>>, vector<1x1x16xf32>,
        %get3A_1251 = vector.shape_cast %get3A_1250 : vector<1x1x16xf32> to vector<16xf32>
        %mul3A_1252 = arith.constant 3.200000e+01 : f32
        %mul3A_1253 = vector.broadcast %mul3A_1252 : f32 to vector<16xf32>
        %mul3A_1254 = arith.mulf %get3A_1251, %mul3A_1253 : vector<16xf32>
        %swap3A_1255 = arith.constant 3 : i32
        %swap3A_1256 = arith.index_cast %swap3A_1255 : i32 to index
        %swap3A_1257 = arith.index_cast %add3A_255 : i32 to index
        %swap3A_1258 = arith.constant 992 : index
        %swap3A_1259 = tpu.vector_load %arg6[%swap3A_1256, %swap3A_1257, %swap3A_1258] {strides = array<i32>} : memref<4x16x1024xf32, #tpu.memory_space<vmem>>, vector<1x1x16xf32>,
        %swap3A_1260 = vector.shape_cast %swap3A_1259 : vector<1x1x16xf32> to vector<16xf32>
        %swap3A_1261 = vector.shape_cast %mul3A_1254 : vector<16xf32> to vector<1x1x16xf32>
        tpu.vector_store %arg6[%swap3A_1256, %swap3A_1257, %swap3A_1258], %swap3A_1261 {strides = array<i32>} : memref<4x16x1024xf32, #tpu.memory_space<vmem>>, vector<1x1x16xf32>,
        %get3A_1262 = arith.constant 3 : i32
        %get3A_1263 = arith.index_cast %get3A_1262 : i32 to index
        %get3A_1264 = arith.index_cast %add3A_255 : i32 to index
        %get3A_1265 = arith.constant 1008 : index
        %get3A_1266 = tpu.vector_load %arg6[%get3A_1263, %get3A_1264, %get3A_1265] {strides = array<i32>} : memref<4x16x1024xf32, #tpu.memory_space<vmem>>, vector<1x1x16xf32>,
        %get3A_1267 = vector.shape_cast %get3A_1266 : vector<1x1x16xf32> to vector<16xf32>
        %mul3A_1268 = arith.constant 3.200000e+01 : f32
        %mul3A_1269 = vector.broadcast %mul3A_1268 : f32 to vector<16xf32>
        %mul3A_1270 = arith.mulf %get3A_1267, %mul3A_1269 : vector<16xf32>
        %swap3A_1271 = arith.constant 3 : i32
        %swap3A_1272 = arith.index_cast %swap3A_1271 : i32 to index
        %swap3A_1273 = arith.index_cast %add3A_255 : i32 to index
        %swap3A_1274 = arith.constant 1008 : index
        %swap3A_1275 = tpu.vector_load %arg6[%swap3A_1272, %swap3A_1273, %swap3A_1274] {strides = array<i32>} : memref<4x16x1024xf32, #tpu.memory_space<vmem>>, vector<1x1x16xf32>,
        %swap3A_1276 = vector.shape_cast %swap3A_1275 : vector<1x1x16xf32> to vector<16xf32>
        %swap3A_1277 = vector.shape_cast %mul3A_1270 : vector<16xf32> to vector<1x1x16xf32>
        tpu.vector_store %arg6[%swap3A_1272, %swap3A_1273, %swap3A_1274], %swap3A_1277 {strides = array<i32>} : memref<4x16x1024xf32, #tpu.memory_space<vmem>>, vector<1x1x16xf32>,
      }
      %scan3A_234 = arith.constant 16 : i32
      %mul3A_235 = arith.constant 16 : i32
      %mul3A_236 = arith.muli %add3A_211, %mul3A_235 : i32
      %add3A_237 = arith.addi %mul3A_2, %mul3A_236 : i32
      %dma_start3A_238 = arith.constant 3 : i32
      %dma_start3A_239 = arith.constant 0 : i32
      %dma_start3A_240 = arith.constant 0 : i32
      %dma_start3A_241 = tpu.memref_slice %arg6[%dma_start3A_238, %dma_start3A_239, %dma_start3A_240] : memref<4x16x1024xf32, #tpu.memory_space<vmem>> -> memref<1x16x1024xf32, #tpu.memory_space<vmem>>
      %dma_start3A_242 = tpu.memref_squeeze %dma_start3A_241 : memref<1x16x1024xf32, #tpu.memory_space<vmem>> -> memref<16x1024xf32, #tpu.memory_space<vmem>>
      %dma_start3A_243 = arith.constant 0 : i32
      %dma_start3A_244 = tpu.memref_slice %arg4[%add3A_237, %dma_start3A_243] : memref<32768x1024xf32, #tpu.memory_space<hbm>> -> memref<16x1024xf32, #tpu.memory_space<hbm>>
      %dma_start3A_245 = arith.constant 0 : i32
      %dma_start3A_246 = tpu.memref_slice %arg4[%add3A_237, %dma_start3A_245] : memref<32768x1024xf32, #tpu.memory_space<hbm>> -> memref<16x1024xf32, #tpu.memory_space<hbm>>
      %dma_start3A_247 = arith.constant 0 : i32
      %dma_start3A_248 = arith.constant 0 : i32
      %dma_start3A_249 = tpu.memref_slice %arg6[%dma_start3A_238, %dma_start3A_247, %dma_start3A_248] : memref<4x16x1024xf32, #tpu.memory_space<vmem>> -> memref<1x16x1024xf32, #tpu.memory_space<vmem>>
      %dma_start3A_250 = tpu.memref_squeeze %dma_start3A_249 : memref<1x16x1024xf32, #tpu.memory_space<vmem>> -> memref<16x1024xf32, #tpu.memory_space<vmem>>
      tpu.enqueue_dma source(%dma_start3A_250 : memref<16x1024xf32, #tpu.memory_space<vmem>>) target(%dma_start3A_246 : memref<16x1024xf32, #tpu.memory_space<hbm>>) target_semaphore(%arg14 : memref<!tpu.dma_semaphore, #tpu.memory_space<semaphore_mem>>)
    }
    %scan3A_25 = arith.constant 16 : i32
    %add3A_26 = arith.constant 960 : i32
    %add3A_27 = arith.addi %mul3A_2, %add3A_26 : i32
    %dma_wait3A = arith.constant 0 : i32
    %dma_wait3A_28 = arith.constant 0 : i32
    %dma_wait3A_29 = arith.constant 0 : i32
    %dma_wait3A_30 = tpu.memref_slice %arg6[%dma_wait3A, %dma_wait3A_28, %dma_wait3A_29] : memref<4x16x1024xf32, #tpu.memory_space<vmem>> -> memref<1x16x1024xf32, #tpu.memory_space<vmem>>
    %dma_wait3A_31 = tpu.memref_squeeze %dma_wait3A_30 : memref<1x16x1024xf32, #tpu.memory_space<vmem>> -> memref<16x1024xf32, #tpu.memory_space<vmem>>
    %dma_wait3A_32 = arith.constant 0 : i32
    %dma_wait3A_33 = tpu.memref_slice %arg4[%add3A_27, %dma_wait3A_32] : memref<32768x1024xf32, #tpu.memory_space<hbm>> -> memref<16x1024xf32, #tpu.memory_space<hbm>>
    %dma_wait3A_34 = arith.constant 0 : i32
    %dma_wait3A_35 = tpu.memref_slice %arg4[%add3A_27, %dma_wait3A_34] : memref<32768x1024xf32, #tpu.memory_space<hbm>> -> memref<16x1024xf32, #tpu.memory_space<hbm>>
    %dma_wait3A_36 = arith.constant 0 : i32
    %dma_wait3A_37 = arith.constant 0 : i32
    %dma_wait3A_38 = tpu.memref_slice %arg6[%dma_wait3A, %dma_wait3A_36, %dma_wait3A_37] : memref<4x16x1024xf32, #tpu.memory_space<vmem>> -> memref<1x16x1024xf32, #tpu.memory_space<vmem>>
    %dma_wait3A_39 = tpu.memref_squeeze %dma_wait3A_38 : memref<1x16x1024xf32, #tpu.memory_space<vmem>> -> memref<16x1024xf32, #tpu.memory_space<vmem>>
    tpu.wait_dma2 semaphore(%arg11 : memref<!tpu.dma_semaphore, #tpu.memory_space<semaphore_mem>>) src(%dma_wait3A_39 : memref<16x1024xf32, #tpu.memory_space<vmem>>) dst(%dma_wait3A_35 : memref<16x1024xf32, #tpu.memory_space<hbm>>)
    %add3A_40 = arith.constant 976 : i32
    %add3A_41 = arith.addi %mul3A_2, %add3A_40 : i32
    %dma_wait3A_42 = arith.constant 1 : i32
    %dma_wait3A_43 = arith.constant 0 : i32
    %dma_wait3A_44 = arith.constant 0 : i32
    %dma_wait3A_45 = tpu.memref_slice %arg6[%dma_wait3A_42, %dma_wait3A_43, %dma_wait3A_44] : memref<4x16x1024xf32, #tpu.memory_space<vmem>> -> memref<1x16x1024xf32, #tpu.memory_space<vmem>>
    %dma_wait3A_46 = tpu.memref_squeeze %dma_wait3A_45 : memref<1x16x1024xf32, #tpu.memory_space<vmem>> -> memref<16x1024xf32, #tpu.memory_space<vmem>>
    %dma_wait3A_47 = arith.constant 0 : i32
    %dma_wait3A_48 = tpu.memref_slice %arg4[%add3A_41, %dma_wait3A_47] : memref<32768x1024xf32, #tpu.memory_space<hbm>> -> memref<16x1024xf32, #tpu.memory_space<hbm>>
    %dma_wait3A_49 = arith.constant 0 : i32
    %dma_wait3A_50 = tpu.memref_slice %arg4[%add3A_41, %dma_wait3A_49] : memref<32768x1024xf32, #tpu.memory_space<hbm>> -> memref<16x1024xf32, #tpu.memory_space<hbm>>
    %dma_wait3A_51 = arith.constant 0 : i32
    %dma_wait3A_52 = arith.constant 0 : i32
    %dma_wait3A_53 = tpu.memref_slice %arg6[%dma_wait3A_42, %dma_wait3A_51, %dma_wait3A_52] : memref<4x16x1024xf32, #tpu.memory_space<vmem>> -> memref<1x16x1024xf32, #tpu.memory_space<vmem>>
    %dma_wait3A_54 = tpu.memref_squeeze %dma_wait3A_53 : memref<1x16x1024xf32, #tpu.memory_space<vmem>> -> memref<16x1024xf32, #tpu.memory_space<vmem>>
    tpu.wait_dma2 semaphore(%arg12 : memref<!tpu.dma_semaphore, #tpu.memory_space<semaphore_mem>>) src(%dma_wait3A_54 : memref<16x1024xf32, #tpu.memory_space<vmem>>) dst(%dma_wait3A_50 : memref<16x1024xf32, #tpu.memory_space<hbm>>)
    %add3A_55 = arith.constant 992 : i32
    %add3A_56 = arith.addi %mul3A_2, %add3A_55 : i32
    %dma_wait3A_57 = arith.constant 2 : i32
    %dma_wait3A_58 = arith.constant 0 : i32
    %dma_wait3A_59 = arith.constant 0 : i32
    %dma_wait3A_60 = tpu.memref_slice %arg6[%dma_wait3A_57, %dma_wait3A_58, %dma_wait3A_59] : memref<4x16x1024xf32, #tpu.memory_space<vmem>> -> memref<1x16x1024xf32, #tpu.memory_space<vmem>>
    %dma_wait3A_61 = tpu.memref_squeeze %dma_wait3A_60 : memref<1x16x1024xf32, #tpu.memory_space<vmem>> -> memref<16x1024xf32, #tpu.memory_space<vmem>>
    %dma_wait3A_62 = arith.constant 0 : i32
    %dma_wait3A_63 = tpu.memref_slice %arg4[%add3A_56, %dma_wait3A_62] : memref<32768x1024xf32, #tpu.memory_space<hbm>> -> memref<16x1024xf32, #tpu.memory_space<hbm>>
    %dma_wait3A_64 = arith.constant 0 : i32
    %dma_wait3A_65 = tpu.memref_slice %arg4[%add3A_56, %dma_wait3A_64] : memref<32768x1024xf32, #tpu.memory_space<hbm>> -> memref<16x1024xf32, #tpu.memory_space<hbm>>
    %dma_wait3A_66 = arith.constant 0 : i32
    %dma_wait3A_67 = arith.constant 0 : i32
    %dma_wait3A_68 = tpu.memref_slice %arg6[%dma_wait3A_57, %dma_wait3A_66, %dma_wait3A_67] : memref<4x16x1024xf32, #tpu.memory_space<vmem>> -> memref<1x16x1024xf32, #tpu.memory_space<vmem>>
    %dma_wait3A_69 = tpu.memref_squeeze %dma_wait3A_68 : memref<1x16x1024xf32, #tpu.memory_space<vmem>> -> memref<16x1024xf32, #tpu.memory_space<vmem>>
    tpu.wait_dma2 semaphore(%arg13 : memref<!tpu.dma_semaphore, #tpu.memory_space<semaphore_mem>>) src(%dma_wait3A_69 : memref<16x1024xf32, #tpu.memory_space<vmem>>) dst(%dma_wait3A_65 : memref<16x1024xf32, #tpu.memory_space<hbm>>)
    %add3A_70 = arith.constant 1008 : i32
    %add3A_71 = arith.addi %mul3A_2, %add3A_70 : i32
    %dma_wait3A_72 = arith.constant 3 : i32
    %dma_wait3A_73 = arith.constant 0 : i32
    %dma_wait3A_74 = arith.constant 0 : i32
    %dma_wait3A_75 = tpu.memref_slice %arg6[%dma_wait3A_72, %dma_wait3A_73, %dma_wait3A_74] : memref<4x16x1024xf32, #tpu.memory_space<vmem>> -> memref<1x16x1024xf32, #tpu.memory_space<vmem>>
    %dma_wait3A_76 = tpu.memref_squeeze %dma_wait3A_75 : memref<1x16x1024xf32, #tpu.memory_space<vmem>> -> memref<16x1024xf32, #tpu.memory_space<vmem>>
    %dma_wait3A_77 = arith.constant 0 : i32
    %dma_wait3A_78 = tpu.memref_slice %arg4[%add3A_71, %dma_wait3A_77] : memref<32768x1024xf32, #tpu.memory_space<hbm>> -> memref<16x1024xf32, #tpu.memory_space<hbm>>
    %dma_wait3A_79 = arith.constant 0 : i32
    %dma_wait3A_80 = tpu.memref_slice %arg4[%add3A_71, %dma_wait3A_79] : memref<32768x1024xf32, #tpu.memory_space<hbm>> -> memref<16x1024xf32, #tpu.memory_space<hbm>>
    %dma_wait3A_81 = arith.constant 0 : i32
    %dma_wait3A_82 = arith.constant 0 : i32
    %dma_wait3A_83 = tpu.memref_slice %arg6[%dma_wait3A_72, %dma_wait3A_81, %dma_wait3A_82] : memref<4x16x1024xf32, #tpu.memory_space<vmem>> -> memref<1x16x1024xf32, #tpu.memory_space<vmem>>
    %dma_wait3A_84 = tpu.memref_squeeze %dma_wait3A_83 : memref<1x16x1024xf32, #tpu.memory_space<vmem>> -> memref<16x1024xf32, #tpu.memory_space<vmem>>
    tpu.wait_dma2 semaphore(%arg14 : memref<!tpu.dma_semaphore, #tpu.memory_space<semaphore_mem>>) src(%dma_wait3A_84 : memref<16x1024xf32, #tpu.memory_space<vmem>>) dst(%dma_wait3A_80 : memref<16x1024xf32, #tpu.memory_space<hbm>>)
    return
  }
}

</mosaic_0001>

<sc_bundles>
// kernel: kernel.3.cloned.1.call-start
scs
__scs_entry_jumppad:
0x0: {  	(pc) =	sbr.rel $0x88, $3  }
0x1: {  	(tag) =	ssettag $0x0;
	lr =	simm.s32 $0x1  }
0x2: {  	[smem:$0x3F9F] =	sst lr;
	_ =	strace $0xD0000000  }
0x3: {  	_ = 	snop  }
0x4: {  	_ = 	snop  }
0x5: {  	_ = 	snop  }
0x6: {  	_ = 	snop  }
0x7: {  	_ = 	snop  }
__scs_overlays_trampoline_lowered:
0x8: {  	[smem:$0x3FAE] =	sst s0  }
0x9: {  	[smem:$0x3FAF] =	sst s1  }
0xa: {  	[smem:$0x3FB0] =	sst s2  }
0xb: {  	[smem:$0x3FB1] =	sst s3  }
0xc: {  	[smem:$0x3FB2] =	sst s4  }
0xd: {  	[smem:$0x3FB3] =	sst s5  }
0xe: {  	[smem:$0x3FB4] =	sst s6  }
0xf: {  	[smem:$0x3FB5] =	sst s7  }
0x10: {  	[smem:$0x3FB6] =	sst s8  }
0x11: {  	[smem:$0x3FB7] =	sst s9;
	s0 =	simm.s32 @!p0 $0x0  }
0x12: {  	s1 =	sld [smem:$0x3F9D];
	s0 =	simm.s32 @p0 $0x1  }
0x13: {  	[smem:$0x3FB8] =	sst s0;
	s0 =	simm.s32 @!p1 $0x0  }
0x14: {  	s2 =	sld [smem:$0x3F9C];
	s0 =	simm.s32 @p1 $0x1  }
0x15: {  	[smem:$0x3FB9] =	sst s0;
	s0 =	simm.s32 @!p2 $0x0  }
0x16: {  	s3 =	sld [smem:$0x3FDB];
	s0 =	simm.s32 @p2 $0x1  }
0x17: {  	s4 =	simm.s32 $0x1BF5;
	[smem:$0x3FBB] =	sst s0  }
0x18: {  	s0 =	sld [smem:$0x3F9E];
	_ =	swait.ge [sflag:s4], $0x0  }
0x19: {  	s7 =	sld [smem:$0x3F9F]  }
0x1a: {  	s8 =	sadd.s32 $0xFFFFE003, lr  }
0x1b: {  	s9 =	sadd.s32 $0xFFFFFEF7, lr;
	s5 =	simm.s32 $0xFFFFFFFF;
	p2 =	slt.u32 s8, $0xFFFFF086  }
0x1c: {  	p1 =	slt.u32 s9, $0xF7A;
	s5 =	simm.s32 @!p2 $0x0  }
0x1d: {  	s5 =	simm.s32 @p1 $0x1;
	p0 =	seq.s32 s7, s2  }
0x1e: {  	s7 =	smul.u32 @!p0 $0xF7A, s2;
	p2 =	seq.s32 @!p0 s5, $0x0  }
0x1f: {  	s9 =	smul.u32 $0xF7A, s1;
	s8 =	simm.s32 @!p0 $0x1BF5;
	p2 =	por !p2, p0  }
0x20: {  	[sflag:s8] =	ssyncset.s32 @!p0 $0xFFFFF086;
	s6 =	sadd.s32 @!p0 s3, s7;
	s7 =	simm.s32 @!p0 $0x108  }
0x21: {  	s3 =	sadd.s32 s3, s9;
	s6 =	sadd.s32 @!p0 $0x88, s6;
	s7 =	simm.s32 @p2 $0x1082  }
0x22: {  	[simem:s7], [sflag:s8] =	dma.local @!p0 [hbm:s6], $0xF7A  }
0x23: {  	s9 =	sor.u32 $0xD0000000, s2;
	s6 =	simm.s32 $0x108;
	_ =	swait.ge @!p0 [sflag:s8], $0x0  }
0x24: {  	s3 =	sadd.s32 $0x88, s3;
	s6 =	simm.s32 @!p1 $0x1082;
	[sflag:s4] =	ssyncset.s32 $0xFFFFF086  }
0x25: {  	[simem:s6], [sflag:s4] =	dma.local [hbm:s3], $0xF7A  }
0x26: {  	[smem:$0x3F9F] =	sst s1;
	(tag) =	ssettag s2;
	_ =	strace s9  }
0x27: {  	s1 =	sld [smem:$0x3FAF]  }
0x28: {  	s2 =	sld [smem:$0x3FB0]  }
0x29: {  	s4 =	sld [smem:$0x3FB2]  }
0x2a: {  	p0 =	seq.s32 s5, $0x0;
	s5 =	sld [smem:$0x3FB3]  }
0x2b: {  	s6 =	sld [smem:$0x3FB4]  }
0x2c: {  	s7 =	sld [smem:$0x3FB5]  }
0x2d: {  	s3 =	simm.s32 $0x108;
	s8 =	sld [smem:$0x3FB6]  }
0x2e: {  	s3 =	simm.s32 @!p0 $0x1082;
	s9 =	sld [smem:$0x3FB7]  }
0x2f: {  	lr =	sadd.s32 s0, s3;
	s0 =	sld [smem:$0x3FAE]  }
0x30: {  	s3 =	sld [smem:$0x3FB1]  }
0x31: {  	[smem:$0x3FBA] =	sst s10  }
0x32: {  	s10 =	sld [smem:$0x3FB8];
	_ =	sdelay $0x3  }
0x33: {  	p0 =	seq.s32 s10, $0x1;
	s10 =	sld [smem:$0x3FBA];
	_ =	sdelay $0x3  }
0x34: {  	[smem:$0x3FBA] =	sst s10  }
0x35: {  	s10 =	sld [smem:$0x3FB9];
	_ =	sdelay $0x3  }
0x36: {  	p1 =	seq.s32 s10, $0x1;
	s10 =	sld [smem:$0x3FBA];
	_ =	sdelay $0x3  }
0x37: {  	[smem:$0x3FBA] =	sst s10  }
0x38: {  	s10 =	sld [smem:$0x3FBB]  }
0x39: {  	_ = 	snop;
	(pc) =	sbr.ind lr, $3  }
0x3a: {  	_ = 	snop  }
0x3b: {  	_ = 	snop  }
0x3c: {  	p2 =	seq.s32 s10, $0x1;
	s10 =	sld [smem:$0x3FBA]  }
0x3d: {  	_ =	shalt  }
0x3e: {  	_ =	shalt  }
0x3f: {  	_ =	shalt  }
0x40: {  	_ =	shalt  }
0x41: {  	_ =	shalt  }
0x42: {  	_ =	shalt  }
0x43: {  	_ =	shalt  }
0x44: {  	_ =	shalt  }
0x45: {  	_ =	shalt  }
0x46: {  	_ =	shalt  }
0x47: {  	_ =	shalt  }
0x48: {  	_ =	shalt  }
0x49: {  	_ =	shalt  }
0x4a: {  	_ =	shalt  }
0x4b: {  	_ =	shalt  }
0x4c: {  	_ =	shalt  }
0x4d: {  	_ =	shalt  }
0x4e: {  	_ =	shalt  }
0x4f: {  	_ =	shalt  }
0x50: {  	_ =	shalt  }
0x51: {  	_ =	shalt  }
0x52: {  	_ =	shalt  }
0x53: {  	_ =	shalt  }
0x54: {  	_ =	shalt  }
0x55: {  	_ =	shalt  }
0x56: {  	_ =	shalt  }
0x57: {  	_ =	shalt  }
0x58: {  	_ =	shalt  }
0x59: {  	_ =	shalt  }
0x5a: {  	_ =	shalt  }
0x5b: {  	_ =	shalt  }
0x5c: {  	_ =	shalt  }
0x5d: {  	_ =	shalt  }
0x5e: {  	_ =	shalt  }
0x5f: {  	_ =	shalt  }
0x60: {  	_ =	shalt  }
0x61: {  	_ =	shalt  }
0x62: {  	_ =	shalt  }
0x63: {  	_ =	shalt  }
0x64: {  	_ =	shalt  }
0x65: {  	_ =	shalt  }
0x66: {  	_ =	shalt  }
0x67: {  	_ =	shalt  }
0x68: {  	_ =	shalt  }
0x69: {  	_ =	shalt  }
0x6a: {  	_ =	shalt  }
0x6b: {  	_ =	shalt  }
0x6c: {  	_ =	shalt  }
0x6d: {  	_ =	shalt  }
0x6e: {  	_ =	shalt  }
0x6f: {  	_ =	shalt  }
0x70: {  	_ =	shalt  }
0x71: {  	_ =	shalt  }
0x72: {  	_ =	shalt  }
0x73: {  	_ =	shalt  }
0x74: {  	_ =	shalt  }
0x75: {  	_ =	shalt  }
0x76: {  	_ =	shalt  }
0x77: {  	_ =	shalt  }
0x78: {  	_ =	shalt  }
0x79: {  	_ =	shalt  }
0x7a: {  	_ =	shalt  }
0x7b: {  	_ =	shalt  }
0x7c: {  	_ =	shalt  }
0x7d: {  	_ =	shalt  }
0x7e: {  	_ =	shalt  }
0x7f: {  	_ =	shalt  }
0x80: {  	_ =	shalt  }
0x81: {  	_ =	shalt  }
0x82: {  	_ =	shalt  }
0x83: {  	_ =	shalt  }
0x84: {  	_ =	shalt  }
0x85: {  	_ =	shalt  }
0x86: {  	_ =	shalt  }
0x87: {  	_ =	shalt  }
.Lfunc_end0:
.L_simem_size_0:
called_computation_lowered:
.L_overlay_start_0:
0x88: {  	s2 =	sld [smem:$0x3FD9]  }
0x89: {  	s3 =	sld [smem:$0x3FFE];
	_ =	sdelay $0x1  }
0x8a: {  	s1 =	srdreg.scid  }
0x8b: {  	s0 =	sand.u32 $0x1, s1  }
0x8c: {  	s17 =	sshll.u32 s0, $0xA;
	s2 =	sadd.s32 s3, s2  }
0x8d: {  	s2 =	sadd.s32 s2, s17  }
0x8e: {  	[smem:$0x3FC6] =	sst s2  }
0x8f: {  	_ = 	snop  }
0x90: {  	s2 =	sld [smem:$0x3FC8]  }
0x91: {  	s18 =	sld [smem:$0x3FD0];
	(tm) =	ssettm $0x1  }
0x92: {  	s4 =	sld [smem:$0x3FFB];
	_ =	sdelay $0x3  }
0x93: {  	_ =	strace s4  }
0x94: {  	s4 =	sld [smem:$0x3FFC];
	_ =	sdelay $0x3  }
0x95: {  	_ =	strace s4  }
0x96: {  	s4 =	sld [smem:$0x3FFD];
	_ =	sdelay $0x3  }
0x97: {  	_ =	strace s4  }
0x98: {  	_ =	strace $0x8FFFFFFF  }
0x99: {  	s19 =	sld [smem:$0x3FDB];
	_ =	sdelay $0x1  }
0x9a: {  	s5 =	simm.s32 $_scs_section_size  }
0x9b: {  	s6 =	simm.s32 $_size__tile_overlayer_lowered;
	s7 =	simm.s32 $_tile_overlayer_lowered  }
0x9c: {  	s22 =	simm.s32 $0x1BFF;
	s21 =	sshll.u32 s7, $0x1;
	s4 =	sadd.s32 s5, s19  }
0x9d: {  	s8 =	simm.s32 $0x0;
	s20 =	sshll.u32 s6, $0x1;
	s6 =	sadd.s32 s21, s4  }
0x9e: {  	[timem:s8], [sflag:s22] =	dma.local [hbm:s6], s20  }
0x9f: {  	_ =	swait.ge [sflag:s22], s20  }
0xa0: {  	s5 =	ssub.s32 $0x0, s20;
	[sflag:s22] =	ssyncset.done $0x0  }
0xa1: {  	[sflag:s22] =	ssyncadd.s32 s5;
	_ =	sdelay $0x1  }
0xa2: {  	s23 =	simm.s32 $0x1B8B  }
0xa3: {  	_ =	swait.ge [sflag:s23], $0x1  }
0xa4: {  	[sflag:s23] =	ssyncset.done $0x0  }
0xa5: {  	s25 =	simm.s32 $0x1B8E;
	s24 =	sld [smem:$0x3FFE];
	[sflag:s23] =	ssyncadd.s32 $0xFFFFFFFF  }
0xa6: {  	s26 =	simm.s32 $execute0_lowered;
	[smem:$0x3FD2] =	sst s25  }
0xa7: {  	s6 =	sshll.u32 s26, $0x1;
	_ =	strace $0x80000046;
	[dreg:$0x1] =	wrdreg $0xFFFFFFFF  }
0xa8: {  	s28 =	simm.s32 $_size_execute0_lowered;
	s4 =	sadd.s32 s4, s6;
	[dreg:$0x0] =	wrdreg $0x0  }
0xa9: {  	s6 =	sshll.u32 s28, $0x1;
	[dreg:$0x2] =	wrdreg s4  }
0xaa: {  	[dreg:$0x3] =	wrdreg s6  }
0xab: {  	[dreg:$0x4] =	wrdreg $0xC0  }
0xac: {  	_ =	task [dreg:s8], $0x5FFFF  }
0xad: {  	[dreg:$0x1] =	wrdreg $0xFFFFFFFF  }
0xae: {  	[dreg:$0x0] =	wrdreg $0x60  }
0xaf: {  	[dreg:$0x2] =	wrdreg s2  }
0xb0: {  	[dreg:$0x3] =	wrdreg s24  }
0xb1: {  	[dreg:$0x4] =	wrdreg s18  }
0xb2: {  	[dreg:$0x5] =	wrdreg $0x9  }
0xb3: {  	_ =	task.clear_ibuf [dreg:s8], $0x6FFFF;
	_ =	strace $0x90000046  }
0xb4: {  	s29 =	simm.s32 $0x9;
	_ =	strace $0x80000048  }
0xb5: {  	_ =	swait.ge [sflag:s29], $0x1  }
0xb6: {  	[sflag:s29] =	ssyncadd.s32 $0xFFFFFFFF  }
0xb7: {  	_ =	strace $0x90000048  }
0xb8: {  	_ =	sfence  }
0xb9: {  	s30 =	sld [smem:$0x0];
	_ =	sdelay $0x2  }
0xba: {  	s31 =	sshll.u32 s1, $0xD;
	s1 =	sshrl.u32 s1, $0x2  }
0xbb: {  	s3 =	sand.u32 $0x4000, s31;
	s1 =	sadd.s32 s1, s30  }
0xbc: {  	s0 =	sor.u32 s3, s0;
	s1 =	sshll.u32 s1, $0x11  }
0xbd: {  	s0 =	sor.u32 s1, s0  }
0xbe: {  	s0 =	sadd.s32 $0x8F2B, s0  }
0xbf: {  	[sflag:s0] =	ssyncadd.remote.s32 $0x1  }
0xc0: {  	_ =	sfence.sel $0xFFFF  }
0xc1: {  	[dreg:$0x0] =	wrdreg $0xFFFFFFFF;
	(pc) =	sbr.abs _section_cstart, $3  }
0xc2: {  	[dreg:$0x1] =	wrdreg $0xFFFFFFFF  }
0xc3: {  	_ =	task.clear_ibuf [dreg:s8], $0x2FFFF;
	_ =	strace $0x9FFFFFFF  }
0xc4: {  	(tm) =	ssettm $0x7FFFFFFF  }
0xc5: {  	_ =	shalt  }
tec
execute0_lowered:
.L_overlay_start_1:
0x0: {  	(tag) =	ssettag $0x1  }
0x1: {  	s1 =	rddreg [dreg:$0x0]  }
0x2: {  	s0 =	srdreg.scid;
	s2 =	rddreg [dreg:$0x1]  }
0x3: {  	s3 =	stileid.u32;
	s4 =	rddreg [dreg:$0x2]  }
0x4: {  	s12 =	simm.s32 $0x400;
	s20 =	simm.s32 $0x4400;
	s29 =	simm.s32 $0x1  }
0x5: {  	s30 =	simm.s32 $0x8400;
	s17 =	simm.s32 $0x2;
	s18 =	simm.s32 $0xC400  }
0x6: {  	s22 =	simm.s32 $0xDC00;
	s23 =	simm.s32 $0xE400;
	s24 =	simm.s32 $0xEC00  }
0x7: {  	s25 =	simm.s32 $0xF400;
	s28 =	simm.s32 $0x3;
	s9 =	simm.s32 $0x0  }
0x8: {  	s0 =	sand.u32 $0x1, s0;
	s5 =	sshll.u32 s3, $0xB;
	s3 =	simm.s32 $0x0  }
0x9: {  	s8 =	sadd.s32 $0x300, s1;
	s6 =	sshll.u32 s0, $0xA;
	s0 =	ssub.s32 $0x2, s0  }
0xa: {  	[smem:$0x7FF] =	sst s3;
	s5 =	sor.u32 s6, s5;
	s26 =	sshrl.u32 s0, $0x1  }
0xb: {  	_ =	strace $0x80000047;
	s6 =	sshrl.u32 s5, $0x3;
	s0 =	ssub.s32 s0, s26  }
0xc: {  	s31 =	sshll.u32 s5, $0x7;
	s5 =	sadd.s32 $0x100, s1;
	s26 =	simm.s32 $0xFC00  }
0xd: {  	v2 =	vlaneseq.u32;
	s2 =	sadd.s32 s6, s2;
	s6 =	sadd.s32 $0x200, s1;
	s0 =	smax.u32 s0, $0x1  }
0xe: {  	vm0 =	vmmov $0xffff;
	v1 =	vshrl.u32 v2, $0x3;
	s7 =	sadd.s32 s4, s31;
	s2 =	sadd.s32 $0x400, s2;
	[dreg:$0x5] =	wrdreg s0  }
0xf: {  	v0 =	vand.u32 $0x7, v2;
	v2 =	vor.u32 $0x8, v2;
	v1 =	vmul.u32 $0x8, v1;
	s4 =	simm.s32 $0x4;
	s10 =	sadd.s32 $0x800, s7;
	[dreg:$0x4] =	wrdreg s2  }
.LBB2_1:
0x10: {  	[dreg:$0x6] =	wrdreg s9  }
0x11: {  	s0 =	rddreg [dreg:$0x4];
	s15 =	simm.s32 $0x9  }
0x12: {  	[tilespmem:s3], [sflag:$0x9] =	stream.linear.gather [hbm4b:s0+s3], $0x400, $0x38;
	[tilespmem:$0x10400] =	vst v63  }
0x13: {  	_ =	swait.ge [sflag:s15], $0x400  }
0x14: {  	[sflag:s15] =	ssyncset.done $0x0  }
0x15: {  	[sflag:s15] =	ssyncadd.s32 $0xFFFFFC00  }
0x16: {  	v3 =	vld [tilespmem:$0x0];
	_ =	sdelay $0x4  }
0x17: {  	v4 =	vshll.u32 v3, $0x3  }
0x18: {  	v3 =	vand.u32 $0x7, v3;
	v4 =	vand.u32 $0xFFFFFFC0, v4  }
0x19: {  	v3 =	vor.u32 v3, v4  }
0x1a: {  	v4 =	vperm.xlane v3, v0;
	_ =	sdelay $0x1  }
0x1b: {  	v4 =	vadd.s32 v1, v4;
	_ =	sdelay $0x4  }
0x1c: {  	[tilespmem:s12], [sflag:$0x1] =	stream.indirect_vreg.gather [hbm4b:s1+s3], $0x80, v4, vm0, $0xb8;
	[tilespmem:$0x10400] =	vst v63  }
0x1d: {  	s16 =	simm.s32 $0xC00;
	v3 =	vperm.xlane v3, v2  }
0x1e: {  	[tilespmem:s16], [sflag:$0x1] =	stream.indirect_vreg.gather [hbm4b:s5+s3], $0x80, v4, vm0, $0xb8;
	[tilespmem:$0x10400] =	vst v63  }
0x1f: {  	s19 =	simm.s32 $0x1400;
	v3 =	vadd.s32 v1, v3  }
0x20: {  	[tilespmem:s19], [sflag:$0x1] =	stream.indirect_vreg.gather [hbm4b:s6+s3], $0x80, v4, vm0, $0xb8;
	[tilespmem:$0x10400] =	vst v63  }
0x21: {  	s21 =	simm.s32 $0x1C00  }
0x22: {  	[tilespmem:s21], [sflag:$0x1] =	stream.indirect_vreg.gather [hbm4b:s8+s3], $0x80, v4, vm0, $0xb8;
	[tilespmem:$0x10400] =	vst v63  }
0x23: {  	s31 =	simm.s32 $0x2400  }
0x24: {  	[tilespmem:s31], [sflag:$0x1] =	stream.indirect_vreg.gather [hbm4b:s1+s3], $0x80, v3, vm0, $0xb8;
	[tilespmem:$0x10400] =	vst v63  }
0x25: {  	s2 =	simm.s32 $0x2C00  }
0x26: {  	[tilespmem:s2], [sflag:$0x1] =	stream.indirect_vreg.gather [hbm4b:s5+s3], $0x80, v3, vm0, $0xb8;
	[tilespmem:$0x10400] =	vst v63  }
0x27: {  	s9 =	simm.s32 $0x3400  }
0x28: {  	[tilespmem:s9], [sflag:$0x1] =	stream.indirect_vreg.gather [hbm4b:s6+s3], $0x80, v3, vm0, $0xb8;
	[tilespmem:$0x10400] =	vst v63  }
0x29: {  	s11 =	simm.s32 $0x3C00  }
0x2a: {  	[tilespmem:s11], [sflag:$0x1] =	stream.indirect_vreg.gather [hbm4b:s8+s3], $0x80, v3, vm0, $0xb8;
	[tilespmem:$0x10400] =	vst v63  }
0x2b: {  	v3 =	vld [tilespmem:$0x10];
	_ =	sdelay $0x4  }
0x2c: {  	v63 =	vshll.u32 v3, $0x3  }
0x2d: {  	v3 =	vand.u32 $0x7, v3;
	v4 =	vand.u32 $0xFFFFFFC0, v63  }
0x2e: {  	v3 =	vor.u32 v3, v4  }
0x2f: {  	v4 =	vperm.xlane v3, v0;
	_ =	sdelay $0x1  }
0x30: {  	v4 =	vadd.s32 v1, v4;
	_ =	sdelay $0x4  }
0x31: {  	[tilespmem:s20], [sflag:$0x2] =	stream.indirect_vreg.gather [hbm4b:s1+s3], $0x80, v4, vm0, $0xb8;
	[tilespmem:$0x10400] =	vst v63  }
0x32: {  	s13 =	simm.s32 $0x4C00;
	v3 =	vperm.xlane v3, v2  }
0x33: {  	[tilespmem:s13], [sflag:$0x2] =	stream.indirect_vreg.gather [hbm4b:s5+s3], $0x80, v4, vm0, $0xb8;
	[tilespmem:$0x10400] =	vst v63  }
0x34: {  	s14 =	simm.s32 $0x5400;
	v3 =	vadd.s32 v1, v3  }
0x35: {  	[tilespmem:s14], [sflag:$0x2] =	stream.indirect_vreg.gather [hbm4b:s6+s3], $0x80, v4, vm0, $0xb8;
	[tilespmem:$0x10400] =	vst v63  }
0x36: {  	s15 =	simm.s32 $0x5C00  }
0x37: {  	[tilespmem:s15], [sflag:$0x2] =	stream.indirect_vreg.gather [hbm4b:s8+s3], $0x80, v4, vm0, $0xb8;
	[tilespmem:$0x10400] =	vst v63  }
0x38: {  	s16 =	simm.s32 $0x6400  }
0x39: {  	[tilespmem:s16], [sflag:$0x2] =	stream.indirect_vreg.gather [hbm4b:s1+s3], $0x80, v3, vm0, $0xb8;
	[tilespmem:$0x10400] =	vst v63  }
0x3a: {  	s19 =	simm.s32 $0x6C00  }
0x3b: {  	[tilespmem:s19], [sflag:$0x2] =	stream.indirect_vreg.gather [hbm4b:s5+s3], $0x80, v3, vm0, $0xb8;
	[tilespmem:$0x10400] =	vst v63  }
0x3c: {  	s21 =	simm.s32 $0x7400  }
0x3d: {  	[tilespmem:s21], [sflag:$0x2] =	stream.indirect_vreg.gather [hbm4b:s6+s3], $0x80, v3, vm0, $0xb8;
	[tilespmem:$0x10400] =	vst v63  }
0x3e: {  	s31 =	simm.s32 $0x7C00;
	s11 =	simm.s32 $0x0  }
0x3f: {  	[tilespmem:s31], [sflag:$0x2] =	stream.indirect_vreg.gather [hbm4b:s8+s3], $0x80, v3, vm0, $0xb8;
	[tilespmem:$0x10400] =	vst v63  }
.LBB2_2:
0x40: {  	_ =	swait.ge [sflag:s29], $0x4000  }
0x41: {  	p0 =	seq.s32 s11, $0x0;
	[sflag:s29] =	ssyncset.done $0x0  }
0x42: {  	s0 =	sshll.u32 s11, $0x2;
	s2 =	simm.s32 @!p0 $0x7;
	[sflag:s29] =	ssyncadd.s32 $0xFFFFC000  }
0x43: {  	s31 =	sor.u32 $0x2, s0;
	_ =	swait.ge @!p0 [sflag:s2], $0x4000  }
0x44: {  	s9 =	sshll.u32 s31, $0x4;
	[sflag:s2] =	ssyncset.done @!p0 $0x0  }
0x45: {  	s19 =	sand.u32 $0x3FFFFFF0, s9;
	[sflag:s2] =	ssyncadd.s32 @!p0 $0xFFFFC000  }
0x46: {  	v3 =	vld [tilespmem:s19+$0x0];
	_ =	sdelay $0x4  }
0x47: {  	v4 =	vshll.u32 v3, $0x3  }
0x48: {  	v3 =	vand.u32 $0x7, v3;
	v4 =	vand.u32 $0xFFFFFFC0, v4  }
0x49: {  	v3 =	vor.u32 v3, v4  }
0x4a: {  	v4 =	vperm.xlane v3, v0;
	_ =	sdelay $0x1  }
0x4b: {  	v4 =	vadd.s32 v1, v4;
	_ =	sdelay $0x3  }
0x4c: {  	s2 =	simm.s32 $0x0  }
0x4d: {  	[tilespmem:s30], [sflag:$0x3] =	stream.indirect_vreg.gather [hbm4b:s1+s2], $0x80, v4, vm0, $0xb8;
	[tilespmem:$0x10400] =	vst v63  }
0x4e: {  	s21 =	simm.s32 $0x8C00;
	v3 =	vperm.xlane v3, v2  }
0x4f: {  	[tilespmem:s21], [sflag:$0x3] =	stream.indirect_vreg.gather [hbm4b:s5+s2], $0x80, v4, vm0, $0xb8;
	[tilespmem:$0x10400] =	vst v63  }
0x50: {  	s13 =	simm.s32 $0x9400;
	v3 =	vadd.s32 v1, v3  }
0x51: {  	[tilespmem:s13], [sflag:$0x3] =	stream.indirect_vreg.gather [hbm4b:s6+s2], $0x80, v4, vm0, $0xb8;
	[tilespmem:$0x10400] =	vst v63  }
0x52: {  	s14 =	simm.s32 $0x9C00  }
0x53: {  	[tilespmem:s14], [sflag:$0x3] =	stream.indirect_vreg.gather [hbm4b:s8+s2], $0x80, v4, vm0, $0xb8;
	[tilespmem:$0x10400] =	vst v63  }
0x54: {  	s15 =	simm.s32 $0xA400  }
0x55: {  	[tilespmem:s15], [sflag:$0x3] =	stream.indirect_vreg.gather [hbm4b:s1+s2], $0x80, v3, vm0, $0xb8;
	[tilespmem:$0x10400] =	vst v63  }
0x56: {  	s16 =	simm.s32 $0xAC00  }
0x57: {  	[tilespmem:s16], [sflag:$0x3] =	stream.indirect_vreg.gather [hbm4b:s5+s2], $0x80, v3, vm0, $0xb8;
	[tilespmem:$0x10400] =	vst v63  }
0x58: {  	s9 =	simm.s32 $0xFFFFC000;
	s19 =	simm.s32 $0xB400  }
0x59: {  	[tilespmem:s19], [sflag:$0x3] =	stream.indirect_vreg.gather [hbm4b:s6+s2], $0x80, v3, vm0, $0xb8;
	[tilespmem:$0x10400] =	vst v63  }
0x5a: {  	s21 =	simm.s32 $0xBC00;
	s13 =	simm.s32 $0x0;
	s14 =	simm.s32 $0x0  }
0x5b: {  	[tilespmem:s21], [sflag:$0x3] =	stream.indirect_vreg.gather [hbm4b:s8+s2], $0x80, v3, vm0, $0xb8;
	[tilespmem:$0x10400] =	vst v63  }
.LBB2_3:
0x5c: {  	s15 =	sadd.s32 $0x4000, s9  }
0x5d: {  	s16 =	sand.u32 $0x380, s14;
	s15 =	sand.u32 $0x2000, s15  }
0x5e: {  	s15 =	sor.u32 s16, s15  }
0x5f: {  	v3 =	vld [tilespmem:s15+$0x400]  }
0x60: {  	v4 =	vld [tilespmem:s15+$0x410]  }
0x61: {  	v6 =	vld [tilespmem:s15+$0x430]  }
0x62: {  	v8 =	vld [tilespmem:s15+$0x460]  }
0x63: {  	v5 =	vld [tilespmem:s15+$0x420]  }
0x64: {  	v43 =	vld [tilespmem:s15+$0x800];
	v3 =	vmul.f32 $3.200000000e+01, v3  }
0x65: {  	v7 =	vld [tilespmem:s15+$0x450];
	v4 =	vmul.f32 $3.200000000e+01, v4  }
0x66: {  	v46 =	vld [tilespmem:s15+$0x820];
	v44 =	vmul.f32 $3.200000000e+01, v6;
	[tilespmem:s15+$0x400] =	vst v3  }
0x67: {  	v9 =	vld [tilespmem:s15+$0x470];
	v47 =	vmul.f32 $3.200000000e+01, v8;
	[tilespmem:s15+$0x410] =	vst v4  }
0x68: {  	v49 =	vld [tilespmem:s15+$0x850];
	v3 =	vmul.f32 $3.200000000e+01, v5;
	[tilespmem:s15+$0x430] =	vst v44  }
0x69: {  	v45 =	vld [tilespmem:s15+$0x810];
	v50 =	vmul.f32 $3.200000000e+01, v43;
	[tilespmem:s15+$0x460] =	vst v47  }
0x6a: {  	v52 =	vld [tilespmem:s15+$0x870];
	[tilespmem:s15+$0x420] =	vst v3;
	v3 =	vmul.f32 $3.200000000e+01, v7  }
0x6b: {  	v48 =	vld [tilespmem:s15+$0x830];
	v53 =	vmul.f32 $3.200000000e+01, v46;
	[tilespmem:s15+$0x800] =	vst v50  }
0x6c: {  	v55 =	vld [tilespmem:s15+$0xC10];
	[tilespmem:s15+$0x450] =	vst v3;
	v3 =	vmul.f32 $3.200000000e+01, v9  }
0x6d: {  	v51 =	vld [tilespmem:s15+$0x860];
	v56 =	vmul.f32 $3.200000000e+01, v49;
	[tilespmem:s15+$0x820] =	vst v53  }
0x6e: {  	v58 =	vld [tilespmem:s15+$0xC30];
	[tilespmem:s15+$0x470] =	vst v3;
	v3 =	vmul.f32 $3.200000000e+01, v45  }
0x6f: {  	v54 =	vld [tilespmem:s15+$0xC00];
	v59 =	vmul.f32 $3.200000000e+01, v52;
	[tilespmem:s15+$0x850] =	vst v56  }
0x70: {  	v61 =	vld [tilespmem:s15+$0xC60];
	[tilespmem:s15+$0x810] =	vst v3;
	v3 =	vmul.f32 $3.200000000e+01, v48  }
0x71: {  	v57 =	vld [tilespmem:s15+$0xC20];
	v62 =	vmul.f32 $3.200000000e+01, v55;
	[tilespmem:s15+$0x870] =	vst v59  }
0x72: {  	v12 =	vld [tilespmem:s15+$0x1000];
	[tilespmem:s15+$0x830] =	vst v3;
	v3 =	vmul.f32 $3.200000000e+01, v51  }
0x73: {  	v60 =	vld [tilespmem:s15+$0xC50];
	v13 =	vmul.f32 $3.200000000e+01, v58;
	[tilespmem:s15+$0xC10] =	vst v62  }
0x74: {  	v15 =	vld [tilespmem:s15+$0x1020];
	[tilespmem:s15+$0x860] =	vst v3;
	v3 =	vmul.f32 $3.200000000e+01, v54  }
0x75: {  	v63 =	vld [tilespmem:s15+$0xC70];
	v16 =	vmul.f32 $3.200000000e+01, v61;
	[tilespmem:s15+$0xC30] =	vst v13  }
0x76: {  	v18 =	vld [tilespmem:s15+$0x1050];
	[tilespmem:s15+$0xC00] =	vst v3;
	v3 =	vmul.f32 $3.200000000e+01, v57  }
0x77: {  	v14 =	vld [tilespmem:s15+$0x1010];
	v19 =	vmul.f32 $3.200000000e+01, v12;
	[tilespmem:s15+$0xC60] =	vst v16  }
0x78: {  	v21 =	vld [tilespmem:s15+$0x1070];
	[tilespmem:s15+$0xC20] =	vst v3;
	v3 =	vmul.f32 $3.200000000e+01, v60  }
0x79: {  	v17 =	vld [tilespmem:s15+$0x1030];
	v22 =	vmul.f32 $3.200000000e+01, v15;
	[tilespmem:s15+$0x1000] =	vst v19  }
0x7a: {  	v24 =	vld [tilespmem:s15+$0x1410];
	[tilespmem:s15+$0xC50] =	vst v3;
	v3 =	vmul.f32 $3.200000000e+01, v63  }
0x7b: {  	v20 =	vld [tilespmem:s15+$0x1060];
	v25 =	vmul.f32 $3.200000000e+01, v18;
	[tilespmem:s15+$0x1020] =	vst v22  }
0x7c: {  	v27 =	vld [tilespmem:s15+$0x1430];
	[tilespmem:s15+$0xC70] =	vst v3;
	v3 =	vmul.f32 $3.200000000e+01, v14  }
0x7d: {  	v23 =	vld [tilespmem:s15+$0x1400];
	v28 =	vmul.f32 $3.200000000e+01, v21;
	[tilespmem:s15+$0x1050] =	vst v25  }
0x7e: {  	v30 =	vld [tilespmem:s15+$0x1460];
	[tilespmem:s15+$0x1010] =	vst v3;
	v3 =	vmul.f32 $3.200000000e+01, v17  }
0x7f: {  	v26 =	vld [tilespmem:s15+$0x1420];
	v31 =	vmul.f32 $3.200000000e+01, v24;
	[tilespmem:s15+$0x1070] =	vst v28  }
0x80: {  	v33 =	vld [tilespmem:s15+$0x1800];
	[tilespmem:s15+$0x1030] =	vst v3;
	v3 =	vmul.f32 $3.200000000e+01, v20  }
0x81: {  	v29 =	vld [tilespmem:s15+$0x1450];
	v34 =	vmul.f32 $3.200000000e+01, v27;
	[tilespmem:s15+$0x1410] =	vst v31  }
0x82: {  	v36 =	vld [tilespmem:s15+$0x1820];
	[tilespmem:s15+$0x1060] =	vst v3;
	v3 =	vmul.f32 $3.200000000e+01, v23  }
0x83: {  	v32 =	vld [tilespmem:s15+$0x1470];
	v37 =	vmul.f32 $3.200000000e+01, v30;
	[tilespmem:s15+$0x1430] =	vst v34  }
0x84: {  	v39 =	vld [tilespmem:s15+$0x1850];
	[tilespmem:s15+$0x1400] =	vst v3;
	v3 =	vmul.f32 $3.200000000e+01, v26  }
0x85: {  	v35 =	vld [tilespmem:s15+$0x1810];
	v40 =	vmul.f32 $3.200000000e+01, v33;
	[tilespmem:s15+$0x1460] =	vst v37  }
0x86: {  	v42 =	vld [tilespmem:s15+$0x1870];
	[tilespmem:s15+$0x1420] =	vst v3;
	v3 =	vmul.f32 $3.200000000e+01, v29  }
0x87: {  	v38 =	vld [tilespmem:s15+$0x1830];
	v43 =	vmul.f32 $3.200000000e+01, v36;
	[tilespmem:s15+$0x1800] =	vst v40  }
0x88: {  	v47 =	vld [tilespmem:s15+$0x1C20];
	[tilespmem:s15+$0x1450] =	vst v3;
	v3 =	vmul.f32 $3.200000000e+01, v32  }
0x89: {  	v41 =	vld [tilespmem:s15+$0x1860];
	v46 =	vmul.f32 $3.200000000e+01, v39;
	[tilespmem:s15+$0x1820] =	vst v43  }
0x8a: {  	v50 =	vld [tilespmem:s15+$0x1C50];
	[tilespmem:s15+$0x1470] =	vst v3;
	v3 =	vmul.f32 $3.200000000e+01, v35  }
0x8b: {  	v49 =	vmul.f32 $3.200000000e+01, v42;
	v44 =	vld [tilespmem:s15+$0x1C00];
	[tilespmem:s15+$0x1850] =	vst v46  }
0x8c: {  	v53 =	vld [tilespmem:s15+$0x1C70];
	[tilespmem:s15+$0x1810] =	vst v3;
	v3 =	vmul.f32 $3.200000000e+01, v38  }
0x8d: {  	[tilespmem:s15+$0x1870] =	vst v49;
	v7 =	vmul.f32 $3.200000000e+01, v47;
	v45 =	vld [tilespmem:s15+$0x1C10]  }
0x8e: {  	v48 =	vld [tilespmem:s15+$0x1C30];
	[tilespmem:s15+$0x1830] =	vst v3;
	v3 =	vmul.f32 $3.200000000e+01, v41  }
0x8f: {  	v9 =	vmul.f32 $3.200000000e+01, v50;
	[tilespmem:s15+$0x1C20] =	vst v7;
	v51 =	vld [tilespmem:s15+$0x1C60]  }
0x90: {  	[tilespmem:s15+$0x1860] =	vst v3;
	v3 =	vmul.f32 $3.200000000e+01, v44  }
0x91: {  	v58 =	vld [tilespmem:s15+$0x1840];
	v6 =	vmul.f32 $3.200000000e+01, v53;
	[tilespmem:s15+$0x1C50] =	vst v9  }
0x92: {  	v52 =	vmul.f32 $3.200000000e+01, v45;
	[tilespmem:s15+$0x1C00] =	vst v3;
	v3 =	vld [tilespmem:s15+$0x440]  }
0x93: {  	s19 =	sand.u32 $0x7, s2;
	v56 =	vld [tilespmem:s15+$0x1040];
	[tilespmem:s15+$0x1C70] =	vst v6;
	v8 =	vmul.f32 $3.200000000e+01, v48  }
0x94: {  	s16 =	sshll.u32 s19, $0x7;
	v55 =	vld [tilespmem:s15+$0xC40];
	[tilespmem:s15+$0x1C10] =	vst v52;
	v5 =	vmul.f32 $3.200000000e+01, v51  }
0x95: {  	s16 =	sadd.s32 s16, s13;
	v54 =	vld [tilespmem:s15+$0x840];
	[tilespmem:s15+$0x1C30] =	vst v8  }
0x96: {  	s19 =	sor.u32 $0x1C00, s16;
	v62 =	vmul.f32 $3.200000000e+01, v58;
	v57 =	vld [tilespmem:s15+$0x1440];
	[tilespmem:s15+$0x1C60] =	vst v5  }
0x97: {  	v60 =	vld [tilespmem:s19+$0x400];
	v3 =	vmul.f32 $3.200000000e+01, v3  }
0x98: {  	v59 =	vld [tilespmem:s15+$0x1C40];
	v61 =	vmul.f32 $3.200000000e+01, v56;
	[tilespmem:s15+$0x1840] =	vst v62  }
0x99: {  	[tilespmem:s15+$0x440] =	vst v3;
	v3 =	vmul.f32 $3.200000000e+01, v55  }
0x9a: {  	[tilespmem:s15+$0x1040] =	vst v61;
	v4 =	vmul.f32 $3.200000000e+01, v54  }
0x9b: {  	[tilespmem:s15+$0xC40] =	vst v3;
	v3 =	vmul.f32 $3.200000000e+01, v57  }
0x9c: {  	[tilespmem:s15+$0x840] =	vst v4;
	v63 =	vmul.f32 $3.200000000e+01, v60  }
0x9d: {  	[tilespmem:s15+$0x1440] =	vst v3;
	v3 =	vmul.f32 $3.200000000e+01, v59  }
0x9e: {  	[tilespmem:s19+$0x400] =	vst v63  }
0x9f: {  	s21 =	sor.u32 $0x1C10, s16;
	[tilespmem:s15+$0x1C40] =	vst v3  }
0xa0: {  	v3 =	vld [tilespmem:s21+$0x400];
	_ =	sdelay $0x4  }
0xa1: {  	v3 =	vmul.f32 $3.200000000e+01, v3;
	_ =	sdelay $0x1  }
0xa2: {  	s19 =	sor.u32 $0x1C20, s16;
	[tilespmem:s21+$0x400] =	vst v3  }
0xa3: {  	v3 =	vld [tilespmem:s19+$0x400];
	_ =	sdelay $0x4  }
0xa4: {  	v3 =	vmul.f32 $3.200000000e+01, v3;
	_ =	sdelay $0x1  }
0xa5: {  	s21 =	sor.u32 $0x1C30, s16;
	[tilespmem:s19+$0x400] =	vst v3  }
0xa6: {  	v3 =	vld [tilespmem:s21+$0x400];
	_ =	sdelay $0x4  }
0xa7: {  	v3 =	vmul.f32 $3.200000000e+01, v3;
	_ =	sdelay $0x1  }
0xa8: {  	s19 =	sor.u32 $0x1C40, s16;
	[tilespmem:s21+$0x400] =	vst v3  }
0xa9: {  	v3 =	vld [tilespmem:s19+$0x400];
	_ =	sdelay $0x4  }
0xaa: {  	v3 =	vmul.f32 $3.200000000e+01, v3;
	_ =	sdelay $0x1  }
0xab: {  	s21 =	sor.u32 $0x1C50, s16;
	[tilespmem:s19+$0x400] =	vst v3  }
0xac: {  	v3 =	vld [tilespmem:s21+$0x400];
	_ =	sdelay $0x4  }
0xad: {  	v3 =	vmul.f32 $3.200000000e+01, v3;
	_ =	sdelay $0x1  }
0xae: {  	s19 =	sor.u32 $0x1C60, s16;
	[tilespmem:s21+$0x400] =	vst v3  }
0xaf: {  	v3 =	vld [tilespmem:s19+$0x400];
	_ =	sdelay $0x4  }
0xb0: {  	v3 =	vmul.f32 $3.200000000e+01, v3;
	_ =	sdelay $0x1  }
0xb1: {  	s21 =	sor.u32 $0x1C70, s16;
	[tilespmem:s19+$0x400] =	vst v3  }
0xb2: {  	v3 =	vld [tilespmem:s21+$0x400];
	_ =	sdelay $0x1  }
0xb3: {  	p1 =	sne.s32 s14, $0x780  }
.Ltmp0:
0xb4: {  	_ = 	snop;
	(pc) =	sbr.rel @p1 .LBB2_3-.Ltmp0, $4  }
0xb5: {  	_ = 	snop  }
0xb6: {  	v3 =	vmul.f32 $3.200000000e+01, v3  }
0xb7: {  	s2 =	sadd.s32 $0x1, s2  }
0xb8: {  	s9 =	sadd.s32 $0x400, s9;
	s14 =	sadd.s32 $0x80, s14;
	s13 =	sadd.s32 $0x400, s13;
	[tilespmem:s21+$0x400] =	vst v3  }
0xb9: {  	s2 =	sshll.u32 s11, $0xD  }
0xba: {  	s9 =	sadd.s32 s2, s7  }
0xbb: {  	[hbm4b:s9+s3] =	stream.linear.scatter [tilespmem:s12], [sflag:$0x5], $0x4000, $0x38;
	[tilespmem:$0x10400] =	vst v63  }
0xbc: {  	_ =	swait.ge [sflag:s17], $0x4000  }
0xbd: {  	[sflag:s17] =	ssyncset.done $0x0  }
0xbe: {  	s13 =	simm.s32 @!p0 $0x8;
	[sflag:s17] =	ssyncadd.s32 $0xFFFFC000  }
0xbf: {  	s9 =	sor.u32 $0x3, s0;
	_ =	swait.ge @!p0 [sflag:s13], $0x4000  }
0xc0: {  	s0 =	sshll.u32 s9, $0x4;
	[sflag:s13] =	ssyncset.done @!p0 $0x0  }
0xc1: {  	s0 =	sand.u32 $0x3FFFFFF0, s0;
	[sflag:s13] =	ssyncadd.s32 @!p0 $0xFFFFC000  }
0xc2: {  	v3 =	vld [tilespmem:s0+$0x0];
	_ =	sdelay $0x4  }
0xc3: {  	v4 =	vshll.u32 v3, $0x3  }
0xc4: {  	v3 =	vand.u32 $0x7, v3;
	v4 =	vand.u32 $0xFFFFFFC0, v4  }
0xc5: {  	v3 =	vor.u32 v3, v4  }
0xc6: {  	v4 =	vperm.xlane v3, v0;
	_ =	sdelay $0x1  }
0xc7: {  	v4 =	vadd.s32 v1, v4;
	_ =	sdelay $0x3  }
0xc8: {  	s13 =	simm.s32 $0x0  }
0xc9: {  	[tilespmem:s18], [sflag:$0x4] =	stream.indirect_vreg.gather [hbm4b:s1+s13], $0x80, v4, vm0, $0xb8;
	[tilespmem:$0x10400] =	vst v63  }
0xca: {  	s14 =	simm.s32 $0xCC00;
	v3 =	vperm.xlane v3, v2  }
0xcb: {  	[tilespmem:s14], [sflag:$0x4] =	stream.indirect_vreg.gather [hbm4b:s5+s13], $0x80, v4, vm0, $0xb8;
	[tilespmem:$0x10400] =	vst v63  }
0xcc: {  	s15 =	simm.s32 $0xD400;
	v3 =	vadd.s32 v1, v3  }
0xcd: {  	[tilespmem:s15], [sflag:$0x4] =	stream.indirect_vreg.gather [hbm4b:s6+s13], $0x80, v4, vm0, $0xb8;
	[tilespmem:$0x10400] =	vst v63  }
0xce: {  	_ = 	snop  }
0xcf: {  	[tilespmem:s22], [sflag:$0x4] =	stream.indirect_vreg.gather [hbm4b:s8+s13], $0x80, v4, vm0, $0xb8;
	[tilespmem:$0x10400] =	vst v63  }
0xd0: {  	_ = 	snop  }
0xd1: {  	[tilespmem:s23], [sflag:$0x4] =	stream.indirect_vreg.gather [hbm4b:s1+s13], $0x80, v3, vm0, $0xb8;
	[tilespmem:$0x10400] =	vst v63  }
0xd2: {  	_ = 	snop  }
0xd3: {  	[tilespmem:s24], [sflag:$0x4] =	stream.indirect_vreg.gather [hbm4b:s5+s13], $0x80, v3, vm0, $0xb8;
	[tilespmem:$0x10400] =	vst v63  }
0xd4: {  	s16 =	sand.u32 $0x2000, s13;
	s14 =	sand.u32 $0x380, s13  }
0xd5: {  	[tilespmem:s25], [sflag:$0x4] =	stream.indirect_vreg.gather [hbm4b:s6+s13], $0x80, v3, vm0, $0xb8;
	[tilespmem:$0x10400] =	vst v63  }
0xd6: {  	s0 =	sor.u32 s14, s16  }
0xd7: {  	[tilespmem:s26], [sflag:$0x4] =	stream.indirect_vreg.gather [hbm4b:s8+s13], $0x80, v3, vm0, $0xb8;
	[tilespmem:$0x10400] =	vst v63  }
0xd8: {  	v3 =	vld [tilespmem:s0+$0x4470]  }
0xd9: {  	v4 =	vld [tilespmem:s0+$0x4420]  }
0xda: {  	v5 =	vld [tilespmem:s0+$0x4440]  }
0xdb: {  	v6 =	vld [tilespmem:s0+$0x4430]  }
0xdc: {  	v7 =	vld [tilespmem:s0+$0x4450]  }
0xdd: {  	v8 =	vld [tilespmem:s0+$0x4410];
	v3 =	vmul.f32 $3.200000000e+01, v3  }
0xde: {  	v9 =	vld [tilespmem:s0+$0x4400];
	v4 =	vmul.f32 $3.200000000e+01, v4  }
0xdf: {  	v10 =	vld [tilespmem:s0+$0x4460];
	v5 =	vmul.f32 $3.200000000e+01, v5;
	[tilespmem:s0+$0x4470] =	vst v3  }
0xe0: {  	[tilespmem:s0+$0x4420] =	vst v4;
	v3 =	vmul.f32 $3.200000000e+01, v6  }
0xe1: {  	[tilespmem:s0+$0x4440] =	vst v5;
	v4 =	vmul.f32 $3.200000000e+01, v7  }
0xe2: {  	v5 =	vmul.f32 $3.200000000e+01, v8;
	[tilespmem:s0+$0x4430] =	vst v3  }
0xe3: {  	v3 =	vmul.f32 $3.200000000e+01, v9;
	[tilespmem:s0+$0x4450] =	vst v4  }
0xe4: {  	s19 =	sand.u32 $0xFFFFE000, s13;
	[tilespmem:s0+$0x4410] =	vst v5;
	v4 =	vmul.f32 $3.200000000e+01, v10  }
0xe5: {  	s16 =	sadd.s32 $0x0, s19;
	[tilespmem:s0+$0x4400] =	vst v3  }
0xe6: {  	s14 =	sor.u32 $0x4400, s16;
	[tilespmem:s0+$0x4460] =	vst v4  }
0xe7: {  	v3 =	vld [tilespmem:s14+$0x470]  }
0xe8: {  	v4 =	vld [tilespmem:s14+$0x460]  }
0xe9: {  	v5 =	vld [tilespmem:s14+$0x450]  }
0xea: {  	v6 =	vld [tilespmem:s14+$0x430]  }
0xeb: {  	v7 =	vld [tilespmem:s14+$0x440]  }
0xec: {  	v8 =	vld [tilespmem:s14+$0x420];
	v3 =	vmul.f32 $3.200000000e+01, v3  }
0xed: {  	v59 =	vld [tilespmem:s14+$0x410];
	v4 =	vmul.f32 $3.200000000e+01, v4  }
0xee: {  	v60 =	vld [tilespmem:s14+$0x400];
	v5 =	vmul.f32 $3.200000000e+01, v5;
	[tilespmem:s14+$0x470] =	vst v3  }
0xef: {  	v3 =	vmul.f32 $3.200000000e+01, v6;
	[tilespmem:s14+$0x460] =	vst v4  }
0xf0: {  	v4 =	vmul.f32 $3.200000000e+01, v7;
	[tilespmem:s14+$0x450] =	vst v5  }
0xf1: {  	v5 =	vmul.f32 $3.200000000e+01, v8;
	[tilespmem:s14+$0x430] =	vst v3  }
0xf2: {  	v3 =	vmul.f32 $3.200000000e+01, v59;
	[tilespmem:s14+$0x440] =	vst v4  }
0xf3: {  	v4 =	vmul.f32 $3.200000000e+01, v60;
	[tilespmem:s14+$0x420] =	vst v5  }
0xf4: {  	[tilespmem:s14+$0x410] =	vst v3  }
0xf5: {  	[tilespmem:s14+$0x400] =	vst v4;
	v3 =	vld [tilespmem:s0+$0x4C40]  }
0xf6: {  	v4 =	vld [tilespmem:s0+$0x4C70]  }
0xf7: {  	v5 =	vld [tilespmem:s0+$0x4C60]  }
0xf8: {  	v6 =	vld [tilespmem:s0+$0x4C50]  }
0xf9: {  	v7 =	vld [tilespmem:s0+$0x4C10]  }
0xfa: {  	v8 =	vld [tilespmem:s0+$0x4C30];
	v3 =	vmul.f32 $3.200000000e+01, v3  }
0xfb: {  	v61 =	vld [tilespmem:s0+$0x4C00];
	v4 =	vmul.f32 $3.200000000e+01, v4  }
0xfc: {  	v62 =	vld [tilespmem:s0+$0x4C20];
	[tilespmem:s0+$0x4C40] =	vst v3;
	v3 =	vmul.f32 $3.200000000e+01, v5  }
0xfd: {  	v5 =	vmul.f32 $3.200000000e+01, v6;
	[tilespmem:s0+$0x4C70] =	vst v4  }
0xfe: {  	v4 =	vmul.f32 $3.200000000e+01, v7;
	[tilespmem:s0+$0x4C60] =	vst v3  }
0xff: {  	v3 =	vmul.f32 $3.200000000e+01, v8;
	[tilespmem:s0+$0x4C50] =	vst v5  }
0x100: {  	v5 =	vmul.f32 $3.200000000e+01, v61;
	[tilespmem:s0+$0x4C10] =	vst v4  }
0x101: {  	v4 =	vmul.f32 $3.200000000e+01, v62;
	[tilespmem:s0+$0x4C30] =	vst v3  }
0x102: {  	[tilespmem:s0+$0x4C00] =	vst v5  }
0x103: {  	s21 =	sor.u32 $0x4C00, s16;
	[tilespmem:s0+$0x4C20] =	vst v4  }
0x104: {  	v3 =	vld [tilespmem:s21+$0x460]  }
0x105: {  	v4 =	vld [tilespmem:s21+$0x450]  }
0x106: {  	v5 =	vld [tilespmem:s21+$0x440]  }
0x107: {  	v6 =	vld [tilespmem:s21+$0x420]  }
0x108: {  	v7 =	vld [tilespmem:s21+$0x400]  }
0x109: {  	v8 =	vld [tilespmem:s21+$0x430];
	v3 =	vmul.f32 $3.200000000e+01, v3  }
0x10a: {  	v63 =	vld [tilespmem:s21+$0x410];
	v4 =	vmul.f32 $3.200000000e+01, v4  }
0x10b: {  	v5 =	vmul.f32 $3.200000000e+01, v5;
	[tilespmem:s21+$0x460] =	vst v3;
	v3 =	vld [tilespmem:s21+$0x470]  }
0x10c: {  	v6 =	vmul.f32 $3.200000000e+01, v6;
	[tilespmem:s21+$0x450] =	vst v4  }
0x10d: {  	v4 =	vmul.f32 $3.200000000e+01, v7;
	[tilespmem:s21+$0x440] =	vst v5  }
0x10e: {  	[tilespmem:s21+$0x420] =	vst v6;
	v5 =	vmul.f32 $3.200000000e+01, v8  }
0x10f: {  	[tilespmem:s21+$0x400] =	vst v4;
	v4 =	vmul.f32 $3.200000000e+01, v63  }
0x110: {  	[tilespmem:s21+$0x430] =	vst v5;
	v3 =	vmul.f32 $3.200000000e+01, v3  }
0x111: {  	[tilespmem:s21+$0x410] =	vst v4  }
0x112: {  	[tilespmem:s21+$0x470] =	vst v3  }
0x113: {  	v5 =	vld [tilespmem:s0+$0x5420]  }
0x114: {  	v6 =	vld [tilespmem:s0+$0x5410]  }
0x115: {  	v4 =	vld [tilespmem:s0+$0x5430]  }
0x116: {  	s15 =	simm.s32 $0x400;
	s14 =	sor.u32 s13, s13;
	v3 =	vld [tilespmem:s0+$0x5400]  }
.LBB2_5:
0x117: {  	p0 =	sne.s32 s15, $0x3C00  }
0x118: {  	v7 =	vld [tilespmem:s0+$0x5440];
	s13 =	sadd.s32 $0x80, s13;
	s19 =	smov.u32 s15;
	s15 =	sadd.s32 $0x400, s15  }
0x119: {  	s21 =	sor.u32 s19, s13;
	v8 =	vld [tilespmem:s0+$0x5450]  }
0x11a: {  	v6 =	vmul.f32 $3.200000000e+01, v6;
	v9 =	vld [tilespmem:s0+$0x5460]  }
0x11b: {  	v5 =	vmul.f32 $3.200000000e+01, v5;
	v10 =	vld [tilespmem:s0+$0x5470]  }
0x11c: {  	v4 =	vmul.f32 $3.200000000e+01, v4;
	v3 =	vmul.f32 $3.200000000e+01, v3;
	[tilespmem:s0+$0x5410] =	vst v6  }
0x11d: {  	[tilespmem:s0+$0x5420] =	vst v5;
	v5 =	vmul.f32 $3.200000000e+01, v7  }
0x11e: {  	[tilespmem:s0+$0x5430] =	vst v4;
	v4 =	vmul.f32 $3.200000000e+01, v8  }
0x11f: {  	[tilespmem:s0+$0x5440] =	vst v5;
	v5 =	vmul.f32 $3.200000000e+01, v9  }
0x120: {  	[tilespmem:s0+$0x5450] =	vst v4;
	v4 =	vmul.f32 $3.200000000e+01, v10  }
0x121: {  	[tilespmem:s0+$0x5460] =	vst v5  }
0x122: {  	[tilespmem:s0+$0x5470] =	vst v4  }
0x123: {  	s16 =	sor.u32 $0x5400, s16;
	[tilespmem:s0+$0x5400] =	vst v3  }
0x124: {  	v3 =	vld [tilespmem:s16+$0x440]  }
0x125: {  	v4 =	vld [tilespmem:s16+$0x410]  }
0x126: {  	v5 =	vld [tilespmem:s16+$0x420]  }
0x127: {  	v6 =	vld [tilespmem:s16+$0x430]  }
0x128: {  	v7 =	vld [tilespmem:s16+$0x400]  }
0x129: {  	v8 =	vld [tilespmem:s16+$0x450]  }
0x12a: {  	v4 =	vmul.f32 $3.200000000e+01, v4;
	v9 =	vld [tilespmem:s16+$0x460]  }
0x12b: {  	v5 =	vmul.f32 $3.200000000e+01, v5;
	v10 =	vld [tilespmem:s16+$0x470]  }
0x12c: {  	[tilespmem:s16+$0x410] =	vst v4;
	v4 =	vmul.f32 $3.200000000e+01, v6  }
0x12d: {  	v3 =	vmul.f32 $3.200000000e+01, v3;
	v6 =	vmul.f32 $3.200000000e+01, v7;
	[tilespmem:s16+$0x420] =	vst v5  }
0x12e: {  	[tilespmem:s16+$0x430] =	vst v4;
	v4 =	vmul.f32 $3.200000000e+01, v8  }
0x12f: {  	[tilespmem:s16+$0x440] =	vst v3;
	v3 =	vmul.f32 $3.200000000e+01, v9  }
0x130: {  	[tilespmem:s16+$0x450] =	vst v4;
	v4 =	vmul.f32 $3.200000000e+01, v10  }
0x131: {  	[tilespmem:s16+$0x460] =	vst v3  }
0x132: {  	[tilespmem:s16+$0x470] =	vst v4  }
0x133: {  	[tilespmem:s16+$0x400] =	vst v6;
	v3 =	vld [tilespmem:s0+$0x5C40]  }
0x134: {  	v4 =	vld [tilespmem:s0+$0x5C30]  }
0x135: {  	v5 =	vld [tilespmem:s0+$0x5C10]  }
0x136: {  	v6 =	vld [tilespmem:s0+$0x5C20]  }
0x137: {  	v7 =	vld [tilespmem:s0+$0x5C00]  }
0x138: {  	v3 =	vmul.f32 $3.200000000e+01, v3;
	v8 =	vld [tilespmem:s0+$0x5C50]  }
0x139: {  	v9 =	vld [tilespmem:s0+$0x5C70]  }
0x13a: {  	v5 =	vmul.f32 $3.200000000e+01, v5;
	[tilespmem:s0+$0x5C40] =	vst v3;
	v3 =	vld [tilespmem:s0+$0x5C60]  }
0x13b: {  	v6 =	vmul.f32 $3.200000000e+01, v6  }
0x13c: {  	v4 =	vmul.f32 $3.200000000e+01, v4;
	[tilespmem:s0+$0x5C10] =	vst v5  }
0x13d: {  	[tilespmem:s0+$0x5C20] =	vst v6;
	v5 =	vmul.f32 $3.200000000e+01, v8  }
0x13e: {  	v6 =	vmul.f32 $3.200000000e+01, v7;
	[tilespmem:s0+$0x5C30] =	vst v4  }
0x13f: {  	[tilespmem:s0+$0x5C50] =	vst v5;
	v3 =	vmul.f32 $3.200000000e+01, v3  }
0x140: {  	v4 =	vmul.f32 $3.200000000e+01, v9;
	[tilespmem:s0+$0x5C00] =	vst v6  }
0x141: {  	[tilespmem:s0+$0x5C60] =	vst v3  }
0x142: {  	s16 =	sor.u32 $0x5C00, s14;
	s14 =	smov.u32 s21;
	[tilespmem:s0+$0x5C70] =	vst v4  }
0x143: {  	v3 =	vld [tilespmem:s16+$0x400]  }
0x144: {  	v4 =	vld [tilespmem:s16+$0x410]  }
0x145: {  	v5 =	vld [tilespmem:s16+$0x420]  }
0x146: {  	v6 =	vld [tilespmem:s16+$0x430]  }
0x147: {  	v7 =	vld [tilespmem:s16+$0x440]  }
0x148: {  	v3 =	vmul.f32 $3.200000000e+01, v3;
	v8 =	vld [tilespmem:s16+$0x450]  }
0x149: {  	v4 =	vmul.f32 $3.200000000e+01, v4;
	v9 =	vld [tilespmem:s16+$0x460]  }
0x14a: {  	[tilespmem:s16+$0x400] =	vst v3;
	v3 =	vmul.f32 $3.200000000e+01, v5;
	v5 =	vld [tilespmem:s16+$0x470]  }
0x14b: {  	[tilespmem:s16+$0x410] =	vst v4;
	v4 =	vmul.f32 $3.200000000e+01, v6  }
0x14c: {  	[tilespmem:s16+$0x420] =	vst v3;
	v3 =	vmul.f32 $3.200000000e+01, v7  }
0x14d: {  	[tilespmem:s16+$0x430] =	vst v4;
	v4 =	vmul.f32 $3.200000000e+01, v8  }
0x14e: {  	[tilespmem:s16+$0x440] =	vst v3;
	v3 =	vmul.f32 $3.200000000e+01, v9  }
0x14f: {  	[tilespmem:s16+$0x450] =	vst v4;
	v4 =	vmul.f32 $3.200000000e+01, v5  }
0x150: {  	s21 =	sand.u32 $0x380, s13;
	s0 =	sand.u32 $0x2000, s19;
	[tilespmem:s16+$0x460] =	vst v3  }
0x151: {  	s0 =	sor.u32 s21, s0;
	[tilespmem:s16+$0x470] =	vst v4  }
0x152: {  	v3 =	vld [tilespmem:s0+$0x4470]  }
0x153: {  	v4 =	vld [tilespmem:s0+$0x4420]  }
0x154: {  	v5 =	vld [tilespmem:s0+$0x4440]  }
0x155: {  	v6 =	vld [tilespmem:s0+$0x4430]  }
0x156: {  	v7 =	vld [tilespmem:s0+$0x4450]  }
0x157: {  	v8 =	vld [tilespmem:s0+$0x4410];
	v3 =	vmul.f32 $3.200000000e+01, v3  }
0x158: {  	v9 =	vld [tilespmem:s0+$0x4400];
	v4 =	vmul.f32 $3.200000000e+01, v4  }
0x159: {  	v5 =	vmul.f32 $3.200000000e+01, v5;
	v10 =	vld [tilespmem:s0+$0x4460];
	[tilespmem:s0+$0x4470] =	vst v3  }
0x15a: {  	[tilespmem:s0+$0x4420] =	vst v4;
	v3 =	vmul.f32 $3.200000000e+01, v6  }
0x15b: {  	[tilespmem:s0+$0x4440] =	vst v5;
	v4 =	vmul.f32 $3.200000000e+01, v7  }
0x15c: {  	v5 =	vmul.f32 $3.200000000e+01, v8;
	[tilespmem:s0+$0x4430] =	vst v3  }
0x15d: {  	v3 =	vmul.f32 $3.200000000e+01, v9;
	[tilespmem:s0+$0x4450] =	vst v4  }
0x15e: {  	s16 =	sand.u32 $0xFFFFE000, s19;
	[tilespmem:s0+$0x4410] =	vst v5;
	v4 =	vmul.f32 $3.200000000e+01, v10  }
0x15f: {  	s16 =	sadd.s32 s16, s13;
	[tilespmem:s0+$0x4400] =	vst v3  }
0x160: {  	s19 =	sor.u32 $0x4400, s16;
	[tilespmem:s0+$0x4460] =	vst v4  }
0x161: {  	v3 =	vld [tilespmem:s19+$0x470]  }
0x162: {  	v4 =	vld [tilespmem:s19+$0x460]  }
0x163: {  	v5 =	vld [tilespmem:s19+$0x450]  }
0x164: {  	v6 =	vld [tilespmem:s19+$0x430]  }
0x165: {  	v7 =	vld [tilespmem:s19+$0x440]  }
0x166: {  	v8 =	vld [tilespmem:s19+$0x420];
	v3 =	vmul.f32 $3.200000000e+01, v3  }
0x167: {  	v9 =	vld [tilespmem:s19+$0x410];
	v4 =	vmul.f32 $3.200000000e+01, v4  }
0x168: {  	v10 =	vld [tilespmem:s19+$0x400];
	v5 =	vmul.f32 $3.200000000e+01, v5;
	[tilespmem:s19+$0x470] =	vst v3  }
0x169: {  	v3 =	vmul.f32 $3.200000000e+01, v6;
	[tilespmem:s19+$0x460] =	vst v4  }
0x16a: {  	v4 =	vmul.f32 $3.200000000e+01, v7;
	[tilespmem:s19+$0x450] =	vst v5  }
0x16b: {  	v5 =	vmul.f32 $3.200000000e+01, v8;
	[tilespmem:s19+$0x430] =	vst v3  }
0x16c: {  	v3 =	vmul.f32 $3.200000000e+01, v9;
	[tilespmem:s19+$0x440] =	vst v4  }
0x16d: {  	v4 =	vmul.f32 $3.200000000e+01, v10;
	[tilespmem:s19+$0x420] =	vst v5  }
0x16e: {  	[tilespmem:s19+$0x410] =	vst v3  }
0x16f: {  	[tilespmem:s19+$0x400] =	vst v4;
	v3 =	vld [tilespmem:s0+$0x4C40]  }
0x170: {  	v4 =	vld [tilespmem:s0+$0x4C70]  }
0x171: {  	v5 =	vld [tilespmem:s0+$0x4C60]  }
0x172: {  	v6 =	vld [tilespmem:s0+$0x4C50]  }
0x173: {  	v7 =	vld [tilespmem:s0+$0x4C10]  }
0x174: {  	v8 =	vld [tilespmem:s0+$0x4C30];
	v3 =	vmul.f32 $3.200000000e+01, v3  }
0x175: {  	v9 =	vld [tilespmem:s0+$0x4C00];
	v4 =	vmul.f32 $3.200000000e+01, v4  }
0x176: {  	v10 =	vld [tilespmem:s0+$0x4C20];
	[tilespmem:s0+$0x4C40] =	vst v3;
	v3 =	vmul.f32 $3.200000000e+01, v5  }
0x177: {  	v5 =	vmul.f32 $3.200000000e+01, v6;
	[tilespmem:s0+$0x4C70] =	vst v4  }
0x178: {  	v4 =	vmul.f32 $3.200000000e+01, v7;
	[tilespmem:s0+$0x4C60] =	vst v3  }
0x179: {  	v3 =	vmul.f32 $3.200000000e+01, v8;
	[tilespmem:s0+$0x4C50] =	vst v5  }
0x17a: {  	v5 =	vmul.f32 $3.200000000e+01, v9;
	[tilespmem:s0+$0x4C10] =	vst v4  }
0x17b: {  	v4 =	vmul.f32 $3.200000000e+01, v10;
	[tilespmem:s0+$0x4C30] =	vst v3  }
0x17c: {  	[tilespmem:s0+$0x4C00] =	vst v5  }
0x17d: {  	s19 =	sor.u32 $0x4C00, s16;
	[tilespmem:s0+$0x4C20] =	vst v4  }
0x17e: {  	v3 =	vld [tilespmem:s19+$0x460]  }
0x17f: {  	v4 =	vld [tilespmem:s19+$0x450]  }
0x180: {  	v5 =	vld [tilespmem:s19+$0x440]  }
0x181: {  	v6 =	vld [tilespmem:s19+$0x420]  }
0x182: {  	v7 =	vld [tilespmem:s19+$0x400]  }
0x183: {  	v8 =	vld [tilespmem:s19+$0x430];
	v3 =	vmul.f32 $3.200000000e+01, v3  }
0x184: {  	v9 =	vld [tilespmem:s19+$0x410];
	v4 =	vmul.f32 $3.200000000e+01, v4  }
0x185: {  	v5 =	vmul.f32 $3.200000000e+01, v5;
	[tilespmem:s19+$0x460] =	vst v3;
	v3 =	vld [tilespmem:s19+$0x470]  }
0x186: {  	v6 =	vmul.f32 $3.200000000e+01, v6;
	[tilespmem:s19+$0x450] =	vst v4  }
0x187: {  	v4 =	vmul.f32 $3.200000000e+01, v7;
	[tilespmem:s19+$0x440] =	vst v5  }
0x188: {  	[tilespmem:s19+$0x420] =	vst v6;
	v5 =	vmul.f32 $3.200000000e+01, v8  }
0x189: {  	[tilespmem:s19+$0x400] =	vst v4;
	v4 =	vmul.f32 $3.200000000e+01, v9  }
0x18a: {  	[tilespmem:s19+$0x430] =	vst v5;
	v3 =	vmul.f32 $3.200000000e+01, v3  }
0x18b: {  	[tilespmem:s19+$0x410] =	vst v4  }
.Ltmp1:
0x18c: {  	[tilespmem:s19+$0x470] =	vst v3;
	(pc) =	sbr.rel @p0 .LBB2_5-.Ltmp1, $4  }
0x18d: {  	v5 =	vld [tilespmem:s0+$0x5420]  }
0x18e: {  	v6 =	vld [tilespmem:s0+$0x5410]  }
0x18f: {  	v4 =	vld [tilespmem:s0+$0x5430]  }
0x190: {  	v3 =	vld [tilespmem:s0+$0x5400]  }
0x191: {  	v7 =	vld [tilespmem:s0+$0x5440]  }
0x192: {  	v8 =	vld [tilespmem:s0+$0x5450];
	v5 =	vmul.f32 $3.200000000e+01, v5  }
0x193: {  	v9 =	vld [tilespmem:s0+$0x5460];
	v6 =	vmul.f32 $3.200000000e+01, v6  }
0x194: {  	v10 =	vld [tilespmem:s0+$0x5470];
	v4 =	vmul.f32 $3.200000000e+01, v4;
	[tilespmem:s0+$0x5420] =	vst v5  }
0x195: {  	[tilespmem:s0+$0x5410] =	vst v6;
	v3 =	vmul.f32 $3.200000000e+01, v3  }
0x196: {  	v5 =	vmul.f32 $3.200000000e+01, v7;
	[tilespmem:s0+$0x5430] =	vst v4  }
0x197: {  	v4 =	vmul.f32 $3.200000000e+01, v8;
	[tilespmem:s0+$0x5400] =	vst v3  }
0x198: {  	[tilespmem:s0+$0x5440] =	vst v5;
	v5 =	vmul.f32 $3.200000000e+01, v9  }
0x199: {  	[tilespmem:s0+$0x5450] =	vst v4;
	v4 =	vmul.f32 $3.200000000e+01, v10  }
0x19a: {  	[tilespmem:s0+$0x5460] =	vst v5  }
0x19b: {  	s13 =	sor.u32 $0x5400, s16;
	[tilespmem:s0+$0x5470] =	vst v4  }
0x19c: {  	v3 =	vld [tilespmem:s13+$0x410]  }
0x19d: {  	v4 =	vld [tilespmem:s13+$0x420]  }
0x19e: {  	v5 =	vld [tilespmem:s13+$0x430]  }
0x19f: {  	v6 =	vld [tilespmem:s13+$0x440]  }
0x1a0: {  	v7 =	vld [tilespmem:s13+$0x450]  }
0x1a1: {  	v8 =	vld [tilespmem:s13+$0x460];
	v3 =	vmul.f32 $3.200000000e+01, v3  }
0x1a2: {  	v54 =	vld [tilespmem:s13+$0x470];
	v4 =	vmul.f32 $3.200000000e+01, v4  }
0x1a3: {  	[tilespmem:s13+$0x410] =	vst v3;
	v3 =	vmul.f32 $3.200000000e+01, v5;
	v5 =	vld [tilespmem:s13+$0x400]  }
0x1a4: {  	[tilespmem:s13+$0x420] =	vst v4;
	v4 =	vmul.f32 $3.200000000e+01, v6  }
0x1a5: {  	[tilespmem:s13+$0x430] =	vst v3;
	v3 =	vmul.f32 $3.200000000e+01, v7  }
0x1a6: {  	[tilespmem:s13+$0x440] =	vst v4;
	v4 =	vmul.f32 $3.200000000e+01, v8  }
0x1a7: {  	[tilespmem:s13+$0x450] =	vst v3;
	v3 =	vmul.f32 $3.200000000e+01, v54  }
0x1a8: {  	[tilespmem:s13+$0x460] =	vst v4;
	v4 =	vmul.f32 $3.200000000e+01, v5  }
0x1a9: {  	[tilespmem:s13+$0x470] =	vst v3  }
0x1aa: {  	v3 =	vld [tilespmem:s0+$0x5C40];
	[tilespmem:s13+$0x400] =	vst v4  }
0x1ab: {  	v4 =	vld [tilespmem:s0+$0x5C30]  }
0x1ac: {  	v6 =	vld [tilespmem:s0+$0x5C20]  }
0x1ad: {  	v5 =	vld [tilespmem:s0+$0x5C10]  }
0x1ae: {  	v55 =	vld [tilespmem:s0+$0x5C00]  }
0x1af: {  	v7 =	vld [tilespmem:s0+$0x5C50]  }
0x1b0: {  	v3 =	vmul.f32 $3.200000000e+01, v3  }
0x1b1: {  	v8 =	vld [tilespmem:s0+$0x5C70];
	v6 =	vmul.f32 $3.200000000e+01, v6  }
0x1b2: {  	[tilespmem:s0+$0x5C40] =	vst v3;
	v3 =	vmul.f32 $3.200000000e+01, v5;
	v5 =	vld [tilespmem:s0+$0x5C60]  }
0x1b3: {  	[tilespmem:s0+$0x5C20] =	vst v6;
	v6 =	vmul.f32 $3.200000000e+01, v55  }
0x1b4: {  	[tilespmem:s0+$0x5C10] =	vst v3;
	v3 =	vmul.f32 $3.200000000e+01, v4;
	v4 =	vmul.f32 $3.200000000e+01, v7  }
0x1b5: {  	[tilespmem:s0+$0x5C00] =	vst v6  }
0x1b6: {  	[tilespmem:s0+$0x5C50] =	vst v4;
	v4 =	vmul.f32 $3.200000000e+01, v8  }
0x1b7: {  	[tilespmem:s0+$0x5C30] =	vst v3;
	v3 =	vmul.f32 $3.200000000e+01, v5  }
0x1b8: {  	[tilespmem:s0+$0x5C70] =	vst v4  }
0x1b9: {  	s13 =	sor.u32 $0x5C00, s14;
	[tilespmem:s0+$0x5C60] =	vst v3  }
0x1ba: {  	v3 =	vld [tilespmem:s13+$0x400]  }
0x1bb: {  	v4 =	vld [tilespmem:s13+$0x410]  }
0x1bc: {  	v5 =	vld [tilespmem:s13+$0x420]  }
0x1bd: {  	v6 =	vld [tilespmem:s13+$0x430]  }
0x1be: {  	v7 =	vld [tilespmem:s13+$0x440]  }
0x1bf: {  	v8 =	vld [tilespmem:s13+$0x450];
	v3 =	vmul.f32 $3.200000000e+01, v3  }
0x1c0: {  	v56 =	vld [tilespmem:s13+$0x460];
	v4 =	vmul.f32 $3.200000000e+01, v4  }
0x1c1: {  	[tilespmem:s13+$0x400] =	vst v3;
	v3 =	vmul.f32 $3.200000000e+01, v5;
	v5 =	vld [tilespmem:s13+$0x470]  }
0x1c2: {  	[tilespmem:s13+$0x410] =	vst v4;
	v4 =	vmul.f32 $3.200000000e+01, v6  }
0x1c3: {  	[tilespmem:s13+$0x420] =	vst v3;
	v3 =	vmul.f32 $3.200000000e+01, v7  }
0x1c4: {  	[tilespmem:s13+$0x430] =	vst v4;
	v4 =	vmul.f32 $3.200000000e+01, v8  }
0x1c5: {  	[tilespmem:s13+$0x440] =	vst v3;
	v3 =	vmul.f32 $3.200000000e+01, v56  }
0x1c6: {  	[tilespmem:s13+$0x450] =	vst v4;
	v4 =	vmul.f32 $3.200000000e+01, v5  }
0x1c7: {  	[tilespmem:s13+$0x460] =	vst v3  }
0x1c8: {  	s14 =	sadd.s32 s10, s2;
	[tilespmem:s13+$0x470] =	vst v4  }
0x1c9: {  	[hbm4b:s14+s3] =	stream.linear.scatter [tilespmem:s20], [sflag:$0x6], $0x4000, $0x38;
	[tilespmem:$0x10400] =	vst v63  }
0x1ca: {  	_ =	swait.ge [sflag:s28], $0x4000  }
0x1cb: {  	p0 =	seq.s32 s11, $0xF;
	[sflag:s28] =	ssyncset.done $0x0  }
0x1cc: {  	s0 =	simm.s32 @!p0 $0x5;
	[sflag:s28] =	ssyncadd.s32 $0xFFFFC000  }
0x1cd: {  	_ =	swait.ge @!p0 [sflag:s0], $0x4000  }
0x1ce: {  	s2 =	sshll.u32 @!p0 s11, $0x6;
	[sflag:s0] =	ssyncset.done @!p0 $0x0  }
0x1cf: {  	s2 =	sand.u32 @!p0 $0x3FFFFFC0, s2;
	[sflag:s0] =	ssyncadd.s32 @!p0 $0xFFFFC000  }
0x1d0: {  	v3 =	vld @!p0 [tilespmem:s2+$0x40];
	_ =	sdelay $0x4  }
0x1d1: {  	v4 =	vshll.u32 @!p0 v3, $0x3  }
0x1d2: {  	v5 =	vlaneseq.u32 @!p0;
	v3 =	vand.u32 @!p0 $0x7, v3;
	v4 =	vand.u32 @!p0 $0xFFFFFFC0, v4  }
0x1d3: {  	v6 =	vshrl.u32 @!p0 v5, $0x3;
	v3 =	vor.u32 @!p0 v3, v4;
	v4 =	vand.u32 @!p0 $0x7, v5  }
0x1d4: {  	v6 =	vmul.u32 @!p0 $0x8, v6;
	v4 =	vperm.xlane @!p0 v3, v4;
	_ =	sdelay $0x1  }
0x1d5: {  	v4 =	vadd.s32 @!p0 v6, v4;
	_ =	sdelay $0x3  }
0x1d6: {  	vm1 =	vmmov @!p0 $0xffff;
	s13 =	simm.s32 @!p0 $0x400;
	s0 =	simm.s32 @!p0 $0x0  }
0x1d7: {  	v5 =	vor.u32 @!p0 $0x8, v5;
	[tilespmem:s13], [sflag:$0x1] =	stream.indirect_vreg.gather @!p0 [hbm4b:s1+s0], $0x80, v4, vm1, $0xb8;
	[tilespmem:$0x10400] =	vst v63  }
0x1d8: {  	v3 =	vperm.xlane @!p0 v3, v5;
	s13 =	simm.s32 @!p0 $0xC00  }
0x1d9: {  	[tilespmem:s13], [sflag:$0x1] =	stream.indirect_vreg.gather @!p0 [hbm4b:s5+s0], $0x80, v4, vm1, $0xb8;
	[tilespmem:$0x10400] =	vst v63  }
0x1da: {  	v3 =	vadd.s32 @!p0 v6, v3;
	s13 =	simm.s32 @!p0 $0x1400  }
0x1db: {  	[tilespmem:s13], [sflag:$0x1] =	stream.indirect_vreg.gather @!p0 [hbm4b:s6+s0], $0x80, v4, vm1, $0xb8;
	[tilespmem:$0x10400] =	vst v63  }
0x1dc: {  	s13 =	simm.s32 @!p0 $0x1C00  }
0x1dd: {  	[tilespmem:s13], [sflag:$0x1] =	stream.indirect_vreg.gather @!p0 [hbm4b:s8+s0], $0x80, v4, vm1, $0xb8;
	[tilespmem:$0x10400] =	vst v63  }
0x1de: {  	s13 =	simm.s32 @!p0 $0x2400  }
0x1df: {  	[tilespmem:s13], [sflag:$0x1] =	stream.indirect_vreg.gather @!p0 [hbm4b:s1+s0], $0x80, v3, vm1, $0xb8;
	[tilespmem:$0x10400] =	vst v63  }
0x1e0: {  	s13 =	simm.s32 @!p0 $0x2C00  }
0x1e1: {  	[tilespmem:s13], [sflag:$0x1] =	stream.indirect_vreg.gather @!p0 [hbm4b:s5+s0], $0x80, v3, vm1, $0xb8;
	[tilespmem:$0x10400] =	vst v63  }
0x1e2: {  	s13 =	simm.s32 @!p0 $0x3400  }
0x1e3: {  	[tilespmem:s13], [sflag:$0x1] =	stream.indirect_vreg.gather @!p0 [hbm4b:s6+s0], $0x80, v3, vm1, $0xb8;
	[tilespmem:$0x10400] =	vst v63  }
0x1e4: {  	s13 =	simm.s32 @!p0 $0x3C00  }
0x1e5: {  	[tilespmem:s13], [sflag:$0x1] =	stream.indirect_vreg.gather @!p0 [hbm4b:s8+s0], $0x80, v3, vm1, $0xb8;
	[tilespmem:$0x10400] =	vst v63  }
0x1e6: {  	s13 =	simm.s32 $0x0  }
0x1e7: {  	s15 =	sand.u32 $0x2000, s13;
	s16 =	sand.u32 $0x380, s13  }
0x1e8: {  	s0 =	sor.u32 s16, s15  }
0x1e9: {  	v3 =	vld [tilespmem:s0+$0x8470]  }
0x1ea: {  	v4 =	vld [tilespmem:s0+$0x8420]  }
0x1eb: {  	v5 =	vld [tilespmem:s0+$0x8440]  }
0x1ec: {  	v6 =	vld [tilespmem:s0+$0x8430]  }
0x1ed: {  	v7 =	vld [tilespmem:s0+$0x8450]  }
0x1ee: {  	v8 =	vld [tilespmem:s0+$0x8410];
	v3 =	vmul.f32 $3.200000000e+01, v3  }
0x1ef: {  	v57 =	vld [tilespmem:s0+$0x8400];
	v4 =	vmul.f32 $3.200000000e+01, v4  }
0x1f0: {  	v58 =	vld [tilespmem:s0+$0x8460];
	v5 =	vmul.f32 $3.200000000e+01, v5;
	[tilespmem:s0+$0x8470] =	vst v3  }
0x1f1: {  	[tilespmem:s0+$0x8420] =	vst v4;
	v3 =	vmul.f32 $3.200000000e+01, v6  }
0x1f2: {  	[tilespmem:s0+$0x8440] =	vst v5;
	v4 =	vmul.f32 $3.200000000e+01, v7  }
0x1f3: {  	v5 =	vmul.f32 $3.200000000e+01, v8;
	[tilespmem:s0+$0x8430] =	vst v3  }
0x1f4: {  	v3 =	vmul.f32 $3.200000000e+01, v57;
	[tilespmem:s0+$0x8450] =	vst v4  }
0x1f5: {  	s19 =	sand.u32 $0xFFFFE000, s13;
	[tilespmem:s0+$0x8410] =	vst v5;
	v4 =	vmul.f32 $3.200000000e+01, v58  }
0x1f6: {  	s16 =	sadd.s32 $0x0, s19;
	[tilespmem:s0+$0x8400] =	vst v3  }
0x1f7: {  	s14 =	sor.u32 $0x8400, s16;
	[tilespmem:s0+$0x8460] =	vst v4  }
0x1f8: {  	v3 =	vld [tilespmem:s14+$0x470]  }
0x1f9: {  	v4 =	vld [tilespmem:s14+$0x460]  }
0x1fa: {  	v5 =	vld [tilespmem:s14+$0x450]  }
0x1fb: {  	v6 =	vld [tilespmem:s14+$0x430]  }
0x1fc: {  	v7 =	vld [tilespmem:s14+$0x440]  }
0x1fd: {  	v8 =	vld [tilespmem:s14+$0x420];
	v3 =	vmul.f32 $3.200000000e+01, v3  }
0x1fe: {  	v59 =	vld [tilespmem:s14+$0x410];
	v4 =	vmul.f32 $3.200000000e+01, v4  }
0x1ff: {  	v60 =	vld [tilespmem:s14+$0x400];
	v5 =	vmul.f32 $3.200000000e+01, v5;
	[tilespmem:s14+$0x470] =	vst v3  }
0x200: {  	v3 =	vmul.f32 $3.200000000e+01, v6;
	[tilespmem:s14+$0x460] =	vst v4  }
0x201: {  	v4 =	vmul.f32 $3.200000000e+01, v7;
	[tilespmem:s14+$0x450] =	vst v5  }
0x202: {  	v5 =	vmul.f32 $3.200000000e+01, v8;
	[tilespmem:s14+$0x430] =	vst v3  }
0x203: {  	v3 =	vmul.f32 $3.200000000e+01, v59;
	[tilespmem:s14+$0x440] =	vst v4  }
0x204: {  	v4 =	vmul.f32 $3.200000000e+01, v60;
	[tilespmem:s14+$0x420] =	vst v5  }
0x205: {  	[tilespmem:s14+$0x410] =	vst v3  }
0x206: {  	[tilespmem:s14+$0x400] =	vst v4;
	v3 =	vld [tilespmem:s0+$0x8C40]  }
0x207: {  	v4 =	vld [tilespmem:s0+$0x8C70]  }
0x208: {  	v5 =	vld [tilespmem:s0+$0x8C60]  }
0x209: {  	v6 =	vld [tilespmem:s0+$0x8C50]  }
0x20a: {  	v7 =	vld [tilespmem:s0+$0x8C10]  }
0x20b: {  	v8 =	vld [tilespmem:s0+$0x8C30];
	v3 =	vmul.f32 $3.200000000e+01, v3  }
0x20c: {  	v61 =	vld [tilespmem:s0+$0x8C00];
	v4 =	vmul.f32 $3.200000000e+01, v4  }
0x20d: {  	v62 =	vld [tilespmem:s0+$0x8C20];
	[tilespmem:s0+$0x8C40] =	vst v3;
	v3 =	vmul.f32 $3.200000000e+01, v5  }
0x20e: {  	v5 =	vmul.f32 $3.200000000e+01, v6;
	[tilespmem:s0+$0x8C70] =	vst v4  }
0x20f: {  	v4 =	vmul.f32 $3.200000000e+01, v7;
	[tilespmem:s0+$0x8C60] =	vst v3  }
0x210: {  	v3 =	vmul.f32 $3.200000000e+01, v8;
	[tilespmem:s0+$0x8C50] =	vst v5  }
0x211: {  	v5 =	vmul.f32 $3.200000000e+01, v61;
	[tilespmem:s0+$0x8C10] =	vst v4  }
0x212: {  	v4 =	vmul.f32 $3.200000000e+01, v62;
	[tilespmem:s0+$0x8C30] =	vst v3  }
0x213: {  	[tilespmem:s0+$0x8C00] =	vst v5  }
0x214: {  	s21 =	sor.u32 $0x8C00, s16;
	[tilespmem:s0+$0x8C20] =	vst v4  }
0x215: {  	v3 =	vld [tilespmem:s21+$0x460]  }
0x216: {  	v4 =	vld [tilespmem:s21+$0x450]  }
0x217: {  	v5 =	vld [tilespmem:s21+$0x440]  }
0x218: {  	v6 =	vld [tilespmem:s21+$0x420]  }
0x219: {  	v7 =	vld [tilespmem:s21+$0x400]  }
0x21a: {  	v8 =	vld [tilespmem:s21+$0x430];
	v3 =	vmul.f32 $3.200000000e+01, v3  }
0x21b: {  	v63 =	vld [tilespmem:s21+$0x410];
	v4 =	vmul.f32 $3.200000000e+01, v4  }
0x21c: {  	v5 =	vmul.f32 $3.200000000e+01, v5;
	[tilespmem:s21+$0x460] =	vst v3;
	v3 =	vld [tilespmem:s21+$0x470]  }
0x21d: {  	v6 =	vmul.f32 $3.200000000e+01, v6;
	[tilespmem:s21+$0x450] =	vst v4  }
0x21e: {  	v4 =	vmul.f32 $3.200000000e+01, v7;
	[tilespmem:s21+$0x440] =	vst v5  }
0x21f: {  	[tilespmem:s21+$0x420] =	vst v6;
	v5 =	vmul.f32 $3.200000000e+01, v8  }
0x220: {  	[tilespmem:s21+$0x400] =	vst v4;
	v4 =	vmul.f32 $3.200000000e+01, v63  }
0x221: {  	[tilespmem:s21+$0x430] =	vst v5;
	v3 =	vmul.f32 $3.200000000e+01, v3  }
0x222: {  	[tilespmem:s21+$0x410] =	vst v4  }
0x223: {  	[tilespmem:s21+$0x470] =	vst v3  }
0x224: {  	v5 =	vld [tilespmem:s0+$0x9420]  }
0x225: {  	v6 =	vld [tilespmem:s0+$0x9410]  }
0x226: {  	v4 =	vld [tilespmem:s0+$0x9430]  }
0x227: {  	s15 =	simm.s32 $0x400;
	s14 =	sor.u32 s13, s13;
	v3 =	vld [tilespmem:s0+$0x9400]  }
.LBB2_7:
0x228: {  	p1 =	sne.s32 s15, $0x3C00  }
0x229: {  	v7 =	vld [tilespmem:s0+$0x9440];
	s13 =	sadd.s32 $0x80, s13;
	s19 =	smov.u32 s15;
	s15 =	sadd.s32 $0x400, s15  }
0x22a: {  	s21 =	sor.u32 s19, s13;
	v8 =	vld [tilespmem:s0+$0x9450]  }
0x22b: {  	v6 =	vmul.f32 $3.200000000e+01, v6;
	v9 =	vld [tilespmem:s0+$0x9460]  }
0x22c: {  	v5 =	vmul.f32 $3.200000000e+01, v5;
	v10 =	vld [tilespmem:s0+$0x9470]  }
0x22d: {  	v4 =	vmul.f32 $3.200000000e+01, v4;
	v3 =	vmul.f32 $3.200000000e+01, v3;
	[tilespmem:s0+$0x9410] =	vst v6  }
0x22e: {  	[tilespmem:s0+$0x9420] =	vst v5;
	v5 =	vmul.f32 $3.200000000e+01, v7  }
0x22f: {  	[tilespmem:s0+$0x9430] =	vst v4;
	v4 =	vmul.f32 $3.200000000e+01, v8  }
0x230: {  	[tilespmem:s0+$0x9440] =	vst v5;
	v5 =	vmul.f32 $3.200000000e+01, v9  }
0x231: {  	[tilespmem:s0+$0x9450] =	vst v4;
	v4 =	vmul.f32 $3.200000000e+01, v10  }
0x232: {  	[tilespmem:s0+$0x9460] =	vst v5  }
0x233: {  	[tilespmem:s0+$0x9470] =	vst v4  }
0x234: {  	s16 =	sor.u32 $0x9400, s16;
	[tilespmem:s0+$0x9400] =	vst v3  }
0x235: {  	v3 =	vld [tilespmem:s16+$0x440]  }
0x236: {  	v4 =	vld [tilespmem:s16+$0x410]  }
0x237: {  	v5 =	vld [tilespmem:s16+$0x420]  }
0x238: {  	v6 =	vld [tilespmem:s16+$0x430]  }
0x239: {  	v7 =	vld [tilespmem:s16+$0x400]  }
0x23a: {  	v8 =	vld [tilespmem:s16+$0x450]  }
0x23b: {  	v4 =	vmul.f32 $3.200000000e+01, v4;
	v9 =	vld [tilespmem:s16+$0x460]  }
0x23c: {  	v5 =	vmul.f32 $3.200000000e+01, v5;
	v10 =	vld [tilespmem:s16+$0x470]  }
0x23d: {  	[tilespmem:s16+$0x410] =	vst v4;
	v4 =	vmul.f32 $3.200000000e+01, v6  }
0x23e: {  	v3 =	vmul.f32 $3.200000000e+01, v3;
	v6 =	vmul.f32 $3.200000000e+01, v7;
	[tilespmem:s16+$0x420] =	vst v5  }
0x23f: {  	[tilespmem:s16+$0x430] =	vst v4;
	v4 =	vmul.f32 $3.200000000e+01, v8  }
0x240: {  	[tilespmem:s16+$0x440] =	vst v3;
	v3 =	vmul.f32 $3.200000000e+01, v9  }
0x241: {  	[tilespmem:s16+$0x450] =	vst v4;
	v4 =	vmul.f32 $3.200000000e+01, v10  }
0x242: {  	[tilespmem:s16+$0x460] =	vst v3  }
0x243: {  	[tilespmem:s16+$0x470] =	vst v4  }
0x244: {  	[tilespmem:s16+$0x400] =	vst v6;
	v3 =	vld [tilespmem:s0+$0x9C40]  }
0x245: {  	v4 =	vld [tilespmem:s0+$0x9C30]  }
0x246: {  	v5 =	vld [tilespmem:s0+$0x9C10]  }
0x247: {  	v6 =	vld [tilespmem:s0+$0x9C20]  }
0x248: {  	v7 =	vld [tilespmem:s0+$0x9C00]  }
0x249: {  	v3 =	vmul.f32 $3.200000000e+01, v3;
	v8 =	vld [tilespmem:s0+$0x9C50]  }
0x24a: {  	v9 =	vld [tilespmem:s0+$0x9C70]  }
0x24b: {  	v5 =	vmul.f32 $3.200000000e+01, v5;
	[tilespmem:s0+$0x9C40] =	vst v3;
	v3 =	vld [tilespmem:s0+$0x9C60]  }
0x24c: {  	v6 =	vmul.f32 $3.200000000e+01, v6  }
0x24d: {  	v4 =	vmul.f32 $3.200000000e+01, v4;
	[tilespmem:s0+$0x9C10] =	vst v5  }
0x24e: {  	[tilespmem:s0+$0x9C20] =	vst v6;
	v5 =	vmul.f32 $3.200000000e+01, v8  }
0x24f: {  	v6 =	vmul.f32 $3.200000000e+01, v7;
	[tilespmem:s0+$0x9C30] =	vst v4  }
0x250: {  	[tilespmem:s0+$0x9C50] =	vst v5;
	v3 =	vmul.f32 $3.200000000e+01, v3  }
0x251: {  	v4 =	vmul.f32 $3.200000000e+01, v9;
	[tilespmem:s0+$0x9C00] =	vst v6  }
0x252: {  	[tilespmem:s0+$0x9C60] =	vst v3  }
0x253: {  	s16 =	sor.u32 $0x9C00, s14;
	s14 =	smov.u32 s21;
	[tilespmem:s0+$0x9C70] =	vst v4  }
0x254: {  	v3 =	vld [tilespmem:s16+$0x400]  }
0x255: {  	v4 =	vld [tilespmem:s16+$0x410]  }
0x256: {  	v5 =	vld [tilespmem:s16+$0x420]  }
0x257: {  	v6 =	vld [tilespmem:s16+$0x430]  }
0x258: {  	v7 =	vld [tilespmem:s16+$0x440]  }
0x259: {  	v3 =	vmul.f32 $3.200000000e+01, v3;
	v8 =	vld [tilespmem:s16+$0x450]  }
0x25a: {  	v4 =	vmul.f32 $3.200000000e+01, v4;
	v9 =	vld [tilespmem:s16+$0x460]  }
0x25b: {  	[tilespmem:s16+$0x400] =	vst v3;
	v3 =	vmul.f32 $3.200000000e+01, v5;
	v5 =	vld [tilespmem:s16+$0x470]  }
0x25c: {  	[tilespmem:s16+$0x410] =	vst v4;
	v4 =	vmul.f32 $3.200000000e+01, v6  }
0x25d: {  	[tilespmem:s16+$0x420] =	vst v3;
	v3 =	vmul.f32 $3.200000000e+01, v7  }
0x25e: {  	[tilespmem:s16+$0x430] =	vst v4;
	v4 =	vmul.f32 $3.200000000e+01, v8  }
0x25f: {  	[tilespmem:s16+$0x440] =	vst v3;
	v3 =	vmul.f32 $3.200000000e+01, v9  }
0x260: {  	[tilespmem:s16+$0x450] =	vst v4;
	v4 =	vmul.f32 $3.200000000e+01, v5  }
0x261: {  	s21 =	sand.u32 $0x380, s13;
	s0 =	sand.u32 $0x2000, s19;
	[tilespmem:s16+$0x460] =	vst v3  }
0x262: {  	s0 =	sor.u32 s21, s0;
	[tilespmem:s16+$0x470] =	vst v4  }
0x263: {  	v3 =	vld [tilespmem:s0+$0x8470]  }
0x264: {  	v4 =	vld [tilespmem:s0+$0x8420]  }
0x265: {  	v5 =	vld [tilespmem:s0+$0x8440]  }
0x266: {  	v6 =	vld [tilespmem:s0+$0x8430]  }
0x267: {  	v7 =	vld [tilespmem:s0+$0x8450]  }
0x268: {  	v8 =	vld [tilespmem:s0+$0x8410];
	v3 =	vmul.f32 $3.200000000e+01, v3  }
0x269: {  	v9 =	vld [tilespmem:s0+$0x8400];
	v4 =	vmul.f32 $3.200000000e+01, v4  }
0x26a: {  	v5 =	vmul.f32 $3.200000000e+01, v5;
	v10 =	vld [tilespmem:s0+$0x8460];
	[tilespmem:s0+$0x8470] =	vst v3  }
0x26b: {  	[tilespmem:s0+$0x8420] =	vst v4;
	v3 =	vmul.f32 $3.200000000e+01, v6  }
0x26c: {  	[tilespmem:s0+$0x8440] =	vst v5;
	v4 =	vmul.f32 $3.200000000e+01, v7  }
0x26d: {  	v5 =	vmul.f32 $3.200000000e+01, v8;
	[tilespmem:s0+$0x8430] =	vst v3  }
0x26e: {  	v3 =	vmul.f32 $3.200000000e+01, v9;
	[tilespmem:s0+$0x8450] =	vst v4  }
0x26f: {  	s16 =	sand.u32 $0xFFFFE000, s19;
	[tilespmem:s0+$0x8410] =	vst v5;
	v4 =	vmul.f32 $3.200000000e+01, v10  }
0x270: {  	s16 =	sadd.s32 s16, s13;
	[tilespmem:s0+$0x8400] =	vst v3  }
0x271: {  	s19 =	sor.u32 $0x8400, s16;
	[tilespmem:s0+$0x8460] =	vst v4  }
0x272: {  	v3 =	vld [tilespmem:s19+$0x470]  }
0x273: {  	v4 =	vld [tilespmem:s19+$0x460]  }
0x274: {  	v5 =	vld [tilespmem:s19+$0x450]  }
0x275: {  	v6 =	vld [tilespmem:s19+$0x430]  }
0x276: {  	v7 =	vld [tilespmem:s19+$0x440]  }
0x277: {  	v8 =	vld [tilespmem:s19+$0x420];
	v3 =	vmul.f32 $3.200000000e+01, v3  }
0x278: {  	v9 =	vld [tilespmem:s19+$0x410];
	v4 =	vmul.f32 $3.200000000e+01, v4  }
0x279: {  	v10 =	vld [tilespmem:s19+$0x400];
	v5 =	vmul.f32 $3.200000000e+01, v5;
	[tilespmem:s19+$0x470] =	vst v3  }
0x27a: {  	v3 =	vmul.f32 $3.200000000e+01, v6;
	[tilespmem:s19+$0x460] =	vst v4  }
0x27b: {  	v4 =	vmul.f32 $3.200000000e+01, v7;
	[tilespmem:s19+$0x450] =	vst v5  }
0x27c: {  	v5 =	vmul.f32 $3.200000000e+01, v8;
	[tilespmem:s19+$0x430] =	vst v3  }
0x27d: {  	v3 =	vmul.f32 $3.200000000e+01, v9;
	[tilespmem:s19+$0x440] =	vst v4  }
0x27e: {  	v4 =	vmul.f32 $3.200000000e+01, v10;
	[tilespmem:s19+$0x420] =	vst v5  }
0x27f: {  	[tilespmem:s19+$0x410] =	vst v3  }
0x280: {  	[tilespmem:s19+$0x400] =	vst v4;
	v3 =	vld [tilespmem:s0+$0x8C40]  }
0x281: {  	v4 =	vld [tilespmem:s0+$0x8C70]  }
0x282: {  	v5 =	vld [tilespmem:s0+$0x8C60]  }
0x283: {  	v6 =	vld [tilespmem:s0+$0x8C50]  }
0x284: {  	v7 =	vld [tilespmem:s0+$0x8C10]  }
0x285: {  	v8 =	vld [tilespmem:s0+$0x8C30];
	v3 =	vmul.f32 $3.200000000e+01, v3  }
0x286: {  	v9 =	vld [tilespmem:s0+$0x8C00];
	v4 =	vmul.f32 $3.200000000e+01, v4  }
0x287: {  	v10 =	vld [tilespmem:s0+$0x8C20];
	[tilespmem:s0+$0x8C40] =	vst v3;
	v3 =	vmul.f32 $3.200000000e+01, v5  }
0x288: {  	v5 =	vmul.f32 $3.200000000e+01, v6;
	[tilespmem:s0+$0x8C70] =	vst v4  }
0x289: {  	v4 =	vmul.f32 $3.200000000e+01, v7;
	[tilespmem:s0+$0x8C60] =	vst v3  }
0x28a: {  	v3 =	vmul.f32 $3.200000000e+01, v8;
	[tilespmem:s0+$0x8C50] =	vst v5  }
0x28b: {  	v5 =	vmul.f32 $3.200000000e+01, v9;
	[tilespmem:s0+$0x8C10] =	vst v4  }
0x28c: {  	v4 =	vmul.f32 $3.200000000e+01, v10;
	[tilespmem:s0+$0x8C30] =	vst v3  }
0x28d: {  	[tilespmem:s0+$0x8C00] =	vst v5  }
0x28e: {  	s19 =	sor.u32 $0x8C00, s16;
	[tilespmem:s0+$0x8C20] =	vst v4  }
0x28f: {  	v3 =	vld [tilespmem:s19+$0x460]  }
0x290: {  	v4 =	vld [tilespmem:s19+$0x450]  }
0x291: {  	v5 =	vld [tilespmem:s19+$0x440]  }
0x292: {  	v6 =	vld [tilespmem:s19+$0x420]  }
0x293: {  	v7 =	vld [tilespmem:s19+$0x400]  }
0x294: {  	v8 =	vld [tilespmem:s19+$0x430];
	v3 =	vmul.f32 $3.200000000e+01, v3  }
0x295: {  	v9 =	vld [tilespmem:s19+$0x410];
	v4 =	vmul.f32 $3.200000000e+01, v4  }
0x296: {  	v5 =	vmul.f32 $3.200000000e+01, v5;
	[tilespmem:s19+$0x460] =	vst v3;
	v3 =	vld [tilespmem:s19+$0x470]  }
0x297: {  	v6 =	vmul.f32 $3.200000000e+01, v6;
	[tilespmem:s19+$0x450] =	vst v4  }
0x298: {  	v4 =	vmul.f32 $3.200000000e+01, v7;
	[tilespmem:s19+$0x440] =	vst v5  }
0x299: {  	[tilespmem:s19+$0x420] =	vst v6;
	v5 =	vmul.f32 $3.200000000e+01, v8  }
0x29a: {  	[tilespmem:s19+$0x400] =	vst v4;
	v4 =	vmul.f32 $3.200000000e+01, v9  }
0x29b: {  	[tilespmem:s19+$0x430] =	vst v5;
	v3 =	vmul.f32 $3.200000000e+01, v3  }
0x29c: {  	[tilespmem:s19+$0x410] =	vst v4  }
.Ltmp2:
0x29d: {  	[tilespmem:s19+$0x470] =	vst v3;
	(pc) =	sbr.rel @p1 .LBB2_7-.Ltmp2, $4  }
0x29e: {  	v5 =	vld [tilespmem:s0+$0x9420]  }
0x29f: {  	v6 =	vld [tilespmem:s0+$0x9410]  }
0x2a0: {  	v4 =	vld [tilespmem:s0+$0x9430]  }
0x2a1: {  	v3 =	vld [tilespmem:s0+$0x9400]  }
0x2a2: {  	v7 =	vld [tilespmem:s0+$0x9440]  }
0x2a3: {  	v8 =	vld [tilespmem:s0+$0x9450];
	v5 =	vmul.f32 $3.200000000e+01, v5  }
0x2a4: {  	v9 =	vld [tilespmem:s0+$0x9460];
	v6 =	vmul.f32 $3.200000000e+01, v6  }
0x2a5: {  	v10 =	vld [tilespmem:s0+$0x9470];
	v4 =	vmul.f32 $3.200000000e+01, v4;
	[tilespmem:s0+$0x9420] =	vst v5  }
0x2a6: {  	[tilespmem:s0+$0x9410] =	vst v6;
	v3 =	vmul.f32 $3.200000000e+01, v3  }
0x2a7: {  	v5 =	vmul.f32 $3.200000000e+01, v7;
	[tilespmem:s0+$0x9430] =	vst v4  }
0x2a8: {  	v4 =	vmul.f32 $3.200000000e+01, v8;
	[tilespmem:s0+$0x9400] =	vst v3  }
0x2a9: {  	[tilespmem:s0+$0x9440] =	vst v5;
	v5 =	vmul.f32 $3.200000000e+01, v9  }
0x2aa: {  	[tilespmem:s0+$0x9450] =	vst v4;
	v4 =	vmul.f32 $3.200000000e+01, v10  }
0x2ab: {  	[tilespmem:s0+$0x9460] =	vst v5  }
0x2ac: {  	s13 =	sor.u32 $0x9400, s16;
	[tilespmem:s0+$0x9470] =	vst v4  }
0x2ad: {  	v3 =	vld [tilespmem:s13+$0x410]  }
0x2ae: {  	v4 =	vld [tilespmem:s13+$0x420]  }
0x2af: {  	v5 =	vld [tilespmem:s13+$0x430]  }
0x2b0: {  	v6 =	vld [tilespmem:s13+$0x440]  }
0x2b1: {  	v7 =	vld [tilespmem:s13+$0x450]  }
0x2b2: {  	v8 =	vld [tilespmem:s13+$0x460];
	v3 =	vmul.f32 $3.200000000e+01, v3  }
0x2b3: {  	v54 =	vld [tilespmem:s13+$0x470];
	v4 =	vmul.f32 $3.200000000e+01, v4  }
0x2b4: {  	[tilespmem:s13+$0x410] =	vst v3;
	v3 =	vmul.f32 $3.200000000e+01, v5;
	v5 =	vld [tilespmem:s13+$0x400]  }
0x2b5: {  	[tilespmem:s13+$0x420] =	vst v4;
	v4 =	vmul.f32 $3.200000000e+01, v6  }
0x2b6: {  	[tilespmem:s13+$0x430] =	vst v3;
	v3 =	vmul.f32 $3.200000000e+01, v7  }
0x2b7: {  	[tilespmem:s13+$0x440] =	vst v4;
	v4 =	vmul.f32 $3.200000000e+01, v8  }
0x2b8: {  	[tilespmem:s13+$0x450] =	vst v3;
	v3 =	vmul.f32 $3.200000000e+01, v54  }
0x2b9: {  	[tilespmem:s13+$0x460] =	vst v4;
	v4 =	vmul.f32 $3.200000000e+01, v5  }
0x2ba: {  	[tilespmem:s13+$0x470] =	vst v3  }
0x2bb: {  	v3 =	vld [tilespmem:s0+$0x9C40];
	[tilespmem:s13+$0x400] =	vst v4  }
0x2bc: {  	v4 =	vld [tilespmem:s0+$0x9C30]  }
0x2bd: {  	v6 =	vld [tilespmem:s0+$0x9C20]  }
0x2be: {  	v5 =	vld [tilespmem:s0+$0x9C10]  }
0x2bf: {  	v55 =	vld [tilespmem:s0+$0x9C00]  }
0x2c0: {  	v7 =	vld [tilespmem:s0+$0x9C50]  }
0x2c1: {  	v3 =	vmul.f32 $3.200000000e+01, v3  }
0x2c2: {  	v8 =	vld [tilespmem:s0+$0x9C70];
	v6 =	vmul.f32 $3.200000000e+01, v6  }
0x2c3: {  	[tilespmem:s0+$0x9C40] =	vst v3;
	v3 =	vmul.f32 $3.200000000e+01, v5;
	v5 =	vld [tilespmem:s0+$0x9C60]  }
0x2c4: {  	[tilespmem:s0+$0x9C20] =	vst v6;
	v6 =	vmul.f32 $3.200000000e+01, v55  }
0x2c5: {  	[tilespmem:s0+$0x9C10] =	vst v3;
	v3 =	vmul.f32 $3.200000000e+01, v4;
	v4 =	vmul.f32 $3.200000000e+01, v7  }
0x2c6: {  	[tilespmem:s0+$0x9C00] =	vst v6  }
0x2c7: {  	[tilespmem:s0+$0x9C50] =	vst v4;
	v4 =	vmul.f32 $3.200000000e+01, v8  }
0x2c8: {  	[tilespmem:s0+$0x9C30] =	vst v3;
	v3 =	vmul.f32 $3.200000000e+01, v5  }
0x2c9: {  	[tilespmem:s0+$0x9C70] =	vst v4  }
0x2ca: {  	s13 =	sor.u32 $0x9C00, s14;
	[tilespmem:s0+$0x9C60] =	vst v3  }
0x2cb: {  	v3 =	vld [tilespmem:s13+$0x400]  }
0x2cc: {  	v4 =	vld [tilespmem:s13+$0x410]  }
0x2cd: {  	v5 =	vld [tilespmem:s13+$0x420]  }
0x2ce: {  	v6 =	vld [tilespmem:s13+$0x430]  }
0x2cf: {  	v7 =	vld [tilespmem:s13+$0x440]  }
0x2d0: {  	v8 =	vld [tilespmem:s13+$0x450];
	v3 =	vmul.f32 $3.200000000e+01, v3  }
0x2d1: {  	v56 =	vld [tilespmem:s13+$0x460];
	v4 =	vmul.f32 $3.200000000e+01, v4  }
0x2d2: {  	[tilespmem:s13+$0x400] =	vst v3;
	v3 =	vmul.f32 $3.200000000e+01, v5;
	v5 =	vld [tilespmem:s13+$0x470]  }
0x2d3: {  	[tilespmem:s13+$0x410] =	vst v4;
	v4 =	vmul.f32 $3.200000000e+01, v6  }
0x2d4: {  	[tilespmem:s13+$0x420] =	vst v3;
	v3 =	vmul.f32 $3.200000000e+01, v7  }
0x2d5: {  	[tilespmem:s13+$0x430] =	vst v4;
	v4 =	vmul.f32 $3.200000000e+01, v8  }
0x2d6: {  	[tilespmem:s13+$0x440] =	vst v3;
	v3 =	vmul.f32 $3.200000000e+01, v56  }
0x2d7: {  	[tilespmem:s13+$0x450] =	vst v4;
	v4 =	vmul.f32 $3.200000000e+01, v5  }
0x2d8: {  	s14 =	sshll.u32 s31, $0xB;
	[tilespmem:s13+$0x460] =	vst v3  }
0x2d9: {  	s15 =	sadd.s32 s14, s7;
	[tilespmem:s13+$0x470] =	vst v4  }
0x2da: {  	[hbm4b:s15+s3] =	stream.linear.scatter [tilespmem:s30], [sflag:$0x7], $0x4000, $0x38;
	[tilespmem:$0x10400] =	vst v63  }
0x2db: {  	_ =	swait.ge [sflag:s4], $0x4000  }
0x2dc: {  	[sflag:s4] =	ssyncset.done $0x0  }
0x2dd: {  	s0 =	simm.s32 @!p0 $0x6;
	[sflag:s4] =	ssyncadd.s32 $0xFFFFC000  }
0x2de: {  	_ =	swait.ge @!p0 [sflag:s0], $0x4000  }
0x2df: {  	[sflag:s0] =	ssyncset.done @!p0 $0x0  }
0x2e0: {  	[sflag:s0] =	ssyncadd.s32 @!p0 $0xFFFFC000  }
0x2e1: {  	v3 =	vld @!p0 [tilespmem:s2+$0x50];
	_ =	sdelay $0x4  }
0x2e2: {  	v4 =	vshll.u32 @!p0 v3, $0x3  }
0x2e3: {  	v5 =	vlaneseq.u32 @!p0;
	v3 =	vand.u32 @!p0 $0x7, v3;
	v4 =	vand.u32 @!p0 $0xFFFFFFC0, v4  }
0x2e4: {  	v6 =	vshrl.u32 @!p0 v5, $0x3;
	v3 =	vor.u32 @!p0 v3, v4;
	v4 =	vand.u32 @!p0 $0x7, v5  }
0x2e5: {  	v6 =	vmul.u32 @!p0 $0x8, v6;
	v4 =	vperm.xlane @!p0 v3, v4;
	_ =	sdelay $0x1  }
0x2e6: {  	v4 =	vadd.s32 @!p0 v6, v4;
	_ =	sdelay $0x3  }
0x2e7: {  	s0 =	simm.s32 @!p0 $0x0;
	s2 =	simm.s32 @!p0 $0x4400  }
0x2e8: {  	v5 =	vor.u32 @!p0 $0x8, v5;
	[tilespmem:s2], [sflag:$0x2] =	stream.indirect_vreg.gather @!p0 [hbm4b:s1+s0], $0x80, v4, vm1, $0xb8;
	[tilespmem:$0x10400] =	vst v63  }
0x2e9: {  	v3 =	vperm.xlane @!p0 v3, v5;
	s2 =	simm.s32 @!p0 $0x4C00  }
0x2ea: {  	[tilespmem:s2], [sflag:$0x2] =	stream.indirect_vreg.gather @!p0 [hbm4b:s5+s0], $0x80, v4, vm1, $0xb8;
	[tilespmem:$0x10400] =	vst v63  }
0x2eb: {  	v3 =	vadd.s32 @!p0 v6, v3;
	s2 =	simm.s32 @!p0 $0x5400  }
0x2ec: {  	[tilespmem:s2], [sflag:$0x2] =	stream.indirect_vreg.gather @!p0 [hbm4b:s6+s0], $0x80, v4, vm1, $0xb8;
	[tilespmem:$0x10400] =	vst v63  }
0x2ed: {  	s2 =	simm.s32 @!p0 $0x5C00  }
0x2ee: {  	[tilespmem:s2], [sflag:$0x2] =	stream.indirect_vreg.gather @!p0 [hbm4b:s8+s0], $0x80, v4, vm1, $0xb8;
	[tilespmem:$0x10400] =	vst v63  }
0x2ef: {  	s2 =	simm.s32 @!p0 $0x6400  }
0x2f0: {  	[tilespmem:s2], [sflag:$0x2] =	stream.indirect_vreg.gather @!p0 [hbm4b:s1+s0], $0x80, v3, vm1, $0xb8;
	[tilespmem:$0x10400] =	vst v63  }
0x2f1: {  	s2 =	simm.s32 @!p0 $0x6C00  }
0x2f2: {  	[tilespmem:s2], [sflag:$0x2] =	stream.indirect_vreg.gather @!p0 [hbm4b:s5+s0], $0x80, v3, vm1, $0xb8;
	[tilespmem:$0x10400] =	vst v63  }
0x2f3: {  	s2 =	simm.s32 @!p0 $0x7400  }
0x2f4: {  	[tilespmem:s2], [sflag:$0x2] =	stream.indirect_vreg.gather @!p0 [hbm4b:s6+s0], $0x80, v3, vm1, $0xb8;
	[tilespmem:$0x10400] =	vst v63  }
0x2f5: {  	s2 =	simm.s32 @!p0 $0x7C00  }
0x2f6: {  	[tilespmem:s2], [sflag:$0x2] =	stream.indirect_vreg.gather @!p0 [hbm4b:s8+s0], $0x80, v3, vm1, $0xb8;
	[tilespmem:$0x10400] =	vst v63  }
0x2f7: {  	s2 =	simm.s32 $0x0  }
0x2f8: {  	s16 =	sand.u32 $0x2000, s2;
	s19 =	sand.u32 $0x380, s2  }
0x2f9: {  	s0 =	sor.u32 s19, s16  }
0x2fa: {  	v3 =	vld [tilespmem:s0+$0xC470]  }
0x2fb: {  	v4 =	vld [tilespmem:s0+$0xC420]  }
0x2fc: {  	v5 =	vld [tilespmem:s0+$0xC440]  }
0x2fd: {  	v6 =	vld [tilespmem:s0+$0xC430]  }
0x2fe: {  	v7 =	vld [tilespmem:s0+$0xC450]  }
0x2ff: {  	v8 =	vld [tilespmem:s0+$0xC410];
	v3 =	vmul.f32 $3.200000000e+01, v3  }
0x300: {  	v57 =	vld [tilespmem:s0+$0xC400];
	v4 =	vmul.f32 $3.200000000e+01, v4  }
0x301: {  	v58 =	vld [tilespmem:s0+$0xC460];
	v5 =	vmul.f32 $3.200000000e+01, v5;
	[tilespmem:s0+$0xC470] =	vst v3  }
0x302: {  	[tilespmem:s0+$0xC420] =	vst v4;
	v3 =	vmul.f32 $3.200000000e+01, v6  }
0x303: {  	[tilespmem:s0+$0xC440] =	vst v5;
	v4 =	vmul.f32 $3.200000000e+01, v7  }
0x304: {  	v5 =	vmul.f32 $3.200000000e+01, v8;
	[tilespmem:s0+$0xC430] =	vst v3  }
0x305: {  	v3 =	vmul.f32 $3.200000000e+01, v57;
	[tilespmem:s0+$0xC450] =	vst v4  }
0x306: {  	s21 =	sand.u32 $0xFFFFE000, s2;
	[tilespmem:s0+$0xC410] =	vst v5;
	v4 =	vmul.f32 $3.200000000e+01, v58  }
0x307: {  	s15 =	sadd.s32 $0x0, s21;
	[tilespmem:s0+$0xC400] =	vst v3  }
0x308: {  	s13 =	sor.u32 $0xC400, s15;
	[tilespmem:s0+$0xC460] =	vst v4  }
0x309: {  	v3 =	vld [tilespmem:s13+$0x470]  }
0x30a: {  	v4 =	vld [tilespmem:s13+$0x460]  }
0x30b: {  	v5 =	vld [tilespmem:s13+$0x450]  }
0x30c: {  	v6 =	vld [tilespmem:s13+$0x430]  }
0x30d: {  	v7 =	vld [tilespmem:s13+$0x440]  }
0x30e: {  	v8 =	vld [tilespmem:s13+$0x420];
	v3 =	vmul.f32 $3.200000000e+01, v3  }
0x30f: {  	v59 =	vld [tilespmem:s13+$0x410];
	v4 =	vmul.f32 $3.200000000e+01, v4  }
0x310: {  	v60 =	vld [tilespmem:s13+$0x400];
	v5 =	vmul.f32 $3.200000000e+01, v5;
	[tilespmem:s13+$0x470] =	vst v3  }
0x311: {  	v3 =	vmul.f32 $3.200000000e+01, v6;
	[tilespmem:s13+$0x460] =	vst v4  }
0x312: {  	v4 =	vmul.f32 $3.200000000e+01, v7;
	[tilespmem:s13+$0x450] =	vst v5  }
0x313: {  	v5 =	vmul.f32 $3.200000000e+01, v8;
	[tilespmem:s13+$0x430] =	vst v3  }
0x314: {  	v3 =	vmul.f32 $3.200000000e+01, v59;
	[tilespmem:s13+$0x440] =	vst v4  }
0x315: {  	v4 =	vmul.f32 $3.200000000e+01, v60;
	[tilespmem:s13+$0x420] =	vst v5  }
0x316: {  	[tilespmem:s13+$0x410] =	vst v3  }
0x317: {  	[tilespmem:s13+$0x400] =	vst v4;
	v3 =	vld [tilespmem:s0+$0xCC40]  }
0x318: {  	v4 =	vld [tilespmem:s0+$0xCC70]  }
0x319: {  	v5 =	vld [tilespmem:s0+$0xCC60]  }
0x31a: {  	v6 =	vld [tilespmem:s0+$0xCC50]  }
0x31b: {  	v7 =	vld [tilespmem:s0+$0xCC10]  }
0x31c: {  	v8 =	vld [tilespmem:s0+$0xCC30];
	v3 =	vmul.f32 $3.200000000e+01, v3  }
0x31d: {  	v61 =	vld [tilespmem:s0+$0xCC00];
	v4 =	vmul.f32 $3.200000000e+01, v4  }
0x31e: {  	v62 =	vld [tilespmem:s0+$0xCC20];
	[tilespmem:s0+$0xCC40] =	vst v3;
	v3 =	vmul.f32 $3.200000000e+01, v5  }
0x31f: {  	v5 =	vmul.f32 $3.200000000e+01, v6;
	[tilespmem:s0+$0xCC70] =	vst v4  }
0x320: {  	v4 =	vmul.f32 $3.200000000e+01, v7;
	[tilespmem:s0+$0xCC60] =	vst v3  }
0x321: {  	v3 =	vmul.f32 $3.200000000e+01, v8;
	[tilespmem:s0+$0xCC50] =	vst v5  }
0x322: {  	v5 =	vmul.f32 $3.200000000e+01, v61;
	[tilespmem:s0+$0xCC10] =	vst v4  }
0x323: {  	v4 =	vmul.f32 $3.200000000e+01, v62;
	[tilespmem:s0+$0xCC30] =	vst v3  }
0x324: {  	[tilespmem:s0+$0xCC00] =	vst v5  }
0x325: {  	s31 =	sor.u32 $0xCC00, s15;
	[tilespmem:s0+$0xCC20] =	vst v4  }
0x326: {  	v3 =	vld [tilespmem:s31+$0x460]  }
0x327: {  	v4 =	vld [tilespmem:s31+$0x450]  }
0x328: {  	v5 =	vld [tilespmem:s31+$0x440]  }
0x329: {  	v6 =	vld [tilespmem:s31+$0x420]  }
0x32a: {  	v7 =	vld [tilespmem:s31+$0x400]  }
0x32b: {  	v8 =	vld [tilespmem:s31+$0x430];
	v3 =	vmul.f32 $3.200000000e+01, v3  }
0x32c: {  	v63 =	vld [tilespmem:s31+$0x410];
	v4 =	vmul.f32 $3.200000000e+01, v4  }
0x32d: {  	v5 =	vmul.f32 $3.200000000e+01, v5;
	[tilespmem:s31+$0x460] =	vst v3;
	v3 =	vld [tilespmem:s31+$0x470]  }
0x32e: {  	v6 =	vmul.f32 $3.200000000e+01, v6;
	[tilespmem:s31+$0x450] =	vst v4  }
0x32f: {  	v4 =	vmul.f32 $3.200000000e+01, v7;
	[tilespmem:s31+$0x440] =	vst v5  }
0x330: {  	[tilespmem:s31+$0x420] =	vst v6;
	v5 =	vmul.f32 $3.200000000e+01, v8  }
0x331: {  	[tilespmem:s31+$0x400] =	vst v4;
	v4 =	vmul.f32 $3.200000000e+01, v63  }
0x332: {  	[tilespmem:s31+$0x430] =	vst v5;
	v3 =	vmul.f32 $3.200000000e+01, v3  }
0x333: {  	[tilespmem:s31+$0x410] =	vst v4  }
0x334: {  	[tilespmem:s31+$0x470] =	vst v3  }
0x335: {  	v5 =	vld [tilespmem:s0+$0xD420]  }
0x336: {  	v6 =	vld [tilespmem:s0+$0xD410]  }
0x337: {  	v4 =	vld [tilespmem:s0+$0xD430]  }
0x338: {  	s14 =	simm.s32 $0x400;
	s13 =	sor.u32 s2, s2;
	v3 =	vld [tilespmem:s0+$0xD400]  }
.LBB2_9:
0x339: {  	p0 =	sne.s32 s14, $0x3C00  }
0x33a: {  	v7 =	vld [tilespmem:s0+$0xD440];
	s2 =	sadd.s32 $0x80, s2;
	s16 =	smov.u32 s14;
	s14 =	sadd.s32 $0x400, s14  }
0x33b: {  	s19 =	sor.u32 s16, s2;
	v8 =	vld [tilespmem:s0+$0xD450]  }
0x33c: {  	v6 =	vmul.f32 $3.200000000e+01, v6;
	v9 =	vld [tilespmem:s0+$0xD460]  }
0x33d: {  	v5 =	vmul.f32 $3.200000000e+01, v5;
	v10 =	vld [tilespmem:s0+$0xD470]  }
0x33e: {  	v4 =	vmul.f32 $3.200000000e+01, v4;
	v3 =	vmul.f32 $3.200000000e+01, v3;
	[tilespmem:s0+$0xD410] =	vst v6  }
0x33f: {  	[tilespmem:s0+$0xD420] =	vst v5;
	v5 =	vmul.f32 $3.200000000e+01, v7  }
0x340: {  	[tilespmem:s0+$0xD430] =	vst v4;
	v4 =	vmul.f32 $3.200000000e+01, v8  }
0x341: {  	[tilespmem:s0+$0xD440] =	vst v5;
	v5 =	vmul.f32 $3.200000000e+01, v9  }
0x342: {  	[tilespmem:s0+$0xD450] =	vst v4;
	v4 =	vmul.f32 $3.200000000e+01, v10  }
0x343: {  	[tilespmem:s0+$0xD460] =	vst v5  }
0x344: {  	[tilespmem:s0+$0xD470] =	vst v4  }
0x345: {  	s15 =	sor.u32 $0xD400, s15;
	[tilespmem:s0+$0xD400] =	vst v3  }
0x346: {  	v3 =	vld [tilespmem:s15+$0x440]  }
0x347: {  	v4 =	vld [tilespmem:s15+$0x410]  }
0x348: {  	v5 =	vld [tilespmem:s15+$0x420]  }
0x349: {  	v6 =	vld [tilespmem:s15+$0x430]  }
0x34a: {  	v7 =	vld [tilespmem:s15+$0x400]  }
0x34b: {  	v8 =	vld [tilespmem:s15+$0x450]  }
0x34c: {  	v4 =	vmul.f32 $3.200000000e+01, v4;
	v9 =	vld [tilespmem:s15+$0x460]  }
0x34d: {  	v5 =	vmul.f32 $3.200000000e+01, v5;
	v10 =	vld [tilespmem:s15+$0x470]  }
0x34e: {  	[tilespmem:s15+$0x410] =	vst v4;
	v4 =	vmul.f32 $3.200000000e+01, v6  }
0x34f: {  	v3 =	vmul.f32 $3.200000000e+01, v3;
	v6 =	vmul.f32 $3.200000000e+01, v7;
	[tilespmem:s15+$0x420] =	vst v5  }
0x350: {  	[tilespmem:s15+$0x430] =	vst v4;
	v4 =	vmul.f32 $3.200000000e+01, v8  }
0x351: {  	[tilespmem:s15+$0x440] =	vst v3;
	v3 =	vmul.f32 $3.200000000e+01, v9  }
0x352: {  	[tilespmem:s15+$0x450] =	vst v4;
	v4 =	vmul.f32 $3.200000000e+01, v10  }
0x353: {  	[tilespmem:s15+$0x460] =	vst v3  }
0x354: {  	[tilespmem:s15+$0x470] =	vst v4  }
0x355: {  	[tilespmem:s15+$0x400] =	vst v6;
	v3 =	vld [tilespmem:s0+$0xDC40]  }
0x356: {  	v4 =	vld [tilespmem:s0+$0xDC30]  }
0x357: {  	v5 =	vld [tilespmem:s0+$0xDC10]  }
0x358: {  	v6 =	vld [tilespmem:s0+$0xDC20]  }
0x359: {  	v7 =	vld [tilespmem:s0+$0xDC00]  }
0x35a: {  	v3 =	vmul.f32 $3.200000000e+01, v3;
	v8 =	vld [tilespmem:s0+$0xDC50]  }
0x35b: {  	v9 =	vld [tilespmem:s0+$0xDC70]  }
0x35c: {  	v5 =	vmul.f32 $3.200000000e+01, v5;
	[tilespmem:s0+$0xDC40] =	vst v3;
	v3 =	vld [tilespmem:s0+$0xDC60]  }
0x35d: {  	v6 =	vmul.f32 $3.200000000e+01, v6  }
0x35e: {  	v4 =	vmul.f32 $3.200000000e+01, v4;
	[tilespmem:s0+$0xDC10] =	vst v5  }
0x35f: {  	[tilespmem:s0+$0xDC20] =	vst v6;
	v5 =	vmul.f32 $3.200000000e+01, v8  }
0x360: {  	v6 =	vmul.f32 $3.200000000e+01, v7;
	[tilespmem:s0+$0xDC30] =	vst v4  }
0x361: {  	[tilespmem:s0+$0xDC50] =	vst v5;
	v3 =	vmul.f32 $3.200000000e+01, v3  }
0x362: {  	v4 =	vmul.f32 $3.200000000e+01, v9;
	[tilespmem:s0+$0xDC00] =	vst v6  }
0x363: {  	[tilespmem:s0+$0xDC60] =	vst v3  }
0x364: {  	s15 =	sor.u32 $0xDC00, s13;
	s13 =	smov.u32 s19;
	[tilespmem:s0+$0xDC70] =	vst v4  }
0x365: {  	v3 =	vld [tilespmem:s15+$0x400]  }
0x366: {  	v4 =	vld [tilespmem:s15+$0x410]  }
0x367: {  	v5 =	vld [tilespmem:s15+$0x420]  }
0x368: {  	v6 =	vld [tilespmem:s15+$0x430]  }
0x369: {  	v7 =	vld [tilespmem:s15+$0x440]  }
0x36a: {  	v3 =	vmul.f32 $3.200000000e+01, v3;
	v8 =	vld [tilespmem:s15+$0x450]  }
0x36b: {  	v4 =	vmul.f32 $3.200000000e+01, v4;
	v9 =	vld [tilespmem:s15+$0x460]  }
0x36c: {  	[tilespmem:s15+$0x400] =	vst v3;
	v3 =	vmul.f32 $3.200000000e+01, v5;
	v5 =	vld [tilespmem:s15+$0x470]  }
0x36d: {  	[tilespmem:s15+$0x410] =	vst v4;
	v4 =	vmul.f32 $3.200000000e+01, v6  }
0x36e: {  	[tilespmem:s15+$0x420] =	vst v3;
	v3 =	vmul.f32 $3.200000000e+01, v7  }
0x36f: {  	[tilespmem:s15+$0x430] =	vst v4;
	v4 =	vmul.f32 $3.200000000e+01, v8  }
0x370: {  	[tilespmem:s15+$0x440] =	vst v3;
	v3 =	vmul.f32 $3.200000000e+01, v9  }
0x371: {  	[tilespmem:s15+$0x450] =	vst v4;
	v4 =	vmul.f32 $3.200000000e+01, v5  }
0x372: {  	s19 =	sand.u32 $0x380, s2;
	s0 =	sand.u32 $0x2000, s16;
	[tilespmem:s15+$0x460] =	vst v3  }
0x373: {  	s0 =	sor.u32 s19, s0;
	[tilespmem:s15+$0x470] =	vst v4  }
0x374: {  	v3 =	vld [tilespmem:s0+$0xC470]  }
0x375: {  	v4 =	vld [tilespmem:s0+$0xC420]  }
0x376: {  	v5 =	vld [tilespmem:s0+$0xC440]  }
0x377: {  	v6 =	vld [tilespmem:s0+$0xC430]  }
0x378: {  	v7 =	vld [tilespmem:s0+$0xC450]  }
0x379: {  	v8 =	vld [tilespmem:s0+$0xC410];
	v3 =	vmul.f32 $3.200000000e+01, v3  }
0x37a: {  	v9 =	vld [tilespmem:s0+$0xC400];
	v4 =	vmul.f32 $3.200000000e+01, v4  }
0x37b: {  	v5 =	vmul.f32 $3.200000000e+01, v5;
	v10 =	vld [tilespmem:s0+$0xC460];
	[tilespmem:s0+$0xC470] =	vst v3  }
0x37c: {  	[tilespmem:s0+$0xC420] =	vst v4;
	v3 =	vmul.f32 $3.200000000e+01, v6  }
0x37d: {  	[tilespmem:s0+$0xC440] =	vst v5;
	v4 =	vmul.f32 $3.200000000e+01, v7  }
0x37e: {  	v5 =	vmul.f32 $3.200000000e+01, v8;
	[tilespmem:s0+$0xC430] =	vst v3  }
0x37f: {  	v3 =	vmul.f32 $3.200000000e+01, v9;
	[tilespmem:s0+$0xC450] =	vst v4  }
0x380: {  	s15 =	sand.u32 $0xFFFFE000, s16;
	[tilespmem:s0+$0xC410] =	vst v5;
	v4 =	vmul.f32 $3.200000000e+01, v10  }
0x381: {  	s15 =	sadd.s32 s15, s2;
	[tilespmem:s0+$0xC400] =	vst v3  }
0x382: {  	s16 =	sor.u32 $0xC400, s15;
	[tilespmem:s0+$0xC460] =	vst v4  }
0x383: {  	v3 =	vld [tilespmem:s16+$0x470]  }
0x384: {  	v4 =	vld [tilespmem:s16+$0x460]  }
0x385: {  	v5 =	vld [tilespmem:s16+$0x450]  }
0x386: {  	v6 =	vld [tilespmem:s16+$0x430]  }
0x387: {  	v7 =	vld [tilespmem:s16+$0x440]  }
0x388: {  	v8 =	vld [tilespmem:s16+$0x420];
	v3 =	vmul.f32 $3.200000000e+01, v3  }
0x389: {  	v9 =	vld [tilespmem:s16+$0x410];
	v4 =	vmul.f32 $3.200000000e+01, v4  }
0x38a: {  	v10 =	vld [tilespmem:s16+$0x400];
	v5 =	vmul.f32 $3.200000000e+01, v5;
	[tilespmem:s16+$0x470] =	vst v3  }
0x38b: {  	v3 =	vmul.f32 $3.200000000e+01, v6;
	[tilespmem:s16+$0x460] =	vst v4  }
0x38c: {  	v4 =	vmul.f32 $3.200000000e+01, v7;
	[tilespmem:s16+$0x450] =	vst v5  }
0x38d: {  	v5 =	vmul.f32 $3.200000000e+01, v8;
	[tilespmem:s16+$0x430] =	vst v3  }
0x38e: {  	v3 =	vmul.f32 $3.200000000e+01, v9;
	[tilespmem:s16+$0x440] =	vst v4  }
0x38f: {  	v4 =	vmul.f32 $3.200000000e+01, v10;
	[tilespmem:s16+$0x420] =	vst v5  }
0x390: {  	[tilespmem:s16+$0x410] =	vst v3  }
0x391: {  	[tilespmem:s16+$0x400] =	vst v4;
	v3 =	vld [tilespmem:s0+$0xCC40]  }
0x392: {  	v4 =	vld [tilespmem:s0+$0xCC70]  }
0x393: {  	v5 =	vld [tilespmem:s0+$0xCC60]  }
0x394: {  	v6 =	vld [tilespmem:s0+$0xCC50]  }
0x395: {  	v7 =	vld [tilespmem:s0+$0xCC10]  }
0x396: {  	v8 =	vld [tilespmem:s0+$0xCC30];
	v3 =	vmul.f32 $3.200000000e+01, v3  }
0x397: {  	v9 =	vld [tilespmem:s0+$0xCC00];
	v4 =	vmul.f32 $3.200000000e+01, v4  }
0x398: {  	v10 =	vld [tilespmem:s0+$0xCC20];
	[tilespmem:s0+$0xCC40] =	vst v3;
	v3 =	vmul.f32 $3.200000000e+01, v5  }
0x399: {  	v5 =	vmul.f32 $3.200000000e+01, v6;
	[tilespmem:s0+$0xCC70] =	vst v4  }
0x39a: {  	v4 =	vmul.f32 $3.200000000e+01, v7;
	[tilespmem:s0+$0xCC60] =	vst v3  }
0x39b: {  	v3 =	vmul.f32 $3.200000000e+01, v8;
	[tilespmem:s0+$0xCC50] =	vst v5  }
0x39c: {  	v5 =	vmul.f32 $3.200000000e+01, v9;
	[tilespmem:s0+$0xCC10] =	vst v4  }
0x39d: {  	v4 =	vmul.f32 $3.200000000e+01, v10;
	[tilespmem:s0+$0xCC30] =	vst v3  }
0x39e: {  	[tilespmem:s0+$0xCC00] =	vst v5  }
0x39f: {  	s16 =	sor.u32 $0xCC00, s15;
	[tilespmem:s0+$0xCC20] =	vst v4  }
0x3a0: {  	v3 =	vld [tilespmem:s16+$0x460]  }
0x3a1: {  	v4 =	vld [tilespmem:s16+$0x450]  }
0x3a2: {  	v5 =	vld [tilespmem:s16+$0x440]  }
0x3a3: {  	v6 =	vld [tilespmem:s16+$0x420]  }
0x3a4: {  	v7 =	vld [tilespmem:s16+$0x400]  }
0x3a5: {  	v8 =	vld [tilespmem:s16+$0x430];
	v3 =	vmul.f32 $3.200000000e+01, v3  }
0x3a6: {  	v9 =	vld [tilespmem:s16+$0x410];
	v4 =	vmul.f32 $3.200000000e+01, v4  }
0x3a7: {  	v5 =	vmul.f32 $3.200000000e+01, v5;
	[tilespmem:s16+$0x460] =	vst v3;
	v3 =	vld [tilespmem:s16+$0x470]  }
0x3a8: {  	v6 =	vmul.f32 $3.200000000e+01, v6;
	[tilespmem:s16+$0x450] =	vst v4  }
0x3a9: {  	v4 =	vmul.f32 $3.200000000e+01, v7;
	[tilespmem:s16+$0x440] =	vst v5  }
0x3aa: {  	[tilespmem:s16+$0x420] =	vst v6;
	v5 =	vmul.f32 $3.200000000e+01, v8  }
0x3ab: {  	[tilespmem:s16+$0x400] =	vst v4;
	v4 =	vmul.f32 $3.200000000e+01, v9  }
0x3ac: {  	[tilespmem:s16+$0x430] =	vst v5;
	v3 =	vmul.f32 $3.200000000e+01, v3  }
0x3ad: {  	[tilespmem:s16+$0x410] =	vst v4  }
.Ltmp3:
0x3ae: {  	[tilespmem:s16+$0x470] =	vst v3;
	(pc) =	sbr.rel @p0 .LBB2_9-.Ltmp3, $4  }
0x3af: {  	v5 =	vld [tilespmem:s0+$0xD420]  }
0x3b0: {  	v6 =	vld [tilespmem:s0+$0xD410]  }
0x3b1: {  	v4 =	vld [tilespmem:s0+$0xD430]  }
0x3b2: {  	v3 =	vld [tilespmem:s0+$0xD400]  }
0x3b3: {  	v7 =	vld [tilespmem:s0+$0xD440]  }
0x3b4: {  	v8 =	vld [tilespmem:s0+$0xD450];
	v5 =	vmul.f32 $3.200000000e+01, v5  }
0x3b5: {  	v9 =	vld [tilespmem:s0+$0xD460];
	v6 =	vmul.f32 $3.200000000e+01, v6  }
0x3b6: {  	v10 =	vld [tilespmem:s0+$0xD470];
	v4 =	vmul.f32 $3.200000000e+01, v4;
	[tilespmem:s0+$0xD420] =	vst v5  }
0x3b7: {  	[tilespmem:s0+$0xD410] =	vst v6;
	v3 =	vmul.f32 $3.200000000e+01, v3  }
0x3b8: {  	v36 =	vmul.f32 $3.200000000e+01, v7;
	[tilespmem:s0+$0xD430] =	vst v4  }
0x3b9: {  	v37 =	vmul.f32 $3.200000000e+01, v8;
	[tilespmem:s0+$0xD400] =	vst v3  }
0x3ba: {  	v38 =	vmul.f32 $3.200000000e+01, v9;
	[tilespmem:s0+$0xD440] =	vst v36  }
0x3bb: {  	v39 =	vmul.f32 $3.200000000e+01, v10;
	[tilespmem:s0+$0xD450] =	vst v37  }
0x3bc: {  	[tilespmem:s0+$0xD460] =	vst v38  }
0x3bd: {  	s2 =	sor.u32 $0xD400, s15;
	[tilespmem:s0+$0xD470] =	vst v39  }
0x3be: {  	v3 =	vld [tilespmem:s2+$0x410]  }
0x3bf: {  	v4 =	vld [tilespmem:s2+$0x420]  }
0x3c0: {  	v5 =	vld [tilespmem:s2+$0x430]  }
0x3c1: {  	v6 =	vld [tilespmem:s2+$0x440]  }
0x3c2: {  	v40 =	vld [tilespmem:s2+$0x450]  }
0x3c3: {  	v41 =	vld [tilespmem:s2+$0x460];
	v3 =	vmul.f32 $3.200000000e+01, v3  }
0x3c4: {  	v42 =	vld [tilespmem:s2+$0x470];
	v4 =	vmul.f32 $3.200000000e+01, v4  }
0x3c5: {  	v43 =	vld [tilespmem:s2+$0x400];
	[tilespmem:s2+$0x410] =	vst v3;
	v3 =	vmul.f32 $3.200000000e+01, v5  }
0x3c6: {  	v44 =	vmul.f32 $3.200000000e+01, v6;
	[tilespmem:s2+$0x420] =	vst v4  }
0x3c7: {  	[tilespmem:s2+$0x430] =	vst v3;
	v3 =	vmul.f32 $3.200000000e+01, v40  }
0x3c8: {  	v45 =	vmul.f32 $3.200000000e+01, v41;
	[tilespmem:s2+$0x440] =	vst v44  }
0x3c9: {  	[tilespmem:s2+$0x450] =	vst v3;
	v3 =	vmul.f32 $3.200000000e+01, v42  }
0x3ca: {  	v46 =	vmul.f32 $3.200000000e+01, v43;
	[tilespmem:s2+$0x460] =	vst v45  }
0x3cb: {  	[tilespmem:s2+$0x470] =	vst v3  }
0x3cc: {  	[tilespmem:s2+$0x400] =	vst v46;
	v3 =	vld [tilespmem:s0+$0xDC40]  }
0x3cd: {  	v48 =	vld [tilespmem:s0+$0xDC20]  }
0x3ce: {  	v49 =	vld [tilespmem:s0+$0xDC50]  }
0x3cf: {  	v47 =	vld [tilespmem:s0+$0xDC10]  }
0x3d0: {  	v51 =	vld [tilespmem:s0+$0xDC00]  }
0x3d1: {  	v4 =	vld [tilespmem:s0+$0xDC30];
	v3 =	vmul.f32 $3.200000000e+01, v3  }
0x3d2: {  	v50 =	vld [tilespmem:s0+$0xDC70];
	v6 =	vmul.f32 $3.200000000e+01, v48  }
0x3d3: {  	v52 =	vld [tilespmem:s0+$0xDC60];
	v53 =	vmul.f32 $3.200000000e+01, v49;
	[tilespmem:s0+$0xDC40] =	vst v3  }
0x3d4: {  	v3 =	vmul.f32 $3.200000000e+01, v47;
	[tilespmem:s0+$0xDC20] =	vst v6  }
0x3d5: {  	v54 =	vmul.f32 $3.200000000e+01, v51;
	[tilespmem:s0+$0xDC50] =	vst v53  }
0x3d6: {  	[tilespmem:s0+$0xDC10] =	vst v3;
	v3 =	vmul.f32 $3.200000000e+01, v4  }
0x3d7: {  	v55 =	vmul.f32 $3.200000000e+01, v50;
	[tilespmem:s0+$0xDC00] =	vst v54  }
0x3d8: {  	[tilespmem:s0+$0xDC30] =	vst v3;
	v3 =	vmul.f32 $3.200000000e+01, v52  }
0x3d9: {  	[tilespmem:s0+$0xDC70] =	vst v55  }
0x3da: {  	s19 =	sor.u32 $0xDC00, s13;
	[tilespmem:s0+$0xDC60] =	vst v3  }
0x3db: {  	v3 =	vld [tilespmem:s19+$0x400]  }
0x3dc: {  	v4 =	vld [tilespmem:s19+$0x410]  }
0x3dd: {  	v6 =	vld [tilespmem:s19+$0x430]  }
0x3de: {  	v56 =	vld [tilespmem:s19+$0x420]  }
0x3df: {  	v58 =	vld [tilespmem:s19+$0x450]  }
0x3e0: {  	v57 =	vld [tilespmem:s19+$0x440];
	v3 =	vmul.f32 $3.200000000e+01, v3  }
0x3e1: {  	v60 =	vld [tilespmem:s19+$0x470];
	v4 =	vmul.f32 $3.200000000e+01, v4  }
0x3e2: {  	v59 =	vld [tilespmem:s19+$0x460];
	v61 =	vmul.f32 $3.200000000e+01, v6;
	[tilespmem:s19+$0x400] =	vst v3  }
0x3e3: {  	v3 =	vmul.f32 $3.200000000e+01, v56;
	[tilespmem:s19+$0x410] =	vst v4  }
0x3e4: {  	s11 =	sadd.s32 $0x1, s11;
	v62 =	vmul.f32 $3.200000000e+01, v58;
	[tilespmem:s19+$0x430] =	vst v61  }
0x3e5: {  	p0 =	sne.s32 s11, $0x10;
	[tilespmem:s19+$0x420] =	vst v3;
	v3 =	vmul.f32 $3.200000000e+01, v57  }
.Ltmp4:
0x3e6: {  	v63 =	vmul.f32 $3.200000000e+01, v60;
	[tilespmem:s19+$0x450] =	vst v62;
	(pc) =	sbr.rel @p0 .LBB2_2-.Ltmp4, $4  }
0x3e7: {  	[tilespmem:s19+$0x440] =	vst v3;
	v3 =	vmul.f32 $3.200000000e+01, v59  }
0x3e8: {  	s21 =	sshll.u32 s9, $0xB;
	[tilespmem:s19+$0x470] =	vst v63  }
0x3e9: {  	s31 =	sadd.s32 s21, s7;
	[tilespmem:s19+$0x460] =	vst v3  }
0x3ea: {  	[hbm4b:s31+s3] =	stream.linear.scatter [tilespmem:s18], [sflag:$0x8], $0x4000, $0x38;
	[tilespmem:$0x10400] =	vst v63  }
0x3eb: {  	s0 =	simm.s32 $0x5  }
0x3ec: {  	_ =	swait.ge [sflag:s0], $0x4000  }
0x3ed: {  	[sflag:s0] =	ssyncset.done $0x0  }
0x3ee: {  	s19 =	simm.s32 $0x6;
	[sflag:s0] =	ssyncadd.s32 $0xFFFFC000  }
0x3ef: {  	_ =	swait.ge [sflag:s19], $0x4000  }
0x3f0: {  	[sflag:s19] =	ssyncset.done $0x0  }
0x3f1: {  	s21 =	simm.s32 $0x7;
	[sflag:s19] =	ssyncadd.s32 $0xFFFFC000  }
0x3f2: {  	_ =	swait.ge [sflag:s21], $0x4000  }
0x3f3: {  	[sflag:s21] =	ssyncset.done $0x0  }
0x3f4: {  	s2 =	simm.s32 $0x8;
	[sflag:s21] =	ssyncadd.s32 $0xFFFFC000  }
0x3f5: {  	_ =	swait.ge [sflag:s2], $0x4000  }
0x3f6: {  	s9 =	rddreg [dreg:$0x6]  }
0x3f7: {  	s31 =	rddreg [dreg:$0x5];
	s9 =	sadd.s32 $0x1, s9  }
0x3f8: {  	p0 =	sne.s32 s9, s31  }
.Ltmp5:
0x3f9: {  	_ = 	snop;
	(pc) =	sbr.rel @p0 .LBB2_1-.Ltmp5, $3  }
0x3fa: {  	_ =	sdelay $0x1  }
0x3fb: {  	[sflag:s2] =	ssyncset.done $0x0  }
0x3fc: {  	[sflag:s2] =	ssyncadd.s32 $0xFFFFC000  }
0x3fd: {  	_ =	sfence.sel $0x180000  }
0x3fe: {  	[bflag:$0x0] =	sbarrier.arrive $0xFFFF  }
0x3ff: {  	_ =	strace $0x90000047  }
0x400: {  	s0 =	stileid.u32;
	[bflag:$0x2] =	sbarrier.arrive $0xFFFF  }
0x401: {  	p0 =	sne.s32 s0, $0x0;
	s0 =	rddreg [dreg:$0x3]  }
0x402: {  	s0 =	sadd.s32 @!p0 $0x100000, s0  }
0x403: {  	[sflag:s0] =	ssyncadd.tile.s32 @!p0 $0x1;
	_ =	shalt  }
.Lfunc_end2:
_tile_overlayer_lowered:
.L_overlay_start_2:
0x404: {  	(tag) =	ssettag $0x2  }
0x405: {  	s0 =	rddreg [dreg:$0x0];
	s2 =	stileid.u32  }
0x406: {  	s1 =	rddreg [dreg:$0x1];
	p0 =	sne.s32 s2, $0x0  }
0x407: {  	s3 =	rddreg [dreg:$0x2];
	[bflag:$0x3] =	sbarrier.arrive $0xFFFF;
	s2 =	simm.s32 @!p0 $0x1C09  }
0x408: {  	[timem:s3], [sflag:s2] =	dma.local @!p0 [hbm:s0], s1  }
0x409: {  	s0 =	simm.s32 @!p0 $0x9  }
0x40a: {  	_ =	swait.ge @!p0 [sflag:s0], s1  }
0x40b: {  	s1 =	ssub.s32 @!p0 $0x0, s1;
	[sflag:s0] =	ssyncset.done @!p0 $0x0  }
0x40c: {  	[sflag:s0] =	ssyncadd.s32 @!p0 s1  }
0x40d: {  	[bflag:$0x3] =	sbarrier.arrive $0xFFFF  }
0x40e: {  	_ =	shalt  }

</sc_bundles>
